<compile_context>
chip_gen: v7x
topology: tpu7x:2x2x1
jax: 0.10.2.dev20260603
libtpu: 0.0.44.dev20260713+nightly
codegen_flags: <defaults>
</compile_context>

<pallas_src>
import functools

import jax
import jax.numpy as jnp
from jax import lax
from jax.experimental import pallas as pl
from jax.experimental.pallas import tpu as pltpu
from jax.experimental.pallas import tpu_sc as plsc

NC = 2
NS = 16
L = 16
NW = NC * NS

B = 16384
K = 32
BPW = B // NW
NBUF = 16
W = 128

assert BPW % NBUF == 0

_mesh = plsc.VectorSubcoreMesh(
    core_axis_name="c", subcore_axis_name="s", num_cores=NC, num_subcores=NS
)

_params = pltpu.CompilerParams(needs_layout_passes=False)


def _gather_scratch(extra):
    sc = [
        pltpu.VMEM((BPW + L,), jnp.int32),
        pltpu.VMEM((BPW * K,), jnp.float32),
    ] + extra
    sc += [pltpu.VMEM((K, W), jnp.float32) for _ in range(NBUF)]
    sc += [pltpu.SemaphoreType.DMA for _ in range(NBUF)]
    return sc


def _ring_gather(idx_hbm, tab_hbm, base, idx_v, rows, bufs, sems):
    pltpu.sync_copy(idx_hbm.at[pl.ds(base, BPW)], idx_v.at[pl.ds(0, BPW)])

    lane = lax.iota(jnp.int32, L)

    def fire(pair, s):
        i0 = idx_v[pl.ds(pair, L)][0]
        t = pl.multiple_of((i0 // W) * W, W)
        return pltpu.async_copy(tab_hbm.at[:, pl.ds(t, W)], bufs[s], sems[s])

    def extract(pair, s):
        i0 = idx_v[pl.ds(pair, L)][0]
        j = jnp.full((L,), i0 % W, jnp.int32)
        rows[pl.ds(pair * K, L)] = plsc.load_gather(bufs[s], [lane, j])
        rows[pl.ds(pair * K + L, L)] = plsc.load_gather(bufs[s], [lane + L, j])

    def batch_body(g, carry):
        pair0 = g * NBUF
        copies = [fire(pair0 + s, s) for s in range(NBUF)]
        for s in range(NBUF):
            copies[s].wait()
            extract(pair0 + s, s)
        return carry

    lax.fori_loop(0, BPW // NBUF, batch_body, 0)


@functools.partial(
    pl.kernel,
    out_type=jax.ShapeDtypeStruct((B * K,), jnp.float32),
    mesh=_mesh,
    compiler_params=_params,
    scratch_types=_gather_scratch([]),
)
def _gather_u(uidx_hbm, ut_hbm, urows_hbm, idx_v, rows, *bufs_sems):
    bufs, sems = bufs_sems[:NBUF], bufs_sems[NBUF:]
    wid = lax.axis_index("s") * NC + lax.axis_index("c")
    base = wid * BPW
    _ring_gather(uidx_hbm, ut_hbm, base, idx_v, rows, bufs, sems)
    pltpu.sync_copy(rows, urows_hbm.at[pl.ds(base * K, BPW * K)])


@functools.partial(
    pl.kernel,
    out_type=jax.ShapeDtypeStruct((B,), jnp.float32),
    mesh=_mesh,
    compiler_params=_params,
    scratch_types=_gather_scratch([
        pltpu.VMEM((BPW * K,), jnp.float32),
        pltpu.VMEM((BPW,), jnp.float32),
    ]),
)
def _gather_v_dot(vidx_hbm, vt_hbm, urows_hbm, out_hbm,
                  idx_v, rows, urows, out_v, *bufs_sems):
    bufs, sems = bufs_sems[:NBUF], bufs_sems[NBUF:]
    wid = lax.axis_index("s") * NC + lax.axis_index("c")
    base = wid * BPW

    pltpu.sync_copy(urows_hbm.at[pl.ds(base * K, BPW * K)], urows)
    _ring_gather(vidx_hbm, vt_hbm, base, idx_v, rows, bufs, sems)

    lane = lax.iota(jnp.int32, L)

    def g_body(g, carry):
        flat = (g * L + lane) * K
        acc = jnp.zeros((L,), jnp.float32)
        for k in range(K):
            acc = acc + (plsc.load_gather(urows, [flat + k]) *
                         plsc.load_gather(rows, [flat + k]))
        out_v[pl.ds(g * L, L)] = acc
        return carry

    lax.fori_loop(0, BPW // L, g_body, 0)

    pltpu.sync_copy(out_v, out_hbm.at[pl.ds(base, BPW)])


def kernel(x, user_table, item_table):
    urows = _gather_u(x[:, 0], user_table.T)
    return _gather_v_dot(x[:, 1], item_table.T, urows)

# --- scband reference (transcript-rebuilt; emitter-appended) ---
"""Pipeline reference for scband-mf-69595650064508 (READ-ONLY COPY).

The authoritative reference and input builder live on the scoring server;
editing this copy changes nothing except your own understanding.
"""

import jax, jax.numpy as jnp
import numpy as np

NUM_USERS = 1000000
NUM_ITEMS = 1000000
EMBED_K = 32
BATCH = 16384


def setup_inputs(seed: int = 0) -> dict:
    key = jax.random.key(seed)
    k1, k2, k3 = jax.random.split(key, 3)
    x = jax.random.randint(k1, (BATCH, 2), 0, NUM_USERS, dtype=jnp.int64) if jax.config.jax_enable_x64 else jax.random.randint(k1, (BATCH, 2), 0, NUM_USERS, dtype=jnp.int32)
    user_table = jax.random.normal(k2, (NUM_USERS, EMBED_K), dtype=jnp.float32)
    item_table = jax.random.normal(k3, (NUM_ITEMS, EMBED_K), dtype=jnp.float32)
    return {"x": x, "user_table": user_table, "item_table": item_table}


def reference(x, user_table, item_table):
    # MF forward: gather user/item embeddings, predict rating via dot product.
    user_idx = x[:, 0]
    item_idx = x[:, 1]
    u_emb = jnp.take(user_table, user_idx, axis=0)   # [B, K] embedding gather
    v_emb = jnp.take(item_table, item_idx, axis=0)   # [B, K] embedding gather
    out = jnp.sum(u_emb * v_emb, axis=1)             # [B] dot product per pair
    return out

if __name__ == "__main__":
    import jax
    _d = setup_inputs()
    print(jax.jit(kernel)(*tuple(_d.values())))

</pallas_src>

<mosaic_0001>
#map = affine_map<(d0, d1) -> (0)>
#map1 = affine_map<(d0, d1) -> (0, 0)>
module attributes {stable_mosaic.version = 14 : i64} {
  func.func @_gather_u(%arg0: i32, %arg1: i32, %arg2: memref<16384xi32, #tpu.memory_space<hbm>>, %arg3: memref<32x1000000xf32, #tpu.memory_space<hbm>>, %arg4: memref<524288xf32, #tpu.memory_space<hbm>>, %arg5: memref<528xi32, #tpu.memory_space<vmem>>, %arg6: memref<16384xf32, #tpu.memory_space<vmem>>, %arg7: memref<32x128xf32, #tpu.memory_space<vmem>>, %arg8: memref<32x128xf32, #tpu.memory_space<vmem>>, %arg9: memref<32x128xf32, #tpu.memory_space<vmem>>, %arg10: memref<32x128xf32, #tpu.memory_space<vmem>>, %arg11: memref<32x128xf32, #tpu.memory_space<vmem>>, %arg12: memref<32x128xf32, #tpu.memory_space<vmem>>, %arg13: memref<32x128xf32, #tpu.memory_space<vmem>>, %arg14: memref<32x128xf32, #tpu.memory_space<vmem>>, %arg15: memref<32x128xf32, #tpu.memory_space<vmem>>, %arg16: memref<32x128xf32, #tpu.memory_space<vmem>>, %arg17: memref<32x128xf32, #tpu.memory_space<vmem>>, %arg18: memref<32x128xf32, #tpu.memory_space<vmem>>, %arg19: memref<32x128xf32, #tpu.memory_space<vmem>>, %arg20: memref<32x128xf32, #tpu.memory_space<vmem>>, %arg21: memref<32x128xf32, #tpu.memory_space<vmem>>, %arg22: memref<32x128xf32, #tpu.memory_space<vmem>>, %arg23: memref<!tpu.dma_semaphore, #tpu.memory_space<semaphore_mem>>, %arg24: memref<!tpu.dma_semaphore, #tpu.memory_space<semaphore_mem>>, %arg25: memref<!tpu.dma_semaphore, #tpu.memory_space<semaphore_mem>>, %arg26: memref<!tpu.dma_semaphore, #tpu.memory_space<semaphore_mem>>, %arg27: memref<!tpu.dma_semaphore, #tpu.memory_space<semaphore_mem>>, %arg28: memref<!tpu.dma_semaphore, #tpu.memory_space<semaphore_mem>>, %arg29: memref<!tpu.dma_semaphore, #tpu.memory_space<semaphore_mem>>, %arg30: memref<!tpu.dma_semaphore, #tpu.memory_space<semaphore_mem>>, %arg31: memref<!tpu.dma_semaphore, #tpu.memory_space<semaphore_mem>>, %arg32: memref<!tpu.dma_semaphore, #tpu.memory_space<semaphore_mem>>, %arg33: memref<!tpu.dma_semaphore, #tpu.memory_space<semaphore_mem>>, %arg34: memref<!tpu.dma_semaphore, #tpu.memory_space<semaphore_mem>>, %arg35: memref<!tpu.dma_semaphore, #tpu.memory_space<semaphore_mem>>, %arg36: memref<!tpu.dma_semaphore, #tpu.memory_space<semaphore_mem>>, %arg37: memref<!tpu.dma_semaphore, #tpu.memory_space<semaphore_mem>>, %arg38: memref<!tpu.dma_semaphore, #tpu.memory_space<semaphore_mem>>) attributes {dimension_semantics = [#tpu.dimension_semantics<core_parallel>, #tpu.dimension_semantics<subcore_parallel>], iteration_bounds = array<i64: 2, 16>, scalar_prefetch = 0 : i64, scratch_operands = 34 : i64, tpu.core_type = #tpu.core_type<sc_vector_subcore>, window_params = [{transform_indices = #map}, {transform_indices = #map1}, {transform_indices = #map}]} {
    %mul3A = arith.constant 2 : i32
    %mul3A_0 = arith.muli %arg1, %mul3A : i32
    %add3A = arith.addi %mul3A_0, %arg0 : i32
    %mul3A_1 = arith.constant 512 : i32
    %mul3A_2 = arith.muli %add3A, %mul3A_1 : i32
    "tpu.region"() ({
      %run_scoped3A = tpu.sem_alloc : memref<!tpu.dma_semaphore, #tpu.memory_space<semaphore_mem>>
      %dma_start3A = arith.constant 0 : i32
      %dma_start3A_10 = tpu.memref_slice %arg5[%dma_start3A] : memref<528xi32, #tpu.memory_space<vmem>> -> memref<512xi32, #tpu.memory_space<vmem>>
      %dma_start3A_11 = tpu.memref_slice %arg2[%mul3A_2] : memref<16384xi32, #tpu.memory_space<hbm>> -> memref<512xi32, #tpu.memory_space<hbm>>
      %dma_start3A_12 = arith.constant 0 : i32
      %dma_start3A_13 = tpu.memref_slice %arg5[%dma_start3A_12] : memref<528xi32, #tpu.memory_space<vmem>> -> memref<512xi32, #tpu.memory_space<vmem>>
      %dma_start3A_14 = tpu.memref_slice %arg2[%mul3A_2] : memref<16384xi32, #tpu.memory_space<hbm>> -> memref<512xi32, #tpu.memory_space<hbm>>
      tpu.enqueue_dma source(%dma_start3A_14 : memref<512xi32, #tpu.memory_space<hbm>>) target(%dma_start3A_13 : memref<512xi32, #tpu.memory_space<vmem>>) target_semaphore(%run_scoped3A : memref<!tpu.dma_semaphore, #tpu.memory_space<semaphore_mem>>)
      %dma_wait3A = arith.constant 0 : i32
      %dma_wait3A_15 = tpu.memref_slice %arg5[%dma_wait3A] : memref<528xi32, #tpu.memory_space<vmem>> -> memref<512xi32, #tpu.memory_space<vmem>>
      %dma_wait3A_16 = tpu.memref_slice %arg2[%mul3A_2] : memref<16384xi32, #tpu.memory_space<hbm>> -> memref<512xi32, #tpu.memory_space<hbm>>
      %dma_wait3A_17 = arith.constant 0 : i32
      %dma_wait3A_18 = tpu.memref_slice %arg5[%dma_wait3A_17] : memref<528xi32, #tpu.memory_space<vmem>> -> memref<512xi32, #tpu.memory_space<vmem>>
      %dma_wait3A_19 = tpu.memref_slice %arg2[%mul3A_2] : memref<16384xi32, #tpu.memory_space<hbm>> -> memref<512xi32, #tpu.memory_space<hbm>>
      tpu.wait_dma2 semaphore(%run_scoped3A : memref<!tpu.dma_semaphore, #tpu.memory_space<semaphore_mem>>) src(%dma_wait3A_19 : memref<512xi32, #tpu.memory_space<hbm>>) dst(%dma_wait3A_18 : memref<512xi32, #tpu.memory_space<vmem>>)
      tpu.yield
    }) : () -> ()
    %iota3A = tpu.iota {dimensions = array<i32: 0>} : vector<16xi32>
    %scan3A = arith.constant 0 : i32
    %scan3A_3 = arith.constant 0 : i32
    %scan3A_4 = arith.constant 32 : i32
    %scan3A_5 = arith.addi %scan3A_3, %scan3A_4 : i32
    %scan3A_6 = arith.constant 1 : i32
    scf.for %scan3A_10 = %scan3A_3 to %scan3A_5 step %scan3A_6  : i32 {
      %mul3A_11 = arith.constant 16 : i32
      %mul3A_12 = arith.muli %scan3A_10, %mul3A_11 : i32
      %add3A_13 = arith.constant 0 : i32
      %add3A_14 = arith.addi %mul3A_12, %add3A_13 : i32
      %get3A = arith.index_cast %add3A_14 : i32 to index
      %get3A_15 = tpu.vector_load %arg5[%get3A] {strides = array<i32>} : memref<528xi32, #tpu.memory_space<vmem>>, vector<16xi32>,
      %slice3A = vector.extract_strided_slice %get3A_15 {offsets = [0], sizes = [1], strides = [1]} : vector<16xi32> to vector<1xi32>
      %squeeze3A = vector.extract %slice3A[0] : i32 from vector<1xi32>
      %jit3A = arith.constant 128 : i32
      %div3A = arith.divsi %squeeze3A, %jit3A : i32
      %sign3A = arith.constant 0 : i32
      %sign3A_16 = arith.cmpi sgt, %squeeze3A, %sign3A : i32
      %sign3A_17 = arith.extui %sign3A_16 : i1 to i32
      %sign3A_18 = arith.constant 0 : i32
      %sign3A_19 = arith.cmpi slt, %squeeze3A, %sign3A_18 : i32
      %sign3A_20 = arith.extui %sign3A_19 : i1 to i32
      %sign3A_21 = arith.subi %sign3A_17, %sign3A_20 : i32
      %sign3A_22 = arith.constant 0 : i32
      %sign3A_23 = arith.cmpi sgt, %jit3A, %sign3A_22 : i32
      %sign3A_24 = arith.extui %sign3A_23 : i1 to i32
      %sign3A_25 = arith.constant 0 : i32
      %sign3A_26 = arith.cmpi slt, %jit3A, %sign3A_25 : i32
      %sign3A_27 = arith.extui %sign3A_26 : i1 to i32
      %sign3A_28 = arith.subi %sign3A_24, %sign3A_27 : i32
      %ne3A = arith.cmpi ne, %sign3A_21, %sign3A_28 : i32
      %rem3A = arith.remsi %squeeze3A, %jit3A : i32
      %ne3A_29 = arith.constant 0 : i32
      %ne3A_30 = arith.cmpi ne, %rem3A, %ne3A_29 : i32
      %and3A = arith.andi %ne3A, %ne3A_30 : i1
      %sub3A = arith.constant 1 : i32
      %sub3A_31 = arith.subi %div3A, %sub3A : i32
      %select_n3A = arith.select %and3A, %sub3A_31, %div3A : i32
      %mul3A_32 = arith.constant 128 : i32
      %mul3A_33 = arith.muli %select_n3A, %mul3A_32 : i32
      %multiple_of3A = tpu.assume_multiple %mul3A_33, 128 : i32
      %dma_start3A = arith.constant 0 : i32
      %dma_start3A_34 = tpu.memref_slice %arg3[%dma_start3A, %multiple_of3A] : memref<32x1000000xf32, #tpu.memory_space<hbm>> -> memref<32x128xf32, #tpu.memory_space<hbm>>
      %dma_start3A_35 = arith.constant 0 : i32
      %dma_start3A_36 = tpu.memref_slice %arg3[%dma_start3A_35, %multiple_of3A] : memref<32x1000000xf32, #tpu.memory_space<hbm>> -> memref<32x128xf32, #tpu.memory_space<hbm>>
      tpu.enqueue_dma source(%dma_start3A_36 : memref<32x128xf32, #tpu.memory_space<hbm>>) target(%arg7 : memref<32x128xf32, #tpu.memory_space<vmem>>) target_semaphore(%arg23 : memref<!tpu.dma_semaphore, #tpu.memory_space<semaphore_mem>>)
      %add3A_37 = arith.constant 1 : i32
      %add3A_38 = arith.addi %mul3A_12, %add3A_37 : i32
      %get3A_39 = arith.index_cast %add3A_38 : i32 to index
      %get3A_40 = tpu.vector_load %arg5[%get3A_39] {strides = array<i32>} : memref<528xi32, #tpu.memory_space<vmem>>, vector<16xi32>,
      %slice3A_41 = vector.extract_strided_slice %get3A_40 {offsets = [0], sizes = [1], strides = [1]} : vector<16xi32> to vector<1xi32>
      %squeeze3A_42 = vector.extract %slice3A_41[0] : i32 from vector<1xi32>
      %jit3A_43 = arith.constant 128 : i32
      %div3A_44 = arith.divsi %squeeze3A_42, %jit3A_43 : i32
      %sign3A_45 = arith.constant 0 : i32
      %sign3A_46 = arith.cmpi sgt, %squeeze3A_42, %sign3A_45 : i32
      %sign3A_47 = arith.extui %sign3A_46 : i1 to i32
      %sign3A_48 = arith.constant 0 : i32
      %sign3A_49 = arith.cmpi slt, %squeeze3A_42, %sign3A_48 : i32
      %sign3A_50 = arith.extui %sign3A_49 : i1 to i32
      %sign3A_51 = arith.subi %sign3A_47, %sign3A_50 : i32
      %sign3A_52 = arith.constant 0 : i32
      %sign3A_53 = arith.cmpi sgt, %jit3A_43, %sign3A_52 : i32
      %sign3A_54 = arith.extui %sign3A_53 : i1 to i32
      %sign3A_55 = arith.constant 0 : i32
      %sign3A_56 = arith.cmpi slt, %jit3A_43, %sign3A_55 : i32
      %sign3A_57 = arith.extui %sign3A_56 : i1 to i32
      %sign3A_58 = arith.subi %sign3A_54, %sign3A_57 : i32
      %ne3A_59 = arith.cmpi ne, %sign3A_51, %sign3A_58 : i32
      %rem3A_60 = arith.remsi %squeeze3A_42, %jit3A_43 : i32
      %ne3A_61 = arith.constant 0 : i32
      %ne3A_62 = arith.cmpi ne, %rem3A_60, %ne3A_61 : i32
      %and3A_63 = arith.andi %ne3A_59, %ne3A_62 : i1
      %sub3A_64 = arith.constant 1 : i32
      %sub3A_65 = arith.subi %div3A_44, %sub3A_64 : i32
      %select_n3A_66 = arith.select %and3A_63, %sub3A_65, %div3A_44 : i32
      %mul3A_67 = arith.constant 128 : i32
      %mul3A_68 = arith.muli %select_n3A_66, %mul3A_67 : i32
      %multiple_of3A_69 = tpu.assume_multiple %mul3A_68, 128 : i32
      %dma_start3A_70 = arith.constant 0 : i32
      %dma_start3A_71 = tpu.memref_slice %arg3[%dma_start3A_70, %multiple_of3A_69] : memref<32x1000000xf32, #tpu.memory_space<hbm>> -> memref<32x128xf32, #tpu.memory_space<hbm>>
      %dma_start3A_72 = arith.constant 0 : i32
      %dma_start3A_73 = tpu.memref_slice %arg3[%dma_start3A_72, %multiple_of3A_69] : memref<32x1000000xf32, #tpu.memory_space<hbm>> -> memref<32x128xf32, #tpu.memory_space<hbm>>
      tpu.enqueue_dma source(%dma_start3A_73 : memref<32x128xf32, #tpu.memory_space<hbm>>) target(%arg8 : memref<32x128xf32, #tpu.memory_space<vmem>>) target_semaphore(%arg24 : memref<!tpu.dma_semaphore, #tpu.memory_space<semaphore_mem>>)
      %add3A_74 = arith.constant 2 : i32
      %add3A_75 = arith.addi %mul3A_12, %add3A_74 : i32
      %get3A_76 = arith.index_cast %add3A_75 : i32 to index
      %get3A_77 = tpu.vector_load %arg5[%get3A_76] {strides = array<i32>} : memref<528xi32, #tpu.memory_space<vmem>>, vector<16xi32>,
      %slice3A_78 = vector.extract_strided_slice %get3A_77 {offsets = [0], sizes = [1], strides = [1]} : vector<16xi32> to vector<1xi32>
      %squeeze3A_79 = vector.extract %slice3A_78[0] : i32 from vector<1xi32>
      %jit3A_80 = arith.constant 128 : i32
      %div3A_81 = arith.divsi %squeeze3A_79, %jit3A_80 : i32
      %sign3A_82 = arith.constant 0 : i32
      %sign3A_83 = arith.cmpi sgt, %squeeze3A_79, %sign3A_82 : i32
      %sign3A_84 = arith.extui %sign3A_83 : i1 to i32
      %sign3A_85 = arith.constant 0 : i32
      %sign3A_86 = arith.cmpi slt, %squeeze3A_79, %sign3A_85 : i32
      %sign3A_87 = arith.extui %sign3A_86 : i1 to i32
      %sign3A_88 = arith.subi %sign3A_84, %sign3A_87 : i32
      %sign3A_89 = arith.constant 0 : i32
      %sign3A_90 = arith.cmpi sgt, %jit3A_80, %sign3A_89 : i32
      %sign3A_91 = arith.extui %sign3A_90 : i1 to i32
      %sign3A_92 = arith.constant 0 : i32
      %sign3A_93 = arith.cmpi slt, %jit3A_80, %sign3A_92 : i32
      %sign3A_94 = arith.extui %sign3A_93 : i1 to i32
      %sign3A_95 = arith.subi %sign3A_91, %sign3A_94 : i32
      %ne3A_96 = arith.cmpi ne, %sign3A_88, %sign3A_95 : i32
      %rem3A_97 = arith.remsi %squeeze3A_79, %jit3A_80 : i32
      %ne3A_98 = arith.constant 0 : i32
      %ne3A_99 = arith.cmpi ne, %rem3A_97, %ne3A_98 : i32
      %and3A_100 = arith.andi %ne3A_96, %ne3A_99 : i1
      %sub3A_101 = arith.constant 1 : i32
      %sub3A_102 = arith.subi %div3A_81, %sub3A_101 : i32
      %select_n3A_103 = arith.select %and3A_100, %sub3A_102, %div3A_81 : i32
      %mul3A_104 = arith.constant 128 : i32
      %mul3A_105 = arith.muli %select_n3A_103, %mul3A_104 : i32
      %multiple_of3A_106 = tpu.assume_multiple %mul3A_105, 128 : i32
      %dma_start3A_107 = arith.constant 0 : i32
      %dma_start3A_108 = tpu.memref_slice %arg3[%dma_start3A_107, %multiple_of3A_106] : memref<32x1000000xf32, #tpu.memory_space<hbm>> -> memref<32x128xf32, #tpu.memory_space<hbm>>
      %dma_start3A_109 = arith.constant 0 : i32
      %dma_start3A_110 = tpu.memref_slice %arg3[%dma_start3A_109, %multiple_of3A_106] : memref<32x1000000xf32, #tpu.memory_space<hbm>> -> memref<32x128xf32, #tpu.memory_space<hbm>>
      tpu.enqueue_dma source(%dma_start3A_110 : memref<32x128xf32, #tpu.memory_space<hbm>>) target(%arg9 : memref<32x128xf32, #tpu.memory_space<vmem>>) target_semaphore(%arg25 : memref<!tpu.dma_semaphore, #tpu.memory_space<semaphore_mem>>)
      %add3A_111 = arith.constant 3 : i32
      %add3A_112 = arith.addi %mul3A_12, %add3A_111 : i32
      %get3A_113 = arith.index_cast %add3A_112 : i32 to index
      %get3A_114 = tpu.vector_load %arg5[%get3A_113] {strides = array<i32>} : memref<528xi32, #tpu.memory_space<vmem>>, vector<16xi32>,
      %slice3A_115 = vector.extract_strided_slice %get3A_114 {offsets = [0], sizes = [1], strides = [1]} : vector<16xi32> to vector<1xi32>
      %squeeze3A_116 = vector.extract %slice3A_115[0] : i32 from vector<1xi32>
      %jit3A_117 = arith.constant 128 : i32
      %div3A_118 = arith.divsi %squeeze3A_116, %jit3A_117 : i32
      %sign3A_119 = arith.constant 0 : i32
      %sign3A_120 = arith.cmpi sgt, %squeeze3A_116, %sign3A_119 : i32
      %sign3A_121 = arith.extui %sign3A_120 : i1 to i32
      %sign3A_122 = arith.constant 0 : i32
      %sign3A_123 = arith.cmpi slt, %squeeze3A_116, %sign3A_122 : i32
      %sign3A_124 = arith.extui %sign3A_123 : i1 to i32
      %sign3A_125 = arith.subi %sign3A_121, %sign3A_124 : i32
      %sign3A_126 = arith.constant 0 : i32
      %sign3A_127 = arith.cmpi sgt, %jit3A_117, %sign3A_126 : i32
      %sign3A_128 = arith.extui %sign3A_127 : i1 to i32
      %sign3A_129 = arith.constant 0 : i32
      %sign3A_130 = arith.cmpi slt, %jit3A_117, %sign3A_129 : i32
      %sign3A_131 = arith.extui %sign3A_130 : i1 to i32
      %sign3A_132 = arith.subi %sign3A_128, %sign3A_131 : i32
      %ne3A_133 = arith.cmpi ne, %sign3A_125, %sign3A_132 : i32
      %rem3A_134 = arith.remsi %squeeze3A_116, %jit3A_117 : i32
      %ne3A_135 = arith.constant 0 : i32
      %ne3A_136 = arith.cmpi ne, %rem3A_134, %ne3A_135 : i32
      %and3A_137 = arith.andi %ne3A_133, %ne3A_136 : i1
      %sub3A_138 = arith.constant 1 : i32
      %sub3A_139 = arith.subi %div3A_118, %sub3A_138 : i32
      %select_n3A_140 = arith.select %and3A_137, %sub3A_139, %div3A_118 : i32
      %mul3A_141 = arith.constant 128 : i32
      %mul3A_142 = arith.muli %select_n3A_140, %mul3A_141 : i32
      %multiple_of3A_143 = tpu.assume_multiple %mul3A_142, 128 : i32
      %dma_start3A_144 = arith.constant 0 : i32
      %dma_start3A_145 = tpu.memref_slice %arg3[%dma_start3A_144, %multiple_of3A_143] : memref<32x1000000xf32, #tpu.memory_space<hbm>> -> memref<32x128xf32, #tpu.memory_space<hbm>>
      %dma_start3A_146 = arith.constant 0 : i32
      %dma_start3A_147 = tpu.memref_slice %arg3[%dma_start3A_146, %multiple_of3A_143] : memref<32x1000000xf32, #tpu.memory_space<hbm>> -> memref<32x128xf32, #tpu.memory_space<hbm>>
      tpu.enqueue_dma source(%dma_start3A_147 : memref<32x128xf32, #tpu.memory_space<hbm>>) target(%arg10 : memref<32x128xf32, #tpu.memory_space<vmem>>) target_semaphore(%arg26 : memref<!tpu.dma_semaphore, #tpu.memory_space<semaphore_mem>>)
      %add3A_148 = arith.constant 4 : i32
      %add3A_149 = arith.addi %mul3A_12, %add3A_148 : i32
      %get3A_150 = arith.index_cast %add3A_149 : i32 to index
      %get3A_151 = tpu.vector_load %arg5[%get3A_150] {strides = array<i32>} : memref<528xi32, #tpu.memory_space<vmem>>, vector<16xi32>,
      %slice3A_152 = vector.extract_strided_slice %get3A_151 {offsets = [0], sizes = [1], strides = [1]} : vector<16xi32> to vector<1xi32>
      %squeeze3A_153 = vector.extract %slice3A_152[0] : i32 from vector<1xi32>
      %jit3A_154 = arith.constant 128 : i32
      %div3A_155 = arith.divsi %squeeze3A_153, %jit3A_154 : i32
      %sign3A_156 = arith.constant 0 : i32
      %sign3A_157 = arith.cmpi sgt, %squeeze3A_153, %sign3A_156 : i32
      %sign3A_158 = arith.extui %sign3A_157 : i1 to i32
      %sign3A_159 = arith.constant 0 : i32
      %sign3A_160 = arith.cmpi slt, %squeeze3A_153, %sign3A_159 : i32
      %sign3A_161 = arith.extui %sign3A_160 : i1 to i32
      %sign3A_162 = arith.subi %sign3A_158, %sign3A_161 : i32
      %sign3A_163 = arith.constant 0 : i32
      %sign3A_164 = arith.cmpi sgt, %jit3A_154, %sign3A_163 : i32
      %sign3A_165 = arith.extui %sign3A_164 : i1 to i32
      %sign3A_166 = arith.constant 0 : i32
      %sign3A_167 = arith.cmpi slt, %jit3A_154, %sign3A_166 : i32
      %sign3A_168 = arith.extui %sign3A_167 : i1 to i32
      %sign3A_169 = arith.subi %sign3A_165, %sign3A_168 : i32
      %ne3A_170 = arith.cmpi ne, %sign3A_162, %sign3A_169 : i32
      %rem3A_171 = arith.remsi %squeeze3A_153, %jit3A_154 : i32
      %ne3A_172 = arith.constant 0 : i32
      %ne3A_173 = arith.cmpi ne, %rem3A_171, %ne3A_172 : i32
      %and3A_174 = arith.andi %ne3A_170, %ne3A_173 : i1
      %sub3A_175 = arith.constant 1 : i32
      %sub3A_176 = arith.subi %div3A_155, %sub3A_175 : i32
      %select_n3A_177 = arith.select %and3A_174, %sub3A_176, %div3A_155 : i32
      %mul3A_178 = arith.constant 128 : i32
      %mul3A_179 = arith.muli %select_n3A_177, %mul3A_178 : i32
      %multiple_of3A_180 = tpu.assume_multiple %mul3A_179, 128 : i32
      %dma_start3A_181 = arith.constant 0 : i32
      %dma_start3A_182 = tpu.memref_slice %arg3[%dma_start3A_181, %multiple_of3A_180] : memref<32x1000000xf32, #tpu.memory_space<hbm>> -> memref<32x128xf32, #tpu.memory_space<hbm>>
      %dma_start3A_183 = arith.constant 0 : i32
      %dma_start3A_184 = tpu.memref_slice %arg3[%dma_start3A_183, %multiple_of3A_180] : memref<32x1000000xf32, #tpu.memory_space<hbm>> -> memref<32x128xf32, #tpu.memory_space<hbm>>
      tpu.enqueue_dma source(%dma_start3A_184 : memref<32x128xf32, #tpu.memory_space<hbm>>) target(%arg11 : memref<32x128xf32, #tpu.memory_space<vmem>>) target_semaphore(%arg27 : memref<!tpu.dma_semaphore, #tpu.memory_space<semaphore_mem>>)
      %add3A_185 = arith.constant 5 : i32
      %add3A_186 = arith.addi %mul3A_12, %add3A_185 : i32
      %get3A_187 = arith.index_cast %add3A_186 : i32 to index
      %get3A_188 = tpu.vector_load %arg5[%get3A_187] {strides = array<i32>} : memref<528xi32, #tpu.memory_space<vmem>>, vector<16xi32>,
      %slice3A_189 = vector.extract_strided_slice %get3A_188 {offsets = [0], sizes = [1], strides = [1]} : vector<16xi32> to vector<1xi32>
      %squeeze3A_190 = vector.extract %slice3A_189[0] : i32 from vector<1xi32>
      %jit3A_191 = arith.constant 128 : i32
      %div3A_192 = arith.divsi %squeeze3A_190, %jit3A_191 : i32
      %sign3A_193 = arith.constant 0 : i32
      %sign3A_194 = arith.cmpi sgt, %squeeze3A_190, %sign3A_193 : i32
      %sign3A_195 = arith.extui %sign3A_194 : i1 to i32
      %sign3A_196 = arith.constant 0 : i32
      %sign3A_197 = arith.cmpi slt, %squeeze3A_190, %sign3A_196 : i32
      %sign3A_198 = arith.extui %sign3A_197 : i1 to i32
      %sign3A_199 = arith.subi %sign3A_195, %sign3A_198 : i32
      %sign3A_200 = arith.constant 0 : i32
      %sign3A_201 = arith.cmpi sgt, %jit3A_191, %sign3A_200 : i32
      %sign3A_202 = arith.extui %sign3A_201 : i1 to i32
      %sign3A_203 = arith.constant 0 : i32
      %sign3A_204 = arith.cmpi slt, %jit3A_191, %sign3A_203 : i32
      %sign3A_205 = arith.extui %sign3A_204 : i1 to i32
      %sign3A_206 = arith.subi %sign3A_202, %sign3A_205 : i32
      %ne3A_207 = arith.cmpi ne, %sign3A_199, %sign3A_206 : i32
      %rem3A_208 = arith.remsi %squeeze3A_190, %jit3A_191 : i32
      %ne3A_209 = arith.constant 0 : i32
      %ne3A_210 = arith.cmpi ne, %rem3A_208, %ne3A_209 : i32
      %and3A_211 = arith.andi %ne3A_207, %ne3A_210 : i1
      %sub3A_212 = arith.constant 1 : i32
      %sub3A_213 = arith.subi %div3A_192, %sub3A_212 : i32
      %select_n3A_214 = arith.select %and3A_211, %sub3A_213, %div3A_192 : i32
      %mul3A_215 = arith.constant 128 : i32
      %mul3A_216 = arith.muli %select_n3A_214, %mul3A_215 : i32
      %multiple_of3A_217 = tpu.assume_multiple %mul3A_216, 128 : i32
      %dma_start3A_218 = arith.constant 0 : i32
      %dma_start3A_219 = tpu.memref_slice %arg3[%dma_start3A_218, %multiple_of3A_217] : memref<32x1000000xf32, #tpu.memory_space<hbm>> -> memref<32x128xf32, #tpu.memory_space<hbm>>
      %dma_start3A_220 = arith.constant 0 : i32
      %dma_start3A_221 = tpu.memref_slice %arg3[%dma_start3A_220, %multiple_of3A_217] : memref<32x1000000xf32, #tpu.memory_space<hbm>> -> memref<32x128xf32, #tpu.memory_space<hbm>>
      tpu.enqueue_dma source(%dma_start3A_221 : memref<32x128xf32, #tpu.memory_space<hbm>>) target(%arg12 : memref<32x128xf32, #tpu.memory_space<vmem>>) target_semaphore(%arg28 : memref<!tpu.dma_semaphore, #tpu.memory_space<semaphore_mem>>)
      %add3A_222 = arith.constant 6 : i32
      %add3A_223 = arith.addi %mul3A_12, %add3A_222 : i32
      %get3A_224 = arith.index_cast %add3A_223 : i32 to index
      %get3A_225 = tpu.vector_load %arg5[%get3A_224] {strides = array<i32>} : memref<528xi32, #tpu.memory_space<vmem>>, vector<16xi32>,
      %slice3A_226 = vector.extract_strided_slice %get3A_225 {offsets = [0], sizes = [1], strides = [1]} : vector<16xi32> to vector<1xi32>
      %squeeze3A_227 = vector.extract %slice3A_226[0] : i32 from vector<1xi32>
      %jit3A_228 = arith.constant 128 : i32
      %div3A_229 = arith.divsi %squeeze3A_227, %jit3A_228 : i32
      %sign3A_230 = arith.constant 0 : i32
      %sign3A_231 = arith.cmpi sgt, %squeeze3A_227, %sign3A_230 : i32
      %sign3A_232 = arith.extui %sign3A_231 : i1 to i32
      %sign3A_233 = arith.constant 0 : i32
      %sign3A_234 = arith.cmpi slt, %squeeze3A_227, %sign3A_233 : i32
      %sign3A_235 = arith.extui %sign3A_234 : i1 to i32
      %sign3A_236 = arith.subi %sign3A_232, %sign3A_235 : i32
      %sign3A_237 = arith.constant 0 : i32
      %sign3A_238 = arith.cmpi sgt, %jit3A_228, %sign3A_237 : i32
      %sign3A_239 = arith.extui %sign3A_238 : i1 to i32
      %sign3A_240 = arith.constant 0 : i32
      %sign3A_241 = arith.cmpi slt, %jit3A_228, %sign3A_240 : i32
      %sign3A_242 = arith.extui %sign3A_241 : i1 to i32
      %sign3A_243 = arith.subi %sign3A_239, %sign3A_242 : i32
      %ne3A_244 = arith.cmpi ne, %sign3A_236, %sign3A_243 : i32
      %rem3A_245 = arith.remsi %squeeze3A_227, %jit3A_228 : i32
      %ne3A_246 = arith.constant 0 : i32
      %ne3A_247 = arith.cmpi ne, %rem3A_245, %ne3A_246 : i32
      %and3A_248 = arith.andi %ne3A_244, %ne3A_247 : i1
      %sub3A_249 = arith.constant 1 : i32
      %sub3A_250 = arith.subi %div3A_229, %sub3A_249 : i32
      %select_n3A_251 = arith.select %and3A_248, %sub3A_250, %div3A_229 : i32
      %mul3A_252 = arith.constant 128 : i32
      %mul3A_253 = arith.muli %select_n3A_251, %mul3A_252 : i32
      %multiple_of3A_254 = tpu.assume_multiple %mul3A_253, 128 : i32
      %dma_start3A_255 = arith.constant 0 : i32
      %dma_start3A_256 = tpu.memref_slice %arg3[%dma_start3A_255, %multiple_of3A_254] : memref<32x1000000xf32, #tpu.memory_space<hbm>> -> memref<32x128xf32, #tpu.memory_space<hbm>>
      %dma_start3A_257 = arith.constant 0 : i32
      %dma_start3A_258 = tpu.memref_slice %arg3[%dma_start3A_257, %multiple_of3A_254] : memref<32x1000000xf32, #tpu.memory_space<hbm>> -> memref<32x128xf32, #tpu.memory_space<hbm>>
      tpu.enqueue_dma source(%dma_start3A_258 : memref<32x128xf32, #tpu.memory_space<hbm>>) target(%arg13 : memref<32x128xf32, #tpu.memory_space<vmem>>) target_semaphore(%arg29 : memref<!tpu.dma_semaphore, #tpu.memory_space<semaphore_mem>>)
      %add3A_259 = arith.constant 7 : i32
      %add3A_260 = arith.addi %mul3A_12, %add3A_259 : i32
      %get3A_261 = arith.index_cast %add3A_260 : i32 to index
      %get3A_262 = tpu.vector_load %arg5[%get3A_261] {strides = array<i32>} : memref<528xi32, #tpu.memory_space<vmem>>, vector<16xi32>,
      %slice3A_263 = vector.extract_strided_slice %get3A_262 {offsets = [0], sizes = [1], strides = [1]} : vector<16xi32> to vector<1xi32>
      %squeeze3A_264 = vector.extract %slice3A_263[0] : i32 from vector<1xi32>
      %jit3A_265 = arith.constant 128 : i32
      %div3A_266 = arith.divsi %squeeze3A_264, %jit3A_265 : i32
      %sign3A_267 = arith.constant 0 : i32
      %sign3A_268 = arith.cmpi sgt, %squeeze3A_264, %sign3A_267 : i32
      %sign3A_269 = arith.extui %sign3A_268 : i1 to i32
      %sign3A_270 = arith.constant 0 : i32
      %sign3A_271 = arith.cmpi slt, %squeeze3A_264, %sign3A_270 : i32
      %sign3A_272 = arith.extui %sign3A_271 : i1 to i32
      %sign3A_273 = arith.subi %sign3A_269, %sign3A_272 : i32
      %sign3A_274 = arith.constant 0 : i32
      %sign3A_275 = arith.cmpi sgt, %jit3A_265, %sign3A_274 : i32
      %sign3A_276 = arith.extui %sign3A_275 : i1 to i32
      %sign3A_277 = arith.constant 0 : i32
      %sign3A_278 = arith.cmpi slt, %jit3A_265, %sign3A_277 : i32
      %sign3A_279 = arith.extui %sign3A_278 : i1 to i32
      %sign3A_280 = arith.subi %sign3A_276, %sign3A_279 : i32
      %ne3A_281 = arith.cmpi ne, %sign3A_273, %sign3A_280 : i32
      %rem3A_282 = arith.remsi %squeeze3A_264, %jit3A_265 : i32
      %ne3A_283 = arith.constant 0 : i32
      %ne3A_284 = arith.cmpi ne, %rem3A_282, %ne3A_283 : i32
      %and3A_285 = arith.andi %ne3A_281, %ne3A_284 : i1
      %sub3A_286 = arith.constant 1 : i32
      %sub3A_287 = arith.subi %div3A_266, %sub3A_286 : i32
      %select_n3A_288 = arith.select %and3A_285, %sub3A_287, %div3A_266 : i32
      %mul3A_289 = arith.constant 128 : i32
      %mul3A_290 = arith.muli %select_n3A_288, %mul3A_289 : i32
      %multiple_of3A_291 = tpu.assume_multiple %mul3A_290, 128 : i32
      %dma_start3A_292 = arith.constant 0 : i32
      %dma_start3A_293 = tpu.memref_slice %arg3[%dma_start3A_292, %multiple_of3A_291] : memref<32x1000000xf32, #tpu.memory_space<hbm>> -> memref<32x128xf32, #tpu.memory_space<hbm>>
      %dma_start3A_294 = arith.constant 0 : i32
      %dma_start3A_295 = tpu.memref_slice %arg3[%dma_start3A_294, %multiple_of3A_291] : memref<32x1000000xf32, #tpu.memory_space<hbm>> -> memref<32x128xf32, #tpu.memory_space<hbm>>
      tpu.enqueue_dma source(%dma_start3A_295 : memref<32x128xf32, #tpu.memory_space<hbm>>) target(%arg14 : memref<32x128xf32, #tpu.memory_space<vmem>>) target_semaphore(%arg30 : memref<!tpu.dma_semaphore, #tpu.memory_space<semaphore_mem>>)
      %add3A_296 = arith.constant 8 : i32
      %add3A_297 = arith.addi %mul3A_12, %add3A_296 : i32
      %get3A_298 = arith.index_cast %add3A_297 : i32 to index
      %get3A_299 = tpu.vector_load %arg5[%get3A_298] {strides = array<i32>} : memref<528xi32, #tpu.memory_space<vmem>>, vector<16xi32>,
      %slice3A_300 = vector.extract_strided_slice %get3A_299 {offsets = [0], sizes = [1], strides = [1]} : vector<16xi32> to vector<1xi32>
      %squeeze3A_301 = vector.extract %slice3A_300[0] : i32 from vector<1xi32>
      %jit3A_302 = arith.constant 128 : i32
      %div3A_303 = arith.divsi %squeeze3A_301, %jit3A_302 : i32
      %sign3A_304 = arith.constant 0 : i32
      %sign3A_305 = arith.cmpi sgt, %squeeze3A_301, %sign3A_304 : i32
      %sign3A_306 = arith.extui %sign3A_305 : i1 to i32
      %sign3A_307 = arith.constant 0 : i32
      %sign3A_308 = arith.cmpi slt, %squeeze3A_301, %sign3A_307 : i32
      %sign3A_309 = arith.extui %sign3A_308 : i1 to i32
      %sign3A_310 = arith.subi %sign3A_306, %sign3A_309 : i32
      %sign3A_311 = arith.constant 0 : i32
      %sign3A_312 = arith.cmpi sgt, %jit3A_302, %sign3A_311 : i32
      %sign3A_313 = arith.extui %sign3A_312 : i1 to i32
      %sign3A_314 = arith.constant 0 : i32
      %sign3A_315 = arith.cmpi slt, %jit3A_302, %sign3A_314 : i32
      %sign3A_316 = arith.extui %sign3A_315 : i1 to i32
      %sign3A_317 = arith.subi %sign3A_313, %sign3A_316 : i32
      %ne3A_318 = arith.cmpi ne, %sign3A_310, %sign3A_317 : i32
      %rem3A_319 = arith.remsi %squeeze3A_301, %jit3A_302 : i32
      %ne3A_320 = arith.constant 0 : i32
      %ne3A_321 = arith.cmpi ne, %rem3A_319, %ne3A_320 : i32
      %and3A_322 = arith.andi %ne3A_318, %ne3A_321 : i1
      %sub3A_323 = arith.constant 1 : i32
      %sub3A_324 = arith.subi %div3A_303, %sub3A_323 : i32
      %select_n3A_325 = arith.select %and3A_322, %sub3A_324, %div3A_303 : i32
      %mul3A_326 = arith.constant 128 : i32
      %mul3A_327 = arith.muli %select_n3A_325, %mul3A_326 : i32
      %multiple_of3A_328 = tpu.assume_multiple %mul3A_327, 128 : i32
      %dma_start3A_329 = arith.constant 0 : i32
      %dma_start3A_330 = tpu.memref_slice %arg3[%dma_start3A_329, %multiple_of3A_328] : memref<32x1000000xf32, #tpu.memory_space<hbm>> -> memref<32x128xf32, #tpu.memory_space<hbm>>
      %dma_start3A_331 = arith.constant 0 : i32
      %dma_start3A_332 = tpu.memref_slice %arg3[%dma_start3A_331, %multiple_of3A_328] : memref<32x1000000xf32, #tpu.memory_space<hbm>> -> memref<32x128xf32, #tpu.memory_space<hbm>>
      tpu.enqueue_dma source(%dma_start3A_332 : memref<32x128xf32, #tpu.memory_space<hbm>>) target(%arg15 : memref<32x128xf32, #tpu.memory_space<vmem>>) target_semaphore(%arg31 : memref<!tpu.dma_semaphore, #tpu.memory_space<semaphore_mem>>)
      %add3A_333 = arith.constant 9 : i32
      %add3A_334 = arith.addi %mul3A_12, %add3A_333 : i32
      %get3A_335 = arith.index_cast %add3A_334 : i32 to index
      %get3A_336 = tpu.vector_load %arg5[%get3A_335] {strides = array<i32>} : memref<528xi32, #tpu.memory_space<vmem>>, vector<16xi32>,
      %slice3A_337 = vector.extract_strided_slice %get3A_336 {offsets = [0], sizes = [1], strides = [1]} : vector<16xi32> to vector<1xi32>
      %squeeze3A_338 = vector.extract %slice3A_337[0] : i32 from vector<1xi32>
      %jit3A_339 = arith.constant 128 : i32
      %div3A_340 = arith.divsi %squeeze3A_338, %jit3A_339 : i32
      %sign3A_341 = arith.constant 0 : i32
      %sign3A_342 = arith.cmpi sgt, %squeeze3A_338, %sign3A_341 : i32
      %sign3A_343 = arith.extui %sign3A_342 : i1 to i32
      %sign3A_344 = arith.constant 0 : i32
      %sign3A_345 = arith.cmpi slt, %squeeze3A_338, %sign3A_344 : i32
      %sign3A_346 = arith.extui %sign3A_345 : i1 to i32
      %sign3A_347 = arith.subi %sign3A_343, %sign3A_346 : i32
      %sign3A_348 = arith.constant 0 : i32
      %sign3A_349 = arith.cmpi sgt, %jit3A_339, %sign3A_348 : i32
      %sign3A_350 = arith.extui %sign3A_349 : i1 to i32
      %sign3A_351 = arith.constant 0 : i32
      %sign3A_352 = arith.cmpi slt, %jit3A_339, %sign3A_351 : i32
      %sign3A_353 = arith.extui %sign3A_352 : i1 to i32
      %sign3A_354 = arith.subi %sign3A_350, %sign3A_353 : i32
      %ne3A_355 = arith.cmpi ne, %sign3A_347, %sign3A_354 : i32
      %rem3A_356 = arith.remsi %squeeze3A_338, %jit3A_339 : i32
      %ne3A_357 = arith.constant 0 : i32
      %ne3A_358 = arith.cmpi ne, %rem3A_356, %ne3A_357 : i32
      %and3A_359 = arith.andi %ne3A_355, %ne3A_358 : i1
      %sub3A_360 = arith.constant 1 : i32
      %sub3A_361 = arith.subi %div3A_340, %sub3A_360 : i32
      %select_n3A_362 = arith.select %and3A_359, %sub3A_361, %div3A_340 : i32
      %mul3A_363 = arith.constant 128 : i32
      %mul3A_364 = arith.muli %select_n3A_362, %mul3A_363 : i32
      %multiple_of3A_365 = tpu.assume_multiple %mul3A_364, 128 : i32
      %dma_start3A_366 = arith.constant 0 : i32
      %dma_start3A_367 = tpu.memref_slice %arg3[%dma_start3A_366, %multiple_of3A_365] : memref<32x1000000xf32, #tpu.memory_space<hbm>> -> memref<32x128xf32, #tpu.memory_space<hbm>>
      %dma_start3A_368 = arith.constant 0 : i32
      %dma_start3A_369 = tpu.memref_slice %arg3[%dma_start3A_368, %multiple_of3A_365] : memref<32x1000000xf32, #tpu.memory_space<hbm>> -> memref<32x128xf32, #tpu.memory_space<hbm>>
      tpu.enqueue_dma source(%dma_start3A_369 : memref<32x128xf32, #tpu.memory_space<hbm>>) target(%arg16 : memref<32x128xf32, #tpu.memory_space<vmem>>) target_semaphore(%arg32 : memref<!tpu.dma_semaphore, #tpu.memory_space<semaphore_mem>>)
      %add3A_370 = arith.constant 10 : i32
      %add3A_371 = arith.addi %mul3A_12, %add3A_370 : i32
      %get3A_372 = arith.index_cast %add3A_371 : i32 to index
      %get3A_373 = tpu.vector_load %arg5[%get3A_372] {strides = array<i32>} : memref<528xi32, #tpu.memory_space<vmem>>, vector<16xi32>,
      %slice3A_374 = vector.extract_strided_slice %get3A_373 {offsets = [0], sizes = [1], strides = [1]} : vector<16xi32> to vector<1xi32>
      %squeeze3A_375 = vector.extract %slice3A_374[0] : i32 from vector<1xi32>
      %jit3A_376 = arith.constant 128 : i32
      %div3A_377 = arith.divsi %squeeze3A_375, %jit3A_376 : i32
      %sign3A_378 = arith.constant 0 : i32
      %sign3A_379 = arith.cmpi sgt, %squeeze3A_375, %sign3A_378 : i32
      %sign3A_380 = arith.extui %sign3A_379 : i1 to i32
      %sign3A_381 = arith.constant 0 : i32
      %sign3A_382 = arith.cmpi slt, %squeeze3A_375, %sign3A_381 : i32
      %sign3A_383 = arith.extui %sign3A_382 : i1 to i32
      %sign3A_384 = arith.subi %sign3A_380, %sign3A_383 : i32
      %sign3A_385 = arith.constant 0 : i32
      %sign3A_386 = arith.cmpi sgt, %jit3A_376, %sign3A_385 : i32
      %sign3A_387 = arith.extui %sign3A_386 : i1 to i32
      %sign3A_388 = arith.constant 0 : i32
      %sign3A_389 = arith.cmpi slt, %jit3A_376, %sign3A_388 : i32
      %sign3A_390 = arith.extui %sign3A_389 : i1 to i32
      %sign3A_391 = arith.subi %sign3A_387, %sign3A_390 : i32
      %ne3A_392 = arith.cmpi ne, %sign3A_384, %sign3A_391 : i32
      %rem3A_393 = arith.remsi %squeeze3A_375, %jit3A_376 : i32
      %ne3A_394 = arith.constant 0 : i32
      %ne3A_395 = arith.cmpi ne, %rem3A_393, %ne3A_394 : i32
      %and3A_396 = arith.andi %ne3A_392, %ne3A_395 : i1
      %sub3A_397 = arith.constant 1 : i32
      %sub3A_398 = arith.subi %div3A_377, %sub3A_397 : i32
      %select_n3A_399 = arith.select %and3A_396, %sub3A_398, %div3A_377 : i32
      %mul3A_400 = arith.constant 128 : i32
      %mul3A_401 = arith.muli %select_n3A_399, %mul3A_400 : i32
      %multiple_of3A_402 = tpu.assume_multiple %mul3A_401, 128 : i32
      %dma_start3A_403 = arith.constant 0 : i32
      %dma_start3A_404 = tpu.memref_slice %arg3[%dma_start3A_403, %multiple_of3A_402] : memref<32x1000000xf32, #tpu.memory_space<hbm>> -> memref<32x128xf32, #tpu.memory_space<hbm>>
      %dma_start3A_405 = arith.constant 0 : i32
      %dma_start3A_406 = tpu.memref_slice %arg3[%dma_start3A_405, %multiple_of3A_402] : memref<32x1000000xf32, #tpu.memory_space<hbm>> -> memref<32x128xf32, #tpu.memory_space<hbm>>
      tpu.enqueue_dma source(%dma_start3A_406 : memref<32x128xf32, #tpu.memory_space<hbm>>) target(%arg17 : memref<32x128xf32, #tpu.memory_space<vmem>>) target_semaphore(%arg33 : memref<!tpu.dma_semaphore, #tpu.memory_space<semaphore_mem>>)
      %add3A_407 = arith.constant 11 : i32
      %add3A_408 = arith.addi %mul3A_12, %add3A_407 : i32
      %get3A_409 = arith.index_cast %add3A_408 : i32 to index
      %get3A_410 = tpu.vector_load %arg5[%get3A_409] {strides = array<i32>} : memref<528xi32, #tpu.memory_space<vmem>>, vector<16xi32>,
      %slice3A_411 = vector.extract_strided_slice %get3A_410 {offsets = [0], sizes = [1], strides = [1]} : vector<16xi32> to vector<1xi32>
      %squeeze3A_412 = vector.extract %slice3A_411[0] : i32 from vector<1xi32>
      %jit3A_413 = arith.constant 128 : i32
      %div3A_414 = arith.divsi %squeeze3A_412, %jit3A_413 : i32
      %sign3A_415 = arith.constant 0 : i32
      %sign3A_416 = arith.cmpi sgt, %squeeze3A_412, %sign3A_415 : i32
      %sign3A_417 = arith.extui %sign3A_416 : i1 to i32
      %sign3A_418 = arith.constant 0 : i32
      %sign3A_419 = arith.cmpi slt, %squeeze3A_412, %sign3A_418 : i32
      %sign3A_420 = arith.extui %sign3A_419 : i1 to i32
      %sign3A_421 = arith.subi %sign3A_417, %sign3A_420 : i32
      %sign3A_422 = arith.constant 0 : i32
      %sign3A_423 = arith.cmpi sgt, %jit3A_413, %sign3A_422 : i32
      %sign3A_424 = arith.extui %sign3A_423 : i1 to i32
      %sign3A_425 = arith.constant 0 : i32
      %sign3A_426 = arith.cmpi slt, %jit3A_413, %sign3A_425 : i32
      %sign3A_427 = arith.extui %sign3A_426 : i1 to i32
      %sign3A_428 = arith.subi %sign3A_424, %sign3A_427 : i32
      %ne3A_429 = arith.cmpi ne, %sign3A_421, %sign3A_428 : i32
      %rem3A_430 = arith.remsi %squeeze3A_412, %jit3A_413 : i32
      %ne3A_431 = arith.constant 0 : i32
      %ne3A_432 = arith.cmpi ne, %rem3A_430, %ne3A_431 : i32
      %and3A_433 = arith.andi %ne3A_429, %ne3A_432 : i1
      %sub3A_434 = arith.constant 1 : i32
      %sub3A_435 = arith.subi %div3A_414, %sub3A_434 : i32
      %select_n3A_436 = arith.select %and3A_433, %sub3A_435, %div3A_414 : i32
      %mul3A_437 = arith.constant 128 : i32
      %mul3A_438 = arith.muli %select_n3A_436, %mul3A_437 : i32
      %multiple_of3A_439 = tpu.assume_multiple %mul3A_438, 128 : i32
      %dma_start3A_440 = arith.constant 0 : i32
      %dma_start3A_441 = tpu.memref_slice %arg3[%dma_start3A_440, %multiple_of3A_439] : memref<32x1000000xf32, #tpu.memory_space<hbm>> -> memref<32x128xf32, #tpu.memory_space<hbm>>
      %dma_start3A_442 = arith.constant 0 : i32
      %dma_start3A_443 = tpu.memref_slice %arg3[%dma_start3A_442, %multiple_of3A_439] : memref<32x1000000xf32, #tpu.memory_space<hbm>> -> memref<32x128xf32, #tpu.memory_space<hbm>>
      tpu.enqueue_dma source(%dma_start3A_443 : memref<32x128xf32, #tpu.memory_space<hbm>>) target(%arg18 : memref<32x128xf32, #tpu.memory_space<vmem>>) target_semaphore(%arg34 : memref<!tpu.dma_semaphore, #tpu.memory_space<semaphore_mem>>)
      %add3A_444 = arith.constant 12 : i32
      %add3A_445 = arith.addi %mul3A_12, %add3A_444 : i32
      %get3A_446 = arith.index_cast %add3A_445 : i32 to index
      %get3A_447 = tpu.vector_load %arg5[%get3A_446] {strides = array<i32>} : memref<528xi32, #tpu.memory_space<vmem>>, vector<16xi32>,
      %slice3A_448 = vector.extract_strided_slice %get3A_447 {offsets = [0], sizes = [1], strides = [1]} : vector<16xi32> to vector<1xi32>
      %squeeze3A_449 = vector.extract %slice3A_448[0] : i32 from vector<1xi32>
      %jit3A_450 = arith.constant 128 : i32
      %div3A_451 = arith.divsi %squeeze3A_449, %jit3A_450 : i32
      %sign3A_452 = arith.constant 0 : i32
      %sign3A_453 = arith.cmpi sgt, %squeeze3A_449, %sign3A_452 : i32
      %sign3A_454 = arith.extui %sign3A_453 : i1 to i32
      %sign3A_455 = arith.constant 0 : i32
      %sign3A_456 = arith.cmpi slt, %squeeze3A_449, %sign3A_455 : i32
      %sign3A_457 = arith.extui %sign3A_456 : i1 to i32
      %sign3A_458 = arith.subi %sign3A_454, %sign3A_457 : i32
      %sign3A_459 = arith.constant 0 : i32
      %sign3A_460 = arith.cmpi sgt, %jit3A_450, %sign3A_459 : i32
      %sign3A_461 = arith.extui %sign3A_460 : i1 to i32
      %sign3A_462 = arith.constant 0 : i32
      %sign3A_463 = arith.cmpi slt, %jit3A_450, %sign3A_462 : i32
      %sign3A_464 = arith.extui %sign3A_463 : i1 to i32
      %sign3A_465 = arith.subi %sign3A_461, %sign3A_464 : i32
      %ne3A_466 = arith.cmpi ne, %sign3A_458, %sign3A_465 : i32
      %rem3A_467 = arith.remsi %squeeze3A_449, %jit3A_450 : i32
      %ne3A_468 = arith.constant 0 : i32
      %ne3A_469 = arith.cmpi ne, %rem3A_467, %ne3A_468 : i32
      %and3A_470 = arith.andi %ne3A_466, %ne3A_469 : i1
      %sub3A_471 = arith.constant 1 : i32
      %sub3A_472 = arith.subi %div3A_451, %sub3A_471 : i32
      %select_n3A_473 = arith.select %and3A_470, %sub3A_472, %div3A_451 : i32
      %mul3A_474 = arith.constant 128 : i32
      %mul3A_475 = arith.muli %select_n3A_473, %mul3A_474 : i32
      %multiple_of3A_476 = tpu.assume_multiple %mul3A_475, 128 : i32
      %dma_start3A_477 = arith.constant 0 : i32
      %dma_start3A_478 = tpu.memref_slice %arg3[%dma_start3A_477, %multiple_of3A_476] : memref<32x1000000xf32, #tpu.memory_space<hbm>> -> memref<32x128xf32, #tpu.memory_space<hbm>>
      %dma_start3A_479 = arith.constant 0 : i32
      %dma_start3A_480 = tpu.memref_slice %arg3[%dma_start3A_479, %multiple_of3A_476] : memref<32x1000000xf32, #tpu.memory_space<hbm>> -> memref<32x128xf32, #tpu.memory_space<hbm>>
      tpu.enqueue_dma source(%dma_start3A_480 : memref<32x128xf32, #tpu.memory_space<hbm>>) target(%arg19 : memref<32x128xf32, #tpu.memory_space<vmem>>) target_semaphore(%arg35 : memref<!tpu.dma_semaphore, #tpu.memory_space<semaphore_mem>>)
      %add3A_481 = arith.constant 13 : i32
      %add3A_482 = arith.addi %mul3A_12, %add3A_481 : i32
      %get3A_483 = arith.index_cast %add3A_482 : i32 to index
      %get3A_484 = tpu.vector_load %arg5[%get3A_483] {strides = array<i32>} : memref<528xi32, #tpu.memory_space<vmem>>, vector<16xi32>,
      %slice3A_485 = vector.extract_strided_slice %get3A_484 {offsets = [0], sizes = [1], strides = [1]} : vector<16xi32> to vector<1xi32>
      %squeeze3A_486 = vector.extract %slice3A_485[0] : i32 from vector<1xi32>
      %jit3A_487 = arith.constant 128 : i32
      %div3A_488 = arith.divsi %squeeze3A_486, %jit3A_487 : i32
      %sign3A_489 = arith.constant 0 : i32
      %sign3A_490 = arith.cmpi sgt, %squeeze3A_486, %sign3A_489 : i32
      %sign3A_491 = arith.extui %sign3A_490 : i1 to i32
      %sign3A_492 = arith.constant 0 : i32
      %sign3A_493 = arith.cmpi slt, %squeeze3A_486, %sign3A_492 : i32
      %sign3A_494 = arith.extui %sign3A_493 : i1 to i32
      %sign3A_495 = arith.subi %sign3A_491, %sign3A_494 : i32
      %sign3A_496 = arith.constant 0 : i32
      %sign3A_497 = arith.cmpi sgt, %jit3A_487, %sign3A_496 : i32
      %sign3A_498 = arith.extui %sign3A_497 : i1 to i32
      %sign3A_499 = arith.constant 0 : i32
      %sign3A_500 = arith.cmpi slt, %jit3A_487, %sign3A_499 : i32
      %sign3A_501 = arith.extui %sign3A_500 : i1 to i32
      %sign3A_502 = arith.subi %sign3A_498, %sign3A_501 : i32
      %ne3A_503 = arith.cmpi ne, %sign3A_495, %sign3A_502 : i32
      %rem3A_504 = arith.remsi %squeeze3A_486, %jit3A_487 : i32
      %ne3A_505 = arith.constant 0 : i32
      %ne3A_506 = arith.cmpi ne, %rem3A_504, %ne3A_505 : i32
      %and3A_507 = arith.andi %ne3A_503, %ne3A_506 : i1
      %sub3A_508 = arith.constant 1 : i32
      %sub3A_509 = arith.subi %div3A_488, %sub3A_508 : i32
      %select_n3A_510 = arith.select %and3A_507, %sub3A_509, %div3A_488 : i32
      %mul3A_511 = arith.constant 128 : i32
      %mul3A_512 = arith.muli %select_n3A_510, %mul3A_511 : i32
      %multiple_of3A_513 = tpu.assume_multiple %mul3A_512, 128 : i32
      %dma_start3A_514 = arith.constant 0 : i32
      %dma_start3A_515 = tpu.memref_slice %arg3[%dma_start3A_514, %multiple_of3A_513] : memref<32x1000000xf32, #tpu.memory_space<hbm>> -> memref<32x128xf32, #tpu.memory_space<hbm>>
      %dma_start3A_516 = arith.constant 0 : i32
      %dma_start3A_517 = tpu.memref_slice %arg3[%dma_start3A_516, %multiple_of3A_513] : memref<32x1000000xf32, #tpu.memory_space<hbm>> -> memref<32x128xf32, #tpu.memory_space<hbm>>
      tpu.enqueue_dma source(%dma_start3A_517 : memref<32x128xf32, #tpu.memory_space<hbm>>) target(%arg20 : memref<32x128xf32, #tpu.memory_space<vmem>>) target_semaphore(%arg36 : memref<!tpu.dma_semaphore, #tpu.memory_space<semaphore_mem>>)
      %add3A_518 = arith.constant 14 : i32
      %add3A_519 = arith.addi %mul3A_12, %add3A_518 : i32
      %get3A_520 = arith.index_cast %add3A_519 : i32 to index
      %get3A_521 = tpu.vector_load %arg5[%get3A_520] {strides = array<i32>} : memref<528xi32, #tpu.memory_space<vmem>>, vector<16xi32>,
      %slice3A_522 = vector.extract_strided_slice %get3A_521 {offsets = [0], sizes = [1], strides = [1]} : vector<16xi32> to vector<1xi32>
      %squeeze3A_523 = vector.extract %slice3A_522[0] : i32 from vector<1xi32>
      %jit3A_524 = arith.constant 128 : i32
      %div3A_525 = arith.divsi %squeeze3A_523, %jit3A_524 : i32
      %sign3A_526 = arith.constant 0 : i32
      %sign3A_527 = arith.cmpi sgt, %squeeze3A_523, %sign3A_526 : i32
      %sign3A_528 = arith.extui %sign3A_527 : i1 to i32
      %sign3A_529 = arith.constant 0 : i32
      %sign3A_530 = arith.cmpi slt, %squeeze3A_523, %sign3A_529 : i32
      %sign3A_531 = arith.extui %sign3A_530 : i1 to i32
      %sign3A_532 = arith.subi %sign3A_528, %sign3A_531 : i32
      %sign3A_533 = arith.constant 0 : i32
      %sign3A_534 = arith.cmpi sgt, %jit3A_524, %sign3A_533 : i32
      %sign3A_535 = arith.extui %sign3A_534 : i1 to i32
      %sign3A_536 = arith.constant 0 : i32
      %sign3A_537 = arith.cmpi slt, %jit3A_524, %sign3A_536 : i32
      %sign3A_538 = arith.extui %sign3A_537 : i1 to i32
      %sign3A_539 = arith.subi %sign3A_535, %sign3A_538 : i32
      %ne3A_540 = arith.cmpi ne, %sign3A_532, %sign3A_539 : i32
      %rem3A_541 = arith.remsi %squeeze3A_523, %jit3A_524 : i32
      %ne3A_542 = arith.constant 0 : i32
      %ne3A_543 = arith.cmpi ne, %rem3A_541, %ne3A_542 : i32
      %and3A_544 = arith.andi %ne3A_540, %ne3A_543 : i1
      %sub3A_545 = arith.constant 1 : i32
      %sub3A_546 = arith.subi %div3A_525, %sub3A_545 : i32
      %select_n3A_547 = arith.select %and3A_544, %sub3A_546, %div3A_525 : i32
      %mul3A_548 = arith.constant 128 : i32
      %mul3A_549 = arith.muli %select_n3A_547, %mul3A_548 : i32
      %multiple_of3A_550 = tpu.assume_multiple %mul3A_549, 128 : i32
      %dma_start3A_551 = arith.constant 0 : i32
      %dma_start3A_552 = tpu.memref_slice %arg3[%dma_start3A_551, %multiple_of3A_550] : memref<32x1000000xf32, #tpu.memory_space<hbm>> -> memref<32x128xf32, #tpu.memory_space<hbm>>
      %dma_start3A_553 = arith.constant 0 : i32
      %dma_start3A_554 = tpu.memref_slice %arg3[%dma_start3A_553, %multiple_of3A_550] : memref<32x1000000xf32, #tpu.memory_space<hbm>> -> memref<32x128xf32, #tpu.memory_space<hbm>>
      tpu.enqueue_dma source(%dma_start3A_554 : memref<32x128xf32, #tpu.memory_space<hbm>>) target(%arg21 : memref<32x128xf32, #tpu.memory_space<vmem>>) target_semaphore(%arg37 : memref<!tpu.dma_semaphore, #tpu.memory_space<semaphore_mem>>)
      %add3A_555 = arith.constant 15 : i32
      %add3A_556 = arith.addi %mul3A_12, %add3A_555 : i32
      %get3A_557 = arith.index_cast %add3A_556 : i32 to index
      %get3A_558 = tpu.vector_load %arg5[%get3A_557] {strides = array<i32>} : memref<528xi32, #tpu.memory_space<vmem>>, vector<16xi32>,
      %slice3A_559 = vector.extract_strided_slice %get3A_558 {offsets = [0], sizes = [1], strides = [1]} : vector<16xi32> to vector<1xi32>
      %squeeze3A_560 = vector.extract %slice3A_559[0] : i32 from vector<1xi32>
      %jit3A_561 = arith.constant 128 : i32
      %div3A_562 = arith.divsi %squeeze3A_560, %jit3A_561 : i32
      %sign3A_563 = arith.constant 0 : i32
      %sign3A_564 = arith.cmpi sgt, %squeeze3A_560, %sign3A_563 : i32
      %sign3A_565 = arith.extui %sign3A_564 : i1 to i32
      %sign3A_566 = arith.constant 0 : i32
      %sign3A_567 = arith.cmpi slt, %squeeze3A_560, %sign3A_566 : i32
      %sign3A_568 = arith.extui %sign3A_567 : i1 to i32
      %sign3A_569 = arith.subi %sign3A_565, %sign3A_568 : i32
      %sign3A_570 = arith.constant 0 : i32
      %sign3A_571 = arith.cmpi sgt, %jit3A_561, %sign3A_570 : i32
      %sign3A_572 = arith.extui %sign3A_571 : i1 to i32
      %sign3A_573 = arith.constant 0 : i32
      %sign3A_574 = arith.cmpi slt, %jit3A_561, %sign3A_573 : i32
      %sign3A_575 = arith.extui %sign3A_574 : i1 to i32
      %sign3A_576 = arith.subi %sign3A_572, %sign3A_575 : i32
      %ne3A_577 = arith.cmpi ne, %sign3A_569, %sign3A_576 : i32
      %rem3A_578 = arith.remsi %squeeze3A_560, %jit3A_561 : i32
      %ne3A_579 = arith.constant 0 : i32
      %ne3A_580 = arith.cmpi ne, %rem3A_578, %ne3A_579 : i32
      %and3A_581 = arith.andi %ne3A_577, %ne3A_580 : i1
      %sub3A_582 = arith.constant 1 : i32
      %sub3A_583 = arith.subi %div3A_562, %sub3A_582 : i32
      %select_n3A_584 = arith.select %and3A_581, %sub3A_583, %div3A_562 : i32
      %mul3A_585 = arith.constant 128 : i32
      %mul3A_586 = arith.muli %select_n3A_584, %mul3A_585 : i32
      %multiple_of3A_587 = tpu.assume_multiple %mul3A_586, 128 : i32
      %dma_start3A_588 = arith.constant 0 : i32
      %dma_start3A_589 = tpu.memref_slice %arg3[%dma_start3A_588, %multiple_of3A_587] : memref<32x1000000xf32, #tpu.memory_space<hbm>> -> memref<32x128xf32, #tpu.memory_space<hbm>>
      %dma_start3A_590 = arith.constant 0 : i32
      %dma_start3A_591 = tpu.memref_slice %arg3[%dma_start3A_590, %multiple_of3A_587] : memref<32x1000000xf32, #tpu.memory_space<hbm>> -> memref<32x128xf32, #tpu.memory_space<hbm>>
      tpu.enqueue_dma source(%dma_start3A_591 : memref<32x128xf32, #tpu.memory_space<hbm>>) target(%arg22 : memref<32x128xf32, #tpu.memory_space<vmem>>) target_semaphore(%arg38 : memref<!tpu.dma_semaphore, #tpu.memory_space<semaphore_mem>>)
      %dma_wait3A = arith.constant 0 : i32
      %dma_wait3A_592 = tpu.memref_slice %arg3[%dma_wait3A, %multiple_of3A] : memref<32x1000000xf32, #tpu.memory_space<hbm>> -> memref<32x128xf32, #tpu.memory_space<hbm>>
      %dma_wait3A_593 = arith.constant 0 : i32
      %dma_wait3A_594 = tpu.memref_slice %arg3[%dma_wait3A_593, %multiple_of3A] : memref<32x1000000xf32, #tpu.memory_space<hbm>> -> memref<32x128xf32, #tpu.memory_space<hbm>>
      tpu.wait_dma2 semaphore(%arg23 : memref<!tpu.dma_semaphore, #tpu.memory_space<semaphore_mem>>) src(%dma_wait3A_594 : memref<32x128xf32, #tpu.memory_space<hbm>>) dst(%arg7 : memref<32x128xf32, #tpu.memory_space<vmem>>)
      %add3A_595 = arith.constant 0 : i32
      %add3A_596 = arith.addi %mul3A_12, %add3A_595 : i32
      %get3A_597 = arith.index_cast %add3A_596 : i32 to index
      %get3A_598 = tpu.vector_load %arg5[%get3A_597] {strides = array<i32>} : memref<528xi32, #tpu.memory_space<vmem>>, vector<16xi32>,
      %slice3A_599 = vector.extract_strided_slice %get3A_598 {offsets = [0], sizes = [1], strides = [1]} : vector<16xi32> to vector<1xi32>
      %squeeze3A_600 = vector.extract %slice3A_599[0] : i32 from vector<1xi32>
      %jit3A_601 = arith.constant 128 : i32
      %eq3A = arith.constant 0 : i32
      %eq3A_602 = arith.cmpi eq, %jit3A_601, %eq3A : i32
      %jit3A_603 = arith.constant 1 : i32
      %select_n3A_604 = arith.select %eq3A_602, %jit3A_603, %jit3A_601 : i32
      %rem3A_605 = arith.remsi %squeeze3A_600, %select_n3A_604 : i32
      %ne3A_606 = arith.constant 0 : i32
      %ne3A_607 = arith.cmpi ne, %rem3A_605, %ne3A_606 : i32
      %lt3A = arith.constant 0 : i32
      %lt3A_608 = arith.cmpi slt, %rem3A_605, %lt3A : i32
      %lt3A_609 = arith.constant 0 : i32
      %lt3A_610 = arith.cmpi slt, %select_n3A_604, %lt3A_609 : i32
      %ne3A_611 = arith.xori %lt3A_608, %lt3A_610 : i1
      %and3A_612 = arith.andi %ne3A_611, %ne3A_607 : i1
      %add3A_613 = arith.addi %rem3A_605, %select_n3A_604 : i32
      %select_n3A_614 = arith.select %and3A_612, %add3A_613, %rem3A_605 : i32
      %broadcast_in_dim3A = vector.broadcast %select_n3A_614 : i32 to vector<16xi32>
      %gather3A = tpu.vector_load_idx %arg7[%iota3A, %broadcast_in_dim3A] : memref<32x128xf32, #tpu.memory_space<vmem>>[vector<16xi32>, vector<16xi32>], vector<16xf32>,
      %mul3A_615 = arith.constant 32 : i32
      %mul3A_616 = arith.muli %add3A_596, %mul3A_615 : i32
      %swap3A = arith.index_cast %mul3A_616 : i32 to index
      %swap3A_617 = tpu.vector_load %arg6[%swap3A] {strides = array<i32>} : memref<16384xf32, #tpu.memory_space<vmem>>, vector<16xf32>,
      tpu.vector_store %arg6[%swap3A], %gather3A {strides = array<i32>} : memref<16384xf32, #tpu.memory_space<vmem>>, vector<16xf32>,
      %add3A_618 = arith.constant 16 : i32
      %add3A_619 = vector.broadcast %add3A_618 : i32 to vector<16xi32>
      %add3A_620 = arith.addi %iota3A, %add3A_619 : vector<16xi32>
      %gather3A_621 = tpu.vector_load_idx %arg7[%add3A_620, %broadcast_in_dim3A] : memref<32x128xf32, #tpu.memory_space<vmem>>[vector<16xi32>, vector<16xi32>], vector<16xf32>,
      %mul3A_622 = arith.constant 32 : i32
      %mul3A_623 = arith.muli %add3A_596, %mul3A_622 : i32
      %add3A_624 = arith.constant 16 : i32
      %add3A_625 = arith.addi %mul3A_623, %add3A_624 : i32
      %swap3A_626 = arith.index_cast %add3A_625 : i32 to index
      %swap3A_627 = tpu.vector_load %arg6[%swap3A_626] {strides = array<i32>} : memref<16384xf32, #tpu.memory_space<vmem>>, vector<16xf32>,
      tpu.vector_store %arg6[%swap3A_626], %gather3A_621 {strides = array<i32>} : memref<16384xf32, #tpu.memory_space<vmem>>, vector<16xf32>,
      %dma_wait3A_628 = arith.constant 0 : i32
      %dma_wait3A_629 = tpu.memref_slice %arg3[%dma_wait3A_628, %multiple_of3A_69] : memref<32x1000000xf32, #tpu.memory_space<hbm>> -> memref<32x128xf32, #tpu.memory_space<hbm>>
      %dma_wait3A_630 = arith.constant 0 : i32
      %dma_wait3A_631 = tpu.memref_slice %arg3[%dma_wait3A_630, %multiple_of3A_69] : memref<32x1000000xf32, #tpu.memory_space<hbm>> -> memref<32x128xf32, #tpu.memory_space<hbm>>
      tpu.wait_dma2 semaphore(%arg24 : memref<!tpu.dma_semaphore, #tpu.memory_space<semaphore_mem>>) src(%dma_wait3A_631 : memref<32x128xf32, #tpu.memory_space<hbm>>) dst(%arg8 : memref<32x128xf32, #tpu.memory_space<vmem>>)
      %add3A_632 = arith.constant 1 : i32
      %add3A_633 = arith.addi %mul3A_12, %add3A_632 : i32
      %get3A_634 = arith.index_cast %add3A_633 : i32 to index
      %get3A_635 = tpu.vector_load %arg5[%get3A_634] {strides = array<i32>} : memref<528xi32, #tpu.memory_space<vmem>>, vector<16xi32>,
      %slice3A_636 = vector.extract_strided_slice %get3A_635 {offsets = [0], sizes = [1], strides = [1]} : vector<16xi32> to vector<1xi32>
      %squeeze3A_637 = vector.extract %slice3A_636[0] : i32 from vector<1xi32>
      %jit3A_638 = arith.constant 128 : i32
      %eq3A_639 = arith.constant 0 : i32
      %eq3A_640 = arith.cmpi eq, %jit3A_638, %eq3A_639 : i32
      %jit3A_641 = arith.constant 1 : i32
      %select_n3A_642 = arith.select %eq3A_640, %jit3A_641, %jit3A_638 : i32
      %rem3A_643 = arith.remsi %squeeze3A_637, %select_n3A_642 : i32
      %ne3A_644 = arith.constant 0 : i32
      %ne3A_645 = arith.cmpi ne, %rem3A_643, %ne3A_644 : i32
      %lt3A_646 = arith.constant 0 : i32
      %lt3A_647 = arith.cmpi slt, %rem3A_643, %lt3A_646 : i32
      %lt3A_648 = arith.constant 0 : i32
      %lt3A_649 = arith.cmpi slt, %select_n3A_642, %lt3A_648 : i32
      %ne3A_650 = arith.xori %lt3A_647, %lt3A_649 : i1
      %and3A_651 = arith.andi %ne3A_650, %ne3A_645 : i1
      %add3A_652 = arith.addi %rem3A_643, %select_n3A_642 : i32
      %select_n3A_653 = arith.select %and3A_651, %add3A_652, %rem3A_643 : i32
      %broadcast_in_dim3A_654 = vector.broadcast %select_n3A_653 : i32 to vector<16xi32>
      %gather3A_655 = tpu.vector_load_idx %arg8[%iota3A, %broadcast_in_dim3A_654] : memref<32x128xf32, #tpu.memory_space<vmem>>[vector<16xi32>, vector<16xi32>], vector<16xf32>,
      %mul3A_656 = arith.constant 32 : i32
      %mul3A_657 = arith.muli %add3A_633, %mul3A_656 : i32
      %swap3A_658 = arith.index_cast %mul3A_657 : i32 to index
      %swap3A_659 = tpu.vector_load %arg6[%swap3A_658] {strides = array<i32>} : memref<16384xf32, #tpu.memory_space<vmem>>, vector<16xf32>,
      tpu.vector_store %arg6[%swap3A_658], %gather3A_655 {strides = array<i32>} : memref<16384xf32, #tpu.memory_space<vmem>>, vector<16xf32>,
      %add3A_660 = arith.constant 16 : i32
      %add3A_661 = vector.broadcast %add3A_660 : i32 to vector<16xi32>
      %add3A_662 = arith.addi %iota3A, %add3A_661 : vector<16xi32>
      %gather3A_663 = tpu.vector_load_idx %arg8[%add3A_662, %broadcast_in_dim3A_654] : memref<32x128xf32, #tpu.memory_space<vmem>>[vector<16xi32>, vector<16xi32>], vector<16xf32>,
      %mul3A_664 = arith.constant 32 : i32
      %mul3A_665 = arith.muli %add3A_633, %mul3A_664 : i32
      %add3A_666 = arith.constant 16 : i32
      %add3A_667 = arith.addi %mul3A_665, %add3A_666 : i32
      %swap3A_668 = arith.index_cast %add3A_667 : i32 to index
      %swap3A_669 = tpu.vector_load %arg6[%swap3A_668] {strides = array<i32>} : memref<16384xf32, #tpu.memory_space<vmem>>, vector<16xf32>,
      tpu.vector_store %arg6[%swap3A_668], %gather3A_663 {strides = array<i32>} : memref<16384xf32, #tpu.memory_space<vmem>>, vector<16xf32>,
      %dma_wait3A_670 = arith.constant 0 : i32
      %dma_wait3A_671 = tpu.memref_slice %arg3[%dma_wait3A_670, %multiple_of3A_106] : memref<32x1000000xf32, #tpu.memory_space<hbm>> -> memref<32x128xf32, #tpu.memory_space<hbm>>
      %dma_wait3A_672 = arith.constant 0 : i32
      %dma_wait3A_673 = tpu.memref_slice %arg3[%dma_wait3A_672, %multiple_of3A_106] : memref<32x1000000xf32, #tpu.memory_space<hbm>> -> memref<32x128xf32, #tpu.memory_space<hbm>>
      tpu.wait_dma2 semaphore(%arg25 : memref<!tpu.dma_semaphore, #tpu.memory_space<semaphore_mem>>) src(%dma_wait3A_673 : memref<32x128xf32, #tpu.memory_space<hbm>>) dst(%arg9 : memref<32x128xf32, #tpu.memory_space<vmem>>)
      %add3A_674 = arith.constant 2 : i32
      %add3A_675 = arith.addi %mul3A_12, %add3A_674 : i32
      %get3A_676 = arith.index_cast %add3A_675 : i32 to index
      %get3A_677 = tpu.vector_load %arg5[%get3A_676] {strides = array<i32>} : memref<528xi32, #tpu.memory_space<vmem>>, vector<16xi32>,
      %slice3A_678 = vector.extract_strided_slice %get3A_677 {offsets = [0], sizes = [1], strides = [1]} : vector<16xi32> to vector<1xi32>
      %squeeze3A_679 = vector.extract %slice3A_678[0] : i32 from vector<1xi32>
      %jit3A_680 = arith.constant 128 : i32
      %eq3A_681 = arith.constant 0 : i32
      %eq3A_682 = arith.cmpi eq, %jit3A_680, %eq3A_681 : i32
      %jit3A_683 = arith.constant 1 : i32
      %select_n3A_684 = arith.select %eq3A_682, %jit3A_683, %jit3A_680 : i32
      %rem3A_685 = arith.remsi %squeeze3A_679, %select_n3A_684 : i32
      %ne3A_686 = arith.constant 0 : i32
      %ne3A_687 = arith.cmpi ne, %rem3A_685, %ne3A_686 : i32
      %lt3A_688 = arith.constant 0 : i32
      %lt3A_689 = arith.cmpi slt, %rem3A_685, %lt3A_688 : i32
      %lt3A_690 = arith.constant 0 : i32
      %lt3A_691 = arith.cmpi slt, %select_n3A_684, %lt3A_690 : i32
      %ne3A_692 = arith.xori %lt3A_689, %lt3A_691 : i1
      %and3A_693 = arith.andi %ne3A_692, %ne3A_687 : i1
      %add3A_694 = arith.addi %rem3A_685, %select_n3A_684 : i32
      %select_n3A_695 = arith.select %and3A_693, %add3A_694, %rem3A_685 : i32
      %broadcast_in_dim3A_696 = vector.broadcast %select_n3A_695 : i32 to vector<16xi32>
      %gather3A_697 = tpu.vector_load_idx %arg9[%iota3A, %broadcast_in_dim3A_696] : memref<32x128xf32, #tpu.memory_space<vmem>>[vector<16xi32>, vector<16xi32>], vector<16xf32>,
      %mul3A_698 = arith.constant 32 : i32
      %mul3A_699 = arith.muli %add3A_675, %mul3A_698 : i32
      %swap3A_700 = arith.index_cast %mul3A_699 : i32 to index
      %swap3A_701 = tpu.vector_load %arg6[%swap3A_700] {strides = array<i32>} : memref<16384xf32, #tpu.memory_space<vmem>>, vector<16xf32>,
      tpu.vector_store %arg6[%swap3A_700], %gather3A_697 {strides = array<i32>} : memref<16384xf32, #tpu.memory_space<vmem>>, vector<16xf32>,
      %add3A_702 = arith.constant 16 : i32
      %add3A_703 = vector.broadcast %add3A_702 : i32 to vector<16xi32>
      %add3A_704 = arith.addi %iota3A, %add3A_703 : vector<16xi32>
      %gather3A_705 = tpu.vector_load_idx %arg9[%add3A_704, %broadcast_in_dim3A_696] : memref<32x128xf32, #tpu.memory_space<vmem>>[vector<16xi32>, vector<16xi32>], vector<16xf32>,
      %mul3A_706 = arith.constant 32 : i32
      %mul3A_707 = arith.muli %add3A_675, %mul3A_706 : i32
      %add3A_708 = arith.constant 16 : i32
      %add3A_709 = arith.addi %mul3A_707, %add3A_708 : i32
      %swap3A_710 = arith.index_cast %add3A_709 : i32 to index
      %swap3A_711 = tpu.vector_load %arg6[%swap3A_710] {strides = array<i32>} : memref<16384xf32, #tpu.memory_space<vmem>>, vector<16xf32>,
      tpu.vector_store %arg6[%swap3A_710], %gather3A_705 {strides = array<i32>} : memref<16384xf32, #tpu.memory_space<vmem>>, vector<16xf32>,
      %dma_wait3A_712 = arith.constant 0 : i32
      %dma_wait3A_713 = tpu.memref_slice %arg3[%dma_wait3A_712, %multiple_of3A_143] : memref<32x1000000xf32, #tpu.memory_space<hbm>> -> memref<32x128xf32, #tpu.memory_space<hbm>>
      %dma_wait3A_714 = arith.constant 0 : i32
      %dma_wait3A_715 = tpu.memref_slice %arg3[%dma_wait3A_714, %multiple_of3A_143] : memref<32x1000000xf32, #tpu.memory_space<hbm>> -> memref<32x128xf32, #tpu.memory_space<hbm>>
      tpu.wait_dma2 semaphore(%arg26 : memref<!tpu.dma_semaphore, #tpu.memory_space<semaphore_mem>>) src(%dma_wait3A_715 : memref<32x128xf32, #tpu.memory_space<hbm>>) dst(%arg10 : memref<32x128xf32, #tpu.memory_space<vmem>>)
      %add3A_716 = arith.constant 3 : i32
      %add3A_717 = arith.addi %mul3A_12, %add3A_716 : i32
      %get3A_718 = arith.index_cast %add3A_717 : i32 to index
      %get3A_719 = tpu.vector_load %arg5[%get3A_718] {strides = array<i32>} : memref<528xi32, #tpu.memory_space<vmem>>, vector<16xi32>,
      %slice3A_720 = vector.extract_strided_slice %get3A_719 {offsets = [0], sizes = [1], strides = [1]} : vector<16xi32> to vector<1xi32>
      %squeeze3A_721 = vector.extract %slice3A_720[0] : i32 from vector<1xi32>
      %jit3A_722 = arith.constant 128 : i32
      %eq3A_723 = arith.constant 0 : i32
      %eq3A_724 = arith.cmpi eq, %jit3A_722, %eq3A_723 : i32
      %jit3A_725 = arith.constant 1 : i32
      %select_n3A_726 = arith.select %eq3A_724, %jit3A_725, %jit3A_722 : i32
      %rem3A_727 = arith.remsi %squeeze3A_721, %select_n3A_726 : i32
      %ne3A_728 = arith.constant 0 : i32
      %ne3A_729 = arith.cmpi ne, %rem3A_727, %ne3A_728 : i32
      %lt3A_730 = arith.constant 0 : i32
      %lt3A_731 = arith.cmpi slt, %rem3A_727, %lt3A_730 : i32
      %lt3A_732 = arith.constant 0 : i32
      %lt3A_733 = arith.cmpi slt, %select_n3A_726, %lt3A_732 : i32
      %ne3A_734 = arith.xori %lt3A_731, %lt3A_733 : i1
      %and3A_735 = arith.andi %ne3A_734, %ne3A_729 : i1
      %add3A_736 = arith.addi %rem3A_727, %select_n3A_726 : i32
      %select_n3A_737 = arith.select %and3A_735, %add3A_736, %rem3A_727 : i32
      %broadcast_in_dim3A_738 = vector.broadcast %select_n3A_737 : i32 to vector<16xi32>
      %gather3A_739 = tpu.vector_load_idx %arg10[%iota3A, %broadcast_in_dim3A_738] : memref<32x128xf32, #tpu.memory_space<vmem>>[vector<16xi32>, vector<16xi32>], vector<16xf32>,
      %mul3A_740 = arith.constant 32 : i32
      %mul3A_741 = arith.muli %add3A_717, %mul3A_740 : i32
      %swap3A_742 = arith.index_cast %mul3A_741 : i32 to index
      %swap3A_743 = tpu.vector_load %arg6[%swap3A_742] {strides = array<i32>} : memref<16384xf32, #tpu.memory_space<vmem>>, vector<16xf32>,
      tpu.vector_store %arg6[%swap3A_742], %gather3A_739 {strides = array<i32>} : memref<16384xf32, #tpu.memory_space<vmem>>, vector<16xf32>,
      %add3A_744 = arith.constant 16 : i32
      %add3A_745 = vector.broadcast %add3A_744 : i32 to vector<16xi32>
      %add3A_746 = arith.addi %iota3A, %add3A_745 : vector<16xi32>
      %gather3A_747 = tpu.vector_load_idx %arg10[%add3A_746, %broadcast_in_dim3A_738] : memref<32x128xf32, #tpu.memory_space<vmem>>[vector<16xi32>, vector<16xi32>], vector<16xf32>,
      %mul3A_748 = arith.constant 32 : i32
      %mul3A_749 = arith.muli %add3A_717, %mul3A_748 : i32
      %add3A_750 = arith.constant 16 : i32
      %add3A_751 = arith.addi %mul3A_749, %add3A_750 : i32
      %swap3A_752 = arith.index_cast %add3A_751 : i32 to index
      %swap3A_753 = tpu.vector_load %arg6[%swap3A_752] {strides = array<i32>} : memref<16384xf32, #tpu.memory_space<vmem>>, vector<16xf32>,
      tpu.vector_store %arg6[%swap3A_752], %gather3A_747 {strides = array<i32>} : memref<16384xf32, #tpu.memory_space<vmem>>, vector<16xf32>,
      %dma_wait3A_754 = arith.constant 0 : i32
      %dma_wait3A_755 = tpu.memref_slice %arg3[%dma_wait3A_754, %multiple_of3A_180] : memref<32x1000000xf32, #tpu.memory_space<hbm>> -> memref<32x128xf32, #tpu.memory_space<hbm>>
      %dma_wait3A_756 = arith.constant 0 : i32
      %dma_wait3A_757 = tpu.memref_slice %arg3[%dma_wait3A_756, %multiple_of3A_180] : memref<32x1000000xf32, #tpu.memory_space<hbm>> -> memref<32x128xf32, #tpu.memory_space<hbm>>
      tpu.wait_dma2 semaphore(%arg27 : memref<!tpu.dma_semaphore, #tpu.memory_space<semaphore_mem>>) src(%dma_wait3A_757 : memref<32x128xf32, #tpu.memory_space<hbm>>) dst(%arg11 : memref<32x128xf32, #tpu.memory_space<vmem>>)
      %add3A_758 = arith.constant 4 : i32
      %add3A_759 = arith.addi %mul3A_12, %add3A_758 : i32
      %get3A_760 = arith.index_cast %add3A_759 : i32 to index
      %get3A_761 = tpu.vector_load %arg5[%get3A_760] {strides = array<i32>} : memref<528xi32, #tpu.memory_space<vmem>>, vector<16xi32>,
      %slice3A_762 = vector.extract_strided_slice %get3A_761 {offsets = [0], sizes = [1], strides = [1]} : vector<16xi32> to vector<1xi32>
      %squeeze3A_763 = vector.extract %slice3A_762[0] : i32 from vector<1xi32>
      %jit3A_764 = arith.constant 128 : i32
      %eq3A_765 = arith.constant 0 : i32
      %eq3A_766 = arith.cmpi eq, %jit3A_764, %eq3A_765 : i32
      %jit3A_767 = arith.constant 1 : i32
      %select_n3A_768 = arith.select %eq3A_766, %jit3A_767, %jit3A_764 : i32
      %rem3A_769 = arith.remsi %squeeze3A_763, %select_n3A_768 : i32
      %ne3A_770 = arith.constant 0 : i32
      %ne3A_771 = arith.cmpi ne, %rem3A_769, %ne3A_770 : i32
      %lt3A_772 = arith.constant 0 : i32
      %lt3A_773 = arith.cmpi slt, %rem3A_769, %lt3A_772 : i32
      %lt3A_774 = arith.constant 0 : i32
      %lt3A_775 = arith.cmpi slt, %select_n3A_768, %lt3A_774 : i32
      %ne3A_776 = arith.xori %lt3A_773, %lt3A_775 : i1
      %and3A_777 = arith.andi %ne3A_776, %ne3A_771 : i1
      %add3A_778 = arith.addi %rem3A_769, %select_n3A_768 : i32
      %select_n3A_779 = arith.select %and3A_777, %add3A_778, %rem3A_769 : i32
      %broadcast_in_dim3A_780 = vector.broadcast %select_n3A_779 : i32 to vector<16xi32>
      %gather3A_781 = tpu.vector_load_idx %arg11[%iota3A, %broadcast_in_dim3A_780] : memref<32x128xf32, #tpu.memory_space<vmem>>[vector<16xi32>, vector<16xi32>], vector<16xf32>,
      %mul3A_782 = arith.constant 32 : i32
      %mul3A_783 = arith.muli %add3A_759, %mul3A_782 : i32
      %swap3A_784 = arith.index_cast %mul3A_783 : i32 to index
      %swap3A_785 = tpu.vector_load %arg6[%swap3A_784] {strides = array<i32>} : memref<16384xf32, #tpu.memory_space<vmem>>, vector<16xf32>,
      tpu.vector_store %arg6[%swap3A_784], %gather3A_781 {strides = array<i32>} : memref<16384xf32, #tpu.memory_space<vmem>>, vector<16xf32>,
      %add3A_786 = arith.constant 16 : i32
      %add3A_787 = vector.broadcast %add3A_786 : i32 to vector<16xi32>
      %add3A_788 = arith.addi %iota3A, %add3A_787 : vector<16xi32>
      %gather3A_789 = tpu.vector_load_idx %arg11[%add3A_788, %broadcast_in_dim3A_780] : memref<32x128xf32, #tpu.memory_space<vmem>>[vector<16xi32>, vector<16xi32>], vector<16xf32>,
      %mul3A_790 = arith.constant 32 : i32
      %mul3A_791 = arith.muli %add3A_759, %mul3A_790 : i32
      %add3A_792 = arith.constant 16 : i32
      %add3A_793 = arith.addi %mul3A_791, %add3A_792 : i32
      %swap3A_794 = arith.index_cast %add3A_793 : i32 to index
      %swap3A_795 = tpu.vector_load %arg6[%swap3A_794] {strides = array<i32>} : memref<16384xf32, #tpu.memory_space<vmem>>, vector<16xf32>,
      tpu.vector_store %arg6[%swap3A_794], %gather3A_789 {strides = array<i32>} : memref<16384xf32, #tpu.memory_space<vmem>>, vector<16xf32>,
      %dma_wait3A_796 = arith.constant 0 : i32
      %dma_wait3A_797 = tpu.memref_slice %arg3[%dma_wait3A_796, %multiple_of3A_217] : memref<32x1000000xf32, #tpu.memory_space<hbm>> -> memref<32x128xf32, #tpu.memory_space<hbm>>
      %dma_wait3A_798 = arith.constant 0 : i32
      %dma_wait3A_799 = tpu.memref_slice %arg3[%dma_wait3A_798, %multiple_of3A_217] : memref<32x1000000xf32, #tpu.memory_space<hbm>> -> memref<32x128xf32, #tpu.memory_space<hbm>>
      tpu.wait_dma2 semaphore(%arg28 : memref<!tpu.dma_semaphore, #tpu.memory_space<semaphore_mem>>) src(%dma_wait3A_799 : memref<32x128xf32, #tpu.memory_space<hbm>>) dst(%arg12 : memref<32x128xf32, #tpu.memory_space<vmem>>)
      %add3A_800 = arith.constant 5 : i32
      %add3A_801 = arith.addi %mul3A_12, %add3A_800 : i32
      %get3A_802 = arith.index_cast %add3A_801 : i32 to index
      %get3A_803 = tpu.vector_load %arg5[%get3A_802] {strides = array<i32>} : memref<528xi32, #tpu.memory_space<vmem>>, vector<16xi32>,
      %slice3A_804 = vector.extract_strided_slice %get3A_803 {offsets = [0], sizes = [1], strides = [1]} : vector<16xi32> to vector<1xi32>
      %squeeze3A_805 = vector.extract %slice3A_804[0] : i32 from vector<1xi32>
      %jit3A_806 = arith.constant 128 : i32
      %eq3A_807 = arith.constant 0 : i32
      %eq3A_808 = arith.cmpi eq, %jit3A_806, %eq3A_807 : i32
      %jit3A_809 = arith.constant 1 : i32
      %select_n3A_810 = arith.select %eq3A_808, %jit3A_809, %jit3A_806 : i32
      %rem3A_811 = arith.remsi %squeeze3A_805, %select_n3A_810 : i32
      %ne3A_812 = arith.constant 0 : i32
      %ne3A_813 = arith.cmpi ne, %rem3A_811, %ne3A_812 : i32
      %lt3A_814 = arith.constant 0 : i32
      %lt3A_815 = arith.cmpi slt, %rem3A_811, %lt3A_814 : i32
      %lt3A_816 = arith.constant 0 : i32
      %lt3A_817 = arith.cmpi slt, %select_n3A_810, %lt3A_816 : i32
      %ne3A_818 = arith.xori %lt3A_815, %lt3A_817 : i1
      %and3A_819 = arith.andi %ne3A_818, %ne3A_813 : i1
      %add3A_820 = arith.addi %rem3A_811, %select_n3A_810 : i32
      %select_n3A_821 = arith.select %and3A_819, %add3A_820, %rem3A_811 : i32
      %broadcast_in_dim3A_822 = vector.broadcast %select_n3A_821 : i32 to vector<16xi32>
      %gather3A_823 = tpu.vector_load_idx %arg12[%iota3A, %broadcast_in_dim3A_822] : memref<32x128xf32, #tpu.memory_space<vmem>>[vector<16xi32>, vector<16xi32>], vector<16xf32>,
      %mul3A_824 = arith.constant 32 : i32
      %mul3A_825 = arith.muli %add3A_801, %mul3A_824 : i32
      %swap3A_826 = arith.index_cast %mul3A_825 : i32 to index
      %swap3A_827 = tpu.vector_load %arg6[%swap3A_826] {strides = array<i32>} : memref<16384xf32, #tpu.memory_space<vmem>>, vector<16xf32>,
      tpu.vector_store %arg6[%swap3A_826], %gather3A_823 {strides = array<i32>} : memref<16384xf32, #tpu.memory_space<vmem>>, vector<16xf32>,
      %add3A_828 = arith.constant 16 : i32
      %add3A_829 = vector.broadcast %add3A_828 : i32 to vector<16xi32>
      %add3A_830 = arith.addi %iota3A, %add3A_829 : vector<16xi32>
      %gather3A_831 = tpu.vector_load_idx %arg12[%add3A_830, %broadcast_in_dim3A_822] : memref<32x128xf32, #tpu.memory_space<vmem>>[vector<16xi32>, vector<16xi32>], vector<16xf32>,
      %mul3A_832 = arith.constant 32 : i32
      %mul3A_833 = arith.muli %add3A_801, %mul3A_832 : i32
      %add3A_834 = arith.constant 16 : i32
      %add3A_835 = arith.addi %mul3A_833, %add3A_834 : i32
      %swap3A_836 = arith.index_cast %add3A_835 : i32 to index
      %swap3A_837 = tpu.vector_load %arg6[%swap3A_836] {strides = array<i32>} : memref<16384xf32, #tpu.memory_space<vmem>>, vector<16xf32>,
      tpu.vector_store %arg6[%swap3A_836], %gather3A_831 {strides = array<i32>} : memref<16384xf32, #tpu.memory_space<vmem>>, vector<16xf32>,
      %dma_wait3A_838 = arith.constant 0 : i32
      %dma_wait3A_839 = tpu.memref_slice %arg3[%dma_wait3A_838, %multiple_of3A_254] : memref<32x1000000xf32, #tpu.memory_space<hbm>> -> memref<32x128xf32, #tpu.memory_space<hbm>>
      %dma_wait3A_840 = arith.constant 0 : i32
      %dma_wait3A_841 = tpu.memref_slice %arg3[%dma_wait3A_840, %multiple_of3A_254] : memref<32x1000000xf32, #tpu.memory_space<hbm>> -> memref<32x128xf32, #tpu.memory_space<hbm>>
      tpu.wait_dma2 semaphore(%arg29 : memref<!tpu.dma_semaphore, #tpu.memory_space<semaphore_mem>>) src(%dma_wait3A_841 : memref<32x128xf32, #tpu.memory_space<hbm>>) dst(%arg13 : memref<32x128xf32, #tpu.memory_space<vmem>>)
      %add3A_842 = arith.constant 6 : i32
      %add3A_843 = arith.addi %mul3A_12, %add3A_842 : i32
      %get3A_844 = arith.index_cast %add3A_843 : i32 to index
      %get3A_845 = tpu.vector_load %arg5[%get3A_844] {strides = array<i32>} : memref<528xi32, #tpu.memory_space<vmem>>, vector<16xi32>,
      %slice3A_846 = vector.extract_strided_slice %get3A_845 {offsets = [0], sizes = [1], strides = [1]} : vector<16xi32> to vector<1xi32>
      %squeeze3A_847 = vector.extract %slice3A_846[0] : i32 from vector<1xi32>
      %jit3A_848 = arith.constant 128 : i32
      %eq3A_849 = arith.constant 0 : i32
      %eq3A_850 = arith.cmpi eq, %jit3A_848, %eq3A_849 : i32
      %jit3A_851 = arith.constant 1 : i32
      %select_n3A_852 = arith.select %eq3A_850, %jit3A_851, %jit3A_848 : i32
      %rem3A_853 = arith.remsi %squeeze3A_847, %select_n3A_852 : i32
      %ne3A_854 = arith.constant 0 : i32
      %ne3A_855 = arith.cmpi ne, %rem3A_853, %ne3A_854 : i32
      %lt3A_856 = arith.constant 0 : i32
      %lt3A_857 = arith.cmpi slt, %rem3A_853, %lt3A_856 : i32
      %lt3A_858 = arith.constant 0 : i32
      %lt3A_859 = arith.cmpi slt, %select_n3A_852, %lt3A_858 : i32
      %ne3A_860 = arith.xori %lt3A_857, %lt3A_859 : i1
      %and3A_861 = arith.andi %ne3A_860, %ne3A_855 : i1
      %add3A_862 = arith.addi %rem3A_853, %select_n3A_852 : i32
      %select_n3A_863 = arith.select %and3A_861, %add3A_862, %rem3A_853 : i32
      %broadcast_in_dim3A_864 = vector.broadcast %select_n3A_863 : i32 to vector<16xi32>
      %gather3A_865 = tpu.vector_load_idx %arg13[%iota3A, %broadcast_in_dim3A_864] : memref<32x128xf32, #tpu.memory_space<vmem>>[vector<16xi32>, vector<16xi32>], vector<16xf32>,
      %mul3A_866 = arith.constant 32 : i32
      %mul3A_867 = arith.muli %add3A_843, %mul3A_866 : i32
      %swap3A_868 = arith.index_cast %mul3A_867 : i32 to index
      %swap3A_869 = tpu.vector_load %arg6[%swap3A_868] {strides = array<i32>} : memref<16384xf32, #tpu.memory_space<vmem>>, vector<16xf32>,
      tpu.vector_store %arg6[%swap3A_868], %gather3A_865 {strides = array<i32>} : memref<16384xf32, #tpu.memory_space<vmem>>, vector<16xf32>,
      %add3A_870 = arith.constant 16 : i32
      %add3A_871 = vector.broadcast %add3A_870 : i32 to vector<16xi32>
      %add3A_872 = arith.addi %iota3A, %add3A_871 : vector<16xi32>
      %gather3A_873 = tpu.vector_load_idx %arg13[%add3A_872, %broadcast_in_dim3A_864] : memref<32x128xf32, #tpu.memory_space<vmem>>[vector<16xi32>, vector<16xi32>], vector<16xf32>,
      %mul3A_874 = arith.constant 32 : i32
      %mul3A_875 = arith.muli %add3A_843, %mul3A_874 : i32
      %add3A_876 = arith.constant 16 : i32
      %add3A_877 = arith.addi %mul3A_875, %add3A_876 : i32
      %swap3A_878 = arith.index_cast %add3A_877 : i32 to index
      %swap3A_879 = tpu.vector_load %arg6[%swap3A_878] {strides = array<i32>} : memref<16384xf32, #tpu.memory_space<vmem>>, vector<16xf32>,
      tpu.vector_store %arg6[%swap3A_878], %gather3A_873 {strides = array<i32>} : memref<16384xf32, #tpu.memory_space<vmem>>, vector<16xf32>,
      %dma_wait3A_880 = arith.constant 0 : i32
      %dma_wait3A_881 = tpu.memref_slice %arg3[%dma_wait3A_880, %multiple_of3A_291] : memref<32x1000000xf32, #tpu.memory_space<hbm>> -> memref<32x128xf32, #tpu.memory_space<hbm>>
      %dma_wait3A_882 = arith.constant 0 : i32
      %dma_wait3A_883 = tpu.memref_slice %arg3[%dma_wait3A_882, %multiple_of3A_291] : memref<32x1000000xf32, #tpu.memory_space<hbm>> -> memref<32x128xf32, #tpu.memory_space<hbm>>
      tpu.wait_dma2 semaphore(%arg30 : memref<!tpu.dma_semaphore, #tpu.memory_space<semaphore_mem>>) src(%dma_wait3A_883 : memref<32x128xf32, #tpu.memory_space<hbm>>) dst(%arg14 : memref<32x128xf32, #tpu.memory_space<vmem>>)
      %add3A_884 = arith.constant 7 : i32
      %add3A_885 = arith.addi %mul3A_12, %add3A_884 : i32
      %get3A_886 = arith.index_cast %add3A_885 : i32 to index
      %get3A_887 = tpu.vector_load %arg5[%get3A_886] {strides = array<i32>} : memref<528xi32, #tpu.memory_space<vmem>>, vector<16xi32>,
      %slice3A_888 = vector.extract_strided_slice %get3A_887 {offsets = [0], sizes = [1], strides = [1]} : vector<16xi32> to vector<1xi32>
      %squeeze3A_889 = vector.extract %slice3A_888[0] : i32 from vector<1xi32>
      %jit3A_890 = arith.constant 128 : i32
      %eq3A_891 = arith.constant 0 : i32
      %eq3A_892 = arith.cmpi eq, %jit3A_890, %eq3A_891 : i32
      %jit3A_893 = arith.constant 1 : i32
      %select_n3A_894 = arith.select %eq3A_892, %jit3A_893, %jit3A_890 : i32
      %rem3A_895 = arith.remsi %squeeze3A_889, %select_n3A_894 : i32
      %ne3A_896 = arith.constant 0 : i32
      %ne3A_897 = arith.cmpi ne, %rem3A_895, %ne3A_896 : i32
      %lt3A_898 = arith.constant 0 : i32
      %lt3A_899 = arith.cmpi slt, %rem3A_895, %lt3A_898 : i32
      %lt3A_900 = arith.constant 0 : i32
      %lt3A_901 = arith.cmpi slt, %select_n3A_894, %lt3A_900 : i32
      %ne3A_902 = arith.xori %lt3A_899, %lt3A_901 : i1
      %and3A_903 = arith.andi %ne3A_902, %ne3A_897 : i1
      %add3A_904 = arith.addi %rem3A_895, %select_n3A_894 : i32
      %select_n3A_905 = arith.select %and3A_903, %add3A_904, %rem3A_895 : i32
      %broadcast_in_dim3A_906 = vector.broadcast %select_n3A_905 : i32 to vector<16xi32>
      %gather3A_907 = tpu.vector_load_idx %arg14[%iota3A, %broadcast_in_dim3A_906] : memref<32x128xf32, #tpu.memory_space<vmem>>[vector<16xi32>, vector<16xi32>], vector<16xf32>,
      %mul3A_908 = arith.constant 32 : i32
      %mul3A_909 = arith.muli %add3A_885, %mul3A_908 : i32
      %swap3A_910 = arith.index_cast %mul3A_909 : i32 to index
      %swap3A_911 = tpu.vector_load %arg6[%swap3A_910] {strides = array<i32>} : memref<16384xf32, #tpu.memory_space<vmem>>, vector<16xf32>,
      tpu.vector_store %arg6[%swap3A_910], %gather3A_907 {strides = array<i32>} : memref<16384xf32, #tpu.memory_space<vmem>>, vector<16xf32>,
      %add3A_912 = arith.constant 16 : i32
      %add3A_913 = vector.broadcast %add3A_912 : i32 to vector<16xi32>
      %add3A_914 = arith.addi %iota3A, %add3A_913 : vector<16xi32>
      %gather3A_915 = tpu.vector_load_idx %arg14[%add3A_914, %broadcast_in_dim3A_906] : memref<32x128xf32, #tpu.memory_space<vmem>>[vector<16xi32>, vector<16xi32>], vector<16xf32>,
      %mul3A_916 = arith.constant 32 : i32
      %mul3A_917 = arith.muli %add3A_885, %mul3A_916 : i32
      %add3A_918 = arith.constant 16 : i32
      %add3A_919 = arith.addi %mul3A_917, %add3A_918 : i32
      %swap3A_920 = arith.index_cast %add3A_919 : i32 to index
      %swap3A_921 = tpu.vector_load %arg6[%swap3A_920] {strides = array<i32>} : memref<16384xf32, #tpu.memory_space<vmem>>, vector<16xf32>,
      tpu.vector_store %arg6[%swap3A_920], %gather3A_915 {strides = array<i32>} : memref<16384xf32, #tpu.memory_space<vmem>>, vector<16xf32>,
      %dma_wait3A_922 = arith.constant 0 : i32
      %dma_wait3A_923 = tpu.memref_slice %arg3[%dma_wait3A_922, %multiple_of3A_328] : memref<32x1000000xf32, #tpu.memory_space<hbm>> -> memref<32x128xf32, #tpu.memory_space<hbm>>
      %dma_wait3A_924 = arith.constant 0 : i32
      %dma_wait3A_925 = tpu.memref_slice %arg3[%dma_wait3A_924, %multiple_of3A_328] : memref<32x1000000xf32, #tpu.memory_space<hbm>> -> memref<32x128xf32, #tpu.memory_space<hbm>>
      tpu.wait_dma2 semaphore(%arg31 : memref<!tpu.dma_semaphore, #tpu.memory_space<semaphore_mem>>) src(%dma_wait3A_925 : memref<32x128xf32, #tpu.memory_space<hbm>>) dst(%arg15 : memref<32x128xf32, #tpu.memory_space<vmem>>)
      %add3A_926 = arith.constant 8 : i32
      %add3A_927 = arith.addi %mul3A_12, %add3A_926 : i32
      %get3A_928 = arith.index_cast %add3A_927 : i32 to index
      %get3A_929 = tpu.vector_load %arg5[%get3A_928] {strides = array<i32>} : memref<528xi32, #tpu.memory_space<vmem>>, vector<16xi32>,
      %slice3A_930 = vector.extract_strided_slice %get3A_929 {offsets = [0], sizes = [1], strides = [1]} : vector<16xi32> to vector<1xi32>
      %squeeze3A_931 = vector.extract %slice3A_930[0] : i32 from vector<1xi32>
      %jit3A_932 = arith.constant 128 : i32
      %eq3A_933 = arith.constant 0 : i32
      %eq3A_934 = arith.cmpi eq, %jit3A_932, %eq3A_933 : i32
      %jit3A_935 = arith.constant 1 : i32
      %select_n3A_936 = arith.select %eq3A_934, %jit3A_935, %jit3A_932 : i32
      %rem3A_937 = arith.remsi %squeeze3A_931, %select_n3A_936 : i32
      %ne3A_938 = arith.constant 0 : i32
      %ne3A_939 = arith.cmpi ne, %rem3A_937, %ne3A_938 : i32
      %lt3A_940 = arith.constant 0 : i32
      %lt3A_941 = arith.cmpi slt, %rem3A_937, %lt3A_940 : i32
      %lt3A_942 = arith.constant 0 : i32
      %lt3A_943 = arith.cmpi slt, %select_n3A_936, %lt3A_942 : i32
      %ne3A_944 = arith.xori %lt3A_941, %lt3A_943 : i1
      %and3A_945 = arith.andi %ne3A_944, %ne3A_939 : i1
      %add3A_946 = arith.addi %rem3A_937, %select_n3A_936 : i32
      %select_n3A_947 = arith.select %and3A_945, %add3A_946, %rem3A_937 : i32
      %broadcast_in_dim3A_948 = vector.broadcast %select_n3A_947 : i32 to vector<16xi32>
      %gather3A_949 = tpu.vector_load_idx %arg15[%iota3A, %broadcast_in_dim3A_948] : memref<32x128xf32, #tpu.memory_space<vmem>>[vector<16xi32>, vector<16xi32>], vector<16xf32>,
      %mul3A_950 = arith.constant 32 : i32
      %mul3A_951 = arith.muli %add3A_927, %mul3A_950 : i32
      %swap3A_952 = arith.index_cast %mul3A_951 : i32 to index
      %swap3A_953 = tpu.vector_load %arg6[%swap3A_952] {strides = array<i32>} : memref<16384xf32, #tpu.memory_space<vmem>>, vector<16xf32>,
      tpu.vector_store %arg6[%swap3A_952], %gather3A_949 {strides = array<i32>} : memref<16384xf32, #tpu.memory_space<vmem>>, vector<16xf32>,
      %add3A_954 = arith.constant 16 : i32
      %add3A_955 = vector.broadcast %add3A_954 : i32 to vector<16xi32>
      %add3A_956 = arith.addi %iota3A, %add3A_955 : vector<16xi32>
      %gather3A_957 = tpu.vector_load_idx %arg15[%add3A_956, %broadcast_in_dim3A_948] : memref<32x128xf32, #tpu.memory_space<vmem>>[vector<16xi32>, vector<16xi32>], vector<16xf32>,
      %mul3A_958 = arith.constant 32 : i32
      %mul3A_959 = arith.muli %add3A_927, %mul3A_958 : i32
      %add3A_960 = arith.constant 16 : i32
      %add3A_961 = arith.addi %mul3A_959, %add3A_960 : i32
      %swap3A_962 = arith.index_cast %add3A_961 : i32 to index
      %swap3A_963 = tpu.vector_load %arg6[%swap3A_962] {strides = array<i32>} : memref<16384xf32, #tpu.memory_space<vmem>>, vector<16xf32>,
      tpu.vector_store %arg6[%swap3A_962], %gather3A_957 {strides = array<i32>} : memref<16384xf32, #tpu.memory_space<vmem>>, vector<16xf32>,
      %dma_wait3A_964 = arith.constant 0 : i32
      %dma_wait3A_965 = tpu.memref_slice %arg3[%dma_wait3A_964, %multiple_of3A_365] : memref<32x1000000xf32, #tpu.memory_space<hbm>> -> memref<32x128xf32, #tpu.memory_space<hbm>>
      %dma_wait3A_966 = arith.constant 0 : i32
      %dma_wait3A_967 = tpu.memref_slice %arg3[%dma_wait3A_966, %multiple_of3A_365] : memref<32x1000000xf32, #tpu.memory_space<hbm>> -> memref<32x128xf32, #tpu.memory_space<hbm>>
      tpu.wait_dma2 semaphore(%arg32 : memref<!tpu.dma_semaphore, #tpu.memory_space<semaphore_mem>>) src(%dma_wait3A_967 : memref<32x128xf32, #tpu.memory_space<hbm>>) dst(%arg16 : memref<32x128xf32, #tpu.memory_space<vmem>>)
      %add3A_968 = arith.constant 9 : i32
      %add3A_969 = arith.addi %mul3A_12, %add3A_968 : i32
      %get3A_970 = arith.index_cast %add3A_969 : i32 to index
      %get3A_971 = tpu.vector_load %arg5[%get3A_970] {strides = array<i32>} : memref<528xi32, #tpu.memory_space<vmem>>, vector<16xi32>,
      %slice3A_972 = vector.extract_strided_slice %get3A_971 {offsets = [0], sizes = [1], strides = [1]} : vector<16xi32> to vector<1xi32>
      %squeeze3A_973 = vector.extract %slice3A_972[0] : i32 from vector<1xi32>
      %jit3A_974 = arith.constant 128 : i32
      %eq3A_975 = arith.constant 0 : i32
      %eq3A_976 = arith.cmpi eq, %jit3A_974, %eq3A_975 : i32
      %jit3A_977 = arith.constant 1 : i32
      %select_n3A_978 = arith.select %eq3A_976, %jit3A_977, %jit3A_974 : i32
      %rem3A_979 = arith.remsi %squeeze3A_973, %select_n3A_978 : i32
      %ne3A_980 = arith.constant 0 : i32
      %ne3A_981 = arith.cmpi ne, %rem3A_979, %ne3A_980 : i32
      %lt3A_982 = arith.constant 0 : i32
      %lt3A_983 = arith.cmpi slt, %rem3A_979, %lt3A_982 : i32
      %lt3A_984 = arith.constant 0 : i32
      %lt3A_985 = arith.cmpi slt, %select_n3A_978, %lt3A_984 : i32
      %ne3A_986 = arith.xori %lt3A_983, %lt3A_985 : i1
      %and3A_987 = arith.andi %ne3A_986, %ne3A_981 : i1
      %add3A_988 = arith.addi %rem3A_979, %select_n3A_978 : i32
      %select_n3A_989 = arith.select %and3A_987, %add3A_988, %rem3A_979 : i32
      %broadcast_in_dim3A_990 = vector.broadcast %select_n3A_989 : i32 to vector<16xi32>
      %gather3A_991 = tpu.vector_load_idx %arg16[%iota3A, %broadcast_in_dim3A_990] : memref<32x128xf32, #tpu.memory_space<vmem>>[vector<16xi32>, vector<16xi32>], vector<16xf32>,
      %mul3A_992 = arith.constant 32 : i32
      %mul3A_993 = arith.muli %add3A_969, %mul3A_992 : i32
      %swap3A_994 = arith.index_cast %mul3A_993 : i32 to index
      %swap3A_995 = tpu.vector_load %arg6[%swap3A_994] {strides = array<i32>} : memref<16384xf32, #tpu.memory_space<vmem>>, vector<16xf32>,
      tpu.vector_store %arg6[%swap3A_994], %gather3A_991 {strides = array<i32>} : memref<16384xf32, #tpu.memory_space<vmem>>, vector<16xf32>,
      %add3A_996 = arith.constant 16 : i32
      %add3A_997 = vector.broadcast %add3A_996 : i32 to vector<16xi32>
      %add3A_998 = arith.addi %iota3A, %add3A_997 : vector<16xi32>
      %gather3A_999 = tpu.vector_load_idx %arg16[%add3A_998, %broadcast_in_dim3A_990] : memref<32x128xf32, #tpu.memory_space<vmem>>[vector<16xi32>, vector<16xi32>], vector<16xf32>,
      %mul3A_1000 = arith.constant 32 : i32
      %mul3A_1001 = arith.muli %add3A_969, %mul3A_1000 : i32
      %add3A_1002 = arith.constant 16 : i32
      %add3A_1003 = arith.addi %mul3A_1001, %add3A_1002 : i32
      %swap3A_1004 = arith.index_cast %add3A_1003 : i32 to index
      %swap3A_1005 = tpu.vector_load %arg6[%swap3A_1004] {strides = array<i32>} : memref<16384xf32, #tpu.memory_space<vmem>>, vector<16xf32>,
      tpu.vector_store %arg6[%swap3A_1004], %gather3A_999 {strides = array<i32>} : memref<16384xf32, #tpu.memory_space<vmem>>, vector<16xf32>,
      %dma_wait3A_1006 = arith.constant 0 : i32
      %dma_wait3A_1007 = tpu.memref_slice %arg3[%dma_wait3A_1006, %multiple_of3A_402] : memref<32x1000000xf32, #tpu.memory_space<hbm>> -> memref<32x128xf32, #tpu.memory_space<hbm>>
      %dma_wait3A_1008 = arith.constant 0 : i32
      %dma_wait3A_1009 = tpu.memref_slice %arg3[%dma_wait3A_1008, %multiple_of3A_402] : memref<32x1000000xf32, #tpu.memory_space<hbm>> -> memref<32x128xf32, #tpu.memory_space<hbm>>
      tpu.wait_dma2 semaphore(%arg33 : memref<!tpu.dma_semaphore, #tpu.memory_space<semaphore_mem>>) src(%dma_wait3A_1009 : memref<32x128xf32, #tpu.memory_space<hbm>>) dst(%arg17 : memref<32x128xf32, #tpu.memory_space<vmem>>)
      %add3A_1010 = arith.constant 10 : i32
      %add3A_1011 = arith.addi %mul3A_12, %add3A_1010 : i32
      %get3A_1012 = arith.index_cast %add3A_1011 : i32 to index
      %get3A_1013 = tpu.vector_load %arg5[%get3A_1012] {strides = array<i32>} : memref<528xi32, #tpu.memory_space<vmem>>, vector<16xi32>,
      %slice3A_1014 = vector.extract_strided_slice %get3A_1013 {offsets = [0], sizes = [1], strides = [1]} : vector<16xi32> to vector<1xi32>
      %squeeze3A_1015 = vector.extract %slice3A_1014[0] : i32 from vector<1xi32>
      %jit3A_1016 = arith.constant 128 : i32
      %eq3A_1017 = arith.constant 0 : i32
      %eq3A_1018 = arith.cmpi eq, %jit3A_1016, %eq3A_1017 : i32
      %jit3A_1019 = arith.constant 1 : i32
      %select_n3A_1020 = arith.select %eq3A_1018, %jit3A_1019, %jit3A_1016 : i32
      %rem3A_1021 = arith.remsi %squeeze3A_1015, %select_n3A_1020 : i32
      %ne3A_1022 = arith.constant 0 : i32
      %ne3A_1023 = arith.cmpi ne, %rem3A_1021, %ne3A_1022 : i32
      %lt3A_1024 = arith.constant 0 : i32
      %lt3A_1025 = arith.cmpi slt, %rem3A_1021, %lt3A_1024 : i32
      %lt3A_1026 = arith.constant 0 : i32
      %lt3A_1027 = arith.cmpi slt, %select_n3A_1020, %lt3A_1026 : i32
      %ne3A_1028 = arith.xori %lt3A_1025, %lt3A_1027 : i1
      %and3A_1029 = arith.andi %ne3A_1028, %ne3A_1023 : i1
      %add3A_1030 = arith.addi %rem3A_1021, %select_n3A_1020 : i32
      %select_n3A_1031 = arith.select %and3A_1029, %add3A_1030, %rem3A_1021 : i32
      %broadcast_in_dim3A_1032 = vector.broadcast %select_n3A_1031 : i32 to vector<16xi32>
      %gather3A_1033 = tpu.vector_load_idx %arg17[%iota3A, %broadcast_in_dim3A_1032] : memref<32x128xf32, #tpu.memory_space<vmem>>[vector<16xi32>, vector<16xi32>], vector<16xf32>,
      %mul3A_1034 = arith.constant 32 : i32
      %mul3A_1035 = arith.muli %add3A_1011, %mul3A_1034 : i32
      %swap3A_1036 = arith.index_cast %mul3A_1035 : i32 to index
      %swap3A_1037 = tpu.vector_load %arg6[%swap3A_1036] {strides = array<i32>} : memref<16384xf32, #tpu.memory_space<vmem>>, vector<16xf32>,
      tpu.vector_store %arg6[%swap3A_1036], %gather3A_1033 {strides = array<i32>} : memref<16384xf32, #tpu.memory_space<vmem>>, vector<16xf32>,
      %add3A_1038 = arith.constant 16 : i32
      %add3A_1039 = vector.broadcast %add3A_1038 : i32 to vector<16xi32>
      %add3A_1040 = arith.addi %iota3A, %add3A_1039 : vector<16xi32>
      %gather3A_1041 = tpu.vector_load_idx %arg17[%add3A_1040, %broadcast_in_dim3A_1032] : memref<32x128xf32, #tpu.memory_space<vmem>>[vector<16xi32>, vector<16xi32>], vector<16xf32>,
      %mul3A_1042 = arith.constant 32 : i32
      %mul3A_1043 = arith.muli %add3A_1011, %mul3A_1042 : i32
      %add3A_1044 = arith.constant 16 : i32
      %add3A_1045 = arith.addi %mul3A_1043, %add3A_1044 : i32
      %swap3A_1046 = arith.index_cast %add3A_1045 : i32 to index
      %swap3A_1047 = tpu.vector_load %arg6[%swap3A_1046] {strides = array<i32>} : memref<16384xf32, #tpu.memory_space<vmem>>, vector<16xf32>,
      tpu.vector_store %arg6[%swap3A_1046], %gather3A_1041 {strides = array<i32>} : memref<16384xf32, #tpu.memory_space<vmem>>, vector<16xf32>,
      %dma_wait3A_1048 = arith.constant 0 : i32
      %dma_wait3A_1049 = tpu.memref_slice %arg3[%dma_wait3A_1048, %multiple_of3A_439] : memref<32x1000000xf32, #tpu.memory_space<hbm>> -> memref<32x128xf32, #tpu.memory_space<hbm>>
      %dma_wait3A_1050 = arith.constant 0 : i32
      %dma_wait3A_1051 = tpu.memref_slice %arg3[%dma_wait3A_1050, %multiple_of3A_439] : memref<32x1000000xf32, #tpu.memory_space<hbm>> -> memref<32x128xf32, #tpu.memory_space<hbm>>
      tpu.wait_dma2 semaphore(%arg34 : memref<!tpu.dma_semaphore, #tpu.memory_space<semaphore_mem>>) src(%dma_wait3A_1051 : memref<32x128xf32, #tpu.memory_space<hbm>>) dst(%arg18 : memref<32x128xf32, #tpu.memory_space<vmem>>)
      %add3A_1052 = arith.constant 11 : i32
      %add3A_1053 = arith.addi %mul3A_12, %add3A_1052 : i32
      %get3A_1054 = arith.index_cast %add3A_1053 : i32 to index
      %get3A_1055 = tpu.vector_load %arg5[%get3A_1054] {strides = array<i32>} : memref<528xi32, #tpu.memory_space<vmem>>, vector<16xi32>,
      %slice3A_1056 = vector.extract_strided_slice %get3A_1055 {offsets = [0], sizes = [1], strides = [1]} : vector<16xi32> to vector<1xi32>
      %squeeze3A_1057 = vector.extract %slice3A_1056[0] : i32 from vector<1xi32>
      %jit3A_1058 = arith.constant 128 : i32
      %eq3A_1059 = arith.constant 0 : i32
      %eq3A_1060 = arith.cmpi eq, %jit3A_1058, %eq3A_1059 : i32
      %jit3A_1061 = arith.constant 1 : i32
      %select_n3A_1062 = arith.select %eq3A_1060, %jit3A_1061, %jit3A_1058 : i32
      %rem3A_1063 = arith.remsi %squeeze3A_1057, %select_n3A_1062 : i32
      %ne3A_1064 = arith.constant 0 : i32
      %ne3A_1065 = arith.cmpi ne, %rem3A_1063, %ne3A_1064 : i32
      %lt3A_1066 = arith.constant 0 : i32
      %lt3A_1067 = arith.cmpi slt, %rem3A_1063, %lt3A_1066 : i32
      %lt3A_1068 = arith.constant 0 : i32
      %lt3A_1069 = arith.cmpi slt, %select_n3A_1062, %lt3A_1068 : i32
      %ne3A_1070 = arith.xori %lt3A_1067, %lt3A_1069 : i1
      %and3A_1071 = arith.andi %ne3A_1070, %ne3A_1065 : i1
      %add3A_1072 = arith.addi %rem3A_1063, %select_n3A_1062 : i32
      %select_n3A_1073 = arith.select %and3A_1071, %add3A_1072, %rem3A_1063 : i32
      %broadcast_in_dim3A_1074 = vector.broadcast %select_n3A_1073 : i32 to vector<16xi32>
      %gather3A_1075 = tpu.vector_load_idx %arg18[%iota3A, %broadcast_in_dim3A_1074] : memref<32x128xf32, #tpu.memory_space<vmem>>[vector<16xi32>, vector<16xi32>], vector<16xf32>,
      %mul3A_1076 = arith.constant 32 : i32
      %mul3A_1077 = arith.muli %add3A_1053, %mul3A_1076 : i32
      %swap3A_1078 = arith.index_cast %mul3A_1077 : i32 to index
      %swap3A_1079 = tpu.vector_load %arg6[%swap3A_1078] {strides = array<i32>} : memref<16384xf32, #tpu.memory_space<vmem>>, vector<16xf32>,
      tpu.vector_store %arg6[%swap3A_1078], %gather3A_1075 {strides = array<i32>} : memref<16384xf32, #tpu.memory_space<vmem>>, vector<16xf32>,
      %add3A_1080 = arith.constant 16 : i32
      %add3A_1081 = vector.broadcast %add3A_1080 : i32 to vector<16xi32>
      %add3A_1082 = arith.addi %iota3A, %add3A_1081 : vector<16xi32>
      %gather3A_1083 = tpu.vector_load_idx %arg18[%add3A_1082, %broadcast_in_dim3A_1074] : memref<32x128xf32, #tpu.memory_space<vmem>>[vector<16xi32>, vector<16xi32>], vector<16xf32>,
      %mul3A_1084 = arith.constant 32 : i32
      %mul3A_1085 = arith.muli %add3A_1053, %mul3A_1084 : i32
      %add3A_1086 = arith.constant 16 : i32
      %add3A_1087 = arith.addi %mul3A_1085, %add3A_1086 : i32
      %swap3A_1088 = arith.index_cast %add3A_1087 : i32 to index
      %swap3A_1089 = tpu.vector_load %arg6[%swap3A_1088] {strides = array<i32>} : memref<16384xf32, #tpu.memory_space<vmem>>, vector<16xf32>,
      tpu.vector_store %arg6[%swap3A_1088], %gather3A_1083 {strides = array<i32>} : memref<16384xf32, #tpu.memory_space<vmem>>, vector<16xf32>,
      %dma_wait3A_1090 = arith.constant 0 : i32
      %dma_wait3A_1091 = tpu.memref_slice %arg3[%dma_wait3A_1090, %multiple_of3A_476] : memref<32x1000000xf32, #tpu.memory_space<hbm>> -> memref<32x128xf32, #tpu.memory_space<hbm>>
      %dma_wait3A_1092 = arith.constant 0 : i32
      %dma_wait3A_1093 = tpu.memref_slice %arg3[%dma_wait3A_1092, %multiple_of3A_476] : memref<32x1000000xf32, #tpu.memory_space<hbm>> -> memref<32x128xf32, #tpu.memory_space<hbm>>
      tpu.wait_dma2 semaphore(%arg35 : memref<!tpu.dma_semaphore, #tpu.memory_space<semaphore_mem>>) src(%dma_wait3A_1093 : memref<32x128xf32, #tpu.memory_space<hbm>>) dst(%arg19 : memref<32x128xf32, #tpu.memory_space<vmem>>)
      %add3A_1094 = arith.constant 12 : i32
      %add3A_1095 = arith.addi %mul3A_12, %add3A_1094 : i32
      %get3A_1096 = arith.index_cast %add3A_1095 : i32 to index
      %get3A_1097 = tpu.vector_load %arg5[%get3A_1096] {strides = array<i32>} : memref<528xi32, #tpu.memory_space<vmem>>, vector<16xi32>,
      %slice3A_1098 = vector.extract_strided_slice %get3A_1097 {offsets = [0], sizes = [1], strides = [1]} : vector<16xi32> to vector<1xi32>
      %squeeze3A_1099 = vector.extract %slice3A_1098[0] : i32 from vector<1xi32>
      %jit3A_1100 = arith.constant 128 : i32
      %eq3A_1101 = arith.constant 0 : i32
      %eq3A_1102 = arith.cmpi eq, %jit3A_1100, %eq3A_1101 : i32
      %jit3A_1103 = arith.constant 1 : i32
      %select_n3A_1104 = arith.select %eq3A_1102, %jit3A_1103, %jit3A_1100 : i32
      %rem3A_1105 = arith.remsi %squeeze3A_1099, %select_n3A_1104 : i32
      %ne3A_1106 = arith.constant 0 : i32
      %ne3A_1107 = arith.cmpi ne, %rem3A_1105, %ne3A_1106 : i32
      %lt3A_1108 = arith.constant 0 : i32
      %lt3A_1109 = arith.cmpi slt, %rem3A_1105, %lt3A_1108 : i32
      %lt3A_1110 = arith.constant 0 : i32
      %lt3A_1111 = arith.cmpi slt, %select_n3A_1104, %lt3A_1110 : i32
      %ne3A_1112 = arith.xori %lt3A_1109, %lt3A_1111 : i1
      %and3A_1113 = arith.andi %ne3A_1112, %ne3A_1107 : i1
      %add3A_1114 = arith.addi %rem3A_1105, %select_n3A_1104 : i32
      %select_n3A_1115 = arith.select %and3A_1113, %add3A_1114, %rem3A_1105 : i32
      %broadcast_in_dim3A_1116 = vector.broadcast %select_n3A_1115 : i32 to vector<16xi32>
      %gather3A_1117 = tpu.vector_load_idx %arg19[%iota3A, %broadcast_in_dim3A_1116] : memref<32x128xf32, #tpu.memory_space<vmem>>[vector<16xi32>, vector<16xi32>], vector<16xf32>,
      %mul3A_1118 = arith.constant 32 : i32
      %mul3A_1119 = arith.muli %add3A_1095, %mul3A_1118 : i32
      %swap3A_1120 = arith.index_cast %mul3A_1119 : i32 to index
      %swap3A_1121 = tpu.vector_load %arg6[%swap3A_1120] {strides = array<i32>} : memref<16384xf32, #tpu.memory_space<vmem>>, vector<16xf32>,
      tpu.vector_store %arg6[%swap3A_1120], %gather3A_1117 {strides = array<i32>} : memref<16384xf32, #tpu.memory_space<vmem>>, vector<16xf32>,
      %add3A_1122 = arith.constant 16 : i32
      %add3A_1123 = vector.broadcast %add3A_1122 : i32 to vector<16xi32>
      %add3A_1124 = arith.addi %iota3A, %add3A_1123 : vector<16xi32>
      %gather3A_1125 = tpu.vector_load_idx %arg19[%add3A_1124, %broadcast_in_dim3A_1116] : memref<32x128xf32, #tpu.memory_space<vmem>>[vector<16xi32>, vector<16xi32>], vector<16xf32>,
      %mul3A_1126 = arith.constant 32 : i32
      %mul3A_1127 = arith.muli %add3A_1095, %mul3A_1126 : i32
      %add3A_1128 = arith.constant 16 : i32
      %add3A_1129 = arith.addi %mul3A_1127, %add3A_1128 : i32
      %swap3A_1130 = arith.index_cast %add3A_1129 : i32 to index
      %swap3A_1131 = tpu.vector_load %arg6[%swap3A_1130] {strides = array<i32>} : memref<16384xf32, #tpu.memory_space<vmem>>, vector<16xf32>,
      tpu.vector_store %arg6[%swap3A_1130], %gather3A_1125 {strides = array<i32>} : memref<16384xf32, #tpu.memory_space<vmem>>, vector<16xf32>,
      %dma_wait3A_1132 = arith.constant 0 : i32
      %dma_wait3A_1133 = tpu.memref_slice %arg3[%dma_wait3A_1132, %multiple_of3A_513] : memref<32x1000000xf32, #tpu.memory_space<hbm>> -> memref<32x128xf32, #tpu.memory_space<hbm>>
      %dma_wait3A_1134 = arith.constant 0 : i32
      %dma_wait3A_1135 = tpu.memref_slice %arg3[%dma_wait3A_1134, %multiple_of3A_513] : memref<32x1000000xf32, #tpu.memory_space<hbm>> -> memref<32x128xf32, #tpu.memory_space<hbm>>
      tpu.wait_dma2 semaphore(%arg36 : memref<!tpu.dma_semaphore, #tpu.memory_space<semaphore_mem>>) src(%dma_wait3A_1135 : memref<32x128xf32, #tpu.memory_space<hbm>>) dst(%arg20 : memref<32x128xf32, #tpu.memory_space<vmem>>)
      %add3A_1136 = arith.constant 13 : i32
      %add3A_1137 = arith.addi %mul3A_12, %add3A_1136 : i32
      %get3A_1138 = arith.index_cast %add3A_1137 : i32 to index
      %get3A_1139 = tpu.vector_load %arg5[%get3A_1138] {strides = array<i32>} : memref<528xi32, #tpu.memory_space<vmem>>, vector<16xi32>,
      %slice3A_1140 = vector.extract_strided_slice %get3A_1139 {offsets = [0], sizes = [1], strides = [1]} : vector<16xi32> to vector<1xi32>
      %squeeze3A_1141 = vector.extract %slice3A_1140[0] : i32 from vector<1xi32>
      %jit3A_1142 = arith.constant 128 : i32
      %eq3A_1143 = arith.constant 0 : i32
      %eq3A_1144 = arith.cmpi eq, %jit3A_1142, %eq3A_1143 : i32
      %jit3A_1145 = arith.constant 1 : i32
      %select_n3A_1146 = arith.select %eq3A_1144, %jit3A_1145, %jit3A_1142 : i32
      %rem3A_1147 = arith.remsi %squeeze3A_1141, %select_n3A_1146 : i32
      %ne3A_1148 = arith.constant 0 : i32
      %ne3A_1149 = arith.cmpi ne, %rem3A_1147, %ne3A_1148 : i32
      %lt3A_1150 = arith.constant 0 : i32
      %lt3A_1151 = arith.cmpi slt, %rem3A_1147, %lt3A_1150 : i32
      %lt3A_1152 = arith.constant 0 : i32
      %lt3A_1153 = arith.cmpi slt, %select_n3A_1146, %lt3A_1152 : i32
      %ne3A_1154 = arith.xori %lt3A_1151, %lt3A_1153 : i1
      %and3A_1155 = arith.andi %ne3A_1154, %ne3A_1149 : i1
      %add3A_1156 = arith.addi %rem3A_1147, %select_n3A_1146 : i32
      %select_n3A_1157 = arith.select %and3A_1155, %add3A_1156, %rem3A_1147 : i32
      %broadcast_in_dim3A_1158 = vector.broadcast %select_n3A_1157 : i32 to vector<16xi32>
      %gather3A_1159 = tpu.vector_load_idx %arg20[%iota3A, %broadcast_in_dim3A_1158] : memref<32x128xf32, #tpu.memory_space<vmem>>[vector<16xi32>, vector<16xi32>], vector<16xf32>,
      %mul3A_1160 = arith.constant 32 : i32
      %mul3A_1161 = arith.muli %add3A_1137, %mul3A_1160 : i32
      %swap3A_1162 = arith.index_cast %mul3A_1161 : i32 to index
      %swap3A_1163 = tpu.vector_load %arg6[%swap3A_1162] {strides = array<i32>} : memref<16384xf32, #tpu.memory_space<vmem>>, vector<16xf32>,
      tpu.vector_store %arg6[%swap3A_1162], %gather3A_1159 {strides = array<i32>} : memref<16384xf32, #tpu.memory_space<vmem>>, vector<16xf32>,
      %add3A_1164 = arith.constant 16 : i32
      %add3A_1165 = vector.broadcast %add3A_1164 : i32 to vector<16xi32>
      %add3A_1166 = arith.addi %iota3A, %add3A_1165 : vector<16xi32>
      %gather3A_1167 = tpu.vector_load_idx %arg20[%add3A_1166, %broadcast_in_dim3A_1158] : memref<32x128xf32, #tpu.memory_space<vmem>>[vector<16xi32>, vector<16xi32>], vector<16xf32>,
      %mul3A_1168 = arith.constant 32 : i32
      %mul3A_1169 = arith.muli %add3A_1137, %mul3A_1168 : i32
      %add3A_1170 = arith.constant 16 : i32
      %add3A_1171 = arith.addi %mul3A_1169, %add3A_1170 : i32
      %swap3A_1172 = arith.index_cast %add3A_1171 : i32 to index
      %swap3A_1173 = tpu.vector_load %arg6[%swap3A_1172] {strides = array<i32>} : memref<16384xf32, #tpu.memory_space<vmem>>, vector<16xf32>,
      tpu.vector_store %arg6[%swap3A_1172], %gather3A_1167 {strides = array<i32>} : memref<16384xf32, #tpu.memory_space<vmem>>, vector<16xf32>,
      %dma_wait3A_1174 = arith.constant 0 : i32
      %dma_wait3A_1175 = tpu.memref_slice %arg3[%dma_wait3A_1174, %multiple_of3A_550] : memref<32x1000000xf32, #tpu.memory_space<hbm>> -> memref<32x128xf32, #tpu.memory_space<hbm>>
      %dma_wait3A_1176 = arith.constant 0 : i32
      %dma_wait3A_1177 = tpu.memref_slice %arg3[%dma_wait3A_1176, %multiple_of3A_550] : memref<32x1000000xf32, #tpu.memory_space<hbm>> -> memref<32x128xf32, #tpu.memory_space<hbm>>
      tpu.wait_dma2 semaphore(%arg37 : memref<!tpu.dma_semaphore, #tpu.memory_space<semaphore_mem>>) src(%dma_wait3A_1177 : memref<32x128xf32, #tpu.memory_space<hbm>>) dst(%arg21 : memref<32x128xf32, #tpu.memory_space<vmem>>)
      %add3A_1178 = arith.constant 14 : i32
      %add3A_1179 = arith.addi %mul3A_12, %add3A_1178 : i32
      %get3A_1180 = arith.index_cast %add3A_1179 : i32 to index
      %get3A_1181 = tpu.vector_load %arg5[%get3A_1180] {strides = array<i32>} : memref<528xi32, #tpu.memory_space<vmem>>, vector<16xi32>,
      %slice3A_1182 = vector.extract_strided_slice %get3A_1181 {offsets = [0], sizes = [1], strides = [1]} : vector<16xi32> to vector<1xi32>
      %squeeze3A_1183 = vector.extract %slice3A_1182[0] : i32 from vector<1xi32>
      %jit3A_1184 = arith.constant 128 : i32
      %eq3A_1185 = arith.constant 0 : i32
      %eq3A_1186 = arith.cmpi eq, %jit3A_1184, %eq3A_1185 : i32
      %jit3A_1187 = arith.constant 1 : i32
      %select_n3A_1188 = arith.select %eq3A_1186, %jit3A_1187, %jit3A_1184 : i32
      %rem3A_1189 = arith.remsi %squeeze3A_1183, %select_n3A_1188 : i32
      %ne3A_1190 = arith.constant 0 : i32
      %ne3A_1191 = arith.cmpi ne, %rem3A_1189, %ne3A_1190 : i32
      %lt3A_1192 = arith.constant 0 : i32
      %lt3A_1193 = arith.cmpi slt, %rem3A_1189, %lt3A_1192 : i32
      %lt3A_1194 = arith.constant 0 : i32
      %lt3A_1195 = arith.cmpi slt, %select_n3A_1188, %lt3A_1194 : i32
      %ne3A_1196 = arith.xori %lt3A_1193, %lt3A_1195 : i1
      %and3A_1197 = arith.andi %ne3A_1196, %ne3A_1191 : i1
      %add3A_1198 = arith.addi %rem3A_1189, %select_n3A_1188 : i32
      %select_n3A_1199 = arith.select %and3A_1197, %add3A_1198, %rem3A_1189 : i32
      %broadcast_in_dim3A_1200 = vector.broadcast %select_n3A_1199 : i32 to vector<16xi32>
      %gather3A_1201 = tpu.vector_load_idx %arg21[%iota3A, %broadcast_in_dim3A_1200] : memref<32x128xf32, #tpu.memory_space<vmem>>[vector<16xi32>, vector<16xi32>], vector<16xf32>,
      %mul3A_1202 = arith.constant 32 : i32
      %mul3A_1203 = arith.muli %add3A_1179, %mul3A_1202 : i32
      %swap3A_1204 = arith.index_cast %mul3A_1203 : i32 to index
      %swap3A_1205 = tpu.vector_load %arg6[%swap3A_1204] {strides = array<i32>} : memref<16384xf32, #tpu.memory_space<vmem>>, vector<16xf32>,
      tpu.vector_store %arg6[%swap3A_1204], %gather3A_1201 {strides = array<i32>} : memref<16384xf32, #tpu.memory_space<vmem>>, vector<16xf32>,
      %add3A_1206 = arith.constant 16 : i32
      %add3A_1207 = vector.broadcast %add3A_1206 : i32 to vector<16xi32>
      %add3A_1208 = arith.addi %iota3A, %add3A_1207 : vector<16xi32>
      %gather3A_1209 = tpu.vector_load_idx %arg21[%add3A_1208, %broadcast_in_dim3A_1200] : memref<32x128xf32, #tpu.memory_space<vmem>>[vector<16xi32>, vector<16xi32>], vector<16xf32>,
      %mul3A_1210 = arith.constant 32 : i32
      %mul3A_1211 = arith.muli %add3A_1179, %mul3A_1210 : i32
      %add3A_1212 = arith.constant 16 : i32
      %add3A_1213 = arith.addi %mul3A_1211, %add3A_1212 : i32
      %swap3A_1214 = arith.index_cast %add3A_1213 : i32 to index
      %swap3A_1215 = tpu.vector_load %arg6[%swap3A_1214] {strides = array<i32>} : memref<16384xf32, #tpu.memory_space<vmem>>, vector<16xf32>,
      tpu.vector_store %arg6[%swap3A_1214], %gather3A_1209 {strides = array<i32>} : memref<16384xf32, #tpu.memory_space<vmem>>, vector<16xf32>,
      %dma_wait3A_1216 = arith.constant 0 : i32
      %dma_wait3A_1217 = tpu.memref_slice %arg3[%dma_wait3A_1216, %multiple_of3A_587] : memref<32x1000000xf32, #tpu.memory_space<hbm>> -> memref<32x128xf32, #tpu.memory_space<hbm>>
      %dma_wait3A_1218 = arith.constant 0 : i32
      %dma_wait3A_1219 = tpu.memref_slice %arg3[%dma_wait3A_1218, %multiple_of3A_587] : memref<32x1000000xf32, #tpu.memory_space<hbm>> -> memref<32x128xf32, #tpu.memory_space<hbm>>
      tpu.wait_dma2 semaphore(%arg38 : memref<!tpu.dma_semaphore, #tpu.memory_space<semaphore_mem>>) src(%dma_wait3A_1219 : memref<32x128xf32, #tpu.memory_space<hbm>>) dst(%arg22 : memref<32x128xf32, #tpu.memory_space<vmem>>)
      %add3A_1220 = arith.constant 15 : i32
      %add3A_1221 = arith.addi %mul3A_12, %add3A_1220 : i32
      %get3A_1222 = arith.index_cast %add3A_1221 : i32 to index
      %get3A_1223 = tpu.vector_load %arg5[%get3A_1222] {strides = array<i32>} : memref<528xi32, #tpu.memory_space<vmem>>, vector<16xi32>,
      %slice3A_1224 = vector.extract_strided_slice %get3A_1223 {offsets = [0], sizes = [1], strides = [1]} : vector<16xi32> to vector<1xi32>
      %squeeze3A_1225 = vector.extract %slice3A_1224[0] : i32 from vector<1xi32>
      %jit3A_1226 = arith.constant 128 : i32
      %eq3A_1227 = arith.constant 0 : i32
      %eq3A_1228 = arith.cmpi eq, %jit3A_1226, %eq3A_1227 : i32
      %jit3A_1229 = arith.constant 1 : i32
      %select_n3A_1230 = arith.select %eq3A_1228, %jit3A_1229, %jit3A_1226 : i32
      %rem3A_1231 = arith.remsi %squeeze3A_1225, %select_n3A_1230 : i32
      %ne3A_1232 = arith.constant 0 : i32
      %ne3A_1233 = arith.cmpi ne, %rem3A_1231, %ne3A_1232 : i32
      %lt3A_1234 = arith.constant 0 : i32
      %lt3A_1235 = arith.cmpi slt, %rem3A_1231, %lt3A_1234 : i32
      %lt3A_1236 = arith.constant 0 : i32
      %lt3A_1237 = arith.cmpi slt, %select_n3A_1230, %lt3A_1236 : i32
      %ne3A_1238 = arith.xori %lt3A_1235, %lt3A_1237 : i1
      %and3A_1239 = arith.andi %ne3A_1238, %ne3A_1233 : i1
      %add3A_1240 = arith.addi %rem3A_1231, %select_n3A_1230 : i32
      %select_n3A_1241 = arith.select %and3A_1239, %add3A_1240, %rem3A_1231 : i32
      %broadcast_in_dim3A_1242 = vector.broadcast %select_n3A_1241 : i32 to vector<16xi32>
      %gather3A_1243 = tpu.vector_load_idx %arg22[%iota3A, %broadcast_in_dim3A_1242] : memref<32x128xf32, #tpu.memory_space<vmem>>[vector<16xi32>, vector<16xi32>], vector<16xf32>,
      %mul3A_1244 = arith.constant 32 : i32
      %mul3A_1245 = arith.muli %add3A_1221, %mul3A_1244 : i32
      %swap3A_1246 = arith.index_cast %mul3A_1245 : i32 to index
      %swap3A_1247 = tpu.vector_load %arg6[%swap3A_1246] {strides = array<i32>} : memref<16384xf32, #tpu.memory_space<vmem>>, vector<16xf32>,
      tpu.vector_store %arg6[%swap3A_1246], %gather3A_1243 {strides = array<i32>} : memref<16384xf32, #tpu.memory_space<vmem>>, vector<16xf32>,
      %add3A_1248 = arith.constant 16 : i32
      %add3A_1249 = vector.broadcast %add3A_1248 : i32 to vector<16xi32>
      %add3A_1250 = arith.addi %iota3A, %add3A_1249 : vector<16xi32>
      %gather3A_1251 = tpu.vector_load_idx %arg22[%add3A_1250, %broadcast_in_dim3A_1242] : memref<32x128xf32, #tpu.memory_space<vmem>>[vector<16xi32>, vector<16xi32>], vector<16xf32>,
      %mul3A_1252 = arith.constant 32 : i32
      %mul3A_1253 = arith.muli %add3A_1221, %mul3A_1252 : i32
      %add3A_1254 = arith.constant 16 : i32
      %add3A_1255 = arith.addi %mul3A_1253, %add3A_1254 : i32
      %swap3A_1256 = arith.index_cast %add3A_1255 : i32 to index
      %swap3A_1257 = tpu.vector_load %arg6[%swap3A_1256] {strides = array<i32>} : memref<16384xf32, #tpu.memory_space<vmem>>, vector<16xf32>,
      tpu.vector_store %arg6[%swap3A_1256], %gather3A_1251 {strides = array<i32>} : memref<16384xf32, #tpu.memory_space<vmem>>, vector<16xf32>,
    }
    %scan3A_7 = arith.constant 32 : i32
    %mul3A_8 = arith.constant 32 : i32
    %mul3A_9 = arith.muli %mul3A_2, %mul3A_8 : i32
    "tpu.region"() ({
      %run_scoped3A = tpu.sem_alloc : memref<!tpu.dma_semaphore, #tpu.memory_space<semaphore_mem>>
      %dma_start3A = tpu.memref_slice %arg4[%mul3A_9] : memref<524288xf32, #tpu.memory_space<hbm>> -> memref<16384xf32, #tpu.memory_space<hbm>>
      %dma_start3A_10 = tpu.memref_slice %arg4[%mul3A_9] : memref<524288xf32, #tpu.memory_space<hbm>> -> memref<16384xf32, #tpu.memory_space<hbm>>
      tpu.enqueue_dma source(%arg6 : memref<16384xf32, #tpu.memory_space<vmem>>) target(%dma_start3A_10 : memref<16384xf32, #tpu.memory_space<hbm>>) target_semaphore(%run_scoped3A : memref<!tpu.dma_semaphore, #tpu.memory_space<semaphore_mem>>)
      %dma_wait3A = tpu.memref_slice %arg4[%mul3A_9] : memref<524288xf32, #tpu.memory_space<hbm>> -> memref<16384xf32, #tpu.memory_space<hbm>>
      %dma_wait3A_11 = tpu.memref_slice %arg4[%mul3A_9] : memref<524288xf32, #tpu.memory_space<hbm>> -> memref<16384xf32, #tpu.memory_space<hbm>>
      tpu.wait_dma2 semaphore(%run_scoped3A : memref<!tpu.dma_semaphore, #tpu.memory_space<semaphore_mem>>) src(%arg6 : memref<16384xf32, #tpu.memory_space<vmem>>) dst(%dma_wait3A_11 : memref<16384xf32, #tpu.memory_space<hbm>>)
      tpu.yield
    }) : () -> ()
    return
  }
}

#map = affine_map<(d0, d1) -> (0)>
#map1 = affine_map<(d0, d1) -> (0, 0)>
module attributes {stable_mosaic.version = 14 : i64} {
  func.func @_gather_v_dot(%arg0: i32, %arg1: i32, %arg2: memref<16384xi32, #tpu.memory_space<hbm>>, %arg3: memref<32x1000000xf32, #tpu.memory_space<hbm>>, %arg4: memref<524288xf32, #tpu.memory_space<hbm>>, %arg5: memref<16384xf32, #tpu.memory_space<hbm>>, %arg6: memref<528xi32, #tpu.memory_space<vmem>>, %arg7: memref<16384xf32, #tpu.memory_space<vmem>>, %arg8: memref<16384xf32, #tpu.memory_space<vmem>>, %arg9: memref<512xf32, #tpu.memory_space<vmem>>, %arg10: memref<32x128xf32, #tpu.memory_space<vmem>>, %arg11: memref<32x128xf32, #tpu.memory_space<vmem>>, %arg12: memref<32x128xf32, #tpu.memory_space<vmem>>, %arg13: memref<32x128xf32, #tpu.memory_space<vmem>>, %arg14: memref<32x128xf32, #tpu.memory_space<vmem>>, %arg15: memref<32x128xf32, #tpu.memory_space<vmem>>, %arg16: memref<32x128xf32, #tpu.memory_space<vmem>>, %arg17: memref<32x128xf32, #tpu.memory_space<vmem>>, %arg18: memref<32x128xf32, #tpu.memory_space<vmem>>, %arg19: memref<32x128xf32, #tpu.memory_space<vmem>>, %arg20: memref<32x128xf32, #tpu.memory_space<vmem>>, %arg21: memref<32x128xf32, #tpu.memory_space<vmem>>, %arg22: memref<32x128xf32, #tpu.memory_space<vmem>>, %arg23: memref<32x128xf32, #tpu.memory_space<vmem>>, %arg24: memref<32x128xf32, #tpu.memory_space<vmem>>, %arg25: memref<32x128xf32, #tpu.memory_space<vmem>>, %arg26: memref<!tpu.dma_semaphore, #tpu.memory_space<semaphore_mem>>, %arg27: memref<!tpu.dma_semaphore, #tpu.memory_space<semaphore_mem>>, %arg28: memref<!tpu.dma_semaphore, #tpu.memory_space<semaphore_mem>>, %arg29: memref<!tpu.dma_semaphore, #tpu.memory_space<semaphore_mem>>, %arg30: memref<!tpu.dma_semaphore, #tpu.memory_space<semaphore_mem>>, %arg31: memref<!tpu.dma_semaphore, #tpu.memory_space<semaphore_mem>>, %arg32: memref<!tpu.dma_semaphore, #tpu.memory_space<semaphore_mem>>, %arg33: memref<!tpu.dma_semaphore, #tpu.memory_space<semaphore_mem>>, %arg34: memref<!tpu.dma_semaphore, #tpu.memory_space<semaphore_mem>>, %arg35: memref<!tpu.dma_semaphore, #tpu.memory_space<semaphore_mem>>, %arg36: memref<!tpu.dma_semaphore, #tpu.memory_space<semaphore_mem>>, %arg37: memref<!tpu.dma_semaphore, #tpu.memory_space<semaphore_mem>>, %arg38: memref<!tpu.dma_semaphore, #tpu.memory_space<semaphore_mem>>, %arg39: memref<!tpu.dma_semaphore, #tpu.memory_space<semaphore_mem>>, %arg40: memref<!tpu.dma_semaphore, #tpu.memory_space<semaphore_mem>>, %arg41: memref<!tpu.dma_semaphore, #tpu.memory_space<semaphore_mem>>) attributes {dimension_semantics = [#tpu.dimension_semantics<core_parallel>, #tpu.dimension_semantics<subcore_parallel>], iteration_bounds = array<i64: 2, 16>, scalar_prefetch = 0 : i64, scratch_operands = 36 : i64, tpu.core_type = #tpu.core_type<sc_vector_subcore>, window_params = [{transform_indices = #map}, {transform_indices = #map1}, {transform_indices = #map}, {transform_indices = #map}]} {
    %mul3A = arith.constant 2 : i32
    %mul3A_0 = arith.muli %arg1, %mul3A : i32
    %add3A = arith.addi %mul3A_0, %arg0 : i32
    %mul3A_1 = arith.constant 512 : i32
    %mul3A_2 = arith.muli %add3A, %mul3A_1 : i32
    %mul3A_3 = arith.constant 32 : i32
    %mul3A_4 = arith.muli %mul3A_2, %mul3A_3 : i32
    "tpu.region"() ({
      %run_scoped3A = tpu.sem_alloc : memref<!tpu.dma_semaphore, #tpu.memory_space<semaphore_mem>>
      %dma_start3A = tpu.memref_slice %arg4[%mul3A_4] : memref<524288xf32, #tpu.memory_space<hbm>> -> memref<16384xf32, #tpu.memory_space<hbm>>
      %dma_start3A_17 = tpu.memref_slice %arg4[%mul3A_4] : memref<524288xf32, #tpu.memory_space<hbm>> -> memref<16384xf32, #tpu.memory_space<hbm>>
      tpu.enqueue_dma source(%dma_start3A_17 : memref<16384xf32, #tpu.memory_space<hbm>>) target(%arg8 : memref<16384xf32, #tpu.memory_space<vmem>>) target_semaphore(%run_scoped3A : memref<!tpu.dma_semaphore, #tpu.memory_space<semaphore_mem>>)
      %dma_wait3A = tpu.memref_slice %arg4[%mul3A_4] : memref<524288xf32, #tpu.memory_space<hbm>> -> memref<16384xf32, #tpu.memory_space<hbm>>
      %dma_wait3A_18 = tpu.memref_slice %arg4[%mul3A_4] : memref<524288xf32, #tpu.memory_space<hbm>> -> memref<16384xf32, #tpu.memory_space<hbm>>
      tpu.wait_dma2 semaphore(%run_scoped3A : memref<!tpu.dma_semaphore, #tpu.memory_space<semaphore_mem>>) src(%dma_wait3A_18 : memref<16384xf32, #tpu.memory_space<hbm>>) dst(%arg8 : memref<16384xf32, #tpu.memory_space<vmem>>)
      tpu.yield
    }) : () -> ()
    "tpu.region"() ({
      %run_scoped3A = tpu.sem_alloc : memref<!tpu.dma_semaphore, #tpu.memory_space<semaphore_mem>>
      %dma_start3A = arith.constant 0 : i32
      %dma_start3A_17 = tpu.memref_slice %arg6[%dma_start3A] : memref<528xi32, #tpu.memory_space<vmem>> -> memref<512xi32, #tpu.memory_space<vmem>>
      %dma_start3A_18 = tpu.memref_slice %arg2[%mul3A_2] : memref<16384xi32, #tpu.memory_space<hbm>> -> memref<512xi32, #tpu.memory_space<hbm>>
      %dma_start3A_19 = arith.constant 0 : i32
      %dma_start3A_20 = tpu.memref_slice %arg6[%dma_start3A_19] : memref<528xi32, #tpu.memory_space<vmem>> -> memref<512xi32, #tpu.memory_space<vmem>>
      %dma_start3A_21 = tpu.memref_slice %arg2[%mul3A_2] : memref<16384xi32, #tpu.memory_space<hbm>> -> memref<512xi32, #tpu.memory_space<hbm>>
      tpu.enqueue_dma source(%dma_start3A_21 : memref<512xi32, #tpu.memory_space<hbm>>) target(%dma_start3A_20 : memref<512xi32, #tpu.memory_space<vmem>>) target_semaphore(%run_scoped3A : memref<!tpu.dma_semaphore, #tpu.memory_space<semaphore_mem>>)
      %dma_wait3A = arith.constant 0 : i32
      %dma_wait3A_22 = tpu.memref_slice %arg6[%dma_wait3A] : memref<528xi32, #tpu.memory_space<vmem>> -> memref<512xi32, #tpu.memory_space<vmem>>
      %dma_wait3A_23 = tpu.memref_slice %arg2[%mul3A_2] : memref<16384xi32, #tpu.memory_space<hbm>> -> memref<512xi32, #tpu.memory_space<hbm>>
      %dma_wait3A_24 = arith.constant 0 : i32
      %dma_wait3A_25 = tpu.memref_slice %arg6[%dma_wait3A_24] : memref<528xi32, #tpu.memory_space<vmem>> -> memref<512xi32, #tpu.memory_space<vmem>>
      %dma_wait3A_26 = tpu.memref_slice %arg2[%mul3A_2] : memref<16384xi32, #tpu.memory_space<hbm>> -> memref<512xi32, #tpu.memory_space<hbm>>
      tpu.wait_dma2 semaphore(%run_scoped3A : memref<!tpu.dma_semaphore, #tpu.memory_space<semaphore_mem>>) src(%dma_wait3A_26 : memref<512xi32, #tpu.memory_space<hbm>>) dst(%dma_wait3A_25 : memref<512xi32, #tpu.memory_space<vmem>>)
      tpu.yield
    }) : () -> ()
    %iota3A = tpu.iota {dimensions = array<i32: 0>} : vector<16xi32>
    %scan3A = arith.constant 0 : i32
    %scan3A_5 = arith.constant 0 : i32
    %scan3A_6 = arith.constant 32 : i32
    %scan3A_7 = arith.addi %scan3A_5, %scan3A_6 : i32
    %scan3A_8 = arith.constant 1 : i32
    scf.for %scan3A_17 = %scan3A_5 to %scan3A_7 step %scan3A_8  : i32 {
      %mul3A_18 = arith.constant 16 : i32
      %mul3A_19 = arith.muli %scan3A_17, %mul3A_18 : i32
      %add3A_20 = arith.constant 0 : i32
      %add3A_21 = arith.addi %mul3A_19, %add3A_20 : i32
      %get3A = arith.index_cast %add3A_21 : i32 to index
      %get3A_22 = tpu.vector_load %arg6[%get3A] {strides = array<i32>} : memref<528xi32, #tpu.memory_space<vmem>>, vector<16xi32>,
      %slice3A = vector.extract_strided_slice %get3A_22 {offsets = [0], sizes = [1], strides = [1]} : vector<16xi32> to vector<1xi32>
      %squeeze3A = vector.extract %slice3A[0] : i32 from vector<1xi32>
      %jit3A = arith.constant 128 : i32
      %div3A = arith.divsi %squeeze3A, %jit3A : i32
      %sign3A = arith.constant 0 : i32
      %sign3A_23 = arith.cmpi sgt, %squeeze3A, %sign3A : i32
      %sign3A_24 = arith.extui %sign3A_23 : i1 to i32
      %sign3A_25 = arith.constant 0 : i32
      %sign3A_26 = arith.cmpi slt, %squeeze3A, %sign3A_25 : i32
      %sign3A_27 = arith.extui %sign3A_26 : i1 to i32
      %sign3A_28 = arith.subi %sign3A_24, %sign3A_27 : i32
      %sign3A_29 = arith.constant 0 : i32
      %sign3A_30 = arith.cmpi sgt, %jit3A, %sign3A_29 : i32
      %sign3A_31 = arith.extui %sign3A_30 : i1 to i32
      %sign3A_32 = arith.constant 0 : i32
      %sign3A_33 = arith.cmpi slt, %jit3A, %sign3A_32 : i32
      %sign3A_34 = arith.extui %sign3A_33 : i1 to i32
      %sign3A_35 = arith.subi %sign3A_31, %sign3A_34 : i32
      %ne3A = arith.cmpi ne, %sign3A_28, %sign3A_35 : i32
      %rem3A = arith.remsi %squeeze3A, %jit3A : i32
      %ne3A_36 = arith.constant 0 : i32
      %ne3A_37 = arith.cmpi ne, %rem3A, %ne3A_36 : i32
      %and3A = arith.andi %ne3A, %ne3A_37 : i1
      %sub3A = arith.constant 1 : i32
      %sub3A_38 = arith.subi %div3A, %sub3A : i32
      %select_n3A = arith.select %and3A, %sub3A_38, %div3A : i32
      %mul3A_39 = arith.constant 128 : i32
      %mul3A_40 = arith.muli %select_n3A, %mul3A_39 : i32
      %multiple_of3A = tpu.assume_multiple %mul3A_40, 128 : i32
      %dma_start3A = arith.constant 0 : i32
      %dma_start3A_41 = tpu.memref_slice %arg3[%dma_start3A, %multiple_of3A] : memref<32x1000000xf32, #tpu.memory_space<hbm>> -> memref<32x128xf32, #tpu.memory_space<hbm>>
      %dma_start3A_42 = arith.constant 0 : i32
      %dma_start3A_43 = tpu.memref_slice %arg3[%dma_start3A_42, %multiple_of3A] : memref<32x1000000xf32, #tpu.memory_space<hbm>> -> memref<32x128xf32, #tpu.memory_space<hbm>>
      tpu.enqueue_dma source(%dma_start3A_43 : memref<32x128xf32, #tpu.memory_space<hbm>>) target(%arg10 : memref<32x128xf32, #tpu.memory_space<vmem>>) target_semaphore(%arg26 : memref<!tpu.dma_semaphore, #tpu.memory_space<semaphore_mem>>)
      %add3A_44 = arith.constant 1 : i32
      %add3A_45 = arith.addi %mul3A_19, %add3A_44 : i32
      %get3A_46 = arith.index_cast %add3A_45 : i32 to index
      %get3A_47 = tpu.vector_load %arg6[%get3A_46] {strides = array<i32>} : memref<528xi32, #tpu.memory_space<vmem>>, vector<16xi32>,
      %slice3A_48 = vector.extract_strided_slice %get3A_47 {offsets = [0], sizes = [1], strides = [1]} : vector<16xi32> to vector<1xi32>
      %squeeze3A_49 = vector.extract %slice3A_48[0] : i32 from vector<1xi32>
      %jit3A_50 = arith.constant 128 : i32
      %div3A_51 = arith.divsi %squeeze3A_49, %jit3A_50 : i32
      %sign3A_52 = arith.constant 0 : i32
      %sign3A_53 = arith.cmpi sgt, %squeeze3A_49, %sign3A_52 : i32
      %sign3A_54 = arith.extui %sign3A_53 : i1 to i32
      %sign3A_55 = arith.constant 0 : i32
      %sign3A_56 = arith.cmpi slt, %squeeze3A_49, %sign3A_55 : i32
      %sign3A_57 = arith.extui %sign3A_56 : i1 to i32
      %sign3A_58 = arith.subi %sign3A_54, %sign3A_57 : i32
      %sign3A_59 = arith.constant 0 : i32
      %sign3A_60 = arith.cmpi sgt, %jit3A_50, %sign3A_59 : i32
      %sign3A_61 = arith.extui %sign3A_60 : i1 to i32
      %sign3A_62 = arith.constant 0 : i32
      %sign3A_63 = arith.cmpi slt, %jit3A_50, %sign3A_62 : i32
      %sign3A_64 = arith.extui %sign3A_63 : i1 to i32
      %sign3A_65 = arith.subi %sign3A_61, %sign3A_64 : i32
      %ne3A_66 = arith.cmpi ne, %sign3A_58, %sign3A_65 : i32
      %rem3A_67 = arith.remsi %squeeze3A_49, %jit3A_50 : i32
      %ne3A_68 = arith.constant 0 : i32
      %ne3A_69 = arith.cmpi ne, %rem3A_67, %ne3A_68 : i32
      %and3A_70 = arith.andi %ne3A_66, %ne3A_69 : i1
      %sub3A_71 = arith.constant 1 : i32
      %sub3A_72 = arith.subi %div3A_51, %sub3A_71 : i32
      %select_n3A_73 = arith.select %and3A_70, %sub3A_72, %div3A_51 : i32
      %mul3A_74 = arith.constant 128 : i32
      %mul3A_75 = arith.muli %select_n3A_73, %mul3A_74 : i32
      %multiple_of3A_76 = tpu.assume_multiple %mul3A_75, 128 : i32
      %dma_start3A_77 = arith.constant 0 : i32
      %dma_start3A_78 = tpu.memref_slice %arg3[%dma_start3A_77, %multiple_of3A_76] : memref<32x1000000xf32, #tpu.memory_space<hbm>> -> memref<32x128xf32, #tpu.memory_space<hbm>>
      %dma_start3A_79 = arith.constant 0 : i32
      %dma_start3A_80 = tpu.memref_slice %arg3[%dma_start3A_79, %multiple_of3A_76] : memref<32x1000000xf32, #tpu.memory_space<hbm>> -> memref<32x128xf32, #tpu.memory_space<hbm>>
      tpu.enqueue_dma source(%dma_start3A_80 : memref<32x128xf32, #tpu.memory_space<hbm>>) target(%arg11 : memref<32x128xf32, #tpu.memory_space<vmem>>) target_semaphore(%arg27 : memref<!tpu.dma_semaphore, #tpu.memory_space<semaphore_mem>>)
      %add3A_81 = arith.constant 2 : i32
      %add3A_82 = arith.addi %mul3A_19, %add3A_81 : i32
      %get3A_83 = arith.index_cast %add3A_82 : i32 to index
      %get3A_84 = tpu.vector_load %arg6[%get3A_83] {strides = array<i32>} : memref<528xi32, #tpu.memory_space<vmem>>, vector<16xi32>,
      %slice3A_85 = vector.extract_strided_slice %get3A_84 {offsets = [0], sizes = [1], strides = [1]} : vector<16xi32> to vector<1xi32>
      %squeeze3A_86 = vector.extract %slice3A_85[0] : i32 from vector<1xi32>
      %jit3A_87 = arith.constant 128 : i32
      %div3A_88 = arith.divsi %squeeze3A_86, %jit3A_87 : i32
      %sign3A_89 = arith.constant 0 : i32
      %sign3A_90 = arith.cmpi sgt, %squeeze3A_86, %sign3A_89 : i32
      %sign3A_91 = arith.extui %sign3A_90 : i1 to i32
      %sign3A_92 = arith.constant 0 : i32
      %sign3A_93 = arith.cmpi slt, %squeeze3A_86, %sign3A_92 : i32
      %sign3A_94 = arith.extui %sign3A_93 : i1 to i32
      %sign3A_95 = arith.subi %sign3A_91, %sign3A_94 : i32
      %sign3A_96 = arith.constant 0 : i32
      %sign3A_97 = arith.cmpi sgt, %jit3A_87, %sign3A_96 : i32
      %sign3A_98 = arith.extui %sign3A_97 : i1 to i32
      %sign3A_99 = arith.constant 0 : i32
      %sign3A_100 = arith.cmpi slt, %jit3A_87, %sign3A_99 : i32
      %sign3A_101 = arith.extui %sign3A_100 : i1 to i32
      %sign3A_102 = arith.subi %sign3A_98, %sign3A_101 : i32
      %ne3A_103 = arith.cmpi ne, %sign3A_95, %sign3A_102 : i32
      %rem3A_104 = arith.remsi %squeeze3A_86, %jit3A_87 : i32
      %ne3A_105 = arith.constant 0 : i32
      %ne3A_106 = arith.cmpi ne, %rem3A_104, %ne3A_105 : i32
      %and3A_107 = arith.andi %ne3A_103, %ne3A_106 : i1
      %sub3A_108 = arith.constant 1 : i32
      %sub3A_109 = arith.subi %div3A_88, %sub3A_108 : i32
      %select_n3A_110 = arith.select %and3A_107, %sub3A_109, %div3A_88 : i32
      %mul3A_111 = arith.constant 128 : i32
      %mul3A_112 = arith.muli %select_n3A_110, %mul3A_111 : i32
      %multiple_of3A_113 = tpu.assume_multiple %mul3A_112, 128 : i32
      %dma_start3A_114 = arith.constant 0 : i32
      %dma_start3A_115 = tpu.memref_slice %arg3[%dma_start3A_114, %multiple_of3A_113] : memref<32x1000000xf32, #tpu.memory_space<hbm>> -> memref<32x128xf32, #tpu.memory_space<hbm>>
      %dma_start3A_116 = arith.constant 0 : i32
      %dma_start3A_117 = tpu.memref_slice %arg3[%dma_start3A_116, %multiple_of3A_113] : memref<32x1000000xf32, #tpu.memory_space<hbm>> -> memref<32x128xf32, #tpu.memory_space<hbm>>
      tpu.enqueue_dma source(%dma_start3A_117 : memref<32x128xf32, #tpu.memory_space<hbm>>) target(%arg12 : memref<32x128xf32, #tpu.memory_space<vmem>>) target_semaphore(%arg28 : memref<!tpu.dma_semaphore, #tpu.memory_space<semaphore_mem>>)
      %add3A_118 = arith.constant 3 : i32
      %add3A_119 = arith.addi %mul3A_19, %add3A_118 : i32
      %get3A_120 = arith.index_cast %add3A_119 : i32 to index
      %get3A_121 = tpu.vector_load %arg6[%get3A_120] {strides = array<i32>} : memref<528xi32, #tpu.memory_space<vmem>>, vector<16xi32>,
      %slice3A_122 = vector.extract_strided_slice %get3A_121 {offsets = [0], sizes = [1], strides = [1]} : vector<16xi32> to vector<1xi32>
      %squeeze3A_123 = vector.extract %slice3A_122[0] : i32 from vector<1xi32>
      %jit3A_124 = arith.constant 128 : i32
      %div3A_125 = arith.divsi %squeeze3A_123, %jit3A_124 : i32
      %sign3A_126 = arith.constant 0 : i32
      %sign3A_127 = arith.cmpi sgt, %squeeze3A_123, %sign3A_126 : i32
      %sign3A_128 = arith.extui %sign3A_127 : i1 to i32
      %sign3A_129 = arith.constant 0 : i32
      %sign3A_130 = arith.cmpi slt, %squeeze3A_123, %sign3A_129 : i32
      %sign3A_131 = arith.extui %sign3A_130 : i1 to i32
      %sign3A_132 = arith.subi %sign3A_128, %sign3A_131 : i32
      %sign3A_133 = arith.constant 0 : i32
      %sign3A_134 = arith.cmpi sgt, %jit3A_124, %sign3A_133 : i32
      %sign3A_135 = arith.extui %sign3A_134 : i1 to i32
      %sign3A_136 = arith.constant 0 : i32
      %sign3A_137 = arith.cmpi slt, %jit3A_124, %sign3A_136 : i32
      %sign3A_138 = arith.extui %sign3A_137 : i1 to i32
      %sign3A_139 = arith.subi %sign3A_135, %sign3A_138 : i32
      %ne3A_140 = arith.cmpi ne, %sign3A_132, %sign3A_139 : i32
      %rem3A_141 = arith.remsi %squeeze3A_123, %jit3A_124 : i32
      %ne3A_142 = arith.constant 0 : i32
      %ne3A_143 = arith.cmpi ne, %rem3A_141, %ne3A_142 : i32
      %and3A_144 = arith.andi %ne3A_140, %ne3A_143 : i1
      %sub3A_145 = arith.constant 1 : i32
      %sub3A_146 = arith.subi %div3A_125, %sub3A_145 : i32
      %select_n3A_147 = arith.select %and3A_144, %sub3A_146, %div3A_125 : i32
      %mul3A_148 = arith.constant 128 : i32
      %mul3A_149 = arith.muli %select_n3A_147, %mul3A_148 : i32
      %multiple_of3A_150 = tpu.assume_multiple %mul3A_149, 128 : i32
      %dma_start3A_151 = arith.constant 0 : i32
      %dma_start3A_152 = tpu.memref_slice %arg3[%dma_start3A_151, %multiple_of3A_150] : memref<32x1000000xf32, #tpu.memory_space<hbm>> -> memref<32x128xf32, #tpu.memory_space<hbm>>
      %dma_start3A_153 = arith.constant 0 : i32
      %dma_start3A_154 = tpu.memref_slice %arg3[%dma_start3A_153, %multiple_of3A_150] : memref<32x1000000xf32, #tpu.memory_space<hbm>> -> memref<32x128xf32, #tpu.memory_space<hbm>>
      tpu.enqueue_dma source(%dma_start3A_154 : memref<32x128xf32, #tpu.memory_space<hbm>>) target(%arg13 : memref<32x128xf32, #tpu.memory_space<vmem>>) target_semaphore(%arg29 : memref<!tpu.dma_semaphore, #tpu.memory_space<semaphore_mem>>)
      %add3A_155 = arith.constant 4 : i32
      %add3A_156 = arith.addi %mul3A_19, %add3A_155 : i32
      %get3A_157 = arith.index_cast %add3A_156 : i32 to index
      %get3A_158 = tpu.vector_load %arg6[%get3A_157] {strides = array<i32>} : memref<528xi32, #tpu.memory_space<vmem>>, vector<16xi32>,
      %slice3A_159 = vector.extract_strided_slice %get3A_158 {offsets = [0], sizes = [1], strides = [1]} : vector<16xi32> to vector<1xi32>
      %squeeze3A_160 = vector.extract %slice3A_159[0] : i32 from vector<1xi32>
      %jit3A_161 = arith.constant 128 : i32
      %div3A_162 = arith.divsi %squeeze3A_160, %jit3A_161 : i32
      %sign3A_163 = arith.constant 0 : i32
      %sign3A_164 = arith.cmpi sgt, %squeeze3A_160, %sign3A_163 : i32
      %sign3A_165 = arith.extui %sign3A_164 : i1 to i32
      %sign3A_166 = arith.constant 0 : i32
      %sign3A_167 = arith.cmpi slt, %squeeze3A_160, %sign3A_166 : i32
      %sign3A_168 = arith.extui %sign3A_167 : i1 to i32
      %sign3A_169 = arith.subi %sign3A_165, %sign3A_168 : i32
      %sign3A_170 = arith.constant 0 : i32
      %sign3A_171 = arith.cmpi sgt, %jit3A_161, %sign3A_170 : i32
      %sign3A_172 = arith.extui %sign3A_171 : i1 to i32
      %sign3A_173 = arith.constant 0 : i32
      %sign3A_174 = arith.cmpi slt, %jit3A_161, %sign3A_173 : i32
      %sign3A_175 = arith.extui %sign3A_174 : i1 to i32
      %sign3A_176 = arith.subi %sign3A_172, %sign3A_175 : i32
      %ne3A_177 = arith.cmpi ne, %sign3A_169, %sign3A_176 : i32
      %rem3A_178 = arith.remsi %squeeze3A_160, %jit3A_161 : i32
      %ne3A_179 = arith.constant 0 : i32
      %ne3A_180 = arith.cmpi ne, %rem3A_178, %ne3A_179 : i32
      %and3A_181 = arith.andi %ne3A_177, %ne3A_180 : i1
      %sub3A_182 = arith.constant 1 : i32
      %sub3A_183 = arith.subi %div3A_162, %sub3A_182 : i32
      %select_n3A_184 = arith.select %and3A_181, %sub3A_183, %div3A_162 : i32
      %mul3A_185 = arith.constant 128 : i32
      %mul3A_186 = arith.muli %select_n3A_184, %mul3A_185 : i32
      %multiple_of3A_187 = tpu.assume_multiple %mul3A_186, 128 : i32
      %dma_start3A_188 = arith.constant 0 : i32
      %dma_start3A_189 = tpu.memref_slice %arg3[%dma_start3A_188, %multiple_of3A_187] : memref<32x1000000xf32, #tpu.memory_space<hbm>> -> memref<32x128xf32, #tpu.memory_space<hbm>>
      %dma_start3A_190 = arith.constant 0 : i32
      %dma_start3A_191 = tpu.memref_slice %arg3[%dma_start3A_190, %multiple_of3A_187] : memref<32x1000000xf32, #tpu.memory_space<hbm>> -> memref<32x128xf32, #tpu.memory_space<hbm>>
      tpu.enqueue_dma source(%dma_start3A_191 : memref<32x128xf32, #tpu.memory_space<hbm>>) target(%arg14 : memref<32x128xf32, #tpu.memory_space<vmem>>) target_semaphore(%arg30 : memref<!tpu.dma_semaphore, #tpu.memory_space<semaphore_mem>>)
      %add3A_192 = arith.constant 5 : i32
      %add3A_193 = arith.addi %mul3A_19, %add3A_192 : i32
      %get3A_194 = arith.index_cast %add3A_193 : i32 to index
      %get3A_195 = tpu.vector_load %arg6[%get3A_194] {strides = array<i32>} : memref<528xi32, #tpu.memory_space<vmem>>, vector<16xi32>,
      %slice3A_196 = vector.extract_strided_slice %get3A_195 {offsets = [0], sizes = [1], strides = [1]} : vector<16xi32> to vector<1xi32>
      %squeeze3A_197 = vector.extract %slice3A_196[0] : i32 from vector<1xi32>
      %jit3A_198 = arith.constant 128 : i32
      %div3A_199 = arith.divsi %squeeze3A_197, %jit3A_198 : i32
      %sign3A_200 = arith.constant 0 : i32
      %sign3A_201 = arith.cmpi sgt, %squeeze3A_197, %sign3A_200 : i32
      %sign3A_202 = arith.extui %sign3A_201 : i1 to i32
      %sign3A_203 = arith.constant 0 : i32
      %sign3A_204 = arith.cmpi slt, %squeeze3A_197, %sign3A_203 : i32
      %sign3A_205 = arith.extui %sign3A_204 : i1 to i32
      %sign3A_206 = arith.subi %sign3A_202, %sign3A_205 : i32
      %sign3A_207 = arith.constant 0 : i32
      %sign3A_208 = arith.cmpi sgt, %jit3A_198, %sign3A_207 : i32
      %sign3A_209 = arith.extui %sign3A_208 : i1 to i32
      %sign3A_210 = arith.constant 0 : i32
      %sign3A_211 = arith.cmpi slt, %jit3A_198, %sign3A_210 : i32
      %sign3A_212 = arith.extui %sign3A_211 : i1 to i32
      %sign3A_213 = arith.subi %sign3A_209, %sign3A_212 : i32
      %ne3A_214 = arith.cmpi ne, %sign3A_206, %sign3A_213 : i32
      %rem3A_215 = arith.remsi %squeeze3A_197, %jit3A_198 : i32
      %ne3A_216 = arith.constant 0 : i32
      %ne3A_217 = arith.cmpi ne, %rem3A_215, %ne3A_216 : i32
      %and3A_218 = arith.andi %ne3A_214, %ne3A_217 : i1
      %sub3A_219 = arith.constant 1 : i32
      %sub3A_220 = arith.subi %div3A_199, %sub3A_219 : i32
      %select_n3A_221 = arith.select %and3A_218, %sub3A_220, %div3A_199 : i32
      %mul3A_222 = arith.constant 128 : i32
      %mul3A_223 = arith.muli %select_n3A_221, %mul3A_222 : i32
      %multiple_of3A_224 = tpu.assume_multiple %mul3A_223, 128 : i32
      %dma_start3A_225 = arith.constant 0 : i32
      %dma_start3A_226 = tpu.memref_slice %arg3[%dma_start3A_225, %multiple_of3A_224] : memref<32x1000000xf32, #tpu.memory_space<hbm>> -> memref<32x128xf32, #tpu.memory_space<hbm>>
      %dma_start3A_227 = arith.constant 0 : i32
      %dma_start3A_228 = tpu.memref_slice %arg3[%dma_start3A_227, %multiple_of3A_224] : memref<32x1000000xf32, #tpu.memory_space<hbm>> -> memref<32x128xf32, #tpu.memory_space<hbm>>
      tpu.enqueue_dma source(%dma_start3A_228 : memref<32x128xf32, #tpu.memory_space<hbm>>) target(%arg15 : memref<32x128xf32, #tpu.memory_space<vmem>>) target_semaphore(%arg31 : memref<!tpu.dma_semaphore, #tpu.memory_space<semaphore_mem>>)
      %add3A_229 = arith.constant 6 : i32
      %add3A_230 = arith.addi %mul3A_19, %add3A_229 : i32
      %get3A_231 = arith.index_cast %add3A_230 : i32 to index
      %get3A_232 = tpu.vector_load %arg6[%get3A_231] {strides = array<i32>} : memref<528xi32, #tpu.memory_space<vmem>>, vector<16xi32>,
      %slice3A_233 = vector.extract_strided_slice %get3A_232 {offsets = [0], sizes = [1], strides = [1]} : vector<16xi32> to vector<1xi32>
      %squeeze3A_234 = vector.extract %slice3A_233[0] : i32 from vector<1xi32>
      %jit3A_235 = arith.constant 128 : i32
      %div3A_236 = arith.divsi %squeeze3A_234, %jit3A_235 : i32
      %sign3A_237 = arith.constant 0 : i32
      %sign3A_238 = arith.cmpi sgt, %squeeze3A_234, %sign3A_237 : i32
      %sign3A_239 = arith.extui %sign3A_238 : i1 to i32
      %sign3A_240 = arith.constant 0 : i32
      %sign3A_241 = arith.cmpi slt, %squeeze3A_234, %sign3A_240 : i32
      %sign3A_242 = arith.extui %sign3A_241 : i1 to i32
      %sign3A_243 = arith.subi %sign3A_239, %sign3A_242 : i32
      %sign3A_244 = arith.constant 0 : i32
      %sign3A_245 = arith.cmpi sgt, %jit3A_235, %sign3A_244 : i32
      %sign3A_246 = arith.extui %sign3A_245 : i1 to i32
      %sign3A_247 = arith.constant 0 : i32
      %sign3A_248 = arith.cmpi slt, %jit3A_235, %sign3A_247 : i32
      %sign3A_249 = arith.extui %sign3A_248 : i1 to i32
      %sign3A_250 = arith.subi %sign3A_246, %sign3A_249 : i32
      %ne3A_251 = arith.cmpi ne, %sign3A_243, %sign3A_250 : i32
      %rem3A_252 = arith.remsi %squeeze3A_234, %jit3A_235 : i32
      %ne3A_253 = arith.constant 0 : i32
      %ne3A_254 = arith.cmpi ne, %rem3A_252, %ne3A_253 : i32
      %and3A_255 = arith.andi %ne3A_251, %ne3A_254 : i1
      %sub3A_256 = arith.constant 1 : i32
      %sub3A_257 = arith.subi %div3A_236, %sub3A_256 : i32
      %select_n3A_258 = arith.select %and3A_255, %sub3A_257, %div3A_236 : i32
      %mul3A_259 = arith.constant 128 : i32
      %mul3A_260 = arith.muli %select_n3A_258, %mul3A_259 : i32
      %multiple_of3A_261 = tpu.assume_multiple %mul3A_260, 128 : i32
      %dma_start3A_262 = arith.constant 0 : i32
      %dma_start3A_263 = tpu.memref_slice %arg3[%dma_start3A_262, %multiple_of3A_261] : memref<32x1000000xf32, #tpu.memory_space<hbm>> -> memref<32x128xf32, #tpu.memory_space<hbm>>
      %dma_start3A_264 = arith.constant 0 : i32
      %dma_start3A_265 = tpu.memref_slice %arg3[%dma_start3A_264, %multiple_of3A_261] : memref<32x1000000xf32, #tpu.memory_space<hbm>> -> memref<32x128xf32, #tpu.memory_space<hbm>>
      tpu.enqueue_dma source(%dma_start3A_265 : memref<32x128xf32, #tpu.memory_space<hbm>>) target(%arg16 : memref<32x128xf32, #tpu.memory_space<vmem>>) target_semaphore(%arg32 : memref<!tpu.dma_semaphore, #tpu.memory_space<semaphore_mem>>)
      %add3A_266 = arith.constant 7 : i32
      %add3A_267 = arith.addi %mul3A_19, %add3A_266 : i32
      %get3A_268 = arith.index_cast %add3A_267 : i32 to index
      %get3A_269 = tpu.vector_load %arg6[%get3A_268] {strides = array<i32>} : memref<528xi32, #tpu.memory_space<vmem>>, vector<16xi32>,
      %slice3A_270 = vector.extract_strided_slice %get3A_269 {offsets = [0], sizes = [1], strides = [1]} : vector<16xi32> to vector<1xi32>
      %squeeze3A_271 = vector.extract %slice3A_270[0] : i32 from vector<1xi32>
      %jit3A_272 = arith.constant 128 : i32
      %div3A_273 = arith.divsi %squeeze3A_271, %jit3A_272 : i32
      %sign3A_274 = arith.constant 0 : i32
      %sign3A_275 = arith.cmpi sgt, %squeeze3A_271, %sign3A_274 : i32
      %sign3A_276 = arith.extui %sign3A_275 : i1 to i32
      %sign3A_277 = arith.constant 0 : i32
      %sign3A_278 = arith.cmpi slt, %squeeze3A_271, %sign3A_277 : i32
      %sign3A_279 = arith.extui %sign3A_278 : i1 to i32
      %sign3A_280 = arith.subi %sign3A_276, %sign3A_279 : i32
      %sign3A_281 = arith.constant 0 : i32
      %sign3A_282 = arith.cmpi sgt, %jit3A_272, %sign3A_281 : i32
      %sign3A_283 = arith.extui %sign3A_282 : i1 to i32
      %sign3A_284 = arith.constant 0 : i32
      %sign3A_285 = arith.cmpi slt, %jit3A_272, %sign3A_284 : i32
      %sign3A_286 = arith.extui %sign3A_285 : i1 to i32
      %sign3A_287 = arith.subi %sign3A_283, %sign3A_286 : i32
      %ne3A_288 = arith.cmpi ne, %sign3A_280, %sign3A_287 : i32
      %rem3A_289 = arith.remsi %squeeze3A_271, %jit3A_272 : i32
      %ne3A_290 = arith.constant 0 : i32
      %ne3A_291 = arith.cmpi ne, %rem3A_289, %ne3A_290 : i32
      %and3A_292 = arith.andi %ne3A_288, %ne3A_291 : i1
      %sub3A_293 = arith.constant 1 : i32
      %sub3A_294 = arith.subi %div3A_273, %sub3A_293 : i32
      %select_n3A_295 = arith.select %and3A_292, %sub3A_294, %div3A_273 : i32
      %mul3A_296 = arith.constant 128 : i32
      %mul3A_297 = arith.muli %select_n3A_295, %mul3A_296 : i32
      %multiple_of3A_298 = tpu.assume_multiple %mul3A_297, 128 : i32
      %dma_start3A_299 = arith.constant 0 : i32
      %dma_start3A_300 = tpu.memref_slice %arg3[%dma_start3A_299, %multiple_of3A_298] : memref<32x1000000xf32, #tpu.memory_space<hbm>> -> memref<32x128xf32, #tpu.memory_space<hbm>>
      %dma_start3A_301 = arith.constant 0 : i32
      %dma_start3A_302 = tpu.memref_slice %arg3[%dma_start3A_301, %multiple_of3A_298] : memref<32x1000000xf32, #tpu.memory_space<hbm>> -> memref<32x128xf32, #tpu.memory_space<hbm>>
      tpu.enqueue_dma source(%dma_start3A_302 : memref<32x128xf32, #tpu.memory_space<hbm>>) target(%arg17 : memref<32x128xf32, #tpu.memory_space<vmem>>) target_semaphore(%arg33 : memref<!tpu.dma_semaphore, #tpu.memory_space<semaphore_mem>>)
      %add3A_303 = arith.constant 8 : i32
      %add3A_304 = arith.addi %mul3A_19, %add3A_303 : i32
      %get3A_305 = arith.index_cast %add3A_304 : i32 to index
      %get3A_306 = tpu.vector_load %arg6[%get3A_305] {strides = array<i32>} : memref<528xi32, #tpu.memory_space<vmem>>, vector<16xi32>,
      %slice3A_307 = vector.extract_strided_slice %get3A_306 {offsets = [0], sizes = [1], strides = [1]} : vector<16xi32> to vector<1xi32>
      %squeeze3A_308 = vector.extract %slice3A_307[0] : i32 from vector<1xi32>
      %jit3A_309 = arith.constant 128 : i32
      %div3A_310 = arith.divsi %squeeze3A_308, %jit3A_309 : i32
      %sign3A_311 = arith.constant 0 : i32
      %sign3A_312 = arith.cmpi sgt, %squeeze3A_308, %sign3A_311 : i32
      %sign3A_313 = arith.extui %sign3A_312 : i1 to i32
      %sign3A_314 = arith.constant 0 : i32
      %sign3A_315 = arith.cmpi slt, %squeeze3A_308, %sign3A_314 : i32
      %sign3A_316 = arith.extui %sign3A_315 : i1 to i32
      %sign3A_317 = arith.subi %sign3A_313, %sign3A_316 : i32
      %sign3A_318 = arith.constant 0 : i32
      %sign3A_319 = arith.cmpi sgt, %jit3A_309, %sign3A_318 : i32
      %sign3A_320 = arith.extui %sign3A_319 : i1 to i32
      %sign3A_321 = arith.constant 0 : i32
      %sign3A_322 = arith.cmpi slt, %jit3A_309, %sign3A_321 : i32
      %sign3A_323 = arith.extui %sign3A_322 : i1 to i32
      %sign3A_324 = arith.subi %sign3A_320, %sign3A_323 : i32
      %ne3A_325 = arith.cmpi ne, %sign3A_317, %sign3A_324 : i32
      %rem3A_326 = arith.remsi %squeeze3A_308, %jit3A_309 : i32
      %ne3A_327 = arith.constant 0 : i32
      %ne3A_328 = arith.cmpi ne, %rem3A_326, %ne3A_327 : i32
      %and3A_329 = arith.andi %ne3A_325, %ne3A_328 : i1
      %sub3A_330 = arith.constant 1 : i32
      %sub3A_331 = arith.subi %div3A_310, %sub3A_330 : i32
      %select_n3A_332 = arith.select %and3A_329, %sub3A_331, %div3A_310 : i32
      %mul3A_333 = arith.constant 128 : i32
      %mul3A_334 = arith.muli %select_n3A_332, %mul3A_333 : i32
      %multiple_of3A_335 = tpu.assume_multiple %mul3A_334, 128 : i32
      %dma_start3A_336 = arith.constant 0 : i32
      %dma_start3A_337 = tpu.memref_slice %arg3[%dma_start3A_336, %multiple_of3A_335] : memref<32x1000000xf32, #tpu.memory_space<hbm>> -> memref<32x128xf32, #tpu.memory_space<hbm>>
      %dma_start3A_338 = arith.constant 0 : i32
      %dma_start3A_339 = tpu.memref_slice %arg3[%dma_start3A_338, %multiple_of3A_335] : memref<32x1000000xf32, #tpu.memory_space<hbm>> -> memref<32x128xf32, #tpu.memory_space<hbm>>
      tpu.enqueue_dma source(%dma_start3A_339 : memref<32x128xf32, #tpu.memory_space<hbm>>) target(%arg18 : memref<32x128xf32, #tpu.memory_space<vmem>>) target_semaphore(%arg34 : memref<!tpu.dma_semaphore, #tpu.memory_space<semaphore_mem>>)
      %add3A_340 = arith.constant 9 : i32
      %add3A_341 = arith.addi %mul3A_19, %add3A_340 : i32
      %get3A_342 = arith.index_cast %add3A_341 : i32 to index
      %get3A_343 = tpu.vector_load %arg6[%get3A_342] {strides = array<i32>} : memref<528xi32, #tpu.memory_space<vmem>>, vector<16xi32>,
      %slice3A_344 = vector.extract_strided_slice %get3A_343 {offsets = [0], sizes = [1], strides = [1]} : vector<16xi32> to vector<1xi32>
      %squeeze3A_345 = vector.extract %slice3A_344[0] : i32 from vector<1xi32>
      %jit3A_346 = arith.constant 128 : i32
      %div3A_347 = arith.divsi %squeeze3A_345, %jit3A_346 : i32
      %sign3A_348 = arith.constant 0 : i32
      %sign3A_349 = arith.cmpi sgt, %squeeze3A_345, %sign3A_348 : i32
      %sign3A_350 = arith.extui %sign3A_349 : i1 to i32
      %sign3A_351 = arith.constant 0 : i32
      %sign3A_352 = arith.cmpi slt, %squeeze3A_345, %sign3A_351 : i32
      %sign3A_353 = arith.extui %sign3A_352 : i1 to i32
      %sign3A_354 = arith.subi %sign3A_350, %sign3A_353 : i32
      %sign3A_355 = arith.constant 0 : i32
      %sign3A_356 = arith.cmpi sgt, %jit3A_346, %sign3A_355 : i32
      %sign3A_357 = arith.extui %sign3A_356 : i1 to i32
      %sign3A_358 = arith.constant 0 : i32
      %sign3A_359 = arith.cmpi slt, %jit3A_346, %sign3A_358 : i32
      %sign3A_360 = arith.extui %sign3A_359 : i1 to i32
      %sign3A_361 = arith.subi %sign3A_357, %sign3A_360 : i32
      %ne3A_362 = arith.cmpi ne, %sign3A_354, %sign3A_361 : i32
      %rem3A_363 = arith.remsi %squeeze3A_345, %jit3A_346 : i32
      %ne3A_364 = arith.constant 0 : i32
      %ne3A_365 = arith.cmpi ne, %rem3A_363, %ne3A_364 : i32
      %and3A_366 = arith.andi %ne3A_362, %ne3A_365 : i1
      %sub3A_367 = arith.constant 1 : i32
      %sub3A_368 = arith.subi %div3A_347, %sub3A_367 : i32
      %select_n3A_369 = arith.select %and3A_366, %sub3A_368, %div3A_347 : i32
      %mul3A_370 = arith.constant 128 : i32
      %mul3A_371 = arith.muli %select_n3A_369, %mul3A_370 : i32
      %multiple_of3A_372 = tpu.assume_multiple %mul3A_371, 128 : i32
      %dma_start3A_373 = arith.constant 0 : i32
      %dma_start3A_374 = tpu.memref_slice %arg3[%dma_start3A_373, %multiple_of3A_372] : memref<32x1000000xf32, #tpu.memory_space<hbm>> -> memref<32x128xf32, #tpu.memory_space<hbm>>
      %dma_start3A_375 = arith.constant 0 : i32
      %dma_start3A_376 = tpu.memref_slice %arg3[%dma_start3A_375, %multiple_of3A_372] : memref<32x1000000xf32, #tpu.memory_space<hbm>> -> memref<32x128xf32, #tpu.memory_space<hbm>>
      tpu.enqueue_dma source(%dma_start3A_376 : memref<32x128xf32, #tpu.memory_space<hbm>>) target(%arg19 : memref<32x128xf32, #tpu.memory_space<vmem>>) target_semaphore(%arg35 : memref<!tpu.dma_semaphore, #tpu.memory_space<semaphore_mem>>)
      %add3A_377 = arith.constant 10 : i32
      %add3A_378 = arith.addi %mul3A_19, %add3A_377 : i32
      %get3A_379 = arith.index_cast %add3A_378 : i32 to index
      %get3A_380 = tpu.vector_load %arg6[%get3A_379] {strides = array<i32>} : memref<528xi32, #tpu.memory_space<vmem>>, vector<16xi32>,
      %slice3A_381 = vector.extract_strided_slice %get3A_380 {offsets = [0], sizes = [1], strides = [1]} : vector<16xi32> to vector<1xi32>
      %squeeze3A_382 = vector.extract %slice3A_381[0] : i32 from vector<1xi32>
      %jit3A_383 = arith.constant 128 : i32
      %div3A_384 = arith.divsi %squeeze3A_382, %jit3A_383 : i32
      %sign3A_385 = arith.constant 0 : i32
      %sign3A_386 = arith.cmpi sgt, %squeeze3A_382, %sign3A_385 : i32
      %sign3A_387 = arith.extui %sign3A_386 : i1 to i32
      %sign3A_388 = arith.constant 0 : i32
      %sign3A_389 = arith.cmpi slt, %squeeze3A_382, %sign3A_388 : i32
      %sign3A_390 = arith.extui %sign3A_389 : i1 to i32
      %sign3A_391 = arith.subi %sign3A_387, %sign3A_390 : i32
      %sign3A_392 = arith.constant 0 : i32
      %sign3A_393 = arith.cmpi sgt, %jit3A_383, %sign3A_392 : i32
      %sign3A_394 = arith.extui %sign3A_393 : i1 to i32
      %sign3A_395 = arith.constant 0 : i32
      %sign3A_396 = arith.cmpi slt, %jit3A_383, %sign3A_395 : i32
      %sign3A_397 = arith.extui %sign3A_396 : i1 to i32
      %sign3A_398 = arith.subi %sign3A_394, %sign3A_397 : i32
      %ne3A_399 = arith.cmpi ne, %sign3A_391, %sign3A_398 : i32
      %rem3A_400 = arith.remsi %squeeze3A_382, %jit3A_383 : i32
      %ne3A_401 = arith.constant 0 : i32
      %ne3A_402 = arith.cmpi ne, %rem3A_400, %ne3A_401 : i32
      %and3A_403 = arith.andi %ne3A_399, %ne3A_402 : i1
      %sub3A_404 = arith.constant 1 : i32
      %sub3A_405 = arith.subi %div3A_384, %sub3A_404 : i32
      %select_n3A_406 = arith.select %and3A_403, %sub3A_405, %div3A_384 : i32
      %mul3A_407 = arith.constant 128 : i32
      %mul3A_408 = arith.muli %select_n3A_406, %mul3A_407 : i32
      %multiple_of3A_409 = tpu.assume_multiple %mul3A_408, 128 : i32
      %dma_start3A_410 = arith.constant 0 : i32
      %dma_start3A_411 = tpu.memref_slice %arg3[%dma_start3A_410, %multiple_of3A_409] : memref<32x1000000xf32, #tpu.memory_space<hbm>> -> memref<32x128xf32, #tpu.memory_space<hbm>>
      %dma_start3A_412 = arith.constant 0 : i32
      %dma_start3A_413 = tpu.memref_slice %arg3[%dma_start3A_412, %multiple_of3A_409] : memref<32x1000000xf32, #tpu.memory_space<hbm>> -> memref<32x128xf32, #tpu.memory_space<hbm>>
      tpu.enqueue_dma source(%dma_start3A_413 : memref<32x128xf32, #tpu.memory_space<hbm>>) target(%arg20 : memref<32x128xf32, #tpu.memory_space<vmem>>) target_semaphore(%arg36 : memref<!tpu.dma_semaphore, #tpu.memory_space<semaphore_mem>>)
      %add3A_414 = arith.constant 11 : i32
      %add3A_415 = arith.addi %mul3A_19, %add3A_414 : i32
      %get3A_416 = arith.index_cast %add3A_415 : i32 to index
      %get3A_417 = tpu.vector_load %arg6[%get3A_416] {strides = array<i32>} : memref<528xi32, #tpu.memory_space<vmem>>, vector<16xi32>,
      %slice3A_418 = vector.extract_strided_slice %get3A_417 {offsets = [0], sizes = [1], strides = [1]} : vector<16xi32> to vector<1xi32>
      %squeeze3A_419 = vector.extract %slice3A_418[0] : i32 from vector<1xi32>
      %jit3A_420 = arith.constant 128 : i32
      %div3A_421 = arith.divsi %squeeze3A_419, %jit3A_420 : i32
      %sign3A_422 = arith.constant 0 : i32
      %sign3A_423 = arith.cmpi sgt, %squeeze3A_419, %sign3A_422 : i32
      %sign3A_424 = arith.extui %sign3A_423 : i1 to i32
      %sign3A_425 = arith.constant 0 : i32
      %sign3A_426 = arith.cmpi slt, %squeeze3A_419, %sign3A_425 : i32
      %sign3A_427 = arith.extui %sign3A_426 : i1 to i32
      %sign3A_428 = arith.subi %sign3A_424, %sign3A_427 : i32
      %sign3A_429 = arith.constant 0 : i32
      %sign3A_430 = arith.cmpi sgt, %jit3A_420, %sign3A_429 : i32
      %sign3A_431 = arith.extui %sign3A_430 : i1 to i32
      %sign3A_432 = arith.constant 0 : i32
      %sign3A_433 = arith.cmpi slt, %jit3A_420, %sign3A_432 : i32
      %sign3A_434 = arith.extui %sign3A_433 : i1 to i32
      %sign3A_435 = arith.subi %sign3A_431, %sign3A_434 : i32
      %ne3A_436 = arith.cmpi ne, %sign3A_428, %sign3A_435 : i32
      %rem3A_437 = arith.remsi %squeeze3A_419, %jit3A_420 : i32
      %ne3A_438 = arith.constant 0 : i32
      %ne3A_439 = arith.cmpi ne, %rem3A_437, %ne3A_438 : i32
      %and3A_440 = arith.andi %ne3A_436, %ne3A_439 : i1
      %sub3A_441 = arith.constant 1 : i32
      %sub3A_442 = arith.subi %div3A_421, %sub3A_441 : i32
      %select_n3A_443 = arith.select %and3A_440, %sub3A_442, %div3A_421 : i32
      %mul3A_444 = arith.constant 128 : i32
      %mul3A_445 = arith.muli %select_n3A_443, %mul3A_444 : i32
      %multiple_of3A_446 = tpu.assume_multiple %mul3A_445, 128 : i32
      %dma_start3A_447 = arith.constant 0 : i32
      %dma_start3A_448 = tpu.memref_slice %arg3[%dma_start3A_447, %multiple_of3A_446] : memref<32x1000000xf32, #tpu.memory_space<hbm>> -> memref<32x128xf32, #tpu.memory_space<hbm>>
      %dma_start3A_449 = arith.constant 0 : i32
      %dma_start3A_450 = tpu.memref_slice %arg3[%dma_start3A_449, %multiple_of3A_446] : memref<32x1000000xf32, #tpu.memory_space<hbm>> -> memref<32x128xf32, #tpu.memory_space<hbm>>
      tpu.enqueue_dma source(%dma_start3A_450 : memref<32x128xf32, #tpu.memory_space<hbm>>) target(%arg21 : memref<32x128xf32, #tpu.memory_space<vmem>>) target_semaphore(%arg37 : memref<!tpu.dma_semaphore, #tpu.memory_space<semaphore_mem>>)
      %add3A_451 = arith.constant 12 : i32
      %add3A_452 = arith.addi %mul3A_19, %add3A_451 : i32
      %get3A_453 = arith.index_cast %add3A_452 : i32 to index
      %get3A_454 = tpu.vector_load %arg6[%get3A_453] {strides = array<i32>} : memref<528xi32, #tpu.memory_space<vmem>>, vector<16xi32>,
      %slice3A_455 = vector.extract_strided_slice %get3A_454 {offsets = [0], sizes = [1], strides = [1]} : vector<16xi32> to vector<1xi32>
      %squeeze3A_456 = vector.extract %slice3A_455[0] : i32 from vector<1xi32>
      %jit3A_457 = arith.constant 128 : i32
      %div3A_458 = arith.divsi %squeeze3A_456, %jit3A_457 : i32
      %sign3A_459 = arith.constant 0 : i32
      %sign3A_460 = arith.cmpi sgt, %squeeze3A_456, %sign3A_459 : i32
      %sign3A_461 = arith.extui %sign3A_460 : i1 to i32
      %sign3A_462 = arith.constant 0 : i32
      %sign3A_463 = arith.cmpi slt, %squeeze3A_456, %sign3A_462 : i32
      %sign3A_464 = arith.extui %sign3A_463 : i1 to i32
      %sign3A_465 = arith.subi %sign3A_461, %sign3A_464 : i32
      %sign3A_466 = arith.constant 0 : i32
      %sign3A_467 = arith.cmpi sgt, %jit3A_457, %sign3A_466 : i32
      %sign3A_468 = arith.extui %sign3A_467 : i1 to i32
      %sign3A_469 = arith.constant 0 : i32
      %sign3A_470 = arith.cmpi slt, %jit3A_457, %sign3A_469 : i32
      %sign3A_471 = arith.extui %sign3A_470 : i1 to i32
      %sign3A_472 = arith.subi %sign3A_468, %sign3A_471 : i32
      %ne3A_473 = arith.cmpi ne, %sign3A_465, %sign3A_472 : i32
      %rem3A_474 = arith.remsi %squeeze3A_456, %jit3A_457 : i32
      %ne3A_475 = arith.constant 0 : i32
      %ne3A_476 = arith.cmpi ne, %rem3A_474, %ne3A_475 : i32
      %and3A_477 = arith.andi %ne3A_473, %ne3A_476 : i1
      %sub3A_478 = arith.constant 1 : i32
      %sub3A_479 = arith.subi %div3A_458, %sub3A_478 : i32
      %select_n3A_480 = arith.select %and3A_477, %sub3A_479, %div3A_458 : i32
      %mul3A_481 = arith.constant 128 : i32
      %mul3A_482 = arith.muli %select_n3A_480, %mul3A_481 : i32
      %multiple_of3A_483 = tpu.assume_multiple %mul3A_482, 128 : i32
      %dma_start3A_484 = arith.constant 0 : i32
      %dma_start3A_485 = tpu.memref_slice %arg3[%dma_start3A_484, %multiple_of3A_483] : memref<32x1000000xf32, #tpu.memory_space<hbm>> -> memref<32x128xf32, #tpu.memory_space<hbm>>
      %dma_start3A_486 = arith.constant 0 : i32
      %dma_start3A_487 = tpu.memref_slice %arg3[%dma_start3A_486, %multiple_of3A_483] : memref<32x1000000xf32, #tpu.memory_space<hbm>> -> memref<32x128xf32, #tpu.memory_space<hbm>>
      tpu.enqueue_dma source(%dma_start3A_487 : memref<32x128xf32, #tpu.memory_space<hbm>>) target(%arg22 : memref<32x128xf32, #tpu.memory_space<vmem>>) target_semaphore(%arg38 : memref<!tpu.dma_semaphore, #tpu.memory_space<semaphore_mem>>)
      %add3A_488 = arith.constant 13 : i32
      %add3A_489 = arith.addi %mul3A_19, %add3A_488 : i32
      %get3A_490 = arith.index_cast %add3A_489 : i32 to index
      %get3A_491 = tpu.vector_load %arg6[%get3A_490] {strides = array<i32>} : memref<528xi32, #tpu.memory_space<vmem>>, vector<16xi32>,
      %slice3A_492 = vector.extract_strided_slice %get3A_491 {offsets = [0], sizes = [1], strides = [1]} : vector<16xi32> to vector<1xi32>
      %squeeze3A_493 = vector.extract %slice3A_492[0] : i32 from vector<1xi32>
      %jit3A_494 = arith.constant 128 : i32
      %div3A_495 = arith.divsi %squeeze3A_493, %jit3A_494 : i32
      %sign3A_496 = arith.constant 0 : i32
      %sign3A_497 = arith.cmpi sgt, %squeeze3A_493, %sign3A_496 : i32
      %sign3A_498 = arith.extui %sign3A_497 : i1 to i32
      %sign3A_499 = arith.constant 0 : i32
      %sign3A_500 = arith.cmpi slt, %squeeze3A_493, %sign3A_499 : i32
      %sign3A_501 = arith.extui %sign3A_500 : i1 to i32
      %sign3A_502 = arith.subi %sign3A_498, %sign3A_501 : i32
      %sign3A_503 = arith.constant 0 : i32
      %sign3A_504 = arith.cmpi sgt, %jit3A_494, %sign3A_503 : i32
      %sign3A_505 = arith.extui %sign3A_504 : i1 to i32
      %sign3A_506 = arith.constant 0 : i32
      %sign3A_507 = arith.cmpi slt, %jit3A_494, %sign3A_506 : i32
      %sign3A_508 = arith.extui %sign3A_507 : i1 to i32
      %sign3A_509 = arith.subi %sign3A_505, %sign3A_508 : i32
      %ne3A_510 = arith.cmpi ne, %sign3A_502, %sign3A_509 : i32
      %rem3A_511 = arith.remsi %squeeze3A_493, %jit3A_494 : i32
      %ne3A_512 = arith.constant 0 : i32
      %ne3A_513 = arith.cmpi ne, %rem3A_511, %ne3A_512 : i32
      %and3A_514 = arith.andi %ne3A_510, %ne3A_513 : i1
      %sub3A_515 = arith.constant 1 : i32
      %sub3A_516 = arith.subi %div3A_495, %sub3A_515 : i32
      %select_n3A_517 = arith.select %and3A_514, %sub3A_516, %div3A_495 : i32
      %mul3A_518 = arith.constant 128 : i32
      %mul3A_519 = arith.muli %select_n3A_517, %mul3A_518 : i32
      %multiple_of3A_520 = tpu.assume_multiple %mul3A_519, 128 : i32
      %dma_start3A_521 = arith.constant 0 : i32
      %dma_start3A_522 = tpu.memref_slice %arg3[%dma_start3A_521, %multiple_of3A_520] : memref<32x1000000xf32, #tpu.memory_space<hbm>> -> memref<32x128xf32, #tpu.memory_space<hbm>>
      %dma_start3A_523 = arith.constant 0 : i32
      %dma_start3A_524 = tpu.memref_slice %arg3[%dma_start3A_523, %multiple_of3A_520] : memref<32x1000000xf32, #tpu.memory_space<hbm>> -> memref<32x128xf32, #tpu.memory_space<hbm>>
      tpu.enqueue_dma source(%dma_start3A_524 : memref<32x128xf32, #tpu.memory_space<hbm>>) target(%arg23 : memref<32x128xf32, #tpu.memory_space<vmem>>) target_semaphore(%arg39 : memref<!tpu.dma_semaphore, #tpu.memory_space<semaphore_mem>>)
      %add3A_525 = arith.constant 14 : i32
      %add3A_526 = arith.addi %mul3A_19, %add3A_525 : i32
      %get3A_527 = arith.index_cast %add3A_526 : i32 to index
      %get3A_528 = tpu.vector_load %arg6[%get3A_527] {strides = array<i32>} : memref<528xi32, #tpu.memory_space<vmem>>, vector<16xi32>,
      %slice3A_529 = vector.extract_strided_slice %get3A_528 {offsets = [0], sizes = [1], strides = [1]} : vector<16xi32> to vector<1xi32>
      %squeeze3A_530 = vector.extract %slice3A_529[0] : i32 from vector<1xi32>
      %jit3A_531 = arith.constant 128 : i32
      %div3A_532 = arith.divsi %squeeze3A_530, %jit3A_531 : i32
      %sign3A_533 = arith.constant 0 : i32
      %sign3A_534 = arith.cmpi sgt, %squeeze3A_530, %sign3A_533 : i32
      %sign3A_535 = arith.extui %sign3A_534 : i1 to i32
      %sign3A_536 = arith.constant 0 : i32
      %sign3A_537 = arith.cmpi slt, %squeeze3A_530, %sign3A_536 : i32
      %sign3A_538 = arith.extui %sign3A_537 : i1 to i32
      %sign3A_539 = arith.subi %sign3A_535, %sign3A_538 : i32
      %sign3A_540 = arith.constant 0 : i32
      %sign3A_541 = arith.cmpi sgt, %jit3A_531, %sign3A_540 : i32
      %sign3A_542 = arith.extui %sign3A_541 : i1 to i32
      %sign3A_543 = arith.constant 0 : i32
      %sign3A_544 = arith.cmpi slt, %jit3A_531, %sign3A_543 : i32
      %sign3A_545 = arith.extui %sign3A_544 : i1 to i32
      %sign3A_546 = arith.subi %sign3A_542, %sign3A_545 : i32
      %ne3A_547 = arith.cmpi ne, %sign3A_539, %sign3A_546 : i32
      %rem3A_548 = arith.remsi %squeeze3A_530, %jit3A_531 : i32
      %ne3A_549 = arith.constant 0 : i32
      %ne3A_550 = arith.cmpi ne, %rem3A_548, %ne3A_549 : i32
      %and3A_551 = arith.andi %ne3A_547, %ne3A_550 : i1
      %sub3A_552 = arith.constant 1 : i32
      %sub3A_553 = arith.subi %div3A_532, %sub3A_552 : i32
      %select_n3A_554 = arith.select %and3A_551, %sub3A_553, %div3A_532 : i32
      %mul3A_555 = arith.constant 128 : i32
      %mul3A_556 = arith.muli %select_n3A_554, %mul3A_555 : i32
      %multiple_of3A_557 = tpu.assume_multiple %mul3A_556, 128 : i32
      %dma_start3A_558 = arith.constant 0 : i32
      %dma_start3A_559 = tpu.memref_slice %arg3[%dma_start3A_558, %multiple_of3A_557] : memref<32x1000000xf32, #tpu.memory_space<hbm>> -> memref<32x128xf32, #tpu.memory_space<hbm>>
      %dma_start3A_560 = arith.constant 0 : i32
      %dma_start3A_561 = tpu.memref_slice %arg3[%dma_start3A_560, %multiple_of3A_557] : memref<32x1000000xf32, #tpu.memory_space<hbm>> -> memref<32x128xf32, #tpu.memory_space<hbm>>
      tpu.enqueue_dma source(%dma_start3A_561 : memref<32x128xf32, #tpu.memory_space<hbm>>) target(%arg24 : memref<32x128xf32, #tpu.memory_space<vmem>>) target_semaphore(%arg40 : memref<!tpu.dma_semaphore, #tpu.memory_space<semaphore_mem>>)
      %add3A_562 = arith.constant 15 : i32
      %add3A_563 = arith.addi %mul3A_19, %add3A_562 : i32
      %get3A_564 = arith.index_cast %add3A_563 : i32 to index
      %get3A_565 = tpu.vector_load %arg6[%get3A_564] {strides = array<i32>} : memref<528xi32, #tpu.memory_space<vmem>>, vector<16xi32>,
      %slice3A_566 = vector.extract_strided_slice %get3A_565 {offsets = [0], sizes = [1], strides = [1]} : vector<16xi32> to vector<1xi32>
      %squeeze3A_567 = vector.extract %slice3A_566[0] : i32 from vector<1xi32>
      %jit3A_568 = arith.constant 128 : i32
      %div3A_569 = arith.divsi %squeeze3A_567, %jit3A_568 : i32
      %sign3A_570 = arith.constant 0 : i32
      %sign3A_571 = arith.cmpi sgt, %squeeze3A_567, %sign3A_570 : i32
      %sign3A_572 = arith.extui %sign3A_571 : i1 to i32
      %sign3A_573 = arith.constant 0 : i32
      %sign3A_574 = arith.cmpi slt, %squeeze3A_567, %sign3A_573 : i32
      %sign3A_575 = arith.extui %sign3A_574 : i1 to i32
      %sign3A_576 = arith.subi %sign3A_572, %sign3A_575 : i32
      %sign3A_577 = arith.constant 0 : i32
      %sign3A_578 = arith.cmpi sgt, %jit3A_568, %sign3A_577 : i32
      %sign3A_579 = arith.extui %sign3A_578 : i1 to i32
      %sign3A_580 = arith.constant 0 : i32
      %sign3A_581 = arith.cmpi slt, %jit3A_568, %sign3A_580 : i32
      %sign3A_582 = arith.extui %sign3A_581 : i1 to i32
      %sign3A_583 = arith.subi %sign3A_579, %sign3A_582 : i32
      %ne3A_584 = arith.cmpi ne, %sign3A_576, %sign3A_583 : i32
      %rem3A_585 = arith.remsi %squeeze3A_567, %jit3A_568 : i32
      %ne3A_586 = arith.constant 0 : i32
      %ne3A_587 = arith.cmpi ne, %rem3A_585, %ne3A_586 : i32
      %and3A_588 = arith.andi %ne3A_584, %ne3A_587 : i1
      %sub3A_589 = arith.constant 1 : i32
      %sub3A_590 = arith.subi %div3A_569, %sub3A_589 : i32
      %select_n3A_591 = arith.select %and3A_588, %sub3A_590, %div3A_569 : i32
      %mul3A_592 = arith.constant 128 : i32
      %mul3A_593 = arith.muli %select_n3A_591, %mul3A_592 : i32
      %multiple_of3A_594 = tpu.assume_multiple %mul3A_593, 128 : i32
      %dma_start3A_595 = arith.constant 0 : i32
      %dma_start3A_596 = tpu.memref_slice %arg3[%dma_start3A_595, %multiple_of3A_594] : memref<32x1000000xf32, #tpu.memory_space<hbm>> -> memref<32x128xf32, #tpu.memory_space<hbm>>
      %dma_start3A_597 = arith.constant 0 : i32
      %dma_start3A_598 = tpu.memref_slice %arg3[%dma_start3A_597, %multiple_of3A_594] : memref<32x1000000xf32, #tpu.memory_space<hbm>> -> memref<32x128xf32, #tpu.memory_space<hbm>>
      tpu.enqueue_dma source(%dma_start3A_598 : memref<32x128xf32, #tpu.memory_space<hbm>>) target(%arg25 : memref<32x128xf32, #tpu.memory_space<vmem>>) target_semaphore(%arg41 : memref<!tpu.dma_semaphore, #tpu.memory_space<semaphore_mem>>)
      %dma_wait3A = arith.constant 0 : i32
      %dma_wait3A_599 = tpu.memref_slice %arg3[%dma_wait3A, %multiple_of3A] : memref<32x1000000xf32, #tpu.memory_space<hbm>> -> memref<32x128xf32, #tpu.memory_space<hbm>>
      %dma_wait3A_600 = arith.constant 0 : i32
      %dma_wait3A_601 = tpu.memref_slice %arg3[%dma_wait3A_600, %multiple_of3A] : memref<32x1000000xf32, #tpu.memory_space<hbm>> -> memref<32x128xf32, #tpu.memory_space<hbm>>
      tpu.wait_dma2 semaphore(%arg26 : memref<!tpu.dma_semaphore, #tpu.memory_space<semaphore_mem>>) src(%dma_wait3A_601 : memref<32x128xf32, #tpu.memory_space<hbm>>) dst(%arg10 : memref<32x128xf32, #tpu.memory_space<vmem>>)
      %add3A_602 = arith.constant 0 : i32
      %add3A_603 = arith.addi %mul3A_19, %add3A_602 : i32
      %get3A_604 = arith.index_cast %add3A_603 : i32 to index
      %get3A_605 = tpu.vector_load %arg6[%get3A_604] {strides = array<i32>} : memref<528xi32, #tpu.memory_space<vmem>>, vector<16xi32>,
      %slice3A_606 = vector.extract_strided_slice %get3A_605 {offsets = [0], sizes = [1], strides = [1]} : vector<16xi32> to vector<1xi32>
      %squeeze3A_607 = vector.extract %slice3A_606[0] : i32 from vector<1xi32>
      %jit3A_608 = arith.constant 128 : i32
      %eq3A = arith.constant 0 : i32
      %eq3A_609 = arith.cmpi eq, %jit3A_608, %eq3A : i32
      %jit3A_610 = arith.constant 1 : i32
      %select_n3A_611 = arith.select %eq3A_609, %jit3A_610, %jit3A_608 : i32
      %rem3A_612 = arith.remsi %squeeze3A_607, %select_n3A_611 : i32
      %ne3A_613 = arith.constant 0 : i32
      %ne3A_614 = arith.cmpi ne, %rem3A_612, %ne3A_613 : i32
      %lt3A = arith.constant 0 : i32
      %lt3A_615 = arith.cmpi slt, %rem3A_612, %lt3A : i32
      %lt3A_616 = arith.constant 0 : i32
      %lt3A_617 = arith.cmpi slt, %select_n3A_611, %lt3A_616 : i32
      %ne3A_618 = arith.xori %lt3A_615, %lt3A_617 : i1
      %and3A_619 = arith.andi %ne3A_618, %ne3A_614 : i1
      %add3A_620 = arith.addi %rem3A_612, %select_n3A_611 : i32
      %select_n3A_621 = arith.select %and3A_619, %add3A_620, %rem3A_612 : i32
      %broadcast_in_dim3A = vector.broadcast %select_n3A_621 : i32 to vector<16xi32>
      %gather3A = tpu.vector_load_idx %arg10[%iota3A, %broadcast_in_dim3A] : memref<32x128xf32, #tpu.memory_space<vmem>>[vector<16xi32>, vector<16xi32>], vector<16xf32>,
      %mul3A_622 = arith.constant 32 : i32
      %mul3A_623 = arith.muli %add3A_603, %mul3A_622 : i32
      %swap3A = arith.index_cast %mul3A_623 : i32 to index
      %swap3A_624 = tpu.vector_load %arg7[%swap3A] {strides = array<i32>} : memref<16384xf32, #tpu.memory_space<vmem>>, vector<16xf32>,
      tpu.vector_store %arg7[%swap3A], %gather3A {strides = array<i32>} : memref<16384xf32, #tpu.memory_space<vmem>>, vector<16xf32>,
      %add3A_625 = arith.constant 16 : i32
      %add3A_626 = vector.broadcast %add3A_625 : i32 to vector<16xi32>
      %add3A_627 = arith.addi %iota3A, %add3A_626 : vector<16xi32>
      %gather3A_628 = tpu.vector_load_idx %arg10[%add3A_627, %broadcast_in_dim3A] : memref<32x128xf32, #tpu.memory_space<vmem>>[vector<16xi32>, vector<16xi32>], vector<16xf32>,
      %mul3A_629 = arith.constant 32 : i32
      %mul3A_630 = arith.muli %add3A_603, %mul3A_629 : i32
      %add3A_631 = arith.constant 16 : i32
      %add3A_632 = arith.addi %mul3A_630, %add3A_631 : i32
      %swap3A_633 = arith.index_cast %add3A_632 : i32 to index
      %swap3A_634 = tpu.vector_load %arg7[%swap3A_633] {strides = array<i32>} : memref<16384xf32, #tpu.memory_space<vmem>>, vector<16xf32>,
      tpu.vector_store %arg7[%swap3A_633], %gather3A_628 {strides = array<i32>} : memref<16384xf32, #tpu.memory_space<vmem>>, vector<16xf32>,
      %dma_wait3A_635 = arith.constant 0 : i32
      %dma_wait3A_636 = tpu.memref_slice %arg3[%dma_wait3A_635, %multiple_of3A_76] : memref<32x1000000xf32, #tpu.memory_space<hbm>> -> memref<32x128xf32, #tpu.memory_space<hbm>>
      %dma_wait3A_637 = arith.constant 0 : i32
      %dma_wait3A_638 = tpu.memref_slice %arg3[%dma_wait3A_637, %multiple_of3A_76] : memref<32x1000000xf32, #tpu.memory_space<hbm>> -> memref<32x128xf32, #tpu.memory_space<hbm>>
      tpu.wait_dma2 semaphore(%arg27 : memref<!tpu.dma_semaphore, #tpu.memory_space<semaphore_mem>>) src(%dma_wait3A_638 : memref<32x128xf32, #tpu.memory_space<hbm>>) dst(%arg11 : memref<32x128xf32, #tpu.memory_space<vmem>>)
      %add3A_639 = arith.constant 1 : i32
      %add3A_640 = arith.addi %mul3A_19, %add3A_639 : i32
      %get3A_641 = arith.index_cast %add3A_640 : i32 to index
      %get3A_642 = tpu.vector_load %arg6[%get3A_641] {strides = array<i32>} : memref<528xi32, #tpu.memory_space<vmem>>, vector<16xi32>,
      %slice3A_643 = vector.extract_strided_slice %get3A_642 {offsets = [0], sizes = [1], strides = [1]} : vector<16xi32> to vector<1xi32>
      %squeeze3A_644 = vector.extract %slice3A_643[0] : i32 from vector<1xi32>
      %jit3A_645 = arith.constant 128 : i32
      %eq3A_646 = arith.constant 0 : i32
      %eq3A_647 = arith.cmpi eq, %jit3A_645, %eq3A_646 : i32
      %jit3A_648 = arith.constant 1 : i32
      %select_n3A_649 = arith.select %eq3A_647, %jit3A_648, %jit3A_645 : i32
      %rem3A_650 = arith.remsi %squeeze3A_644, %select_n3A_649 : i32
      %ne3A_651 = arith.constant 0 : i32
      %ne3A_652 = arith.cmpi ne, %rem3A_650, %ne3A_651 : i32
      %lt3A_653 = arith.constant 0 : i32
      %lt3A_654 = arith.cmpi slt, %rem3A_650, %lt3A_653 : i32
      %lt3A_655 = arith.constant 0 : i32
      %lt3A_656 = arith.cmpi slt, %select_n3A_649, %lt3A_655 : i32
      %ne3A_657 = arith.xori %lt3A_654, %lt3A_656 : i1
      %and3A_658 = arith.andi %ne3A_657, %ne3A_652 : i1
      %add3A_659 = arith.addi %rem3A_650, %select_n3A_649 : i32
      %select_n3A_660 = arith.select %and3A_658, %add3A_659, %rem3A_650 : i32
      %broadcast_in_dim3A_661 = vector.broadcast %select_n3A_660 : i32 to vector<16xi32>
      %gather3A_662 = tpu.vector_load_idx %arg11[%iota3A, %broadcast_in_dim3A_661] : memref<32x128xf32, #tpu.memory_space<vmem>>[vector<16xi32>, vector<16xi32>], vector<16xf32>,
      %mul3A_663 = arith.constant 32 : i32
      %mul3A_664 = arith.muli %add3A_640, %mul3A_663 : i32
      %swap3A_665 = arith.index_cast %mul3A_664 : i32 to index
      %swap3A_666 = tpu.vector_load %arg7[%swap3A_665] {strides = array<i32>} : memref<16384xf32, #tpu.memory_space<vmem>>, vector<16xf32>,
      tpu.vector_store %arg7[%swap3A_665], %gather3A_662 {strides = array<i32>} : memref<16384xf32, #tpu.memory_space<vmem>>, vector<16xf32>,
      %add3A_667 = arith.constant 16 : i32
      %add3A_668 = vector.broadcast %add3A_667 : i32 to vector<16xi32>
      %add3A_669 = arith.addi %iota3A, %add3A_668 : vector<16xi32>
      %gather3A_670 = tpu.vector_load_idx %arg11[%add3A_669, %broadcast_in_dim3A_661] : memref<32x128xf32, #tpu.memory_space<vmem>>[vector<16xi32>, vector<16xi32>], vector<16xf32>,
      %mul3A_671 = arith.constant 32 : i32
      %mul3A_672 = arith.muli %add3A_640, %mul3A_671 : i32
      %add3A_673 = arith.constant 16 : i32
      %add3A_674 = arith.addi %mul3A_672, %add3A_673 : i32
      %swap3A_675 = arith.index_cast %add3A_674 : i32 to index
      %swap3A_676 = tpu.vector_load %arg7[%swap3A_675] {strides = array<i32>} : memref<16384xf32, #tpu.memory_space<vmem>>, vector<16xf32>,
      tpu.vector_store %arg7[%swap3A_675], %gather3A_670 {strides = array<i32>} : memref<16384xf32, #tpu.memory_space<vmem>>, vector<16xf32>,
      %dma_wait3A_677 = arith.constant 0 : i32
      %dma_wait3A_678 = tpu.memref_slice %arg3[%dma_wait3A_677, %multiple_of3A_113] : memref<32x1000000xf32, #tpu.memory_space<hbm>> -> memref<32x128xf32, #tpu.memory_space<hbm>>
      %dma_wait3A_679 = arith.constant 0 : i32
      %dma_wait3A_680 = tpu.memref_slice %arg3[%dma_wait3A_679, %multiple_of3A_113] : memref<32x1000000xf32, #tpu.memory_space<hbm>> -> memref<32x128xf32, #tpu.memory_space<hbm>>
      tpu.wait_dma2 semaphore(%arg28 : memref<!tpu.dma_semaphore, #tpu.memory_space<semaphore_mem>>) src(%dma_wait3A_680 : memref<32x128xf32, #tpu.memory_space<hbm>>) dst(%arg12 : memref<32x128xf32, #tpu.memory_space<vmem>>)
      %add3A_681 = arith.constant 2 : i32
      %add3A_682 = arith.addi %mul3A_19, %add3A_681 : i32
      %get3A_683 = arith.index_cast %add3A_682 : i32 to index
      %get3A_684 = tpu.vector_load %arg6[%get3A_683] {strides = array<i32>} : memref<528xi32, #tpu.memory_space<vmem>>, vector<16xi32>,
      %slice3A_685 = vector.extract_strided_slice %get3A_684 {offsets = [0], sizes = [1], strides = [1]} : vector<16xi32> to vector<1xi32>
      %squeeze3A_686 = vector.extract %slice3A_685[0] : i32 from vector<1xi32>
      %jit3A_687 = arith.constant 128 : i32
      %eq3A_688 = arith.constant 0 : i32
      %eq3A_689 = arith.cmpi eq, %jit3A_687, %eq3A_688 : i32
      %jit3A_690 = arith.constant 1 : i32
      %select_n3A_691 = arith.select %eq3A_689, %jit3A_690, %jit3A_687 : i32
      %rem3A_692 = arith.remsi %squeeze3A_686, %select_n3A_691 : i32
      %ne3A_693 = arith.constant 0 : i32
      %ne3A_694 = arith.cmpi ne, %rem3A_692, %ne3A_693 : i32
      %lt3A_695 = arith.constant 0 : i32
      %lt3A_696 = arith.cmpi slt, %rem3A_692, %lt3A_695 : i32
      %lt3A_697 = arith.constant 0 : i32
      %lt3A_698 = arith.cmpi slt, %select_n3A_691, %lt3A_697 : i32
      %ne3A_699 = arith.xori %lt3A_696, %lt3A_698 : i1
      %and3A_700 = arith.andi %ne3A_699, %ne3A_694 : i1
      %add3A_701 = arith.addi %rem3A_692, %select_n3A_691 : i32
      %select_n3A_702 = arith.select %and3A_700, %add3A_701, %rem3A_692 : i32
      %broadcast_in_dim3A_703 = vector.broadcast %select_n3A_702 : i32 to vector<16xi32>
      %gather3A_704 = tpu.vector_load_idx %arg12[%iota3A, %broadcast_in_dim3A_703] : memref<32x128xf32, #tpu.memory_space<vmem>>[vector<16xi32>, vector<16xi32>], vector<16xf32>,
      %mul3A_705 = arith.constant 32 : i32
      %mul3A_706 = arith.muli %add3A_682, %mul3A_705 : i32
      %swap3A_707 = arith.index_cast %mul3A_706 : i32 to index
      %swap3A_708 = tpu.vector_load %arg7[%swap3A_707] {strides = array<i32>} : memref<16384xf32, #tpu.memory_space<vmem>>, vector<16xf32>,
      tpu.vector_store %arg7[%swap3A_707], %gather3A_704 {strides = array<i32>} : memref<16384xf32, #tpu.memory_space<vmem>>, vector<16xf32>,
      %add3A_709 = arith.constant 16 : i32
      %add3A_710 = vector.broadcast %add3A_709 : i32 to vector<16xi32>
      %add3A_711 = arith.addi %iota3A, %add3A_710 : vector<16xi32>
      %gather3A_712 = tpu.vector_load_idx %arg12[%add3A_711, %broadcast_in_dim3A_703] : memref<32x128xf32, #tpu.memory_space<vmem>>[vector<16xi32>, vector<16xi32>], vector<16xf32>,
      %mul3A_713 = arith.constant 32 : i32
      %mul3A_714 = arith.muli %add3A_682, %mul3A_713 : i32
      %add3A_715 = arith.constant 16 : i32
      %add3A_716 = arith.addi %mul3A_714, %add3A_715 : i32
      %swap3A_717 = arith.index_cast %add3A_716 : i32 to index
      %swap3A_718 = tpu.vector_load %arg7[%swap3A_717] {strides = array<i32>} : memref<16384xf32, #tpu.memory_space<vmem>>, vector<16xf32>,
      tpu.vector_store %arg7[%swap3A_717], %gather3A_712 {strides = array<i32>} : memref<16384xf32, #tpu.memory_space<vmem>>, vector<16xf32>,
      %dma_wait3A_719 = arith.constant 0 : i32
      %dma_wait3A_720 = tpu.memref_slice %arg3[%dma_wait3A_719, %multiple_of3A_150] : memref<32x1000000xf32, #tpu.memory_space<hbm>> -> memref<32x128xf32, #tpu.memory_space<hbm>>
      %dma_wait3A_721 = arith.constant 0 : i32
      %dma_wait3A_722 = tpu.memref_slice %arg3[%dma_wait3A_721, %multiple_of3A_150] : memref<32x1000000xf32, #tpu.memory_space<hbm>> -> memref<32x128xf32, #tpu.memory_space<hbm>>
      tpu.wait_dma2 semaphore(%arg29 : memref<!tpu.dma_semaphore, #tpu.memory_space<semaphore_mem>>) src(%dma_wait3A_722 : memref<32x128xf32, #tpu.memory_space<hbm>>) dst(%arg13 : memref<32x128xf32, #tpu.memory_space<vmem>>)
      %add3A_723 = arith.constant 3 : i32
      %add3A_724 = arith.addi %mul3A_19, %add3A_723 : i32
      %get3A_725 = arith.index_cast %add3A_724 : i32 to index
      %get3A_726 = tpu.vector_load %arg6[%get3A_725] {strides = array<i32>} : memref<528xi32, #tpu.memory_space<vmem>>, vector<16xi32>,
      %slice3A_727 = vector.extract_strided_slice %get3A_726 {offsets = [0], sizes = [1], strides = [1]} : vector<16xi32> to vector<1xi32>
      %squeeze3A_728 = vector.extract %slice3A_727[0] : i32 from vector<1xi32>
      %jit3A_729 = arith.constant 128 : i32
      %eq3A_730 = arith.constant 0 : i32
      %eq3A_731 = arith.cmpi eq, %jit3A_729, %eq3A_730 : i32
      %jit3A_732 = arith.constant 1 : i32
      %select_n3A_733 = arith.select %eq3A_731, %jit3A_732, %jit3A_729 : i32
      %rem3A_734 = arith.remsi %squeeze3A_728, %select_n3A_733 : i32
      %ne3A_735 = arith.constant 0 : i32
      %ne3A_736 = arith.cmpi ne, %rem3A_734, %ne3A_735 : i32
      %lt3A_737 = arith.constant 0 : i32
      %lt3A_738 = arith.cmpi slt, %rem3A_734, %lt3A_737 : i32
      %lt3A_739 = arith.constant 0 : i32
      %lt3A_740 = arith.cmpi slt, %select_n3A_733, %lt3A_739 : i32
      %ne3A_741 = arith.xori %lt3A_738, %lt3A_740 : i1
      %and3A_742 = arith.andi %ne3A_741, %ne3A_736 : i1
      %add3A_743 = arith.addi %rem3A_734, %select_n3A_733 : i32
      %select_n3A_744 = arith.select %and3A_742, %add3A_743, %rem3A_734 : i32
      %broadcast_in_dim3A_745 = vector.broadcast %select_n3A_744 : i32 to vector<16xi32>
      %gather3A_746 = tpu.vector_load_idx %arg13[%iota3A, %broadcast_in_dim3A_745] : memref<32x128xf32, #tpu.memory_space<vmem>>[vector<16xi32>, vector<16xi32>], vector<16xf32>,
      %mul3A_747 = arith.constant 32 : i32
      %mul3A_748 = arith.muli %add3A_724, %mul3A_747 : i32
      %swap3A_749 = arith.index_cast %mul3A_748 : i32 to index
      %swap3A_750 = tpu.vector_load %arg7[%swap3A_749] {strides = array<i32>} : memref<16384xf32, #tpu.memory_space<vmem>>, vector<16xf32>,
      tpu.vector_store %arg7[%swap3A_749], %gather3A_746 {strides = array<i32>} : memref<16384xf32, #tpu.memory_space<vmem>>, vector<16xf32>,
      %add3A_751 = arith.constant 16 : i32
      %add3A_752 = vector.broadcast %add3A_751 : i32 to vector<16xi32>
      %add3A_753 = arith.addi %iota3A, %add3A_752 : vector<16xi32>
      %gather3A_754 = tpu.vector_load_idx %arg13[%add3A_753, %broadcast_in_dim3A_745] : memref<32x128xf32, #tpu.memory_space<vmem>>[vector<16xi32>, vector<16xi32>], vector<16xf32>,
      %mul3A_755 = arith.constant 32 : i32
      %mul3A_756 = arith.muli %add3A_724, %mul3A_755 : i32
      %add3A_757 = arith.constant 16 : i32
      %add3A_758 = arith.addi %mul3A_756, %add3A_757 : i32
      %swap3A_759 = arith.index_cast %add3A_758 : i32 to index
      %swap3A_760 = tpu.vector_load %arg7[%swap3A_759] {strides = array<i32>} : memref<16384xf32, #tpu.memory_space<vmem>>, vector<16xf32>,
      tpu.vector_store %arg7[%swap3A_759], %gather3A_754 {strides = array<i32>} : memref<16384xf32, #tpu.memory_space<vmem>>, vector<16xf32>,
      %dma_wait3A_761 = arith.constant 0 : i32
      %dma_wait3A_762 = tpu.memref_slice %arg3[%dma_wait3A_761, %multiple_of3A_187] : memref<32x1000000xf32, #tpu.memory_space<hbm>> -> memref<32x128xf32, #tpu.memory_space<hbm>>
      %dma_wait3A_763 = arith.constant 0 : i32
      %dma_wait3A_764 = tpu.memref_slice %arg3[%dma_wait3A_763, %multiple_of3A_187] : memref<32x1000000xf32, #tpu.memory_space<hbm>> -> memref<32x128xf32, #tpu.memory_space<hbm>>
      tpu.wait_dma2 semaphore(%arg30 : memref<!tpu.dma_semaphore, #tpu.memory_space<semaphore_mem>>) src(%dma_wait3A_764 : memref<32x128xf32, #tpu.memory_space<hbm>>) dst(%arg14 : memref<32x128xf32, #tpu.memory_space<vmem>>)
      %add3A_765 = arith.constant 4 : i32
      %add3A_766 = arith.addi %mul3A_19, %add3A_765 : i32
      %get3A_767 = arith.index_cast %add3A_766 : i32 to index
      %get3A_768 = tpu.vector_load %arg6[%get3A_767] {strides = array<i32>} : memref<528xi32, #tpu.memory_space<vmem>>, vector<16xi32>,
      %slice3A_769 = vector.extract_strided_slice %get3A_768 {offsets = [0], sizes = [1], strides = [1]} : vector<16xi32> to vector<1xi32>
      %squeeze3A_770 = vector.extract %slice3A_769[0] : i32 from vector<1xi32>
      %jit3A_771 = arith.constant 128 : i32
      %eq3A_772 = arith.constant 0 : i32
      %eq3A_773 = arith.cmpi eq, %jit3A_771, %eq3A_772 : i32
      %jit3A_774 = arith.constant 1 : i32
      %select_n3A_775 = arith.select %eq3A_773, %jit3A_774, %jit3A_771 : i32
      %rem3A_776 = arith.remsi %squeeze3A_770, %select_n3A_775 : i32
      %ne3A_777 = arith.constant 0 : i32
      %ne3A_778 = arith.cmpi ne, %rem3A_776, %ne3A_777 : i32
      %lt3A_779 = arith.constant 0 : i32
      %lt3A_780 = arith.cmpi slt, %rem3A_776, %lt3A_779 : i32
      %lt3A_781 = arith.constant 0 : i32
      %lt3A_782 = arith.cmpi slt, %select_n3A_775, %lt3A_781 : i32
      %ne3A_783 = arith.xori %lt3A_780, %lt3A_782 : i1
      %and3A_784 = arith.andi %ne3A_783, %ne3A_778 : i1
      %add3A_785 = arith.addi %rem3A_776, %select_n3A_775 : i32
      %select_n3A_786 = arith.select %and3A_784, %add3A_785, %rem3A_776 : i32
      %broadcast_in_dim3A_787 = vector.broadcast %select_n3A_786 : i32 to vector<16xi32>
      %gather3A_788 = tpu.vector_load_idx %arg14[%iota3A, %broadcast_in_dim3A_787] : memref<32x128xf32, #tpu.memory_space<vmem>>[vector<16xi32>, vector<16xi32>], vector<16xf32>,
      %mul3A_789 = arith.constant 32 : i32
      %mul3A_790 = arith.muli %add3A_766, %mul3A_789 : i32
      %swap3A_791 = arith.index_cast %mul3A_790 : i32 to index
      %swap3A_792 = tpu.vector_load %arg7[%swap3A_791] {strides = array<i32>} : memref<16384xf32, #tpu.memory_space<vmem>>, vector<16xf32>,
      tpu.vector_store %arg7[%swap3A_791], %gather3A_788 {strides = array<i32>} : memref<16384xf32, #tpu.memory_space<vmem>>, vector<16xf32>,
      %add3A_793 = arith.constant 16 : i32
      %add3A_794 = vector.broadcast %add3A_793 : i32 to vector<16xi32>
      %add3A_795 = arith.addi %iota3A, %add3A_794 : vector<16xi32>
      %gather3A_796 = tpu.vector_load_idx %arg14[%add3A_795, %broadcast_in_dim3A_787] : memref<32x128xf32, #tpu.memory_space<vmem>>[vector<16xi32>, vector<16xi32>], vector<16xf32>,
      %mul3A_797 = arith.constant 32 : i32
      %mul3A_798 = arith.muli %add3A_766, %mul3A_797 : i32
      %add3A_799 = arith.constant 16 : i32
      %add3A_800 = arith.addi %mul3A_798, %add3A_799 : i32
      %swap3A_801 = arith.index_cast %add3A_800 : i32 to index
      %swap3A_802 = tpu.vector_load %arg7[%swap3A_801] {strides = array<i32>} : memref<16384xf32, #tpu.memory_space<vmem>>, vector<16xf32>,
      tpu.vector_store %arg7[%swap3A_801], %gather3A_796 {strides = array<i32>} : memref<16384xf32, #tpu.memory_space<vmem>>, vector<16xf32>,
      %dma_wait3A_803 = arith.constant 0 : i32
      %dma_wait3A_804 = tpu.memref_slice %arg3[%dma_wait3A_803, %multiple_of3A_224] : memref<32x1000000xf32, #tpu.memory_space<hbm>> -> memref<32x128xf32, #tpu.memory_space<hbm>>
      %dma_wait3A_805 = arith.constant 0 : i32
      %dma_wait3A_806 = tpu.memref_slice %arg3[%dma_wait3A_805, %multiple_of3A_224] : memref<32x1000000xf32, #tpu.memory_space<hbm>> -> memref<32x128xf32, #tpu.memory_space<hbm>>
      tpu.wait_dma2 semaphore(%arg31 : memref<!tpu.dma_semaphore, #tpu.memory_space<semaphore_mem>>) src(%dma_wait3A_806 : memref<32x128xf32, #tpu.memory_space<hbm>>) dst(%arg15 : memref<32x128xf32, #tpu.memory_space<vmem>>)
      %add3A_807 = arith.constant 5 : i32
      %add3A_808 = arith.addi %mul3A_19, %add3A_807 : i32
      %get3A_809 = arith.index_cast %add3A_808 : i32 to index
      %get3A_810 = tpu.vector_load %arg6[%get3A_809] {strides = array<i32>} : memref<528xi32, #tpu.memory_space<vmem>>, vector<16xi32>,
      %slice3A_811 = vector.extract_strided_slice %get3A_810 {offsets = [0], sizes = [1], strides = [1]} : vector<16xi32> to vector<1xi32>
      %squeeze3A_812 = vector.extract %slice3A_811[0] : i32 from vector<1xi32>
      %jit3A_813 = arith.constant 128 : i32
      %eq3A_814 = arith.constant 0 : i32
      %eq3A_815 = arith.cmpi eq, %jit3A_813, %eq3A_814 : i32
      %jit3A_816 = arith.constant 1 : i32
      %select_n3A_817 = arith.select %eq3A_815, %jit3A_816, %jit3A_813 : i32
      %rem3A_818 = arith.remsi %squeeze3A_812, %select_n3A_817 : i32
      %ne3A_819 = arith.constant 0 : i32
      %ne3A_820 = arith.cmpi ne, %rem3A_818, %ne3A_819 : i32
      %lt3A_821 = arith.constant 0 : i32
      %lt3A_822 = arith.cmpi slt, %rem3A_818, %lt3A_821 : i32
      %lt3A_823 = arith.constant 0 : i32
      %lt3A_824 = arith.cmpi slt, %select_n3A_817, %lt3A_823 : i32
      %ne3A_825 = arith.xori %lt3A_822, %lt3A_824 : i1
      %and3A_826 = arith.andi %ne3A_825, %ne3A_820 : i1
      %add3A_827 = arith.addi %rem3A_818, %select_n3A_817 : i32
      %select_n3A_828 = arith.select %and3A_826, %add3A_827, %rem3A_818 : i32
      %broadcast_in_dim3A_829 = vector.broadcast %select_n3A_828 : i32 to vector<16xi32>
      %gather3A_830 = tpu.vector_load_idx %arg15[%iota3A, %broadcast_in_dim3A_829] : memref<32x128xf32, #tpu.memory_space<vmem>>[vector<16xi32>, vector<16xi32>], vector<16xf32>,
      %mul3A_831 = arith.constant 32 : i32
      %mul3A_832 = arith.muli %add3A_808, %mul3A_831 : i32
      %swap3A_833 = arith.index_cast %mul3A_832 : i32 to index
      %swap3A_834 = tpu.vector_load %arg7[%swap3A_833] {strides = array<i32>} : memref<16384xf32, #tpu.memory_space<vmem>>, vector<16xf32>,
      tpu.vector_store %arg7[%swap3A_833], %gather3A_830 {strides = array<i32>} : memref<16384xf32, #tpu.memory_space<vmem>>, vector<16xf32>,
      %add3A_835 = arith.constant 16 : i32
      %add3A_836 = vector.broadcast %add3A_835 : i32 to vector<16xi32>
      %add3A_837 = arith.addi %iota3A, %add3A_836 : vector<16xi32>
      %gather3A_838 = tpu.vector_load_idx %arg15[%add3A_837, %broadcast_in_dim3A_829] : memref<32x128xf32, #tpu.memory_space<vmem>>[vector<16xi32>, vector<16xi32>], vector<16xf32>,
      %mul3A_839 = arith.constant 32 : i32
      %mul3A_840 = arith.muli %add3A_808, %mul3A_839 : i32
      %add3A_841 = arith.constant 16 : i32
      %add3A_842 = arith.addi %mul3A_840, %add3A_841 : i32
      %swap3A_843 = arith.index_cast %add3A_842 : i32 to index
      %swap3A_844 = tpu.vector_load %arg7[%swap3A_843] {strides = array<i32>} : memref<16384xf32, #tpu.memory_space<vmem>>, vector<16xf32>,
      tpu.vector_store %arg7[%swap3A_843], %gather3A_838 {strides = array<i32>} : memref<16384xf32, #tpu.memory_space<vmem>>, vector<16xf32>,
      %dma_wait3A_845 = arith.constant 0 : i32
      %dma_wait3A_846 = tpu.memref_slice %arg3[%dma_wait3A_845, %multiple_of3A_261] : memref<32x1000000xf32, #tpu.memory_space<hbm>> -> memref<32x128xf32, #tpu.memory_space<hbm>>
      %dma_wait3A_847 = arith.constant 0 : i32
      %dma_wait3A_848 = tpu.memref_slice %arg3[%dma_wait3A_847, %multiple_of3A_261] : memref<32x1000000xf32, #tpu.memory_space<hbm>> -> memref<32x128xf32, #tpu.memory_space<hbm>>
      tpu.wait_dma2 semaphore(%arg32 : memref<!tpu.dma_semaphore, #tpu.memory_space<semaphore_mem>>) src(%dma_wait3A_848 : memref<32x128xf32, #tpu.memory_space<hbm>>) dst(%arg16 : memref<32x128xf32, #tpu.memory_space<vmem>>)
      %add3A_849 = arith.constant 6 : i32
      %add3A_850 = arith.addi %mul3A_19, %add3A_849 : i32
      %get3A_851 = arith.index_cast %add3A_850 : i32 to index
      %get3A_852 = tpu.vector_load %arg6[%get3A_851] {strides = array<i32>} : memref<528xi32, #tpu.memory_space<vmem>>, vector<16xi32>,
      %slice3A_853 = vector.extract_strided_slice %get3A_852 {offsets = [0], sizes = [1], strides = [1]} : vector<16xi32> to vector<1xi32>
      %squeeze3A_854 = vector.extract %slice3A_853[0] : i32 from vector<1xi32>
      %jit3A_855 = arith.constant 128 : i32
      %eq3A_856 = arith.constant 0 : i32
      %eq3A_857 = arith.cmpi eq, %jit3A_855, %eq3A_856 : i32
      %jit3A_858 = arith.constant 1 : i32
      %select_n3A_859 = arith.select %eq3A_857, %jit3A_858, %jit3A_855 : i32
      %rem3A_860 = arith.remsi %squeeze3A_854, %select_n3A_859 : i32
      %ne3A_861 = arith.constant 0 : i32
      %ne3A_862 = arith.cmpi ne, %rem3A_860, %ne3A_861 : i32
      %lt3A_863 = arith.constant 0 : i32
      %lt3A_864 = arith.cmpi slt, %rem3A_860, %lt3A_863 : i32
      %lt3A_865 = arith.constant 0 : i32
      %lt3A_866 = arith.cmpi slt, %select_n3A_859, %lt3A_865 : i32
      %ne3A_867 = arith.xori %lt3A_864, %lt3A_866 : i1
      %and3A_868 = arith.andi %ne3A_867, %ne3A_862 : i1
      %add3A_869 = arith.addi %rem3A_860, %select_n3A_859 : i32
      %select_n3A_870 = arith.select %and3A_868, %add3A_869, %rem3A_860 : i32
      %broadcast_in_dim3A_871 = vector.broadcast %select_n3A_870 : i32 to vector<16xi32>
      %gather3A_872 = tpu.vector_load_idx %arg16[%iota3A, %broadcast_in_dim3A_871] : memref<32x128xf32, #tpu.memory_space<vmem>>[vector<16xi32>, vector<16xi32>], vector<16xf32>,
      %mul3A_873 = arith.constant 32 : i32
      %mul3A_874 = arith.muli %add3A_850, %mul3A_873 : i32
      %swap3A_875 = arith.index_cast %mul3A_874 : i32 to index
      %swap3A_876 = tpu.vector_load %arg7[%swap3A_875] {strides = array<i32>} : memref<16384xf32, #tpu.memory_space<vmem>>, vector<16xf32>,
      tpu.vector_store %arg7[%swap3A_875], %gather3A_872 {strides = array<i32>} : memref<16384xf32, #tpu.memory_space<vmem>>, vector<16xf32>,
      %add3A_877 = arith.constant 16 : i32
      %add3A_878 = vector.broadcast %add3A_877 : i32 to vector<16xi32>
      %add3A_879 = arith.addi %iota3A, %add3A_878 : vector<16xi32>
      %gather3A_880 = tpu.vector_load_idx %arg16[%add3A_879, %broadcast_in_dim3A_871] : memref<32x128xf32, #tpu.memory_space<vmem>>[vector<16xi32>, vector<16xi32>], vector<16xf32>,
      %mul3A_881 = arith.constant 32 : i32
      %mul3A_882 = arith.muli %add3A_850, %mul3A_881 : i32
      %add3A_883 = arith.constant 16 : i32
      %add3A_884 = arith.addi %mul3A_882, %add3A_883 : i32
      %swap3A_885 = arith.index_cast %add3A_884 : i32 to index
      %swap3A_886 = tpu.vector_load %arg7[%swap3A_885] {strides = array<i32>} : memref<16384xf32, #tpu.memory_space<vmem>>, vector<16xf32>,
      tpu.vector_store %arg7[%swap3A_885], %gather3A_880 {strides = array<i32>} : memref<16384xf32, #tpu.memory_space<vmem>>, vector<16xf32>,
      %dma_wait3A_887 = arith.constant 0 : i32
      %dma_wait3A_888 = tpu.memref_slice %arg3[%dma_wait3A_887, %multiple_of3A_298] : memref<32x1000000xf32, #tpu.memory_space<hbm>> -> memref<32x128xf32, #tpu.memory_space<hbm>>
      %dma_wait3A_889 = arith.constant 0 : i32
      %dma_wait3A_890 = tpu.memref_slice %arg3[%dma_wait3A_889, %multiple_of3A_298] : memref<32x1000000xf32, #tpu.memory_space<hbm>> -> memref<32x128xf32, #tpu.memory_space<hbm>>
      tpu.wait_dma2 semaphore(%arg33 : memref<!tpu.dma_semaphore, #tpu.memory_space<semaphore_mem>>) src(%dma_wait3A_890 : memref<32x128xf32, #tpu.memory_space<hbm>>) dst(%arg17 : memref<32x128xf32, #tpu.memory_space<vmem>>)
      %add3A_891 = arith.constant 7 : i32
      %add3A_892 = arith.addi %mul3A_19, %add3A_891 : i32
      %get3A_893 = arith.index_cast %add3A_892 : i32 to index
      %get3A_894 = tpu.vector_load %arg6[%get3A_893] {strides = array<i32>} : memref<528xi32, #tpu.memory_space<vmem>>, vector<16xi32>,
      %slice3A_895 = vector.extract_strided_slice %get3A_894 {offsets = [0], sizes = [1], strides = [1]} : vector<16xi32> to vector<1xi32>
      %squeeze3A_896 = vector.extract %slice3A_895[0] : i32 from vector<1xi32>
      %jit3A_897 = arith.constant 128 : i32
      %eq3A_898 = arith.constant 0 : i32
      %eq3A_899 = arith.cmpi eq, %jit3A_897, %eq3A_898 : i32
      %jit3A_900 = arith.constant 1 : i32
      %select_n3A_901 = arith.select %eq3A_899, %jit3A_900, %jit3A_897 : i32
      %rem3A_902 = arith.remsi %squeeze3A_896, %select_n3A_901 : i32
      %ne3A_903 = arith.constant 0 : i32
      %ne3A_904 = arith.cmpi ne, %rem3A_902, %ne3A_903 : i32
      %lt3A_905 = arith.constant 0 : i32
      %lt3A_906 = arith.cmpi slt, %rem3A_902, %lt3A_905 : i32
      %lt3A_907 = arith.constant 0 : i32
      %lt3A_908 = arith.cmpi slt, %select_n3A_901, %lt3A_907 : i32
      %ne3A_909 = arith.xori %lt3A_906, %lt3A_908 : i1
      %and3A_910 = arith.andi %ne3A_909, %ne3A_904 : i1
      %add3A_911 = arith.addi %rem3A_902, %select_n3A_901 : i32
      %select_n3A_912 = arith.select %and3A_910, %add3A_911, %rem3A_902 : i32
      %broadcast_in_dim3A_913 = vector.broadcast %select_n3A_912 : i32 to vector<16xi32>
      %gather3A_914 = tpu.vector_load_idx %arg17[%iota3A, %broadcast_in_dim3A_913] : memref<32x128xf32, #tpu.memory_space<vmem>>[vector<16xi32>, vector<16xi32>], vector<16xf32>,
      %mul3A_915 = arith.constant 32 : i32
      %mul3A_916 = arith.muli %add3A_892, %mul3A_915 : i32
      %swap3A_917 = arith.index_cast %mul3A_916 : i32 to index
      %swap3A_918 = tpu.vector_load %arg7[%swap3A_917] {strides = array<i32>} : memref<16384xf32, #tpu.memory_space<vmem>>, vector<16xf32>,
      tpu.vector_store %arg7[%swap3A_917], %gather3A_914 {strides = array<i32>} : memref<16384xf32, #tpu.memory_space<vmem>>, vector<16xf32>,
      %add3A_919 = arith.constant 16 : i32
      %add3A_920 = vector.broadcast %add3A_919 : i32 to vector<16xi32>
      %add3A_921 = arith.addi %iota3A, %add3A_920 : vector<16xi32>
      %gather3A_922 = tpu.vector_load_idx %arg17[%add3A_921, %broadcast_in_dim3A_913] : memref<32x128xf32, #tpu.memory_space<vmem>>[vector<16xi32>, vector<16xi32>], vector<16xf32>,
      %mul3A_923 = arith.constant 32 : i32
      %mul3A_924 = arith.muli %add3A_892, %mul3A_923 : i32
      %add3A_925 = arith.constant 16 : i32
      %add3A_926 = arith.addi %mul3A_924, %add3A_925 : i32
      %swap3A_927 = arith.index_cast %add3A_926 : i32 to index
      %swap3A_928 = tpu.vector_load %arg7[%swap3A_927] {strides = array<i32>} : memref<16384xf32, #tpu.memory_space<vmem>>, vector<16xf32>,
      tpu.vector_store %arg7[%swap3A_927], %gather3A_922 {strides = array<i32>} : memref<16384xf32, #tpu.memory_space<vmem>>, vector<16xf32>,
      %dma_wait3A_929 = arith.constant 0 : i32
      %dma_wait3A_930 = tpu.memref_slice %arg3[%dma_wait3A_929, %multiple_of3A_335] : memref<32x1000000xf32, #tpu.memory_space<hbm>> -> memref<32x128xf32, #tpu.memory_space<hbm>>
      %dma_wait3A_931 = arith.constant 0 : i32
      %dma_wait3A_932 = tpu.memref_slice %arg3[%dma_wait3A_931, %multiple_of3A_335] : memref<32x1000000xf32, #tpu.memory_space<hbm>> -> memref<32x128xf32, #tpu.memory_space<hbm>>
      tpu.wait_dma2 semaphore(%arg34 : memref<!tpu.dma_semaphore, #tpu.memory_space<semaphore_mem>>) src(%dma_wait3A_932 : memref<32x128xf32, #tpu.memory_space<hbm>>) dst(%arg18 : memref<32x128xf32, #tpu.memory_space<vmem>>)
      %add3A_933 = arith.constant 8 : i32
      %add3A_934 = arith.addi %mul3A_19, %add3A_933 : i32
      %get3A_935 = arith.index_cast %add3A_934 : i32 to index
      %get3A_936 = tpu.vector_load %arg6[%get3A_935] {strides = array<i32>} : memref<528xi32, #tpu.memory_space<vmem>>, vector<16xi32>,
      %slice3A_937 = vector.extract_strided_slice %get3A_936 {offsets = [0], sizes = [1], strides = [1]} : vector<16xi32> to vector<1xi32>
      %squeeze3A_938 = vector.extract %slice3A_937[0] : i32 from vector<1xi32>
      %jit3A_939 = arith.constant 128 : i32
      %eq3A_940 = arith.constant 0 : i32
      %eq3A_941 = arith.cmpi eq, %jit3A_939, %eq3A_940 : i32
      %jit3A_942 = arith.constant 1 : i32
      %select_n3A_943 = arith.select %eq3A_941, %jit3A_942, %jit3A_939 : i32
      %rem3A_944 = arith.remsi %squeeze3A_938, %select_n3A_943 : i32
      %ne3A_945 = arith.constant 0 : i32
      %ne3A_946 = arith.cmpi ne, %rem3A_944, %ne3A_945 : i32
      %lt3A_947 = arith.constant 0 : i32
      %lt3A_948 = arith.cmpi slt, %rem3A_944, %lt3A_947 : i32
      %lt3A_949 = arith.constant 0 : i32
      %lt3A_950 = arith.cmpi slt, %select_n3A_943, %lt3A_949 : i32
      %ne3A_951 = arith.xori %lt3A_948, %lt3A_950 : i1
      %and3A_952 = arith.andi %ne3A_951, %ne3A_946 : i1
      %add3A_953 = arith.addi %rem3A_944, %select_n3A_943 : i32
      %select_n3A_954 = arith.select %and3A_952, %add3A_953, %rem3A_944 : i32
      %broadcast_in_dim3A_955 = vector.broadcast %select_n3A_954 : i32 to vector<16xi32>
      %gather3A_956 = tpu.vector_load_idx %arg18[%iota3A, %broadcast_in_dim3A_955] : memref<32x128xf32, #tpu.memory_space<vmem>>[vector<16xi32>, vector<16xi32>], vector<16xf32>,
      %mul3A_957 = arith.constant 32 : i32
      %mul3A_958 = arith.muli %add3A_934, %mul3A_957 : i32
      %swap3A_959 = arith.index_cast %mul3A_958 : i32 to index
      %swap3A_960 = tpu.vector_load %arg7[%swap3A_959] {strides = array<i32>} : memref<16384xf32, #tpu.memory_space<vmem>>, vector<16xf32>,
      tpu.vector_store %arg7[%swap3A_959], %gather3A_956 {strides = array<i32>} : memref<16384xf32, #tpu.memory_space<vmem>>, vector<16xf32>,
      %add3A_961 = arith.constant 16 : i32
      %add3A_962 = vector.broadcast %add3A_961 : i32 to vector<16xi32>
      %add3A_963 = arith.addi %iota3A, %add3A_962 : vector<16xi32>
      %gather3A_964 = tpu.vector_load_idx %arg18[%add3A_963, %broadcast_in_dim3A_955] : memref<32x128xf32, #tpu.memory_space<vmem>>[vector<16xi32>, vector<16xi32>], vector<16xf32>,
      %mul3A_965 = arith.constant 32 : i32
      %mul3A_966 = arith.muli %add3A_934, %mul3A_965 : i32
      %add3A_967 = arith.constant 16 : i32
      %add3A_968 = arith.addi %mul3A_966, %add3A_967 : i32
      %swap3A_969 = arith.index_cast %add3A_968 : i32 to index
      %swap3A_970 = tpu.vector_load %arg7[%swap3A_969] {strides = array<i32>} : memref<16384xf32, #tpu.memory_space<vmem>>, vector<16xf32>,
      tpu.vector_store %arg7[%swap3A_969], %gather3A_964 {strides = array<i32>} : memref<16384xf32, #tpu.memory_space<vmem>>, vector<16xf32>,
      %dma_wait3A_971 = arith.constant 0 : i32
      %dma_wait3A_972 = tpu.memref_slice %arg3[%dma_wait3A_971, %multiple_of3A_372] : memref<32x1000000xf32, #tpu.memory_space<hbm>> -> memref<32x128xf32, #tpu.memory_space<hbm>>
      %dma_wait3A_973 = arith.constant 0 : i32
      %dma_wait3A_974 = tpu.memref_slice %arg3[%dma_wait3A_973, %multiple_of3A_372] : memref<32x1000000xf32, #tpu.memory_space<hbm>> -> memref<32x128xf32, #tpu.memory_space<hbm>>
      tpu.wait_dma2 semaphore(%arg35 : memref<!tpu.dma_semaphore, #tpu.memory_space<semaphore_mem>>) src(%dma_wait3A_974 : memref<32x128xf32, #tpu.memory_space<hbm>>) dst(%arg19 : memref<32x128xf32, #tpu.memory_space<vmem>>)
      %add3A_975 = arith.constant 9 : i32
      %add3A_976 = arith.addi %mul3A_19, %add3A_975 : i32
      %get3A_977 = arith.index_cast %add3A_976 : i32 to index
      %get3A_978 = tpu.vector_load %arg6[%get3A_977] {strides = array<i32>} : memref<528xi32, #tpu.memory_space<vmem>>, vector<16xi32>,
      %slice3A_979 = vector.extract_strided_slice %get3A_978 {offsets = [0], sizes = [1], strides = [1]} : vector<16xi32> to vector<1xi32>
      %squeeze3A_980 = vector.extract %slice3A_979[0] : i32 from vector<1xi32>
      %jit3A_981 = arith.constant 128 : i32
      %eq3A_982 = arith.constant 0 : i32
      %eq3A_983 = arith.cmpi eq, %jit3A_981, %eq3A_982 : i32
      %jit3A_984 = arith.constant 1 : i32
      %select_n3A_985 = arith.select %eq3A_983, %jit3A_984, %jit3A_981 : i32
      %rem3A_986 = arith.remsi %squeeze3A_980, %select_n3A_985 : i32
      %ne3A_987 = arith.constant 0 : i32
      %ne3A_988 = arith.cmpi ne, %rem3A_986, %ne3A_987 : i32
      %lt3A_989 = arith.constant 0 : i32
      %lt3A_990 = arith.cmpi slt, %rem3A_986, %lt3A_989 : i32
      %lt3A_991 = arith.constant 0 : i32
      %lt3A_992 = arith.cmpi slt, %select_n3A_985, %lt3A_991 : i32
      %ne3A_993 = arith.xori %lt3A_990, %lt3A_992 : i1
      %and3A_994 = arith.andi %ne3A_993, %ne3A_988 : i1
      %add3A_995 = arith.addi %rem3A_986, %select_n3A_985 : i32
      %select_n3A_996 = arith.select %and3A_994, %add3A_995, %rem3A_986 : i32
      %broadcast_in_dim3A_997 = vector.broadcast %select_n3A_996 : i32 to vector<16xi32>
      %gather3A_998 = tpu.vector_load_idx %arg19[%iota3A, %broadcast_in_dim3A_997] : memref<32x128xf32, #tpu.memory_space<vmem>>[vector<16xi32>, vector<16xi32>], vector<16xf32>,
      %mul3A_999 = arith.constant 32 : i32
      %mul3A_1000 = arith.muli %add3A_976, %mul3A_999 : i32
      %swap3A_1001 = arith.index_cast %mul3A_1000 : i32 to index
      %swap3A_1002 = tpu.vector_load %arg7[%swap3A_1001] {strides = array<i32>} : memref<16384xf32, #tpu.memory_space<vmem>>, vector<16xf32>,
      tpu.vector_store %arg7[%swap3A_1001], %gather3A_998 {strides = array<i32>} : memref<16384xf32, #tpu.memory_space<vmem>>, vector<16xf32>,
      %add3A_1003 = arith.constant 16 : i32
      %add3A_1004 = vector.broadcast %add3A_1003 : i32 to vector<16xi32>
      %add3A_1005 = arith.addi %iota3A, %add3A_1004 : vector<16xi32>
      %gather3A_1006 = tpu.vector_load_idx %arg19[%add3A_1005, %broadcast_in_dim3A_997] : memref<32x128xf32, #tpu.memory_space<vmem>>[vector<16xi32>, vector<16xi32>], vector<16xf32>,
      %mul3A_1007 = arith.constant 32 : i32
      %mul3A_1008 = arith.muli %add3A_976, %mul3A_1007 : i32
      %add3A_1009 = arith.constant 16 : i32
      %add3A_1010 = arith.addi %mul3A_1008, %add3A_1009 : i32
      %swap3A_1011 = arith.index_cast %add3A_1010 : i32 to index
      %swap3A_1012 = tpu.vector_load %arg7[%swap3A_1011] {strides = array<i32>} : memref<16384xf32, #tpu.memory_space<vmem>>, vector<16xf32>,
      tpu.vector_store %arg7[%swap3A_1011], %gather3A_1006 {strides = array<i32>} : memref<16384xf32, #tpu.memory_space<vmem>>, vector<16xf32>,
      %dma_wait3A_1013 = arith.constant 0 : i32
      %dma_wait3A_1014 = tpu.memref_slice %arg3[%dma_wait3A_1013, %multiple_of3A_409] : memref<32x1000000xf32, #tpu.memory_space<hbm>> -> memref<32x128xf32, #tpu.memory_space<hbm>>
      %dma_wait3A_1015 = arith.constant 0 : i32
      %dma_wait3A_1016 = tpu.memref_slice %arg3[%dma_wait3A_1015, %multiple_of3A_409] : memref<32x1000000xf32, #tpu.memory_space<hbm>> -> memref<32x128xf32, #tpu.memory_space<hbm>>
      tpu.wait_dma2 semaphore(%arg36 : memref<!tpu.dma_semaphore, #tpu.memory_space<semaphore_mem>>) src(%dma_wait3A_1016 : memref<32x128xf32, #tpu.memory_space<hbm>>) dst(%arg20 : memref<32x128xf32, #tpu.memory_space<vmem>>)
      %add3A_1017 = arith.constant 10 : i32
      %add3A_1018 = arith.addi %mul3A_19, %add3A_1017 : i32
      %get3A_1019 = arith.index_cast %add3A_1018 : i32 to index
      %get3A_1020 = tpu.vector_load %arg6[%get3A_1019] {strides = array<i32>} : memref<528xi32, #tpu.memory_space<vmem>>, vector<16xi32>,
      %slice3A_1021 = vector.extract_strided_slice %get3A_1020 {offsets = [0], sizes = [1], strides = [1]} : vector<16xi32> to vector<1xi32>
      %squeeze3A_1022 = vector.extract %slice3A_1021[0] : i32 from vector<1xi32>
      %jit3A_1023 = arith.constant 128 : i32
      %eq3A_1024 = arith.constant 0 : i32
      %eq3A_1025 = arith.cmpi eq, %jit3A_1023, %eq3A_1024 : i32
      %jit3A_1026 = arith.constant 1 : i32
      %select_n3A_1027 = arith.select %eq3A_1025, %jit3A_1026, %jit3A_1023 : i32
      %rem3A_1028 = arith.remsi %squeeze3A_1022, %select_n3A_1027 : i32
      %ne3A_1029 = arith.constant 0 : i32
      %ne3A_1030 = arith.cmpi ne, %rem3A_1028, %ne3A_1029 : i32
      %lt3A_1031 = arith.constant 0 : i32
      %lt3A_1032 = arith.cmpi slt, %rem3A_1028, %lt3A_1031 : i32
      %lt3A_1033 = arith.constant 0 : i32
      %lt3A_1034 = arith.cmpi slt, %select_n3A_1027, %lt3A_1033 : i32
      %ne3A_1035 = arith.xori %lt3A_1032, %lt3A_1034 : i1
      %and3A_1036 = arith.andi %ne3A_1035, %ne3A_1030 : i1
      %add3A_1037 = arith.addi %rem3A_1028, %select_n3A_1027 : i32
      %select_n3A_1038 = arith.select %and3A_1036, %add3A_1037, %rem3A_1028 : i32
      %broadcast_in_dim3A_1039 = vector.broadcast %select_n3A_1038 : i32 to vector<16xi32>
      %gather3A_1040 = tpu.vector_load_idx %arg20[%iota3A, %broadcast_in_dim3A_1039] : memref<32x128xf32, #tpu.memory_space<vmem>>[vector<16xi32>, vector<16xi32>], vector<16xf32>,
      %mul3A_1041 = arith.constant 32 : i32
      %mul3A_1042 = arith.muli %add3A_1018, %mul3A_1041 : i32
      %swap3A_1043 = arith.index_cast %mul3A_1042 : i32 to index
      %swap3A_1044 = tpu.vector_load %arg7[%swap3A_1043] {strides = array<i32>} : memref<16384xf32, #tpu.memory_space<vmem>>, vector<16xf32>,
      tpu.vector_store %arg7[%swap3A_1043], %gather3A_1040 {strides = array<i32>} : memref<16384xf32, #tpu.memory_space<vmem>>, vector<16xf32>,
      %add3A_1045 = arith.constant 16 : i32
      %add3A_1046 = vector.broadcast %add3A_1045 : i32 to vector<16xi32>
      %add3A_1047 = arith.addi %iota3A, %add3A_1046 : vector<16xi32>
      %gather3A_1048 = tpu.vector_load_idx %arg20[%add3A_1047, %broadcast_in_dim3A_1039] : memref<32x128xf32, #tpu.memory_space<vmem>>[vector<16xi32>, vector<16xi32>], vector<16xf32>,
      %mul3A_1049 = arith.constant 32 : i32
      %mul3A_1050 = arith.muli %add3A_1018, %mul3A_1049 : i32
      %add3A_1051 = arith.constant 16 : i32
      %add3A_1052 = arith.addi %mul3A_1050, %add3A_1051 : i32
      %swap3A_1053 = arith.index_cast %add3A_1052 : i32 to index
      %swap3A_1054 = tpu.vector_load %arg7[%swap3A_1053] {strides = array<i32>} : memref<16384xf32, #tpu.memory_space<vmem>>, vector<16xf32>,
      tpu.vector_store %arg7[%swap3A_1053], %gather3A_1048 {strides = array<i32>} : memref<16384xf32, #tpu.memory_space<vmem>>, vector<16xf32>,
      %dma_wait3A_1055 = arith.constant 0 : i32
      %dma_wait3A_1056 = tpu.memref_slice %arg3[%dma_wait3A_1055, %multiple_of3A_446] : memref<32x1000000xf32, #tpu.memory_space<hbm>> -> memref<32x128xf32, #tpu.memory_space<hbm>>
      %dma_wait3A_1057 = arith.constant 0 : i32
      %dma_wait3A_1058 = tpu.memref_slice %arg3[%dma_wait3A_1057, %multiple_of3A_446] : memref<32x1000000xf32, #tpu.memory_space<hbm>> -> memref<32x128xf32, #tpu.memory_space<hbm>>
      tpu.wait_dma2 semaphore(%arg37 : memref<!tpu.dma_semaphore, #tpu.memory_space<semaphore_mem>>) src(%dma_wait3A_1058 : memref<32x128xf32, #tpu.memory_space<hbm>>) dst(%arg21 : memref<32x128xf32, #tpu.memory_space<vmem>>)
      %add3A_1059 = arith.constant 11 : i32
      %add3A_1060 = arith.addi %mul3A_19, %add3A_1059 : i32
      %get3A_1061 = arith.index_cast %add3A_1060 : i32 to index
      %get3A_1062 = tpu.vector_load %arg6[%get3A_1061] {strides = array<i32>} : memref<528xi32, #tpu.memory_space<vmem>>, vector<16xi32>,
      %slice3A_1063 = vector.extract_strided_slice %get3A_1062 {offsets = [0], sizes = [1], strides = [1]} : vector<16xi32> to vector<1xi32>
      %squeeze3A_1064 = vector.extract %slice3A_1063[0] : i32 from vector<1xi32>
      %jit3A_1065 = arith.constant 128 : i32
      %eq3A_1066 = arith.constant 0 : i32
      %eq3A_1067 = arith.cmpi eq, %jit3A_1065, %eq3A_1066 : i32
      %jit3A_1068 = arith.constant 1 : i32
      %select_n3A_1069 = arith.select %eq3A_1067, %jit3A_1068, %jit3A_1065 : i32
      %rem3A_1070 = arith.remsi %squeeze3A_1064, %select_n3A_1069 : i32
      %ne3A_1071 = arith.constant 0 : i32
      %ne3A_1072 = arith.cmpi ne, %rem3A_1070, %ne3A_1071 : i32
      %lt3A_1073 = arith.constant 0 : i32
      %lt3A_1074 = arith.cmpi slt, %rem3A_1070, %lt3A_1073 : i32
      %lt3A_1075 = arith.constant 0 : i32
      %lt3A_1076 = arith.cmpi slt, %select_n3A_1069, %lt3A_1075 : i32
      %ne3A_1077 = arith.xori %lt3A_1074, %lt3A_1076 : i1
      %and3A_1078 = arith.andi %ne3A_1077, %ne3A_1072 : i1
      %add3A_1079 = arith.addi %rem3A_1070, %select_n3A_1069 : i32
      %select_n3A_1080 = arith.select %and3A_1078, %add3A_1079, %rem3A_1070 : i32
      %broadcast_in_dim3A_1081 = vector.broadcast %select_n3A_1080 : i32 to vector<16xi32>
      %gather3A_1082 = tpu.vector_load_idx %arg21[%iota3A, %broadcast_in_dim3A_1081] : memref<32x128xf32, #tpu.memory_space<vmem>>[vector<16xi32>, vector<16xi32>], vector<16xf32>,
      %mul3A_1083 = arith.constant 32 : i32
      %mul3A_1084 = arith.muli %add3A_1060, %mul3A_1083 : i32
      %swap3A_1085 = arith.index_cast %mul3A_1084 : i32 to index
      %swap3A_1086 = tpu.vector_load %arg7[%swap3A_1085] {strides = array<i32>} : memref<16384xf32, #tpu.memory_space<vmem>>, vector<16xf32>,
      tpu.vector_store %arg7[%swap3A_1085], %gather3A_1082 {strides = array<i32>} : memref<16384xf32, #tpu.memory_space<vmem>>, vector<16xf32>,
      %add3A_1087 = arith.constant 16 : i32
      %add3A_1088 = vector.broadcast %add3A_1087 : i32 to vector<16xi32>
      %add3A_1089 = arith.addi %iota3A, %add3A_1088 : vector<16xi32>
      %gather3A_1090 = tpu.vector_load_idx %arg21[%add3A_1089, %broadcast_in_dim3A_1081] : memref<32x128xf32, #tpu.memory_space<vmem>>[vector<16xi32>, vector<16xi32>], vector<16xf32>,
      %mul3A_1091 = arith.constant 32 : i32
      %mul3A_1092 = arith.muli %add3A_1060, %mul3A_1091 : i32
      %add3A_1093 = arith.constant 16 : i32
      %add3A_1094 = arith.addi %mul3A_1092, %add3A_1093 : i32
      %swap3A_1095 = arith.index_cast %add3A_1094 : i32 to index
      %swap3A_1096 = tpu.vector_load %arg7[%swap3A_1095] {strides = array<i32>} : memref<16384xf32, #tpu.memory_space<vmem>>, vector<16xf32>,
      tpu.vector_store %arg7[%swap3A_1095], %gather3A_1090 {strides = array<i32>} : memref<16384xf32, #tpu.memory_space<vmem>>, vector<16xf32>,
      %dma_wait3A_1097 = arith.constant 0 : i32
      %dma_wait3A_1098 = tpu.memref_slice %arg3[%dma_wait3A_1097, %multiple_of3A_483] : memref<32x1000000xf32, #tpu.memory_space<hbm>> -> memref<32x128xf32, #tpu.memory_space<hbm>>
      %dma_wait3A_1099 = arith.constant 0 : i32
      %dma_wait3A_1100 = tpu.memref_slice %arg3[%dma_wait3A_1099, %multiple_of3A_483] : memref<32x1000000xf32, #tpu.memory_space<hbm>> -> memref<32x128xf32, #tpu.memory_space<hbm>>
      tpu.wait_dma2 semaphore(%arg38 : memref<!tpu.dma_semaphore, #tpu.memory_space<semaphore_mem>>) src(%dma_wait3A_1100 : memref<32x128xf32, #tpu.memory_space<hbm>>) dst(%arg22 : memref<32x128xf32, #tpu.memory_space<vmem>>)
      %add3A_1101 = arith.constant 12 : i32
      %add3A_1102 = arith.addi %mul3A_19, %add3A_1101 : i32
      %get3A_1103 = arith.index_cast %add3A_1102 : i32 to index
      %get3A_1104 = tpu.vector_load %arg6[%get3A_1103] {strides = array<i32>} : memref<528xi32, #tpu.memory_space<vmem>>, vector<16xi32>,
      %slice3A_1105 = vector.extract_strided_slice %get3A_1104 {offsets = [0], sizes = [1], strides = [1]} : vector<16xi32> to vector<1xi32>
      %squeeze3A_1106 = vector.extract %slice3A_1105[0] : i32 from vector<1xi32>
      %jit3A_1107 = arith.constant 128 : i32
      %eq3A_1108 = arith.constant 0 : i32
      %eq3A_1109 = arith.cmpi eq, %jit3A_1107, %eq3A_1108 : i32
      %jit3A_1110 = arith.constant 1 : i32
      %select_n3A_1111 = arith.select %eq3A_1109, %jit3A_1110, %jit3A_1107 : i32
      %rem3A_1112 = arith.remsi %squeeze3A_1106, %select_n3A_1111 : i32
      %ne3A_1113 = arith.constant 0 : i32
      %ne3A_1114 = arith.cmpi ne, %rem3A_1112, %ne3A_1113 : i32
      %lt3A_1115 = arith.constant 0 : i32
      %lt3A_1116 = arith.cmpi slt, %rem3A_1112, %lt3A_1115 : i32
      %lt3A_1117 = arith.constant 0 : i32
      %lt3A_1118 = arith.cmpi slt, %select_n3A_1111, %lt3A_1117 : i32
      %ne3A_1119 = arith.xori %lt3A_1116, %lt3A_1118 : i1
      %and3A_1120 = arith.andi %ne3A_1119, %ne3A_1114 : i1
      %add3A_1121 = arith.addi %rem3A_1112, %select_n3A_1111 : i32
      %select_n3A_1122 = arith.select %and3A_1120, %add3A_1121, %rem3A_1112 : i32
      %broadcast_in_dim3A_1123 = vector.broadcast %select_n3A_1122 : i32 to vector<16xi32>
      %gather3A_1124 = tpu.vector_load_idx %arg22[%iota3A, %broadcast_in_dim3A_1123] : memref<32x128xf32, #tpu.memory_space<vmem>>[vector<16xi32>, vector<16xi32>], vector<16xf32>,
      %mul3A_1125 = arith.constant 32 : i32
      %mul3A_1126 = arith.muli %add3A_1102, %mul3A_1125 : i32
      %swap3A_1127 = arith.index_cast %mul3A_1126 : i32 to index
      %swap3A_1128 = tpu.vector_load %arg7[%swap3A_1127] {strides = array<i32>} : memref<16384xf32, #tpu.memory_space<vmem>>, vector<16xf32>,
      tpu.vector_store %arg7[%swap3A_1127], %gather3A_1124 {strides = array<i32>} : memref<16384xf32, #tpu.memory_space<vmem>>, vector<16xf32>,
      %add3A_1129 = arith.constant 16 : i32
      %add3A_1130 = vector.broadcast %add3A_1129 : i32 to vector<16xi32>
      %add3A_1131 = arith.addi %iota3A, %add3A_1130 : vector<16xi32>
      %gather3A_1132 = tpu.vector_load_idx %arg22[%add3A_1131, %broadcast_in_dim3A_1123] : memref<32x128xf32, #tpu.memory_space<vmem>>[vector<16xi32>, vector<16xi32>], vector<16xf32>,
      %mul3A_1133 = arith.constant 32 : i32
      %mul3A_1134 = arith.muli %add3A_1102, %mul3A_1133 : i32
      %add3A_1135 = arith.constant 16 : i32
      %add3A_1136 = arith.addi %mul3A_1134, %add3A_1135 : i32
      %swap3A_1137 = arith.index_cast %add3A_1136 : i32 to index
      %swap3A_1138 = tpu.vector_load %arg7[%swap3A_1137] {strides = array<i32>} : memref<16384xf32, #tpu.memory_space<vmem>>, vector<16xf32>,
      tpu.vector_store %arg7[%swap3A_1137], %gather3A_1132 {strides = array<i32>} : memref<16384xf32, #tpu.memory_space<vmem>>, vector<16xf32>,
      %dma_wait3A_1139 = arith.constant 0 : i32
      %dma_wait3A_1140 = tpu.memref_slice %arg3[%dma_wait3A_1139, %multiple_of3A_520] : memref<32x1000000xf32, #tpu.memory_space<hbm>> -> memref<32x128xf32, #tpu.memory_space<hbm>>
      %dma_wait3A_1141 = arith.constant 0 : i32
      %dma_wait3A_1142 = tpu.memref_slice %arg3[%dma_wait3A_1141, %multiple_of3A_520] : memref<32x1000000xf32, #tpu.memory_space<hbm>> -> memref<32x128xf32, #tpu.memory_space<hbm>>
      tpu.wait_dma2 semaphore(%arg39 : memref<!tpu.dma_semaphore, #tpu.memory_space<semaphore_mem>>) src(%dma_wait3A_1142 : memref<32x128xf32, #tpu.memory_space<hbm>>) dst(%arg23 : memref<32x128xf32, #tpu.memory_space<vmem>>)
      %add3A_1143 = arith.constant 13 : i32
      %add3A_1144 = arith.addi %mul3A_19, %add3A_1143 : i32
      %get3A_1145 = arith.index_cast %add3A_1144 : i32 to index
      %get3A_1146 = tpu.vector_load %arg6[%get3A_1145] {strides = array<i32>} : memref<528xi32, #tpu.memory_space<vmem>>, vector<16xi32>,
      %slice3A_1147 = vector.extract_strided_slice %get3A_1146 {offsets = [0], sizes = [1], strides = [1]} : vector<16xi32> to vector<1xi32>
      %squeeze3A_1148 = vector.extract %slice3A_1147[0] : i32 from vector<1xi32>
      %jit3A_1149 = arith.constant 128 : i32
      %eq3A_1150 = arith.constant 0 : i32
      %eq3A_1151 = arith.cmpi eq, %jit3A_1149, %eq3A_1150 : i32
      %jit3A_1152 = arith.constant 1 : i32
      %select_n3A_1153 = arith.select %eq3A_1151, %jit3A_1152, %jit3A_1149 : i32
      %rem3A_1154 = arith.remsi %squeeze3A_1148, %select_n3A_1153 : i32
      %ne3A_1155 = arith.constant 0 : i32
      %ne3A_1156 = arith.cmpi ne, %rem3A_1154, %ne3A_1155 : i32
      %lt3A_1157 = arith.constant 0 : i32
      %lt3A_1158 = arith.cmpi slt, %rem3A_1154, %lt3A_1157 : i32
      %lt3A_1159 = arith.constant 0 : i32
      %lt3A_1160 = arith.cmpi slt, %select_n3A_1153, %lt3A_1159 : i32
      %ne3A_1161 = arith.xori %lt3A_1158, %lt3A_1160 : i1
      %and3A_1162 = arith.andi %ne3A_1161, %ne3A_1156 : i1
      %add3A_1163 = arith.addi %rem3A_1154, %select_n3A_1153 : i32
      %select_n3A_1164 = arith.select %and3A_1162, %add3A_1163, %rem3A_1154 : i32
      %broadcast_in_dim3A_1165 = vector.broadcast %select_n3A_1164 : i32 to vector<16xi32>
      %gather3A_1166 = tpu.vector_load_idx %arg23[%iota3A, %broadcast_in_dim3A_1165] : memref<32x128xf32, #tpu.memory_space<vmem>>[vector<16xi32>, vector<16xi32>], vector<16xf32>,
      %mul3A_1167 = arith.constant 32 : i32
      %mul3A_1168 = arith.muli %add3A_1144, %mul3A_1167 : i32
      %swap3A_1169 = arith.index_cast %mul3A_1168 : i32 to index
      %swap3A_1170 = tpu.vector_load %arg7[%swap3A_1169] {strides = array<i32>} : memref<16384xf32, #tpu.memory_space<vmem>>, vector<16xf32>,
      tpu.vector_store %arg7[%swap3A_1169], %gather3A_1166 {strides = array<i32>} : memref<16384xf32, #tpu.memory_space<vmem>>, vector<16xf32>,
      %add3A_1171 = arith.constant 16 : i32
      %add3A_1172 = vector.broadcast %add3A_1171 : i32 to vector<16xi32>
      %add3A_1173 = arith.addi %iota3A, %add3A_1172 : vector<16xi32>
      %gather3A_1174 = tpu.vector_load_idx %arg23[%add3A_1173, %broadcast_in_dim3A_1165] : memref<32x128xf32, #tpu.memory_space<vmem>>[vector<16xi32>, vector<16xi32>], vector<16xf32>,
      %mul3A_1175 = arith.constant 32 : i32
      %mul3A_1176 = arith.muli %add3A_1144, %mul3A_1175 : i32
      %add3A_1177 = arith.constant 16 : i32
      %add3A_1178 = arith.addi %mul3A_1176, %add3A_1177 : i32
      %swap3A_1179 = arith.index_cast %add3A_1178 : i32 to index
      %swap3A_1180 = tpu.vector_load %arg7[%swap3A_1179] {strides = array<i32>} : memref<16384xf32, #tpu.memory_space<vmem>>, vector<16xf32>,
      tpu.vector_store %arg7[%swap3A_1179], %gather3A_1174 {strides = array<i32>} : memref<16384xf32, #tpu.memory_space<vmem>>, vector<16xf32>,
      %dma_wait3A_1181 = arith.constant 0 : i32
      %dma_wait3A_1182 = tpu.memref_slice %arg3[%dma_wait3A_1181, %multiple_of3A_557] : memref<32x1000000xf32, #tpu.memory_space<hbm>> -> memref<32x128xf32, #tpu.memory_space<hbm>>
      %dma_wait3A_1183 = arith.constant 0 : i32
      %dma_wait3A_1184 = tpu.memref_slice %arg3[%dma_wait3A_1183, %multiple_of3A_557] : memref<32x1000000xf32, #tpu.memory_space<hbm>> -> memref<32x128xf32, #tpu.memory_space<hbm>>
      tpu.wait_dma2 semaphore(%arg40 : memref<!tpu.dma_semaphore, #tpu.memory_space<semaphore_mem>>) src(%dma_wait3A_1184 : memref<32x128xf32, #tpu.memory_space<hbm>>) dst(%arg24 : memref<32x128xf32, #tpu.memory_space<vmem>>)
      %add3A_1185 = arith.constant 14 : i32
      %add3A_1186 = arith.addi %mul3A_19, %add3A_1185 : i32
      %get3A_1187 = arith.index_cast %add3A_1186 : i32 to index
      %get3A_1188 = tpu.vector_load %arg6[%get3A_1187] {strides = array<i32>} : memref<528xi32, #tpu.memory_space<vmem>>, vector<16xi32>,
      %slice3A_1189 = vector.extract_strided_slice %get3A_1188 {offsets = [0], sizes = [1], strides = [1]} : vector<16xi32> to vector<1xi32>
      %squeeze3A_1190 = vector.extract %slice3A_1189[0] : i32 from vector<1xi32>
      %jit3A_1191 = arith.constant 128 : i32
      %eq3A_1192 = arith.constant 0 : i32
      %eq3A_1193 = arith.cmpi eq, %jit3A_1191, %eq3A_1192 : i32
      %jit3A_1194 = arith.constant 1 : i32
      %select_n3A_1195 = arith.select %eq3A_1193, %jit3A_1194, %jit3A_1191 : i32
      %rem3A_1196 = arith.remsi %squeeze3A_1190, %select_n3A_1195 : i32
      %ne3A_1197 = arith.constant 0 : i32
      %ne3A_1198 = arith.cmpi ne, %rem3A_1196, %ne3A_1197 : i32
      %lt3A_1199 = arith.constant 0 : i32
      %lt3A_1200 = arith.cmpi slt, %rem3A_1196, %lt3A_1199 : i32
      %lt3A_1201 = arith.constant 0 : i32
      %lt3A_1202 = arith.cmpi slt, %select_n3A_1195, %lt3A_1201 : i32
      %ne3A_1203 = arith.xori %lt3A_1200, %lt3A_1202 : i1
      %and3A_1204 = arith.andi %ne3A_1203, %ne3A_1198 : i1
      %add3A_1205 = arith.addi %rem3A_1196, %select_n3A_1195 : i32
      %select_n3A_1206 = arith.select %and3A_1204, %add3A_1205, %rem3A_1196 : i32
      %broadcast_in_dim3A_1207 = vector.broadcast %select_n3A_1206 : i32 to vector<16xi32>
      %gather3A_1208 = tpu.vector_load_idx %arg24[%iota3A, %broadcast_in_dim3A_1207] : memref<32x128xf32, #tpu.memory_space<vmem>>[vector<16xi32>, vector<16xi32>], vector<16xf32>,
      %mul3A_1209 = arith.constant 32 : i32
      %mul3A_1210 = arith.muli %add3A_1186, %mul3A_1209 : i32
      %swap3A_1211 = arith.index_cast %mul3A_1210 : i32 to index
      %swap3A_1212 = tpu.vector_load %arg7[%swap3A_1211] {strides = array<i32>} : memref<16384xf32, #tpu.memory_space<vmem>>, vector<16xf32>,
      tpu.vector_store %arg7[%swap3A_1211], %gather3A_1208 {strides = array<i32>} : memref<16384xf32, #tpu.memory_space<vmem>>, vector<16xf32>,
      %add3A_1213 = arith.constant 16 : i32
      %add3A_1214 = vector.broadcast %add3A_1213 : i32 to vector<16xi32>
      %add3A_1215 = arith.addi %iota3A, %add3A_1214 : vector<16xi32>
      %gather3A_1216 = tpu.vector_load_idx %arg24[%add3A_1215, %broadcast_in_dim3A_1207] : memref<32x128xf32, #tpu.memory_space<vmem>>[vector<16xi32>, vector<16xi32>], vector<16xf32>,
      %mul3A_1217 = arith.constant 32 : i32
      %mul3A_1218 = arith.muli %add3A_1186, %mul3A_1217 : i32
      %add3A_1219 = arith.constant 16 : i32
      %add3A_1220 = arith.addi %mul3A_1218, %add3A_1219 : i32
      %swap3A_1221 = arith.index_cast %add3A_1220 : i32 to index
      %swap3A_1222 = tpu.vector_load %arg7[%swap3A_1221] {strides = array<i32>} : memref<16384xf32, #tpu.memory_space<vmem>>, vector<16xf32>,
      tpu.vector_store %arg7[%swap3A_1221], %gather3A_1216 {strides = array<i32>} : memref<16384xf32, #tpu.memory_space<vmem>>, vector<16xf32>,
      %dma_wait3A_1223 = arith.constant 0 : i32
      %dma_wait3A_1224 = tpu.memref_slice %arg3[%dma_wait3A_1223, %multiple_of3A_594] : memref<32x1000000xf32, #tpu.memory_space<hbm>> -> memref<32x128xf32, #tpu.memory_space<hbm>>
      %dma_wait3A_1225 = arith.constant 0 : i32
      %dma_wait3A_1226 = tpu.memref_slice %arg3[%dma_wait3A_1225, %multiple_of3A_594] : memref<32x1000000xf32, #tpu.memory_space<hbm>> -> memref<32x128xf32, #tpu.memory_space<hbm>>
      tpu.wait_dma2 semaphore(%arg41 : memref<!tpu.dma_semaphore, #tpu.memory_space<semaphore_mem>>) src(%dma_wait3A_1226 : memref<32x128xf32, #tpu.memory_space<hbm>>) dst(%arg25 : memref<32x128xf32, #tpu.memory_space<vmem>>)
      %add3A_1227 = arith.constant 15 : i32
      %add3A_1228 = arith.addi %mul3A_19, %add3A_1227 : i32
      %get3A_1229 = arith.index_cast %add3A_1228 : i32 to index
      %get3A_1230 = tpu.vector_load %arg6[%get3A_1229] {strides = array<i32>} : memref<528xi32, #tpu.memory_space<vmem>>, vector<16xi32>,
      %slice3A_1231 = vector.extract_strided_slice %get3A_1230 {offsets = [0], sizes = [1], strides = [1]} : vector<16xi32> to vector<1xi32>
      %squeeze3A_1232 = vector.extract %slice3A_1231[0] : i32 from vector<1xi32>
      %jit3A_1233 = arith.constant 128 : i32
      %eq3A_1234 = arith.constant 0 : i32
      %eq3A_1235 = arith.cmpi eq, %jit3A_1233, %eq3A_1234 : i32
      %jit3A_1236 = arith.constant 1 : i32
      %select_n3A_1237 = arith.select %eq3A_1235, %jit3A_1236, %jit3A_1233 : i32
      %rem3A_1238 = arith.remsi %squeeze3A_1232, %select_n3A_1237 : i32
      %ne3A_1239 = arith.constant 0 : i32
      %ne3A_1240 = arith.cmpi ne, %rem3A_1238, %ne3A_1239 : i32
      %lt3A_1241 = arith.constant 0 : i32
      %lt3A_1242 = arith.cmpi slt, %rem3A_1238, %lt3A_1241 : i32
      %lt3A_1243 = arith.constant 0 : i32
      %lt3A_1244 = arith.cmpi slt, %select_n3A_1237, %lt3A_1243 : i32
      %ne3A_1245 = arith.xori %lt3A_1242, %lt3A_1244 : i1
      %and3A_1246 = arith.andi %ne3A_1245, %ne3A_1240 : i1
      %add3A_1247 = arith.addi %rem3A_1238, %select_n3A_1237 : i32
      %select_n3A_1248 = arith.select %and3A_1246, %add3A_1247, %rem3A_1238 : i32
      %broadcast_in_dim3A_1249 = vector.broadcast %select_n3A_1248 : i32 to vector<16xi32>
      %gather3A_1250 = tpu.vector_load_idx %arg25[%iota3A, %broadcast_in_dim3A_1249] : memref<32x128xf32, #tpu.memory_space<vmem>>[vector<16xi32>, vector<16xi32>], vector<16xf32>,
      %mul3A_1251 = arith.constant 32 : i32
      %mul3A_1252 = arith.muli %add3A_1228, %mul3A_1251 : i32
      %swap3A_1253 = arith.index_cast %mul3A_1252 : i32 to index
      %swap3A_1254 = tpu.vector_load %arg7[%swap3A_1253] {strides = array<i32>} : memref<16384xf32, #tpu.memory_space<vmem>>, vector<16xf32>,
      tpu.vector_store %arg7[%swap3A_1253], %gather3A_1250 {strides = array<i32>} : memref<16384xf32, #tpu.memory_space<vmem>>, vector<16xf32>,
      %add3A_1255 = arith.constant 16 : i32
      %add3A_1256 = vector.broadcast %add3A_1255 : i32 to vector<16xi32>
      %add3A_1257 = arith.addi %iota3A, %add3A_1256 : vector<16xi32>
      %gather3A_1258 = tpu.vector_load_idx %arg25[%add3A_1257, %broadcast_in_dim3A_1249] : memref<32x128xf32, #tpu.memory_space<vmem>>[vector<16xi32>, vector<16xi32>], vector<16xf32>,
      %mul3A_1259 = arith.constant 32 : i32
      %mul3A_1260 = arith.muli %add3A_1228, %mul3A_1259 : i32
      %add3A_1261 = arith.constant 16 : i32
      %add3A_1262 = arith.addi %mul3A_1260, %add3A_1261 : i32
      %swap3A_1263 = arith.index_cast %add3A_1262 : i32 to index
      %swap3A_1264 = tpu.vector_load %arg7[%swap3A_1263] {strides = array<i32>} : memref<16384xf32, #tpu.memory_space<vmem>>, vector<16xf32>,
      tpu.vector_store %arg7[%swap3A_1263], %gather3A_1258 {strides = array<i32>} : memref<16384xf32, #tpu.memory_space<vmem>>, vector<16xf32>,
    }
    %scan3A_9 = arith.constant 32 : i32
    %iota3A_10 = tpu.iota {dimensions = array<i32: 0>} : vector<16xi32>
    %scan3A_11 = arith.constant 0 : i32
    %scan3A_12 = arith.constant 0 : i32
    %scan3A_13 = arith.constant 32 : i32
    %scan3A_14 = arith.addi %scan3A_12, %scan3A_13 : i32
    %scan3A_15 = arith.constant 1 : i32
    scf.for %scan3A_17 = %scan3A_12 to %scan3A_14 step %scan3A_15  : i32 {
      %mul3A_18 = arith.constant 16 : i32
      %mul3A_19 = arith.muli %scan3A_17, %mul3A_18 : i32
      %add3A_20 = vector.broadcast %mul3A_19 : i32 to vector<16xi32>
      %add3A_21 = arith.addi %add3A_20, %iota3A_10 : vector<16xi32>
      %mul3A_22 = arith.constant 32 : i32
      %mul3A_23 = vector.broadcast %mul3A_22 : i32 to vector<16xi32>
      %mul3A_24 = arith.muli %add3A_21, %mul3A_23 : vector<16xi32>
      %broadcast_in_dim3A = arith.constant 0.000000e+00 : f32
      %broadcast_in_dim3A_25 = vector.broadcast %broadcast_in_dim3A : f32 to vector<16xf32>
      %add3A_26 = arith.constant 0 : i32
      %add3A_27 = vector.broadcast %add3A_26 : i32 to vector<16xi32>
      %add3A_28 = arith.addi %mul3A_24, %add3A_27 : vector<16xi32>
      %gather3A = tpu.vector_load_idx %arg8[%add3A_28] : memref<16384xf32, #tpu.memory_space<vmem>>[vector<16xi32>], vector<16xf32>,
      %add3A_29 = arith.constant 0 : i32
      %add3A_30 = vector.broadcast %add3A_29 : i32 to vector<16xi32>
      %add3A_31 = arith.addi %mul3A_24, %add3A_30 : vector<16xi32>
      %gather3A_32 = tpu.vector_load_idx %arg7[%add3A_31] : memref<16384xf32, #tpu.memory_space<vmem>>[vector<16xi32>], vector<16xf32>,
      %mul3A_33 = arith.mulf %gather3A, %gather3A_32 : vector<16xf32>
      %add3A_34 = arith.addf %broadcast_in_dim3A_25, %mul3A_33 : vector<16xf32>
      %add3A_35 = arith.constant 1 : i32
      %add3A_36 = vector.broadcast %add3A_35 : i32 to vector<16xi32>
      %add3A_37 = arith.addi %mul3A_24, %add3A_36 : vector<16xi32>
      %gather3A_38 = tpu.vector_load_idx %arg8[%add3A_37] : memref<16384xf32, #tpu.memory_space<vmem>>[vector<16xi32>], vector<16xf32>,
      %add3A_39 = arith.constant 1 : i32
      %add3A_40 = vector.broadcast %add3A_39 : i32 to vector<16xi32>
      %add3A_41 = arith.addi %mul3A_24, %add3A_40 : vector<16xi32>
      %gather3A_42 = tpu.vector_load_idx %arg7[%add3A_41] : memref<16384xf32, #tpu.memory_space<vmem>>[vector<16xi32>], vector<16xf32>,
      %mul3A_43 = arith.mulf %gather3A_38, %gather3A_42 : vector<16xf32>
      %add3A_44 = arith.addf %add3A_34, %mul3A_43 : vector<16xf32>
      %add3A_45 = arith.constant 2 : i32
      %add3A_46 = vector.broadcast %add3A_45 : i32 to vector<16xi32>
      %add3A_47 = arith.addi %mul3A_24, %add3A_46 : vector<16xi32>
      %gather3A_48 = tpu.vector_load_idx %arg8[%add3A_47] : memref<16384xf32, #tpu.memory_space<vmem>>[vector<16xi32>], vector<16xf32>,
      %add3A_49 = arith.constant 2 : i32
      %add3A_50 = vector.broadcast %add3A_49 : i32 to vector<16xi32>
      %add3A_51 = arith.addi %mul3A_24, %add3A_50 : vector<16xi32>
      %gather3A_52 = tpu.vector_load_idx %arg7[%add3A_51] : memref<16384xf32, #tpu.memory_space<vmem>>[vector<16xi32>], vector<16xf32>,
      %mul3A_53 = arith.mulf %gather3A_48, %gather3A_52 : vector<16xf32>
      %add3A_54 = arith.addf %add3A_44, %mul3A_53 : vector<16xf32>
      %add3A_55 = arith.constant 3 : i32
      %add3A_56 = vector.broadcast %add3A_55 : i32 to vector<16xi32>
      %add3A_57 = arith.addi %mul3A_24, %add3A_56 : vector<16xi32>
      %gather3A_58 = tpu.vector_load_idx %arg8[%add3A_57] : memref<16384xf32, #tpu.memory_space<vmem>>[vector<16xi32>], vector<16xf32>,
      %add3A_59 = arith.constant 3 : i32
      %add3A_60 = vector.broadcast %add3A_59 : i32 to vector<16xi32>
      %add3A_61 = arith.addi %mul3A_24, %add3A_60 : vector<16xi32>
      %gather3A_62 = tpu.vector_load_idx %arg7[%add3A_61] : memref<16384xf32, #tpu.memory_space<vmem>>[vector<16xi32>], vector<16xf32>,
      %mul3A_63 = arith.mulf %gather3A_58, %gather3A_62 : vector<16xf32>
      %add3A_64 = arith.addf %add3A_54, %mul3A_63 : vector<16xf32>
      %add3A_65 = arith.constant 4 : i32
      %add3A_66 = vector.broadcast %add3A_65 : i32 to vector<16xi32>
      %add3A_67 = arith.addi %mul3A_24, %add3A_66 : vector<16xi32>
      %gather3A_68 = tpu.vector_load_idx %arg8[%add3A_67] : memref<16384xf32, #tpu.memory_space<vmem>>[vector<16xi32>], vector<16xf32>,
      %add3A_69 = arith.constant 4 : i32
      %add3A_70 = vector.broadcast %add3A_69 : i32 to vector<16xi32>
      %add3A_71 = arith.addi %mul3A_24, %add3A_70 : vector<16xi32>
      %gather3A_72 = tpu.vector_load_idx %arg7[%add3A_71] : memref<16384xf32, #tpu.memory_space<vmem>>[vector<16xi32>], vector<16xf32>,
      %mul3A_73 = arith.mulf %gather3A_68, %gather3A_72 : vector<16xf32>
      %add3A_74 = arith.addf %add3A_64, %mul3A_73 : vector<16xf32>
      %add3A_75 = arith.constant 5 : i32
      %add3A_76 = vector.broadcast %add3A_75 : i32 to vector<16xi32>
      %add3A_77 = arith.addi %mul3A_24, %add3A_76 : vector<16xi32>
      %gather3A_78 = tpu.vector_load_idx %arg8[%add3A_77] : memref<16384xf32, #tpu.memory_space<vmem>>[vector<16xi32>], vector<16xf32>,
      %add3A_79 = arith.constant 5 : i32
      %add3A_80 = vector.broadcast %add3A_79 : i32 to vector<16xi32>
      %add3A_81 = arith.addi %mul3A_24, %add3A_80 : vector<16xi32>
      %gather3A_82 = tpu.vector_load_idx %arg7[%add3A_81] : memref<16384xf32, #tpu.memory_space<vmem>>[vector<16xi32>], vector<16xf32>,
      %mul3A_83 = arith.mulf %gather3A_78, %gather3A_82 : vector<16xf32>
      %add3A_84 = arith.addf %add3A_74, %mul3A_83 : vector<16xf32>
      %add3A_85 = arith.constant 6 : i32
      %add3A_86 = vector.broadcast %add3A_85 : i32 to vector<16xi32>
      %add3A_87 = arith.addi %mul3A_24, %add3A_86 : vector<16xi32>
      %gather3A_88 = tpu.vector_load_idx %arg8[%add3A_87] : memref<16384xf32, #tpu.memory_space<vmem>>[vector<16xi32>], vector<16xf32>,
      %add3A_89 = arith.constant 6 : i32
      %add3A_90 = vector.broadcast %add3A_89 : i32 to vector<16xi32>
      %add3A_91 = arith.addi %mul3A_24, %add3A_90 : vector<16xi32>
      %gather3A_92 = tpu.vector_load_idx %arg7[%add3A_91] : memref<16384xf32, #tpu.memory_space<vmem>>[vector<16xi32>], vector<16xf32>,
      %mul3A_93 = arith.mulf %gather3A_88, %gather3A_92 : vector<16xf32>
      %add3A_94 = arith.addf %add3A_84, %mul3A_93 : vector<16xf32>
      %add3A_95 = arith.constant 7 : i32
      %add3A_96 = vector.broadcast %add3A_95 : i32 to vector<16xi32>
      %add3A_97 = arith.addi %mul3A_24, %add3A_96 : vector<16xi32>
      %gather3A_98 = tpu.vector_load_idx %arg8[%add3A_97] : memref<16384xf32, #tpu.memory_space<vmem>>[vector<16xi32>], vector<16xf32>,
      %add3A_99 = arith.constant 7 : i32
      %add3A_100 = vector.broadcast %add3A_99 : i32 to vector<16xi32>
      %add3A_101 = arith.addi %mul3A_24, %add3A_100 : vector<16xi32>
      %gather3A_102 = tpu.vector_load_idx %arg7[%add3A_101] : memref<16384xf32, #tpu.memory_space<vmem>>[vector<16xi32>], vector<16xf32>,
      %mul3A_103 = arith.mulf %gather3A_98, %gather3A_102 : vector<16xf32>
      %add3A_104 = arith.addf %add3A_94, %mul3A_103 : vector<16xf32>
      %add3A_105 = arith.constant 8 : i32
      %add3A_106 = vector.broadcast %add3A_105 : i32 to vector<16xi32>
      %add3A_107 = arith.addi %mul3A_24, %add3A_106 : vector<16xi32>
      %gather3A_108 = tpu.vector_load_idx %arg8[%add3A_107] : memref<16384xf32, #tpu.memory_space<vmem>>[vector<16xi32>], vector<16xf32>,
      %add3A_109 = arith.constant 8 : i32
      %add3A_110 = vector.broadcast %add3A_109 : i32 to vector<16xi32>
      %add3A_111 = arith.addi %mul3A_24, %add3A_110 : vector<16xi32>
      %gather3A_112 = tpu.vector_load_idx %arg7[%add3A_111] : memref<16384xf32, #tpu.memory_space<vmem>>[vector<16xi32>], vector<16xf32>,
      %mul3A_113 = arith.mulf %gather3A_108, %gather3A_112 : vector<16xf32>
      %add3A_114 = arith.addf %add3A_104, %mul3A_113 : vector<16xf32>
      %add3A_115 = arith.constant 9 : i32
      %add3A_116 = vector.broadcast %add3A_115 : i32 to vector<16xi32>
      %add3A_117 = arith.addi %mul3A_24, %add3A_116 : vector<16xi32>
      %gather3A_118 = tpu.vector_load_idx %arg8[%add3A_117] : memref<16384xf32, #tpu.memory_space<vmem>>[vector<16xi32>], vector<16xf32>,
      %add3A_119 = arith.constant 9 : i32
      %add3A_120 = vector.broadcast %add3A_119 : i32 to vector<16xi32>
      %add3A_121 = arith.addi %mul3A_24, %add3A_120 : vector<16xi32>
      %gather3A_122 = tpu.vector_load_idx %arg7[%add3A_121] : memref<16384xf32, #tpu.memory_space<vmem>>[vector<16xi32>], vector<16xf32>,
      %mul3A_123 = arith.mulf %gather3A_118, %gather3A_122 : vector<16xf32>
      %add3A_124 = arith.addf %add3A_114, %mul3A_123 : vector<16xf32>
      %add3A_125 = arith.constant 10 : i32
      %add3A_126 = vector.broadcast %add3A_125 : i32 to vector<16xi32>
      %add3A_127 = arith.addi %mul3A_24, %add3A_126 : vector<16xi32>
      %gather3A_128 = tpu.vector_load_idx %arg8[%add3A_127] : memref<16384xf32, #tpu.memory_space<vmem>>[vector<16xi32>], vector<16xf32>,
      %add3A_129 = arith.constant 10 : i32
      %add3A_130 = vector.broadcast %add3A_129 : i32 to vector<16xi32>
      %add3A_131 = arith.addi %mul3A_24, %add3A_130 : vector<16xi32>
      %gather3A_132 = tpu.vector_load_idx %arg7[%add3A_131] : memref<16384xf32, #tpu.memory_space<vmem>>[vector<16xi32>], vector<16xf32>,
      %mul3A_133 = arith.mulf %gather3A_128, %gather3A_132 : vector<16xf32>
      %add3A_134 = arith.addf %add3A_124, %mul3A_133 : vector<16xf32>
      %add3A_135 = arith.constant 11 : i32
      %add3A_136 = vector.broadcast %add3A_135 : i32 to vector<16xi32>
      %add3A_137 = arith.addi %mul3A_24, %add3A_136 : vector<16xi32>
      %gather3A_138 = tpu.vector_load_idx %arg8[%add3A_137] : memref<16384xf32, #tpu.memory_space<vmem>>[vector<16xi32>], vector<16xf32>,
      %add3A_139 = arith.constant 11 : i32
      %add3A_140 = vector.broadcast %add3A_139 : i32 to vector<16xi32>
      %add3A_141 = arith.addi %mul3A_24, %add3A_140 : vector<16xi32>
      %gather3A_142 = tpu.vector_load_idx %arg7[%add3A_141] : memref<16384xf32, #tpu.memory_space<vmem>>[vector<16xi32>], vector<16xf32>,
      %mul3A_143 = arith.mulf %gather3A_138, %gather3A_142 : vector<16xf32>
      %add3A_144 = arith.addf %add3A_134, %mul3A_143 : vector<16xf32>
      %add3A_145 = arith.constant 12 : i32
      %add3A_146 = vector.broadcast %add3A_145 : i32 to vector<16xi32>
      %add3A_147 = arith.addi %mul3A_24, %add3A_146 : vector<16xi32>
      %gather3A_148 = tpu.vector_load_idx %arg8[%add3A_147] : memref<16384xf32, #tpu.memory_space<vmem>>[vector<16xi32>], vector<16xf32>,
      %add3A_149 = arith.constant 12 : i32
      %add3A_150 = vector.broadcast %add3A_149 : i32 to vector<16xi32>
      %add3A_151 = arith.addi %mul3A_24, %add3A_150 : vector<16xi32>
      %gather3A_152 = tpu.vector_load_idx %arg7[%add3A_151] : memref<16384xf32, #tpu.memory_space<vmem>>[vector<16xi32>], vector<16xf32>,
      %mul3A_153 = arith.mulf %gather3A_148, %gather3A_152 : vector<16xf32>
      %add3A_154 = arith.addf %add3A_144, %mul3A_153 : vector<16xf32>
      %add3A_155 = arith.constant 13 : i32
      %add3A_156 = vector.broadcast %add3A_155 : i32 to vector<16xi32>
      %add3A_157 = arith.addi %mul3A_24, %add3A_156 : vector<16xi32>
      %gather3A_158 = tpu.vector_load_idx %arg8[%add3A_157] : memref<16384xf32, #tpu.memory_space<vmem>>[vector<16xi32>], vector<16xf32>,
      %add3A_159 = arith.constant 13 : i32
      %add3A_160 = vector.broadcast %add3A_159 : i32 to vector<16xi32>
      %add3A_161 = arith.addi %mul3A_24, %add3A_160 : vector<16xi32>
      %gather3A_162 = tpu.vector_load_idx %arg7[%add3A_161] : memref<16384xf32, #tpu.memory_space<vmem>>[vector<16xi32>], vector<16xf32>,
      %mul3A_163 = arith.mulf %gather3A_158, %gather3A_162 : vector<16xf32>
      %add3A_164 = arith.addf %add3A_154, %mul3A_163 : vector<16xf32>
      %add3A_165 = arith.constant 14 : i32
      %add3A_166 = vector.broadcast %add3A_165 : i32 to vector<16xi32>
      %add3A_167 = arith.addi %mul3A_24, %add3A_166 : vector<16xi32>
      %gather3A_168 = tpu.vector_load_idx %arg8[%add3A_167] : memref<16384xf32, #tpu.memory_space<vmem>>[vector<16xi32>], vector<16xf32>,
      %add3A_169 = arith.constant 14 : i32
      %add3A_170 = vector.broadcast %add3A_169 : i32 to vector<16xi32>
      %add3A_171 = arith.addi %mul3A_24, %add3A_170 : vector<16xi32>
      %gather3A_172 = tpu.vector_load_idx %arg7[%add3A_171] : memref<16384xf32, #tpu.memory_space<vmem>>[vector<16xi32>], vector<16xf32>,
      %mul3A_173 = arith.mulf %gather3A_168, %gather3A_172 : vector<16xf32>
      %add3A_174 = arith.addf %add3A_164, %mul3A_173 : vector<16xf32>
      %add3A_175 = arith.constant 15 : i32
      %add3A_176 = vector.broadcast %add3A_175 : i32 to vector<16xi32>
      %add3A_177 = arith.addi %mul3A_24, %add3A_176 : vector<16xi32>
      %gather3A_178 = tpu.vector_load_idx %arg8[%add3A_177] : memref<16384xf32, #tpu.memory_space<vmem>>[vector<16xi32>], vector<16xf32>,
      %add3A_179 = arith.constant 15 : i32
      %add3A_180 = vector.broadcast %add3A_179 : i32 to vector<16xi32>
      %add3A_181 = arith.addi %mul3A_24, %add3A_180 : vector<16xi32>
      %gather3A_182 = tpu.vector_load_idx %arg7[%add3A_181] : memref<16384xf32, #tpu.memory_space<vmem>>[vector<16xi32>], vector<16xf32>,
      %mul3A_183 = arith.mulf %gather3A_178, %gather3A_182 : vector<16xf32>
      %add3A_184 = arith.addf %add3A_174, %mul3A_183 : vector<16xf32>
      %add3A_185 = arith.constant 16 : i32
      %add3A_186 = vector.broadcast %add3A_185 : i32 to vector<16xi32>
      %add3A_187 = arith.addi %mul3A_24, %add3A_186 : vector<16xi32>
      %gather3A_188 = tpu.vector_load_idx %arg8[%add3A_187] : memref<16384xf32, #tpu.memory_space<vmem>>[vector<16xi32>], vector<16xf32>,
      %add3A_189 = arith.constant 16 : i32
      %add3A_190 = vector.broadcast %add3A_189 : i32 to vector<16xi32>
      %add3A_191 = arith.addi %mul3A_24, %add3A_190 : vector<16xi32>
      %gather3A_192 = tpu.vector_load_idx %arg7[%add3A_191] : memref<16384xf32, #tpu.memory_space<vmem>>[vector<16xi32>], vector<16xf32>,
      %mul3A_193 = arith.mulf %gather3A_188, %gather3A_192 : vector<16xf32>
      %add3A_194 = arith.addf %add3A_184, %mul3A_193 : vector<16xf32>
      %add3A_195 = arith.constant 17 : i32
      %add3A_196 = vector.broadcast %add3A_195 : i32 to vector<16xi32>
      %add3A_197 = arith.addi %mul3A_24, %add3A_196 : vector<16xi32>
      %gather3A_198 = tpu.vector_load_idx %arg8[%add3A_197] : memref<16384xf32, #tpu.memory_space<vmem>>[vector<16xi32>], vector<16xf32>,
      %add3A_199 = arith.constant 17 : i32
      %add3A_200 = vector.broadcast %add3A_199 : i32 to vector<16xi32>
      %add3A_201 = arith.addi %mul3A_24, %add3A_200 : vector<16xi32>
      %gather3A_202 = tpu.vector_load_idx %arg7[%add3A_201] : memref<16384xf32, #tpu.memory_space<vmem>>[vector<16xi32>], vector<16xf32>,
      %mul3A_203 = arith.mulf %gather3A_198, %gather3A_202 : vector<16xf32>
      %add3A_204 = arith.addf %add3A_194, %mul3A_203 : vector<16xf32>
      %add3A_205 = arith.constant 18 : i32
      %add3A_206 = vector.broadcast %add3A_205 : i32 to vector<16xi32>
      %add3A_207 = arith.addi %mul3A_24, %add3A_206 : vector<16xi32>
      %gather3A_208 = tpu.vector_load_idx %arg8[%add3A_207] : memref<16384xf32, #tpu.memory_space<vmem>>[vector<16xi32>], vector<16xf32>,
      %add3A_209 = arith.constant 18 : i32
      %add3A_210 = vector.broadcast %add3A_209 : i32 to vector<16xi32>
      %add3A_211 = arith.addi %mul3A_24, %add3A_210 : vector<16xi32>
      %gather3A_212 = tpu.vector_load_idx %arg7[%add3A_211] : memref<16384xf32, #tpu.memory_space<vmem>>[vector<16xi32>], vector<16xf32>,
      %mul3A_213 = arith.mulf %gather3A_208, %gather3A_212 : vector<16xf32>
      %add3A_214 = arith.addf %add3A_204, %mul3A_213 : vector<16xf32>
      %add3A_215 = arith.constant 19 : i32
      %add3A_216 = vector.broadcast %add3A_215 : i32 to vector<16xi32>
      %add3A_217 = arith.addi %mul3A_24, %add3A_216 : vector<16xi32>
      %gather3A_218 = tpu.vector_load_idx %arg8[%add3A_217] : memref<16384xf32, #tpu.memory_space<vmem>>[vector<16xi32>], vector<16xf32>,
      %add3A_219 = arith.constant 19 : i32
      %add3A_220 = vector.broadcast %add3A_219 : i32 to vector<16xi32>
      %add3A_221 = arith.addi %mul3A_24, %add3A_220 : vector<16xi32>
      %gather3A_222 = tpu.vector_load_idx %arg7[%add3A_221] : memref<16384xf32, #tpu.memory_space<vmem>>[vector<16xi32>], vector<16xf32>,
      %mul3A_223 = arith.mulf %gather3A_218, %gather3A_222 : vector<16xf32>
      %add3A_224 = arith.addf %add3A_214, %mul3A_223 : vector<16xf32>
      %add3A_225 = arith.constant 20 : i32
      %add3A_226 = vector.broadcast %add3A_225 : i32 to vector<16xi32>
      %add3A_227 = arith.addi %mul3A_24, %add3A_226 : vector<16xi32>
      %gather3A_228 = tpu.vector_load_idx %arg8[%add3A_227] : memref<16384xf32, #tpu.memory_space<vmem>>[vector<16xi32>], vector<16xf32>,
      %add3A_229 = arith.constant 20 : i32
      %add3A_230 = vector.broadcast %add3A_229 : i32 to vector<16xi32>
      %add3A_231 = arith.addi %mul3A_24, %add3A_230 : vector<16xi32>
      %gather3A_232 = tpu.vector_load_idx %arg7[%add3A_231] : memref<16384xf32, #tpu.memory_space<vmem>>[vector<16xi32>], vector<16xf32>,
      %mul3A_233 = arith.mulf %gather3A_228, %gather3A_232 : vector<16xf32>
      %add3A_234 = arith.addf %add3A_224, %mul3A_233 : vector<16xf32>
      %add3A_235 = arith.constant 21 : i32
      %add3A_236 = vector.broadcast %add3A_235 : i32 to vector<16xi32>
      %add3A_237 = arith.addi %mul3A_24, %add3A_236 : vector<16xi32>
      %gather3A_238 = tpu.vector_load_idx %arg8[%add3A_237] : memref<16384xf32, #tpu.memory_space<vmem>>[vector<16xi32>], vector<16xf32>,
      %add3A_239 = arith.constant 21 : i32
      %add3A_240 = vector.broadcast %add3A_239 : i32 to vector<16xi32>
      %add3A_241 = arith.addi %mul3A_24, %add3A_240 : vector<16xi32>
      %gather3A_242 = tpu.vector_load_idx %arg7[%add3A_241] : memref<16384xf32, #tpu.memory_space<vmem>>[vector<16xi32>], vector<16xf32>,
      %mul3A_243 = arith.mulf %gather3A_238, %gather3A_242 : vector<16xf32>
      %add3A_244 = arith.addf %add3A_234, %mul3A_243 : vector<16xf32>
      %add3A_245 = arith.constant 22 : i32
      %add3A_246 = vector.broadcast %add3A_245 : i32 to vector<16xi32>
      %add3A_247 = arith.addi %mul3A_24, %add3A_246 : vector<16xi32>
      %gather3A_248 = tpu.vector_load_idx %arg8[%add3A_247] : memref<16384xf32, #tpu.memory_space<vmem>>[vector<16xi32>], vector<16xf32>,
      %add3A_249 = arith.constant 22 : i32
      %add3A_250 = vector.broadcast %add3A_249 : i32 to vector<16xi32>
      %add3A_251 = arith.addi %mul3A_24, %add3A_250 : vector<16xi32>
      %gather3A_252 = tpu.vector_load_idx %arg7[%add3A_251] : memref<16384xf32, #tpu.memory_space<vmem>>[vector<16xi32>], vector<16xf32>,
      %mul3A_253 = arith.mulf %gather3A_248, %gather3A_252 : vector<16xf32>
      %add3A_254 = arith.addf %add3A_244, %mul3A_253 : vector<16xf32>
      %add3A_255 = arith.constant 23 : i32
      %add3A_256 = vector.broadcast %add3A_255 : i32 to vector<16xi32>
      %add3A_257 = arith.addi %mul3A_24, %add3A_256 : vector<16xi32>
      %gather3A_258 = tpu.vector_load_idx %arg8[%add3A_257] : memref<16384xf32, #tpu.memory_space<vmem>>[vector<16xi32>], vector<16xf32>,
      %add3A_259 = arith.constant 23 : i32
      %add3A_260 = vector.broadcast %add3A_259 : i32 to vector<16xi32>
      %add3A_261 = arith.addi %mul3A_24, %add3A_260 : vector<16xi32>
      %gather3A_262 = tpu.vector_load_idx %arg7[%add3A_261] : memref<16384xf32, #tpu.memory_space<vmem>>[vector<16xi32>], vector<16xf32>,
      %mul3A_263 = arith.mulf %gather3A_258, %gather3A_262 : vector<16xf32>
      %add3A_264 = arith.addf %add3A_254, %mul3A_263 : vector<16xf32>
      %add3A_265 = arith.constant 24 : i32
      %add3A_266 = vector.broadcast %add3A_265 : i32 to vector<16xi32>
      %add3A_267 = arith.addi %mul3A_24, %add3A_266 : vector<16xi32>
      %gather3A_268 = tpu.vector_load_idx %arg8[%add3A_267] : memref<16384xf32, #tpu.memory_space<vmem>>[vector<16xi32>], vector<16xf32>,
      %add3A_269 = arith.constant 24 : i32
      %add3A_270 = vector.broadcast %add3A_269 : i32 to vector<16xi32>
      %add3A_271 = arith.addi %mul3A_24, %add3A_270 : vector<16xi32>
      %gather3A_272 = tpu.vector_load_idx %arg7[%add3A_271] : memref<16384xf32, #tpu.memory_space<vmem>>[vector<16xi32>], vector<16xf32>,
      %mul3A_273 = arith.mulf %gather3A_268, %gather3A_272 : vector<16xf32>
      %add3A_274 = arith.addf %add3A_264, %mul3A_273 : vector<16xf32>
      %add3A_275 = arith.constant 25 : i32
      %add3A_276 = vector.broadcast %add3A_275 : i32 to vector<16xi32>
      %add3A_277 = arith.addi %mul3A_24, %add3A_276 : vector<16xi32>
      %gather3A_278 = tpu.vector_load_idx %arg8[%add3A_277] : memref<16384xf32, #tpu.memory_space<vmem>>[vector<16xi32>], vector<16xf32>,
      %add3A_279 = arith.constant 25 : i32
      %add3A_280 = vector.broadcast %add3A_279 : i32 to vector<16xi32>
      %add3A_281 = arith.addi %mul3A_24, %add3A_280 : vector<16xi32>
      %gather3A_282 = tpu.vector_load_idx %arg7[%add3A_281] : memref<16384xf32, #tpu.memory_space<vmem>>[vector<16xi32>], vector<16xf32>,
      %mul3A_283 = arith.mulf %gather3A_278, %gather3A_282 : vector<16xf32>
      %add3A_284 = arith.addf %add3A_274, %mul3A_283 : vector<16xf32>
      %add3A_285 = arith.constant 26 : i32
      %add3A_286 = vector.broadcast %add3A_285 : i32 to vector<16xi32>
      %add3A_287 = arith.addi %mul3A_24, %add3A_286 : vector<16xi32>
      %gather3A_288 = tpu.vector_load_idx %arg8[%add3A_287] : memref<16384xf32, #tpu.memory_space<vmem>>[vector<16xi32>], vector<16xf32>,
      %add3A_289 = arith.constant 26 : i32
      %add3A_290 = vector.broadcast %add3A_289 : i32 to vector<16xi32>
      %add3A_291 = arith.addi %mul3A_24, %add3A_290 : vector<16xi32>
      %gather3A_292 = tpu.vector_load_idx %arg7[%add3A_291] : memref<16384xf32, #tpu.memory_space<vmem>>[vector<16xi32>], vector<16xf32>,
      %mul3A_293 = arith.mulf %gather3A_288, %gather3A_292 : vector<16xf32>
      %add3A_294 = arith.addf %add3A_284, %mul3A_293 : vector<16xf32>
      %add3A_295 = arith.constant 27 : i32
      %add3A_296 = vector.broadcast %add3A_295 : i32 to vector<16xi32>
      %add3A_297 = arith.addi %mul3A_24, %add3A_296 : vector<16xi32>
      %gather3A_298 = tpu.vector_load_idx %arg8[%add3A_297] : memref<16384xf32, #tpu.memory_space<vmem>>[vector<16xi32>], vector<16xf32>,
      %add3A_299 = arith.constant 27 : i32
      %add3A_300 = vector.broadcast %add3A_299 : i32 to vector<16xi32>
      %add3A_301 = arith.addi %mul3A_24, %add3A_300 : vector<16xi32>
      %gather3A_302 = tpu.vector_load_idx %arg7[%add3A_301] : memref<16384xf32, #tpu.memory_space<vmem>>[vector<16xi32>], vector<16xf32>,
      %mul3A_303 = arith.mulf %gather3A_298, %gather3A_302 : vector<16xf32>
      %add3A_304 = arith.addf %add3A_294, %mul3A_303 : vector<16xf32>
      %add3A_305 = arith.constant 28 : i32
      %add3A_306 = vector.broadcast %add3A_305 : i32 to vector<16xi32>
      %add3A_307 = arith.addi %mul3A_24, %add3A_306 : vector<16xi32>
      %gather3A_308 = tpu.vector_load_idx %arg8[%add3A_307] : memref<16384xf32, #tpu.memory_space<vmem>>[vector<16xi32>], vector<16xf32>,
      %add3A_309 = arith.constant 28 : i32
      %add3A_310 = vector.broadcast %add3A_309 : i32 to vector<16xi32>
      %add3A_311 = arith.addi %mul3A_24, %add3A_310 : vector<16xi32>
      %gather3A_312 = tpu.vector_load_idx %arg7[%add3A_311] : memref<16384xf32, #tpu.memory_space<vmem>>[vector<16xi32>], vector<16xf32>,
      %mul3A_313 = arith.mulf %gather3A_308, %gather3A_312 : vector<16xf32>
      %add3A_314 = arith.addf %add3A_304, %mul3A_313 : vector<16xf32>
      %add3A_315 = arith.constant 29 : i32
      %add3A_316 = vector.broadcast %add3A_315 : i32 to vector<16xi32>
      %add3A_317 = arith.addi %mul3A_24, %add3A_316 : vector<16xi32>
      %gather3A_318 = tpu.vector_load_idx %arg8[%add3A_317] : memref<16384xf32, #tpu.memory_space<vmem>>[vector<16xi32>], vector<16xf32>,
      %add3A_319 = arith.constant 29 : i32
      %add3A_320 = vector.broadcast %add3A_319 : i32 to vector<16xi32>
      %add3A_321 = arith.addi %mul3A_24, %add3A_320 : vector<16xi32>
      %gather3A_322 = tpu.vector_load_idx %arg7[%add3A_321] : memref<16384xf32, #tpu.memory_space<vmem>>[vector<16xi32>], vector<16xf32>,
      %mul3A_323 = arith.mulf %gather3A_318, %gather3A_322 : vector<16xf32>
      %add3A_324 = arith.addf %add3A_314, %mul3A_323 : vector<16xf32>
      %add3A_325 = arith.constant 30 : i32
      %add3A_326 = vector.broadcast %add3A_325 : i32 to vector<16xi32>
      %add3A_327 = arith.addi %mul3A_24, %add3A_326 : vector<16xi32>
      %gather3A_328 = tpu.vector_load_idx %arg8[%add3A_327] : memref<16384xf32, #tpu.memory_space<vmem>>[vector<16xi32>], vector<16xf32>,
      %add3A_329 = arith.constant 30 : i32
      %add3A_330 = vector.broadcast %add3A_329 : i32 to vector<16xi32>
      %add3A_331 = arith.addi %mul3A_24, %add3A_330 : vector<16xi32>
      %gather3A_332 = tpu.vector_load_idx %arg7[%add3A_331] : memref<16384xf32, #tpu.memory_space<vmem>>[vector<16xi32>], vector<16xf32>,
      %mul3A_333 = arith.mulf %gather3A_328, %gather3A_332 : vector<16xf32>
      %add3A_334 = arith.addf %add3A_324, %mul3A_333 : vector<16xf32>
      %add3A_335 = arith.constant 31 : i32
      %add3A_336 = vector.broadcast %add3A_335 : i32 to vector<16xi32>
      %add3A_337 = arith.addi %mul3A_24, %add3A_336 : vector<16xi32>
      %gather3A_338 = tpu.vector_load_idx %arg8[%add3A_337] : memref<16384xf32, #tpu.memory_space<vmem>>[vector<16xi32>], vector<16xf32>,
      %add3A_339 = arith.constant 31 : i32
      %add3A_340 = vector.broadcast %add3A_339 : i32 to vector<16xi32>
      %add3A_341 = arith.addi %mul3A_24, %add3A_340 : vector<16xi32>
      %gather3A_342 = tpu.vector_load_idx %arg7[%add3A_341] : memref<16384xf32, #tpu.memory_space<vmem>>[vector<16xi32>], vector<16xf32>,
      %mul3A_343 = arith.mulf %gather3A_338, %gather3A_342 : vector<16xf32>
      %add3A_344 = arith.addf %add3A_334, %mul3A_343 : vector<16xf32>
      %mul3A_345 = arith.constant 16 : i32
      %mul3A_346 = arith.muli %scan3A_17, %mul3A_345 : i32
      %swap3A = arith.index_cast %mul3A_346 : i32 to index
      %swap3A_347 = tpu.vector_load %arg9[%swap3A] {strides = array<i32>} : memref<512xf32, #tpu.memory_space<vmem>>, vector<16xf32>,
      tpu.vector_store %arg9[%swap3A], %add3A_344 {strides = array<i32>} : memref<512xf32, #tpu.memory_space<vmem>>, vector<16xf32>,
    }
    %scan3A_16 = arith.constant 32 : i32
    "tpu.region"() ({
      %run_scoped3A = tpu.sem_alloc : memref<!tpu.dma_semaphore, #tpu.memory_space<semaphore_mem>>
      %dma_start3A = tpu.memref_slice %arg5[%mul3A_2] : memref<16384xf32, #tpu.memory_space<hbm>> -> memref<512xf32, #tpu.memory_space<hbm>>
      %dma_start3A_17 = tpu.memref_slice %arg5[%mul3A_2] : memref<16384xf32, #tpu.memory_space<hbm>> -> memref<512xf32, #tpu.memory_space<hbm>>
      tpu.enqueue_dma source(%arg9 : memref<512xf32, #tpu.memory_space<vmem>>) target(%dma_start3A_17 : memref<512xf32, #tpu.memory_space<hbm>>) target_semaphore(%run_scoped3A : memref<!tpu.dma_semaphore, #tpu.memory_space<semaphore_mem>>)
      %dma_wait3A = tpu.memref_slice %arg5[%mul3A_2] : memref<16384xf32, #tpu.memory_space<hbm>> -> memref<512xf32, #tpu.memory_space<hbm>>
      %dma_wait3A_18 = tpu.memref_slice %arg5[%mul3A_2] : memref<16384xf32, #tpu.memory_space<hbm>> -> memref<512xf32, #tpu.memory_space<hbm>>
      tpu.wait_dma2 semaphore(%run_scoped3A : memref<!tpu.dma_semaphore, #tpu.memory_space<semaphore_mem>>) src(%arg9 : memref<512xf32, #tpu.memory_space<vmem>>) dst(%dma_wait3A_18 : memref<512xf32, #tpu.memory_space<hbm>>)
      tpu.yield
    }) : () -> ()
    return
  }
}

</mosaic_0001>

<sc_bundles>
// kernel: kernel.4.cloned.1.call-start
scs
__scs_entry_jumppad:
0x0: {  	(pc) =	sbr.rel $0x88, $3  }
0x1: {  	(tag) =	ssettag $0x0;
	lr =	simm.s32 $0x1  }
0x2: {  	[smem:$0x3F9E] =	sst lr;
	_ =	strace $0xD0000000  }
0x3: {  	_ = 	snop  }
0x4: {  	_ = 	snop  }
0x5: {  	_ = 	snop  }
0x6: {  	_ = 	snop  }
0x7: {  	_ = 	snop  }
__scs_overlays_trampoline_lowered:
0x8: {  	[smem:$0x3FAD] =	sst s0  }
0x9: {  	[smem:$0x3FAE] =	sst s1  }
0xa: {  	[smem:$0x3FAF] =	sst s2  }
0xb: {  	[smem:$0x3FB0] =	sst s3  }
0xc: {  	[smem:$0x3FB1] =	sst s4  }
0xd: {  	[smem:$0x3FB2] =	sst s5  }
0xe: {  	[smem:$0x3FB3] =	sst s6  }
0xf: {  	[smem:$0x3FB4] =	sst s7  }
0x10: {  	[smem:$0x3FB5] =	sst s8  }
0x11: {  	[smem:$0x3FB6] =	sst s9;
	s0 =	simm.s32 @!p0 $0x0  }
0x12: {  	s1 =	sld [smem:$0x3F9C];
	s0 =	simm.s32 @p0 $0x1  }
0x13: {  	[smem:$0x3FB7] =	sst s0;
	s0 =	simm.s32 @!p1 $0x0  }
0x14: {  	s2 =	sld [smem:$0x3F9B];
	s0 =	simm.s32 @p1 $0x1  }
0x15: {  	[smem:$0x3FB8] =	sst s0;
	s0 =	simm.s32 @!p2 $0x0  }
0x16: {  	s3 =	sld [smem:$0x3FDB];
	s0 =	simm.s32 @p2 $0x1  }
0x17: {  	s4 =	simm.s32 $0x1BF5;
	[smem:$0x3FBA] =	sst s0  }
0x18: {  	s0 =	sld [smem:$0x3F9D];
	_ =	swait.ge [sflag:s4], $0x0  }
0x19: {  	s7 =	sld [smem:$0x3F9E]  }
0x1a: {  	s8 =	sadd.s32 $0xFFFFE003, lr  }
0x1b: {  	s9 =	sadd.s32 $0xFFFFFEF7, lr;
	s5 =	simm.s32 $0xFFFFFFFF;
	p2 =	slt.u32 s8, $0xFFFFF086  }
0x1c: {  	p1 =	slt.u32 s9, $0xF7A;
	s5 =	simm.s32 @!p2 $0x0  }
0x1d: {  	s5 =	simm.s32 @p1 $0x1;
	p0 =	seq.s32 s7, s2  }
0x1e: {  	s7 =	smul.u32 @!p0 $0xF7A, s2;
	p2 =	seq.s32 @!p0 s5, $0x0  }
0x1f: {  	s9 =	smul.u32 $0xF7A, s1;
	s8 =	simm.s32 @!p0 $0x1BF5;
	p2 =	por !p2, p0  }
0x20: {  	[sflag:s8] =	ssyncset.s32 @!p0 $0xFFFFF086;
	s6 =	sadd.s32 @!p0 s3, s7;
	s7 =	simm.s32 @!p0 $0x108  }
0x21: {  	s3 =	sadd.s32 s3, s9;
	s6 =	sadd.s32 @!p0 $0x88, s6;
	s7 =	simm.s32 @p2 $0x1082  }
0x22: {  	[simem:s7], [sflag:s8] =	dma.local @!p0 [hbm:s6], $0xF7A  }
0x23: {  	s9 =	sor.u32 $0xD0000000, s2;
	s6 =	simm.s32 $0x108;
	_ =	swait.ge @!p0 [sflag:s8], $0x0  }
0x24: {  	s3 =	sadd.s32 $0x88, s3;
	s6 =	simm.s32 @!p1 $0x1082;
	[sflag:s4] =	ssyncset.s32 $0xFFFFF086  }
0x25: {  	[simem:s6], [sflag:s4] =	dma.local [hbm:s3], $0xF7A  }
0x26: {  	[smem:$0x3F9E] =	sst s1;
	(tag) =	ssettag s2;
	_ =	strace s9  }
0x27: {  	s1 =	sld [smem:$0x3FAE]  }
0x28: {  	s2 =	sld [smem:$0x3FAF]  }
0x29: {  	s4 =	sld [smem:$0x3FB1]  }
0x2a: {  	p0 =	seq.s32 s5, $0x0;
	s5 =	sld [smem:$0x3FB2]  }
0x2b: {  	s6 =	sld [smem:$0x3FB3]  }
0x2c: {  	s7 =	sld [smem:$0x3FB4]  }
0x2d: {  	s3 =	simm.s32 $0x108;
	s8 =	sld [smem:$0x3FB5]  }
0x2e: {  	s3 =	simm.s32 @!p0 $0x1082;
	s9 =	sld [smem:$0x3FB6]  }
0x2f: {  	lr =	sadd.s32 s0, s3;
	s0 =	sld [smem:$0x3FAD]  }
0x30: {  	s3 =	sld [smem:$0x3FB0]  }
0x31: {  	[smem:$0x3FB9] =	sst s10  }
0x32: {  	s10 =	sld [smem:$0x3FB7];
	_ =	sdelay $0x3  }
0x33: {  	p0 =	seq.s32 s10, $0x1;
	s10 =	sld [smem:$0x3FB9];
	_ =	sdelay $0x3  }
0x34: {  	[smem:$0x3FB9] =	sst s10  }
0x35: {  	s10 =	sld [smem:$0x3FB8];
	_ =	sdelay $0x3  }
0x36: {  	p1 =	seq.s32 s10, $0x1;
	s10 =	sld [smem:$0x3FB9];
	_ =	sdelay $0x3  }
0x37: {  	[smem:$0x3FB9] =	sst s10  }
0x38: {  	s10 =	sld [smem:$0x3FBA]  }
0x39: {  	_ = 	snop;
	(pc) =	sbr.ind lr, $3  }
0x3a: {  	_ = 	snop  }
0x3b: {  	_ = 	snop  }
0x3c: {  	p2 =	seq.s32 s10, $0x1;
	s10 =	sld [smem:$0x3FB9]  }
0x3d: {  	_ =	shalt  }
0x3e: {  	_ =	shalt  }
0x3f: {  	_ =	shalt  }
0x40: {  	_ =	shalt  }
0x41: {  	_ =	shalt  }
0x42: {  	_ =	shalt  }
0x43: {  	_ =	shalt  }
0x44: {  	_ =	shalt  }
0x45: {  	_ =	shalt  }
0x46: {  	_ =	shalt  }
0x47: {  	_ =	shalt  }
0x48: {  	_ =	shalt  }
0x49: {  	_ =	shalt  }
0x4a: {  	_ =	shalt  }
0x4b: {  	_ =	shalt  }
0x4c: {  	_ =	shalt  }
0x4d: {  	_ =	shalt  }
0x4e: {  	_ =	shalt  }
0x4f: {  	_ =	shalt  }
0x50: {  	_ =	shalt  }
0x51: {  	_ =	shalt  }
0x52: {  	_ =	shalt  }
0x53: {  	_ =	shalt  }
0x54: {  	_ =	shalt  }
0x55: {  	_ =	shalt  }
0x56: {  	_ =	shalt  }
0x57: {  	_ =	shalt  }
0x58: {  	_ =	shalt  }
0x59: {  	_ =	shalt  }
0x5a: {  	_ =	shalt  }
0x5b: {  	_ =	shalt  }
0x5c: {  	_ =	shalt  }
0x5d: {  	_ =	shalt  }
0x5e: {  	_ =	shalt  }
0x5f: {  	_ =	shalt  }
0x60: {  	_ =	shalt  }
0x61: {  	_ =	shalt  }
0x62: {  	_ =	shalt  }
0x63: {  	_ =	shalt  }
0x64: {  	_ =	shalt  }
0x65: {  	_ =	shalt  }
0x66: {  	_ =	shalt  }
0x67: {  	_ =	shalt  }
0x68: {  	_ =	shalt  }
0x69: {  	_ =	shalt  }
0x6a: {  	_ =	shalt  }
0x6b: {  	_ =	shalt  }
0x6c: {  	_ =	shalt  }
0x6d: {  	_ =	shalt  }
0x6e: {  	_ =	shalt  }
0x6f: {  	_ =	shalt  }
0x70: {  	_ =	shalt  }
0x71: {  	_ =	shalt  }
0x72: {  	_ =	shalt  }
0x73: {  	_ =	shalt  }
0x74: {  	_ =	shalt  }
0x75: {  	_ =	shalt  }
0x76: {  	_ =	shalt  }
0x77: {  	_ =	shalt  }
0x78: {  	_ =	shalt  }
0x79: {  	_ =	shalt  }
0x7a: {  	_ =	shalt  }
0x7b: {  	_ =	shalt  }
0x7c: {  	_ =	shalt  }
0x7d: {  	_ =	shalt  }
0x7e: {  	_ =	shalt  }
0x7f: {  	_ =	shalt  }
0x80: {  	_ =	shalt  }
0x81: {  	_ =	shalt  }
0x82: {  	_ =	shalt  }
0x83: {  	_ =	shalt  }
0x84: {  	_ =	shalt  }
0x85: {  	_ =	shalt  }
0x86: {  	_ =	shalt  }
0x87: {  	_ =	shalt  }
.Lfunc_end0:
.L_simem_size_0:
called_computation_lowered:
.L_overlay_start_0:
0x88: {  	s2 =	sld [smem:$0x3FD9]  }
0x89: {  	s3 =	sld [smem:$0x3FFE];
	_ =	sdelay $0x1  }
0x8a: {  	s1 =	srdreg.scid  }
0x8b: {  	s0 =	sand.u32 $0x1, s1  }
0x8c: {  	s17 =	sshll.u32 s0, $0xA;
	s2 =	sadd.s32 s3, s2  }
0x8d: {  	s2 =	sadd.s32 s2, s17  }
0x8e: {  	[smem:$0x3FC5] =	sst s2  }
0x8f: {  	_ = 	snop  }
0x90: {  	s2 =	sld [smem:$0x3FC8]  }
0x91: {  	s18 =	sld [smem:$0x3FD0];
	(tm) =	ssettm $0x1  }
0x92: {  	s4 =	sld [smem:$0x3FFB];
	_ =	sdelay $0x3  }
0x93: {  	_ =	strace s4  }
0x94: {  	s4 =	sld [smem:$0x3FFC];
	_ =	sdelay $0x3  }
0x95: {  	_ =	strace s4  }
0x96: {  	s4 =	sld [smem:$0x3FFD];
	_ =	sdelay $0x3  }
0x97: {  	_ =	strace s4  }
0x98: {  	_ =	strace $0x8FFFFFFF  }
0x99: {  	s19 =	sld [smem:$0x3FDB];
	_ =	sdelay $0x1  }
0x9a: {  	s5 =	simm.s32 $_scs_section_size  }
0x9b: {  	s6 =	simm.s32 $_size__tile_overlayer_lowered;
	s7 =	simm.s32 $_tile_overlayer_lowered  }
0x9c: {  	s22 =	simm.s32 $0x1BFF;
	s21 =	sshll.u32 s7, $0x1;
	s4 =	sadd.s32 s5, s19  }
0x9d: {  	s8 =	simm.s32 $0x0;
	s20 =	sshll.u32 s6, $0x1;
	s6 =	sadd.s32 s21, s4  }
0x9e: {  	[timem:s8], [sflag:s22] =	dma.local [hbm:s6], s20  }
0x9f: {  	_ =	swait.ge [sflag:s22], s20  }
0xa0: {  	s5 =	ssub.s32 $0x0, s20;
	[sflag:s22] =	ssyncset.done $0x0  }
0xa1: {  	[sflag:s22] =	ssyncadd.s32 s5;
	_ =	sdelay $0x1  }
0xa2: {  	s23 =	simm.s32 $0x1B8B  }
0xa3: {  	_ =	swait.ge [sflag:s23], $0x1  }
0xa4: {  	[sflag:s23] =	ssyncset.done $0x0  }
0xa5: {  	s25 =	simm.s32 $0x1B8E;
	s24 =	sld [smem:$0x3FFE];
	[sflag:s23] =	ssyncadd.s32 $0xFFFFFFFF  }
0xa6: {  	s26 =	simm.s32 $execute0_lowered;
	[smem:$0x3FD2] =	sst s25  }
0xa7: {  	s6 =	sshll.u32 s26, $0x1;
	_ =	strace $0x80000046;
	[dreg:$0x1] =	wrdreg $0xFFFFFFFF  }
0xa8: {  	s28 =	simm.s32 $_size_execute0_lowered;
	s4 =	sadd.s32 s4, s6;
	[dreg:$0x0] =	wrdreg $0x0  }
0xa9: {  	s6 =	sshll.u32 s28, $0x1;
	[dreg:$0x2] =	wrdreg s4  }
0xaa: {  	[dreg:$0x3] =	wrdreg s6  }
0xab: {  	[dreg:$0x4] =	wrdreg $0xC0  }
0xac: {  	_ =	task [dreg:s8], $0x5FFFF  }
0xad: {  	[dreg:$0x1] =	wrdreg $0xFFFFFFFF  }
0xae: {  	[dreg:$0x0] =	wrdreg $0x60  }
0xaf: {  	[dreg:$0x2] =	wrdreg s18  }
0xb0: {  	[dreg:$0x3] =	wrdreg s2  }
0xb1: {  	[dreg:$0x4] =	wrdreg s24  }
0xb2: {  	[dreg:$0x5] =	wrdreg $0x9  }
0xb3: {  	_ =	task.clear_ibuf [dreg:s8], $0x6FFFF;
	_ =	strace $0x90000046  }
0xb4: {  	s29 =	simm.s32 $0x9;
	_ =	strace $0x80000048  }
0xb5: {  	_ =	swait.ge [sflag:s29], $0x1  }
0xb6: {  	[sflag:s29] =	ssyncadd.s32 $0xFFFFFFFF  }
0xb7: {  	_ =	strace $0x90000048  }
0xb8: {  	_ =	sfence  }
0xb9: {  	s30 =	sld [smem:$0x0];
	_ =	sdelay $0x2  }
0xba: {  	s31 =	sshll.u32 s1, $0xD;
	s1 =	sshrl.u32 s1, $0x2  }
0xbb: {  	s3 =	sand.u32 $0x4000, s31;
	s1 =	sadd.s32 s1, s30  }
0xbc: {  	s0 =	sor.u32 s3, s0;
	s1 =	sshll.u32 s1, $0x11  }
0xbd: {  	s0 =	sor.u32 s1, s0  }
0xbe: {  	s0 =	sadd.s32 $0x8F2B, s0  }
0xbf: {  	[sflag:s0] =	ssyncadd.remote.s32 $0x1  }
0xc0: {  	_ =	sfence.sel $0xFFFF  }
0xc1: {  	[dreg:$0x0] =	wrdreg $0xFFFFFFFF;
	(pc) =	sbr.abs _section_cstart, $3  }
0xc2: {  	[dreg:$0x1] =	wrdreg $0xFFFFFFFF  }
0xc3: {  	_ =	task.clear_ibuf [dreg:s8], $0x2FFFF;
	_ =	strace $0x9FFFFFFF  }
0xc4: {  	(tm) =	ssettm $0x7FFFFFFF  }
0xc5: {  	_ =	shalt  }
tec
execute0_lowered:
.L_overlay_start_1:
0x0: {  	(tag) =	ssettag $0x1  }
0x1: {  	s0 =	rddreg [dreg:$0x0]  }
0x2: {  	s1 =	rddreg [dreg:$0x1]  }
0x3: {  	s2 =	rddreg [dreg:$0x2]  }
0x4: {  	s14 =	simm.s32 $0x0;
	s3 =	srdreg.scid;
	s4 =	stileid.u32  }
0x5: {  	s16 =	simm.s32 $0x11;
	s9 =	simm.s32 $0x400;
	s10 =	simm.s32 $0x7A1400  }
0x6: {  	s28 =	simm.s32 $0x2;
	s29 =	simm.s32 $0x3;
	s30 =	simm.s32 $0x4  }
0x7: {  	s31 =	simm.s32 $0x5;
	s7 =	simm.s32 $0xC;
	s8 =	simm.s32 $0xD  }
0x8: {  	s11 =	simm.s32 $0xE;
	s12 =	simm.s32 $0xF;
	s13 =	simm.s32 $0x10  }
0x9: {  	s17 =	simm.s32 $0x0;
	s3 =	sand.u32 $0x1, s3;
	s4 =	sshll.u32 s4, $0x1  }
0xa: {  	[smem:$0x7FF] =	sst s14;
	s4 =	sor.u32 s3, s4;
	s3 =	ssub.s32 $0x2, s3  }
0xb: {  	_ =	strace $0x80000047;
	s5 =	sshll.u32 s4, $0xB;
	s6 =	sshrl.u32 s3, $0x1  }
0xc: {  	s4 =	sshll.u32 s4, $0x6;
	s2 =	sadd.s32 s5, s2;
	s3 =	ssub.s32 s3, s6  }
0xd: {  	v0 =	vlaneseq.u32;
	s0 =	sadd.s32 s0, s4;
	s4 =	simm.s32 $0x9;
	s5 =	simm.s32 $0xA  }
0xe: {  	v0 =	vmul.u32 $0x80, v0;
	s6 =	simm.s32 $0xB;
	[dreg:$0x4] =	wrdreg s0;
	s25 =	sadd.s32 $0x1200, s2  }
0xf: {  	s26 =	smax.u32 s3, $0x1;
	s0 =	simm.s32 $0x6;
	[dreg:$0x5] =	wrdreg s25  }
0x10: {  	v1 =	vor.u32 $0x800, v0;
	s2 =	simm.s32 $0x7;
	s3 =	simm.s32 $0x8;
	[dreg:$0x6] =	wrdreg s26  }
.LBB2_1:
0x11: {  	[dreg:$0x7] =	wrdreg s17  }
0x12: {  	s15 =	rddreg [dreg:$0x4]  }
0x13: {  	[tilespmem:s14], [sflag:$0x11] =	stream.linear.gather [hbm4b:s15+s14], $0x200, $0x38;
	[tilespmem:$0x14280] =	vst v63  }
0x14: {  	_ =	swait.ge [sflag:s16], $0x200  }
0x15: {  	s14 =	simm.s32 $0x1C0;
	[sflag:s16] =	ssyncset.done $0x0  }
0x16: {  	s15 =	simm.s32 $0x380;
	[sflag:s16] =	ssyncadd.s32 $0xFFFFFE00;
	s16 =	simm.s32 $0x8  }
.LBB2_2:
0x17: {  	v2 =	vld [tilespmem:s16+$0xFFFFFFF8];
	_ =	sdelay $0x4  }
0x18: {  	(v2sf) =	vpush v2, $0x0;
	_ =	sdelay $0xe  }
0x19: {  	s17 =	spop (v2sf)  }
0x1a: {  	s18 =	sand.u32 $0x7F, s17  }
0x1b: {  	p1 =	slt.s32 s17, $0x1;
	p0 =	sne.s32 s18, $0x0;
	s18 =	sshra.s32 s17, $0x1F  }
0x1c: {  	s18 =	sshrl.u32 s18, $0x19;
	p0 =	por !p1, !p0  }
0x1d: {  	s17 =	sadd.s32 s18, s17;
	p0 =	por !p0, !p0;
	s18 =	simm.s32 $0x1  }
0x1e: {  	s17 =	sshrl.u32 s17, $0x7;
	s18 =	simm.s32 @!p0 $0x0  }
0x1f: {  	s17 =	ssub.s32 s17, s18  }
0x20: {  	s17 =	sshll.u32 s17, $0x7  }
0x21: {  	s17 =	sand.u32 $0x1FFFFF80, s17  }
0x22: {  	s19 =	simm.s32 $0x4280;
	s17 =	sadd.s32 s1, s17  }
0x23: {  	[tilespmem:s19], [sflag:$0x1] =	stream.strided.gather [hbm4b:s17+s9], $0x1000, s10, s9, $0x38;
	[tilespmem:$0x14280] =	vst v63  }
0x24: {  	v2 =	vld [tilespmem:s16+$0xFFFFFFF9];
	_ =	sdelay $0x4  }
0x25: {  	(v2sf) =	vpush v2, $0x0;
	_ =	sdelay $0xe  }
0x26: {  	s17 =	spop (v2sf)  }
0x27: {  	s18 =	sand.u32 $0x7F, s17  }
0x28: {  	p2 =	slt.s32 s17, $0x1;
	p1 =	sne.s32 s18, $0x0;
	s18 =	sshra.s32 s17, $0x1F  }
0x29: {  	s18 =	sshrl.u32 s18, $0x19;
	p0 =	por !p2, !p1  }
0x2a: {  	s17 =	sadd.s32 s18, s17;
	p0 =	por !p0, !p0;
	s18 =	simm.s32 $0x1  }
0x2b: {  	s17 =	sshrl.u32 s17, $0x7;
	s18 =	simm.s32 @!p0 $0x0  }
0x2c: {  	s17 =	ssub.s32 s17, s18  }
0x2d: {  	s17 =	sshll.u32 s17, $0x7  }
0x2e: {  	s17 =	sand.u32 $0x1FFFFF80, s17  }
0x2f: {  	s19 =	simm.s32 $0x5280;
	s17 =	sadd.s32 s1, s17  }
0x30: {  	[tilespmem:s19], [sflag:$0x2] =	stream.strided.gather [hbm4b:s17+s9], $0x1000, s10, s9, $0x38;
	[tilespmem:$0x14280] =	vst v63  }
0x31: {  	v2 =	vld [tilespmem:s16+$0xFFFFFFFA];
	_ =	sdelay $0x4  }
0x32: {  	(v2sf) =	vpush v2, $0x0;
	_ =	sdelay $0xe  }
0x33: {  	s17 =	spop (v2sf)  }
0x34: {  	s18 =	sand.u32 $0x7F, s17  }
0x35: {  	p4 =	slt.s32 s17, $0x1;
	p3 =	sne.s32 s18, $0x0;
	s18 =	sshra.s32 s17, $0x1F  }
0x36: {  	s18 =	sshrl.u32 s18, $0x19;
	p0 =	por !p4, !p3  }
0x37: {  	s17 =	sadd.s32 s18, s17;
	p0 =	por !p0, !p0;
	s18 =	simm.s32 $0x1  }
0x38: {  	s17 =	sshrl.u32 s17, $0x7;
	s18 =	simm.s32 @!p0 $0x0  }
0x39: {  	s17 =	ssub.s32 s17, s18  }
0x3a: {  	s17 =	sshll.u32 s17, $0x7  }
0x3b: {  	s17 =	sand.u32 $0x1FFFFF80, s17  }
0x3c: {  	s20 =	simm.s32 $0x6280;
	s17 =	sadd.s32 s1, s17  }
0x3d: {  	[tilespmem:s20], [sflag:$0x3] =	stream.strided.gather [hbm4b:s17+s9], $0x1000, s10, s9, $0x38;
	[tilespmem:$0x14280] =	vst v63  }
0x3e: {  	v2 =	vld [tilespmem:s16+$0xFFFFFFFB];
	_ =	sdelay $0x4  }
0x3f: {  	(v2sf) =	vpush v2, $0x0;
	_ =	sdelay $0xe  }
0x40: {  	s17 =	spop (v2sf)  }
0x41: {  	s18 =	sand.u32 $0x7F, s17  }
0x42: {  	p6 =	slt.s32 s17, $0x1;
	p5 =	sne.s32 s18, $0x0;
	s18 =	sshra.s32 s17, $0x1F  }
0x43: {  	s18 =	sshrl.u32 s18, $0x19;
	p0 =	por !p6, !p5  }
0x44: {  	s17 =	sadd.s32 s18, s17;
	p0 =	por !p0, !p0;
	s18 =	simm.s32 $0x1  }
0x45: {  	s17 =	sshrl.u32 s17, $0x7;
	s18 =	simm.s32 @!p0 $0x0  }
0x46: {  	s17 =	ssub.s32 s17, s18  }
0x47: {  	s17 =	sshll.u32 s17, $0x7  }
0x48: {  	s17 =	sand.u32 $0x1FFFFF80, s17  }
0x49: {  	s20 =	simm.s32 $0x7280;
	s17 =	sadd.s32 s1, s17  }
0x4a: {  	[tilespmem:s20], [sflag:$0x4] =	stream.strided.gather [hbm4b:s17+s9], $0x1000, s10, s9, $0x38;
	[tilespmem:$0x14280] =	vst v63  }
0x4b: {  	v2 =	vld [tilespmem:s16+$0xFFFFFFFC];
	_ =	sdelay $0x4  }
0x4c: {  	(v2sf) =	vpush v2, $0x0;
	_ =	sdelay $0xe  }
0x4d: {  	s17 =	spop (v2sf)  }
0x4e: {  	s18 =	sand.u32 $0x7F, s17  }
0x4f: {  	p2 =	slt.s32 s17, $0x1;
	p1 =	sne.s32 s18, $0x0;
	s18 =	sshra.s32 s17, $0x1F  }
0x50: {  	s18 =	sshrl.u32 s18, $0x19;
	p0 =	por !p2, !p1  }
0x51: {  	s17 =	sadd.s32 s18, s17;
	p0 =	por !p0, !p0;
	s18 =	simm.s32 $0x1  }
0x52: {  	s17 =	sshrl.u32 s17, $0x7;
	s18 =	simm.s32 @!p0 $0x0  }
0x53: {  	s17 =	ssub.s32 s17, s18  }
0x54: {  	s17 =	sshll.u32 s17, $0x7  }
0x55: {  	s17 =	sand.u32 $0x1FFFFF80, s17  }
0x56: {  	s21 =	simm.s32 $0x8280;
	s17 =	sadd.s32 s1, s17  }
0x57: {  	[tilespmem:s21], [sflag:$0x5] =	stream.strided.gather [hbm4b:s17+s9], $0x1000, s10, s9, $0x38;
	[tilespmem:$0x14280] =	vst v63  }
0x58: {  	v2 =	vld [tilespmem:s16+$0xFFFFFFFD];
	_ =	sdelay $0x4  }
0x59: {  	(v2sf) =	vpush v2, $0x0;
	_ =	sdelay $0xe  }
0x5a: {  	s17 =	spop (v2sf)  }
0x5b: {  	s18 =	sand.u32 $0x7F, s17  }
0x5c: {  	p4 =	slt.s32 s17, $0x1;
	p3 =	sne.s32 s18, $0x0;
	s18 =	sshra.s32 s17, $0x1F  }
0x5d: {  	s18 =	sshrl.u32 s18, $0x19;
	p0 =	por !p4, !p3  }
0x5e: {  	s17 =	sadd.s32 s18, s17;
	p0 =	por !p0, !p0;
	s18 =	simm.s32 $0x1  }
0x5f: {  	s17 =	sshrl.u32 s17, $0x7;
	s18 =	simm.s32 @!p0 $0x0  }
0x60: {  	s17 =	ssub.s32 s17, s18  }
0x61: {  	s17 =	sshll.u32 s17, $0x7  }
0x62: {  	s17 =	sand.u32 $0x1FFFFF80, s17  }
0x63: {  	s21 =	simm.s32 $0x9280;
	s17 =	sadd.s32 s1, s17  }
0x64: {  	[tilespmem:s21], [sflag:$0x6] =	stream.strided.gather [hbm4b:s17+s9], $0x1000, s10, s9, $0x38;
	[tilespmem:$0x14280] =	vst v63  }
0x65: {  	v2 =	vld [tilespmem:s16+$0xFFFFFFFE];
	_ =	sdelay $0x4  }
0x66: {  	(v2sf) =	vpush v2, $0x0;
	_ =	sdelay $0xe  }
0x67: {  	s17 =	spop (v2sf)  }
0x68: {  	s18 =	sand.u32 $0x7F, s17  }
0x69: {  	p6 =	slt.s32 s17, $0x1;
	p5 =	sne.s32 s18, $0x0;
	s18 =	sshra.s32 s17, $0x1F  }
0x6a: {  	s18 =	sshrl.u32 s18, $0x19;
	p0 =	por !p6, !p5  }
0x6b: {  	s17 =	sadd.s32 s18, s17;
	p0 =	por !p0, !p0;
	s18 =	simm.s32 $0x1  }
0x6c: {  	s17 =	sshrl.u32 s17, $0x7;
	s18 =	simm.s32 @!p0 $0x0  }
0x6d: {  	s17 =	ssub.s32 s17, s18  }
0x6e: {  	s17 =	sshll.u32 s17, $0x7  }
0x6f: {  	s17 =	sand.u32 $0x1FFFFF80, s17  }
0x70: {  	s22 =	simm.s32 $0xA280;
	s17 =	sadd.s32 s1, s17  }
0x71: {  	[tilespmem:s22], [sflag:$0x7] =	stream.strided.gather [hbm4b:s17+s9], $0x1000, s10, s9, $0x38;
	[tilespmem:$0x14280] =	vst v63  }
0x72: {  	v2 =	vld [tilespmem:s16+$0xFFFFFFFF];
	_ =	sdelay $0x4  }
0x73: {  	(v2sf) =	vpush v2, $0x0;
	_ =	sdelay $0xe  }
0x74: {  	s17 =	spop (v2sf)  }
0x75: {  	s18 =	sand.u32 $0x7F, s17  }
0x76: {  	p2 =	slt.s32 s17, $0x1;
	p1 =	sne.s32 s18, $0x0;
	s18 =	sshra.s32 s17, $0x1F  }
0x77: {  	s18 =	sshrl.u32 s18, $0x19;
	p0 =	por !p2, !p1  }
0x78: {  	s17 =	sadd.s32 s18, s17;
	p0 =	por !p0, !p0;
	s18 =	simm.s32 $0x1  }
0x79: {  	s17 =	sshrl.u32 s17, $0x7;
	s18 =	simm.s32 @!p0 $0x0  }
0x7a: {  	s17 =	ssub.s32 s17, s18  }
0x7b: {  	s17 =	sshll.u32 s17, $0x7  }
0x7c: {  	s17 =	sand.u32 $0x1FFFFF80, s17  }
0x7d: {  	s22 =	simm.s32 $0xB280;
	s17 =	sadd.s32 s1, s17  }
0x7e: {  	[tilespmem:s22], [sflag:$0x8] =	stream.strided.gather [hbm4b:s17+s9], $0x1000, s10, s9, $0x38;
	[tilespmem:$0x14280] =	vst v63  }
0x7f: {  	v2 =	vld [tilespmem:s16+$0x0];
	_ =	sdelay $0x4  }
0x80: {  	(v2sf) =	vpush v2, $0x0;
	_ =	sdelay $0xe  }
0x81: {  	s17 =	spop (v2sf)  }
0x82: {  	s18 =	sand.u32 $0x7F, s17  }
0x83: {  	p4 =	slt.s32 s17, $0x1;
	p3 =	sne.s32 s18, $0x0;
	s18 =	sshra.s32 s17, $0x1F  }
0x84: {  	s18 =	sshrl.u32 s18, $0x19;
	p0 =	por !p4, !p3  }
0x85: {  	s17 =	sadd.s32 s18, s17;
	p0 =	por !p0, !p0;
	s18 =	simm.s32 $0x1  }
0x86: {  	s17 =	sshrl.u32 s17, $0x7;
	s18 =	simm.s32 @!p0 $0x0  }
0x87: {  	s17 =	ssub.s32 s17, s18  }
0x88: {  	s17 =	sshll.u32 s17, $0x7  }
0x89: {  	s17 =	sand.u32 $0x1FFFFF80, s17  }
0x8a: {  	s23 =	simm.s32 $0xC280;
	s17 =	sadd.s32 s1, s17  }
0x8b: {  	[tilespmem:s23], [sflag:$0x9] =	stream.strided.gather [hbm4b:s17+s9], $0x1000, s10, s9, $0x38;
	[tilespmem:$0x14280] =	vst v63  }
0x8c: {  	v2 =	vld [tilespmem:s16+$0x1];
	_ =	sdelay $0x4  }
0x8d: {  	(v2sf) =	vpush v2, $0x0;
	_ =	sdelay $0xe  }
0x8e: {  	s17 =	spop (v2sf)  }
0x8f: {  	s18 =	sand.u32 $0x7F, s17  }
0x90: {  	p6 =	slt.s32 s17, $0x1;
	p5 =	sne.s32 s18, $0x0;
	s18 =	sshra.s32 s17, $0x1F  }
0x91: {  	s18 =	sshrl.u32 s18, $0x19;
	p0 =	por !p6, !p5  }
0x92: {  	s17 =	sadd.s32 s18, s17;
	p0 =	por !p0, !p0;
	s18 =	simm.s32 $0x1  }
0x93: {  	s17 =	sshrl.u32 s17, $0x7;
	s18 =	simm.s32 @!p0 $0x0  }
0x94: {  	s17 =	ssub.s32 s17, s18  }
0x95: {  	s17 =	sshll.u32 s17, $0x7  }
0x96: {  	s17 =	sand.u32 $0x1FFFFF80, s17  }
0x97: {  	s23 =	simm.s32 $0xD280;
	s17 =	sadd.s32 s1, s17  }
0x98: {  	[tilespmem:s23], [sflag:$0xA] =	stream.strided.gather [hbm4b:s17+s9], $0x1000, s10, s9, $0x38;
	[tilespmem:$0x14280] =	vst v63  }
0x99: {  	v2 =	vld [tilespmem:s16+$0x2];
	_ =	sdelay $0x4  }
0x9a: {  	(v2sf) =	vpush v2, $0x0;
	_ =	sdelay $0xe  }
0x9b: {  	s17 =	spop (v2sf)  }
0x9c: {  	s18 =	sand.u32 $0x7F, s17  }
0x9d: {  	p2 =	slt.s32 s17, $0x1;
	p1 =	sne.s32 s18, $0x0;
	s18 =	sshra.s32 s17, $0x1F  }
0x9e: {  	s18 =	sshrl.u32 s18, $0x19;
	p0 =	por !p2, !p1  }
0x9f: {  	s17 =	sadd.s32 s18, s17;
	p0 =	por !p0, !p0;
	s18 =	simm.s32 $0x1  }
0xa0: {  	s17 =	sshrl.u32 s17, $0x7;
	s18 =	simm.s32 @!p0 $0x0  }
0xa1: {  	s17 =	ssub.s32 s17, s18  }
0xa2: {  	s17 =	sshll.u32 s17, $0x7  }
0xa3: {  	s17 =	sand.u32 $0x1FFFFF80, s17  }
0xa4: {  	s24 =	simm.s32 $0xE280;
	s17 =	sadd.s32 s1, s17  }
0xa5: {  	[tilespmem:s24], [sflag:$0xB] =	stream.strided.gather [hbm4b:s17+s9], $0x1000, s10, s9, $0x38;
	[tilespmem:$0x14280] =	vst v63  }
0xa6: {  	v2 =	vld [tilespmem:s16+$0x3];
	_ =	sdelay $0x4  }
0xa7: {  	(v2sf) =	vpush v2, $0x0;
	_ =	sdelay $0xe  }
0xa8: {  	s17 =	spop (v2sf)  }
0xa9: {  	s18 =	sand.u32 $0x7F, s17  }
0xaa: {  	p4 =	slt.s32 s17, $0x1;
	p3 =	sne.s32 s18, $0x0;
	s18 =	sshra.s32 s17, $0x1F  }
0xab: {  	s18 =	sshrl.u32 s18, $0x19;
	p0 =	por !p4, !p3  }
0xac: {  	s17 =	sadd.s32 s18, s17;
	p0 =	por !p0, !p0;
	s18 =	simm.s32 $0x1  }
0xad: {  	s17 =	sshrl.u32 s17, $0x7;
	s18 =	simm.s32 @!p0 $0x0  }
0xae: {  	s17 =	ssub.s32 s17, s18  }
0xaf: {  	s17 =	sshll.u32 s17, $0x7  }
0xb0: {  	s17 =	sand.u32 $0x1FFFFF80, s17  }
0xb1: {  	s24 =	simm.s32 $0xF280;
	s17 =	sadd.s32 s1, s17  }
0xb2: {  	[tilespmem:s24], [sflag:$0xC] =	stream.strided.gather [hbm4b:s17+s9], $0x1000, s10, s9, $0x38;
	[tilespmem:$0x14280] =	vst v63  }
0xb3: {  	v2 =	vld [tilespmem:s16+$0x4];
	_ =	sdelay $0x4  }
0xb4: {  	(v2sf) =	vpush v2, $0x0;
	_ =	sdelay $0xe  }
0xb5: {  	s17 =	spop (v2sf)  }
0xb6: {  	s18 =	sand.u32 $0x7F, s17  }
0xb7: {  	p6 =	slt.s32 s17, $0x1;
	p5 =	sne.s32 s18, $0x0;
	s18 =	sshra.s32 s17, $0x1F  }
0xb8: {  	s18 =	sshrl.u32 s18, $0x19;
	p0 =	por !p6, !p5  }
0xb9: {  	s17 =	sadd.s32 s18, s17;
	p0 =	por !p0, !p0;
	s18 =	simm.s32 $0x1  }
0xba: {  	s17 =	sshrl.u32 s17, $0x7;
	s18 =	simm.s32 @!p0 $0x0  }
0xbb: {  	s17 =	ssub.s32 s17, s18  }
0xbc: {  	s17 =	sshll.u32 s17, $0x7  }
0xbd: {  	s17 =	sand.u32 $0x1FFFFF80, s17  }
0xbe: {  	s25 =	simm.s32 $0x10280;
	s17 =	sadd.s32 s1, s17  }
0xbf: {  	[tilespmem:s25], [sflag:$0xD] =	stream.strided.gather [hbm4b:s17+s9], $0x1000, s10, s9, $0x38;
	[tilespmem:$0x14280] =	vst v63  }
0xc0: {  	v2 =	vld [tilespmem:s16+$0x5];
	_ =	sdelay $0x4  }
0xc1: {  	(v2sf) =	vpush v2, $0x0;
	_ =	sdelay $0xe  }
0xc2: {  	s17 =	spop (v2sf)  }
0xc3: {  	s18 =	sand.u32 $0x7F, s17  }
0xc4: {  	p2 =	slt.s32 s17, $0x1;
	p1 =	sne.s32 s18, $0x0;
	s18 =	sshra.s32 s17, $0x1F  }
0xc5: {  	s18 =	sshrl.u32 s18, $0x19;
	p0 =	por !p2, !p1  }
0xc6: {  	s17 =	sadd.s32 s18, s17;
	p0 =	por !p0, !p0;
	s18 =	simm.s32 $0x1  }
0xc7: {  	s17 =	sshrl.u32 s17, $0x7;
	s18 =	simm.s32 @!p0 $0x0  }
0xc8: {  	s17 =	ssub.s32 s17, s18  }
0xc9: {  	s17 =	sshll.u32 s17, $0x7  }
0xca: {  	s17 =	sand.u32 $0x1FFFFF80, s17  }
0xcb: {  	s25 =	simm.s32 $0x11280;
	s17 =	sadd.s32 s1, s17  }
0xcc: {  	[tilespmem:s25], [sflag:$0xE] =	stream.strided.gather [hbm4b:s17+s9], $0x1000, s10, s9, $0x38;
	[tilespmem:$0x14280] =	vst v63  }
0xcd: {  	v2 =	vld [tilespmem:s16+$0x6];
	_ =	sdelay $0x4  }
0xce: {  	(v2sf) =	vpush v2, $0x0;
	_ =	sdelay $0xe  }
0xcf: {  	s17 =	spop (v2sf)  }
0xd0: {  	s18 =	sand.u32 $0x7F, s17  }
0xd1: {  	p4 =	slt.s32 s17, $0x1;
	p3 =	sne.s32 s18, $0x0;
	s18 =	sshra.s32 s17, $0x1F  }
0xd2: {  	s18 =	sshrl.u32 s18, $0x19;
	p0 =	por !p4, !p3  }
0xd3: {  	s17 =	sadd.s32 s18, s17;
	p0 =	por !p0, !p0;
	s18 =	simm.s32 $0x1  }
0xd4: {  	s17 =	sshrl.u32 s17, $0x7;
	s18 =	simm.s32 @!p0 $0x0  }
0xd5: {  	s17 =	ssub.s32 s17, s18  }
0xd6: {  	s17 =	sshll.u32 s17, $0x7  }
0xd7: {  	s17 =	sand.u32 $0x1FFFFF80, s17  }
0xd8: {  	s26 =	simm.s32 $0x12280;
	s17 =	sadd.s32 s1, s17  }
0xd9: {  	[tilespmem:s26], [sflag:$0xF] =	stream.strided.gather [hbm4b:s17+s9], $0x1000, s10, s9, $0x38;
	[tilespmem:$0x14280] =	vst v63  }
0xda: {  	v2 =	vld [tilespmem:s16+$0x7];
	_ =	sdelay $0x4  }
0xdb: {  	(v2sf) =	vpush v2, $0x0;
	_ =	sdelay $0xe  }
0xdc: {  	s17 =	spop (v2sf)  }
0xdd: {  	s18 =	sand.u32 $0x7F, s17  }
0xde: {  	p6 =	slt.s32 s17, $0x1;
	p5 =	sne.s32 s18, $0x0;
	s18 =	sshra.s32 s17, $0x1F  }
0xdf: {  	s18 =	sshrl.u32 s18, $0x19;
	p0 =	por !p6, !p5  }
0xe0: {  	s17 =	sadd.s32 s18, s17;
	p0 =	por !p0, !p0;
	s18 =	simm.s32 $0x1  }
0xe1: {  	s17 =	sshrl.u32 s17, $0x7;
	s18 =	simm.s32 @!p0 $0x0  }
0xe2: {  	s17 =	ssub.s32 s17, s18  }
0xe3: {  	s17 =	sshll.u32 s17, $0x7  }
0xe4: {  	s17 =	sand.u32 $0x1FFFFF80, s17  }
0xe5: {  	s26 =	simm.s32 $0x13280;
	s18 =	simm.s32 $0x1;
	s17 =	sadd.s32 s1, s17  }
0xe6: {  	[tilespmem:s26], [sflag:$0x10] =	stream.strided.gather [hbm4b:s17+s9], $0x1000, s10, s9, $0x38;
	[tilespmem:$0x14280] =	vst v63  }
0xe7: {  	_ =	swait.ge [sflag:s18], $0x1000  }
0xe8: {  	[sflag:s18] =	ssyncset.done $0x0  }
0xe9: {  	[sflag:s18] =	ssyncadd.s32 $0xFFFFF000  }
0xea: {  	v2 =	vld [tilespmem:s16+$0xFFFFFFF8];
	_ =	sdelay $0x4  }
0xeb: {  	(v2sf) =	vpush v2, $0x0;
	_ =	sdelay $0xe  }
0xec: {  	s17 =	spop (v2sf)  }
0xed: {  	s17 =	sand.u32 $0x7F, s17  }
0xee: {  	v2 =	vor.u32 s17, v0;
	_ =	sdelay $0x3  }
0xef: {  	s18 =	simm.s32 $0x4280  }
0xf0: {  	v2 =	vld.idx.msk [tilespmem:v2+s18+$0x0], $0xffff  }
0xf1: {  	v3 =	vor.u32 s17, v1;
	_ =	sdelay $0x3  }
0xf2: {  	[tilespmem:s15+$0xFFFFFF00] =	vst v2  }
0xf3: {  	v2 =	vld.idx.msk [tilespmem:v3+s18+$0x0], $0xffff;
	_ =	sdelay $0x4  }
0xf4: {  	[tilespmem:s15+$0xFFFFFF10] =	vst v2  }
0xf5: {  	_ =	swait.ge [sflag:s28], $0x1000  }
0xf6: {  	[sflag:s28] =	ssyncset.done $0x0  }
0xf7: {  	[sflag:s28] =	ssyncadd.s32 $0xFFFFF000  }
0xf8: {  	v2 =	vld [tilespmem:s16+$0xFFFFFFF9];
	_ =	sdelay $0x4  }
0xf9: {  	(v2sf) =	vpush v2, $0x0;
	_ =	sdelay $0xe  }
0xfa: {  	s17 =	spop (v2sf)  }
0xfb: {  	s17 =	sand.u32 $0x7F, s17  }
0xfc: {  	v2 =	vor.u32 s17, v0;
	_ =	sdelay $0x4  }
0xfd: {  	v2 =	vld.idx.msk [tilespmem:v2+s19+$0x0], $0xffff  }
0xfe: {  	v3 =	vor.u32 s17, v1;
	_ =	sdelay $0x3  }
0xff: {  	[tilespmem:s15+$0xFFFFFF20] =	vst v2  }
0x100: {  	v2 =	vld.idx.msk [tilespmem:v3+s19+$0x0], $0xffff;
	_ =	sdelay $0x2  }
0x101: {  	s19 =	sadd.s32 $0xFFFFFE60, s14  }
0x102: {  	s17 =	sor.u32 $0x30, s19  }
0x103: {  	[tilespmem:s17+$0x280] =	vst v2  }
0x104: {  	_ =	swait.ge [sflag:s29], $0x1000  }
0x105: {  	[sflag:s29] =	ssyncset.done $0x0  }
0x106: {  	[sflag:s29] =	ssyncadd.s32 $0xFFFFF000  }
0x107: {  	v2 =	vld [tilespmem:s16+$0xFFFFFFFA];
	_ =	sdelay $0x4  }
0x108: {  	(v2sf) =	vpush v2, $0x0;
	_ =	sdelay $0xe  }
0x109: {  	s19 =	spop (v2sf)  }
0x10a: {  	s17 =	sand.u32 $0x7F, s19  }
0x10b: {  	v2 =	vor.u32 s17, v0;
	_ =	sdelay $0x3  }
0x10c: {  	s18 =	simm.s32 $0x6280  }
0x10d: {  	v2 =	vld.idx.msk [tilespmem:v2+s18+$0x0], $0xffff  }
0x10e: {  	v3 =	vor.u32 s17, v1;
	_ =	sdelay $0x3  }
0x10f: {  	[tilespmem:s15+$0xFFFFFF40] =	vst v2  }
0x110: {  	v2 =	vld.idx.msk [tilespmem:v3+s18+$0x0], $0xffff;
	_ =	sdelay $0x2  }
0x111: {  	s19 =	sadd.s32 $0xFFFFFE80, s14  }
0x112: {  	s17 =	sor.u32 $0x50, s19  }
0x113: {  	[tilespmem:s17+$0x280] =	vst v2  }
0x114: {  	_ =	swait.ge [sflag:s30], $0x1000  }
0x115: {  	[sflag:s30] =	ssyncset.done $0x0  }
0x116: {  	[sflag:s30] =	ssyncadd.s32 $0xFFFFF000  }
0x117: {  	v2 =	vld [tilespmem:s16+$0xFFFFFFFB];
	_ =	sdelay $0x4  }
0x118: {  	(v2sf) =	vpush v2, $0x0;
	_ =	sdelay $0xe  }
0x119: {  	s19 =	spop (v2sf)  }
0x11a: {  	s17 =	sand.u32 $0x7F, s19  }
0x11b: {  	v2 =	vor.u32 s17, v0;
	_ =	sdelay $0x4  }
0x11c: {  	v2 =	vld.idx.msk [tilespmem:v2+s20+$0x0], $0xffff  }
0x11d: {  	v3 =	vor.u32 s17, v1;
	_ =	sdelay $0x3  }
0x11e: {  	[tilespmem:s15+$0xFFFFFF60] =	vst v2  }
0x11f: {  	v2 =	vld.idx.msk [tilespmem:v3+s20+$0x0], $0xffff;
	_ =	sdelay $0x2  }
0x120: {  	s20 =	sadd.s32 $0xFFFFFEA0, s14  }
0x121: {  	s17 =	sor.u32 $0x70, s20  }
0x122: {  	[tilespmem:s17+$0x280] =	vst v2  }
0x123: {  	_ =	swait.ge [sflag:s31], $0x1000  }
0x124: {  	[sflag:s31] =	ssyncset.done $0x0  }
0x125: {  	[sflag:s31] =	ssyncadd.s32 $0xFFFFF000  }
0x126: {  	v2 =	vld [tilespmem:s16+$0xFFFFFFFC];
	_ =	sdelay $0x4  }
0x127: {  	(v2sf) =	vpush v2, $0x0;
	_ =	sdelay $0xe  }
0x128: {  	s19 =	spop (v2sf)  }
0x129: {  	s17 =	sand.u32 $0x7F, s19  }
0x12a: {  	v2 =	vor.u32 s17, v0;
	_ =	sdelay $0x3  }
0x12b: {  	s18 =	simm.s32 $0x8280  }
0x12c: {  	v2 =	vld.idx.msk [tilespmem:v2+s18+$0x0], $0xffff  }
0x12d: {  	v3 =	vor.u32 s17, v1;
	_ =	sdelay $0x3  }
0x12e: {  	[tilespmem:s15+$0xFFFFFF80] =	vst v2  }
0x12f: {  	v2 =	vld.idx.msk [tilespmem:v3+s18+$0x0], $0xffff;
	_ =	sdelay $0x4  }
0x130: {  	[tilespmem:s15+$0xFFFFFF90] =	vst v2  }
0x131: {  	_ =	swait.ge [sflag:s0], $0x1000  }
0x132: {  	[sflag:s0] =	ssyncset.done $0x0  }
0x133: {  	[sflag:s0] =	ssyncadd.s32 $0xFFFFF000  }
0x134: {  	v2 =	vld [tilespmem:s16+$0xFFFFFFFD];
	_ =	sdelay $0x4  }
0x135: {  	(v2sf) =	vpush v2, $0x0;
	_ =	sdelay $0xe  }
0x136: {  	s20 =	spop (v2sf)  }
0x137: {  	s17 =	sand.u32 $0x7F, s20  }
0x138: {  	v2 =	vor.u32 s17, v0;
	_ =	sdelay $0x4  }
0x139: {  	v2 =	vld.idx.msk [tilespmem:v2+s21+$0x0], $0xffff  }
0x13a: {  	v3 =	vor.u32 s17, v1;
	_ =	sdelay $0x3  }
0x13b: {  	[tilespmem:s15+$0xFFFFFFA0] =	vst v2  }
0x13c: {  	v2 =	vld.idx.msk [tilespmem:v3+s21+$0x0], $0xffff;
	_ =	sdelay $0x2  }
0x13d: {  	s21 =	sadd.s32 $0xFFFFFEE0, s14  }
0x13e: {  	s17 =	sor.u32 $0x30, s21  }
0x13f: {  	[tilespmem:s17+$0x280] =	vst v2  }
0x140: {  	_ =	swait.ge [sflag:s2], $0x1000  }
0x141: {  	[sflag:s2] =	ssyncset.done $0x0  }
0x142: {  	[sflag:s2] =	ssyncadd.s32 $0xFFFFF000  }
0x143: {  	v2 =	vld [tilespmem:s16+$0xFFFFFFFE];
	_ =	sdelay $0x4  }
0x144: {  	(v2sf) =	vpush v2, $0x0;
	_ =	sdelay $0xe  }
0x145: {  	s19 =	spop (v2sf)  }
0x146: {  	s17 =	sand.u32 $0x7F, s19  }
0x147: {  	v2 =	vor.u32 s17, v0;
	_ =	sdelay $0x3  }
0x148: {  	s18 =	simm.s32 $0xA280  }
0x149: {  	v2 =	vld.idx.msk [tilespmem:v2+s18+$0x0], $0xffff  }
0x14a: {  	v3 =	vor.u32 s17, v1;
	_ =	sdelay $0x3  }
0x14b: {  	[tilespmem:s15+$0xFFFFFFC0] =	vst v2  }
0x14c: {  	v2 =	vld.idx.msk [tilespmem:v3+s18+$0x0], $0xffff;
	_ =	sdelay $0x2  }
0x14d: {  	s20 =	sadd.s32 $0xFFFFFF00, s14  }
0x14e: {  	s17 =	sor.u32 $0x50, s20  }
0x14f: {  	[tilespmem:s17+$0x280] =	vst v2  }
0x150: {  	_ =	swait.ge [sflag:s3], $0x1000  }
0x151: {  	[sflag:s3] =	ssyncset.done $0x0  }
0x152: {  	[sflag:s3] =	ssyncadd.s32 $0xFFFFF000  }
0x153: {  	v2 =	vld [tilespmem:s16+$0xFFFFFFFF];
	_ =	sdelay $0x4  }
0x154: {  	(v2sf) =	vpush v2, $0x0;
	_ =	sdelay $0xe  }
0x155: {  	s21 =	spop (v2sf)  }
0x156: {  	s17 =	sand.u32 $0x7F, s21  }
0x157: {  	v2 =	vor.u32 s17, v0;
	_ =	sdelay $0x4  }
0x158: {  	v2 =	vld.idx.msk [tilespmem:v2+s22+$0x0], $0xffff  }
0x159: {  	v3 =	vor.u32 s17, v1;
	_ =	sdelay $0x3  }
0x15a: {  	[tilespmem:s15+$0xFFFFFFE0] =	vst v2  }
0x15b: {  	v2 =	vld.idx.msk [tilespmem:v3+s22+$0x0], $0xffff;
	_ =	sdelay $0x2  }
0x15c: {  	s19 =	sadd.s32 $0xFFFFFF20, s14  }
0x15d: {  	s17 =	sor.u32 $0x70, s19  }
0x15e: {  	[tilespmem:s17+$0x280] =	vst v2  }
0x15f: {  	_ =	swait.ge [sflag:s4], $0x1000  }
0x160: {  	[sflag:s4] =	ssyncset.done $0x0  }
0x161: {  	[sflag:s4] =	ssyncadd.s32 $0xFFFFF000  }
0x162: {  	v2 =	vld [tilespmem:s16+$0x0];
	_ =	sdelay $0x4  }
0x163: {  	(v2sf) =	vpush v2, $0x0;
	_ =	sdelay $0xe  }
0x164: {  	s20 =	spop (v2sf)  }
0x165: {  	s17 =	sand.u32 $0x7F, s20  }
0x166: {  	v2 =	vor.u32 s17, v0;
	_ =	sdelay $0x3  }
0x167: {  	s18 =	simm.s32 $0xC280  }
0x168: {  	v2 =	vld.idx.msk [tilespmem:v2+s18+$0x0], $0xffff  }
0x169: {  	v3 =	vor.u32 s17, v1;
	_ =	sdelay $0x3  }
0x16a: {  	[tilespmem:s15+$0x0] =	vst v2  }
0x16b: {  	v2 =	vld.idx.msk [tilespmem:v3+s18+$0x0], $0xffff;
	_ =	sdelay $0x4  }
0x16c: {  	[tilespmem:s15+$0x10] =	vst v2  }
0x16d: {  	_ =	swait.ge [sflag:s5], $0x1000  }
0x16e: {  	[sflag:s5] =	ssyncset.done $0x0  }
0x16f: {  	[sflag:s5] =	ssyncadd.s32 $0xFFFFF000  }
0x170: {  	v2 =	vld [tilespmem:s16+$0x1];
	_ =	sdelay $0x4  }
0x171: {  	(v2sf) =	vpush v2, $0x0;
	_ =	sdelay $0xe  }
0x172: {  	s22 =	spop (v2sf)  }
0x173: {  	s17 =	sand.u32 $0x7F, s22  }
0x174: {  	v2 =	vor.u32 s17, v0;
	_ =	sdelay $0x4  }
0x175: {  	v2 =	vld.idx.msk [tilespmem:v2+s23+$0x0], $0xffff  }
0x176: {  	v3 =	vor.u32 s17, v1;
	_ =	sdelay $0x3  }
0x177: {  	[tilespmem:s15+$0x20] =	vst v2  }
0x178: {  	v2 =	vld.idx.msk [tilespmem:v3+s23+$0x0], $0xffff;
	_ =	sdelay $0x2  }
0x179: {  	s19 =	sadd.s32 $0xFFFFFF60, s14  }
0x17a: {  	s17 =	sor.u32 $0x30, s19  }
0x17b: {  	[tilespmem:s17+$0x280] =	vst v2  }
0x17c: {  	_ =	swait.ge [sflag:s6], $0x1000  }
0x17d: {  	[sflag:s6] =	ssyncset.done $0x0  }
0x17e: {  	[sflag:s6] =	ssyncadd.s32 $0xFFFFF000  }
0x17f: {  	v2 =	vld [tilespmem:s16+$0x2];
	_ =	sdelay $0x4  }
0x180: {  	(v2sf) =	vpush v2, $0x0;
	_ =	sdelay $0xe  }
0x181: {  	s20 =	spop (v2sf)  }
0x182: {  	s17 =	sand.u32 $0x7F, s20  }
0x183: {  	v2 =	vor.u32 s17, v0;
	_ =	sdelay $0x3  }
0x184: {  	s21 =	simm.s32 $0xE280  }
0x185: {  	v2 =	vld.idx.msk [tilespmem:v2+s21+$0x0], $0xffff  }
0x186: {  	v3 =	vor.u32 s17, v1;
	_ =	sdelay $0x3  }
0x187: {  	[tilespmem:s15+$0x40] =	vst v2  }
0x188: {  	v2 =	vld.idx.msk [tilespmem:v3+s21+$0x0], $0xffff;
	_ =	sdelay $0x2  }
0x189: {  	s22 =	sadd.s32 $0xFFFFFF80, s14  }
0x18a: {  	s17 =	sor.u32 $0x50, s22  }
0x18b: {  	[tilespmem:s17+$0x280] =	vst v2  }
0x18c: {  	_ =	swait.ge [sflag:s7], $0x1000  }
0x18d: {  	[sflag:s7] =	ssyncset.done $0x0  }
0x18e: {  	[sflag:s7] =	ssyncadd.s32 $0xFFFFF000  }
0x18f: {  	v2 =	vld [tilespmem:s16+$0x3];
	_ =	sdelay $0x4  }
0x190: {  	(v2sf) =	vpush v2, $0x0;
	_ =	sdelay $0xe  }
0x191: {  	s23 =	spop (v2sf)  }
0x192: {  	s17 =	sand.u32 $0x7F, s23  }
0x193: {  	v2 =	vor.u32 s17, v0;
	_ =	sdelay $0x4  }
0x194: {  	v2 =	vld.idx.msk [tilespmem:v2+s24+$0x0], $0xffff  }
0x195: {  	v3 =	vor.u32 s17, v1;
	_ =	sdelay $0x3  }
0x196: {  	[tilespmem:s15+$0x60] =	vst v2  }
0x197: {  	v2 =	vld.idx.msk [tilespmem:v3+s24+$0x0], $0xffff;
	_ =	sdelay $0x2  }
0x198: {  	s24 =	sadd.s32 $0xFFFFFFA0, s14  }
0x199: {  	s17 =	sor.u32 $0x70, s24  }
0x19a: {  	[tilespmem:s17+$0x280] =	vst v2  }
0x19b: {  	_ =	swait.ge [sflag:s8], $0x1000  }
0x19c: {  	[sflag:s8] =	ssyncset.done $0x0  }
0x19d: {  	[sflag:s8] =	ssyncadd.s32 $0xFFFFF000  }
0x19e: {  	v2 =	vld [tilespmem:s16+$0x4];
	_ =	sdelay $0x4  }
0x19f: {  	(v2sf) =	vpush v2, $0x0;
	_ =	sdelay $0xe  }
0x1a0: {  	s19 =	spop (v2sf)  }
0x1a1: {  	s17 =	sand.u32 $0x7F, s19  }
0x1a2: {  	v2 =	vor.u32 s17, v0;
	_ =	sdelay $0x3  }
0x1a3: {  	s21 =	simm.s32 $0x10280  }
0x1a4: {  	v2 =	vld.idx.msk [tilespmem:v2+s21+$0x0], $0xffff  }
0x1a5: {  	v3 =	vor.u32 s17, v1;
	_ =	sdelay $0x3  }
0x1a6: {  	[tilespmem:s15+$0x80] =	vst v2  }
0x1a7: {  	v2 =	vld.idx.msk [tilespmem:v3+s21+$0x0], $0xffff;
	_ =	sdelay $0x4  }
0x1a8: {  	[tilespmem:s15+$0x90] =	vst v2  }
0x1a9: {  	_ =	swait.ge [sflag:s11], $0x1000  }
0x1aa: {  	[sflag:s11] =	ssyncset.done $0x0  }
0x1ab: {  	[sflag:s11] =	ssyncadd.s32 $0xFFFFF000  }
0x1ac: {  	v2 =	vld [tilespmem:s16+$0x5];
	_ =	sdelay $0x4  }
0x1ad: {  	(v2sf) =	vpush v2, $0x0;
	_ =	sdelay $0xe  }
0x1ae: {  	s21 =	spop (v2sf)  }
0x1af: {  	s17 =	sand.u32 $0x7F, s21  }
0x1b0: {  	v2 =	vor.u32 s17, v0;
	_ =	sdelay $0x4  }
0x1b1: {  	v2 =	vld.idx.msk [tilespmem:v2+s25+$0x0], $0xffff  }
0x1b2: {  	v3 =	vor.u32 s17, v1;
	_ =	sdelay $0x3  }
0x1b3: {  	[tilespmem:s15+$0xA0] =	vst v2  }
0x1b4: {  	v2 =	vld.idx.msk [tilespmem:v3+s25+$0x0], $0xffff;
	_ =	sdelay $0x2  }
0x1b5: {  	s22 =	sadd.s32 $0xFFFFFFE0, s14  }
0x1b6: {  	s17 =	sor.u32 $0x30, s22  }
0x1b7: {  	[tilespmem:s17+$0x280] =	vst v2  }
0x1b8: {  	_ =	swait.ge [sflag:s12], $0x1000  }
0x1b9: {  	[sflag:s12] =	ssyncset.done $0x0  }
0x1ba: {  	[sflag:s12] =	ssyncadd.s32 $0xFFFFF000  }
0x1bb: {  	v2 =	vld [tilespmem:s16+$0x6];
	_ =	sdelay $0x4  }
0x1bc: {  	(v2sf) =	vpush v2, $0x0;
	_ =	sdelay $0xe  }
0x1bd: {  	s23 =	spop (v2sf)  }
0x1be: {  	s17 =	sand.u32 $0x7F, s23  }
0x1bf: {  	v2 =	vor.u32 s17, v0;
	_ =	sdelay $0x3  }
0x1c0: {  	s20 =	simm.s32 $0x12280  }
0x1c1: {  	v2 =	vld.idx.msk [tilespmem:v2+s20+$0x0], $0xffff  }
0x1c2: {  	v3 =	vor.u32 s17, v1;
	_ =	sdelay $0x3  }
0x1c3: {  	[tilespmem:s15+$0xC0] =	vst v2  }
0x1c4: {  	v2 =	vld.idx.msk [tilespmem:v3+s20+$0x0], $0xffff;
	_ =	sdelay $0x3  }
0x1c5: {  	s24 =	sor.u32 $0x50, s14  }
0x1c6: {  	[tilespmem:s24+$0x280] =	vst v2  }
0x1c7: {  	_ =	swait.ge [sflag:s13], $0x1000  }
0x1c8: {  	[sflag:s13] =	ssyncset.done $0x0  }
0x1c9: {  	[sflag:s13] =	ssyncadd.s32 $0xFFFFF000  }
0x1ca: {  	v2 =	vld [tilespmem:s16+$0x7];
	_ =	sdelay $0x4  }
0x1cb: {  	(v2sf) =	vpush v2, $0x0;
	_ =	sdelay $0xe  }
0x1cc: {  	s25 =	spop (v2sf)  }
0x1cd: {  	s17 =	sand.u32 $0x7F, s25  }
0x1ce: {  	v2 =	vor.u32 s17, v0;
	_ =	sdelay $0x4  }
0x1cf: {  	v2 =	vld.idx.msk [tilespmem:v2+s26+$0x0], $0xffff  }
0x1d0: {  	v3 =	vor.u32 s17, v1;
	_ =	sdelay $0x3  }
0x1d1: {  	[tilespmem:s15+$0xE0] =	vst v2  }
0x1d2: {  	p0 =	sne.s32 s14, $0x3FC0;
	v2 =	vld.idx.msk [tilespmem:v3+s26+$0x0], $0xffff  }
.Ltmp0:
0x1d3: {  	_ = 	snop;
	(pc) =	sbr.rel @p0 .LBB2_2-.Ltmp0, $2  }
0x1d4: {  	_ =	sdelay $0x2  }
0x1d5: {  	s14 =	sadd.s32 $0x200, s14;
	s16 =	sadd.s32 $0x10, s16;
	[tilespmem:s15+$0xF0] =	vst v2;
	s15 =	sadd.s32 $0x200, s15  }
0x1d6: {  	s14 =	simm.s32 $0x0;
	s15 =	rddreg [dreg:$0x5];
	s16 =	simm.s32 $0x280  }
0x1d7: {  	[hbm4b:s15+s14] =	stream.linear.scatter [tilespmem:s16], [sflag:$0x11], $0x4000, $0x38;
	[tilespmem:$0x14280] =	vst v63  }
0x1d8: {  	s16 =	simm.s32 $0x11  }
0x1d9: {  	_ =	swait.ge [sflag:s16], $0x4000  }
0x1da: {  	s17 =	rddreg [dreg:$0x7]  }
0x1db: {  	s26 =	rddreg [dreg:$0x6];
	s17 =	sadd.s32 $0x1, s17  }
0x1dc: {  	p0 =	sne.s32 s17, s26  }
.Ltmp1:
0x1dd: {  	_ = 	snop;
	(pc) =	sbr.rel @p0 .LBB2_1-.Ltmp1, $3  }
0x1de: {  	_ =	sdelay $0x1  }
0x1df: {  	[sflag:s16] =	ssyncset.done $0x0  }
0x1e0: {  	[sflag:s16] =	ssyncadd.s32 $0xFFFFC000  }
0x1e1: {  	_ =	sfence.sel $0x180000  }
0x1e2: {  	[bflag:$0x0] =	sbarrier.arrive $0xFFFF  }
0x1e3: {  	_ =	strace $0x90000047  }
0x1e4: {  	s0 =	stileid.u32;
	[bflag:$0x2] =	sbarrier.arrive $0xFFFF  }
0x1e5: {  	p0 =	sne.s32 s0, $0x0;
	s0 =	rddreg [dreg:$0x3]  }
0x1e6: {  	s0 =	sadd.s32 @!p0 $0x100000, s0  }
0x1e7: {  	[sflag:s0] =	ssyncadd.tile.s32 @!p0 $0x1;
	_ =	shalt  }
.Lfunc_end2:
_tile_overlayer_lowered:
.L_overlay_start_2:
0x1e8: {  	(tag) =	ssettag $0x2  }
0x1e9: {  	s0 =	rddreg [dreg:$0x0];
	s2 =	stileid.u32  }
0x1ea: {  	s1 =	rddreg [dreg:$0x1];
	p0 =	sne.s32 s2, $0x0  }
0x1eb: {  	s3 =	rddreg [dreg:$0x2];
	[bflag:$0x3] =	sbarrier.arrive $0xFFFF;
	s2 =	simm.s32 @!p0 $0x1C11  }
0x1ec: {  	[timem:s3], [sflag:s2] =	dma.local @!p0 [hbm:s0], s1  }
0x1ed: {  	s0 =	simm.s32 @!p0 $0x11  }
0x1ee: {  	_ =	swait.ge @!p0 [sflag:s0], s1  }
0x1ef: {  	s1 =	ssub.s32 @!p0 $0x0, s1;
	[sflag:s0] =	ssyncset.done @!p0 $0x0  }
0x1f0: {  	[sflag:s0] =	ssyncadd.s32 @!p0 s1  }
0x1f1: {  	[bflag:$0x3] =	sbarrier.arrive $0xFFFF  }
0x1f2: {  	_ =	shalt  }

// kernel: kernel.7.cloned.1.call-start
scs
__scs_entry_jumppad:
0x0: {  	(pc) =	sbr.rel $0x88, $3  }
0x1: {  	(tag) =	ssettag $0x0;
	lr =	simm.s32 $0x1  }
0x2: {  	[smem:$0x3F9E] =	sst lr;
	_ =	strace $0xD0000000  }
0x3: {  	_ = 	snop  }
0x4: {  	_ = 	snop  }
0x5: {  	_ = 	snop  }
0x6: {  	_ = 	snop  }
0x7: {  	_ = 	snop  }
__scs_overlays_trampoline_lowered:
0x8: {  	[smem:$0x3FAD] =	sst s0  }
0x9: {  	[smem:$0x3FAE] =	sst s1  }
0xa: {  	[smem:$0x3FAF] =	sst s2  }
0xb: {  	[smem:$0x3FB0] =	sst s3  }
0xc: {  	[smem:$0x3FB1] =	sst s4  }
0xd: {  	[smem:$0x3FB2] =	sst s5  }
0xe: {  	[smem:$0x3FB3] =	sst s6  }
0xf: {  	[smem:$0x3FB4] =	sst s7  }
0x10: {  	[smem:$0x3FB5] =	sst s8  }
0x11: {  	[smem:$0x3FB6] =	sst s9;
	s0 =	simm.s32 @!p0 $0x0  }
0x12: {  	s1 =	sld [smem:$0x3F9C];
	s0 =	simm.s32 @p0 $0x1  }
0x13: {  	[smem:$0x3FB7] =	sst s0;
	s0 =	simm.s32 @!p1 $0x0  }
0x14: {  	s2 =	sld [smem:$0x3F9B];
	s0 =	simm.s32 @p1 $0x1  }
0x15: {  	[smem:$0x3FB8] =	sst s0;
	s0 =	simm.s32 @!p2 $0x0  }
0x16: {  	s3 =	sld [smem:$0x3FDB];
	s0 =	simm.s32 @p2 $0x1  }
0x17: {  	s4 =	simm.s32 $0x1BF5;
	[smem:$0x3FBA] =	sst s0  }
0x18: {  	s0 =	sld [smem:$0x3F9D];
	_ =	swait.ge [sflag:s4], $0x0  }
0x19: {  	s7 =	sld [smem:$0x3F9E]  }
0x1a: {  	s8 =	sadd.s32 $0xFFFFE003, lr  }
0x1b: {  	s9 =	sadd.s32 $0xFFFFFEF7, lr;
	s5 =	simm.s32 $0xFFFFFFFF;
	p2 =	slt.u32 s8, $0xFFFFF086  }
0x1c: {  	p1 =	slt.u32 s9, $0xF7A;
	s5 =	simm.s32 @!p2 $0x0  }
0x1d: {  	s5 =	simm.s32 @p1 $0x1;
	p0 =	seq.s32 s7, s2  }
0x1e: {  	s7 =	smul.u32 @!p0 $0xF7A, s2;
	p2 =	seq.s32 @!p0 s5, $0x0  }
0x1f: {  	s9 =	smul.u32 $0xF7A, s1;
	s8 =	simm.s32 @!p0 $0x1BF5;
	p2 =	por !p2, p0  }
0x20: {  	[sflag:s8] =	ssyncset.s32 @!p0 $0xFFFFF086;
	s6 =	sadd.s32 @!p0 s3, s7;
	s7 =	simm.s32 @!p0 $0x108  }
0x21: {  	s3 =	sadd.s32 s3, s9;
	s6 =	sadd.s32 @!p0 $0x88, s6;
	s7 =	simm.s32 @p2 $0x1082  }
0x22: {  	[simem:s7], [sflag:s8] =	dma.local @!p0 [hbm:s6], $0xF7A  }
0x23: {  	s9 =	sor.u32 $0xD0000000, s2;
	s6 =	simm.s32 $0x108;
	_ =	swait.ge @!p0 [sflag:s8], $0x0  }
0x24: {  	s3 =	sadd.s32 $0x88, s3;
	s6 =	simm.s32 @!p1 $0x1082;
	[sflag:s4] =	ssyncset.s32 $0xFFFFF086  }
0x25: {  	[simem:s6], [sflag:s4] =	dma.local [hbm:s3], $0xF7A  }
0x26: {  	[smem:$0x3F9E] =	sst s1;
	(tag) =	ssettag s2;
	_ =	strace s9  }
0x27: {  	s1 =	sld [smem:$0x3FAE]  }
0x28: {  	s2 =	sld [smem:$0x3FAF]  }
0x29: {  	s4 =	sld [smem:$0x3FB1]  }
0x2a: {  	p0 =	seq.s32 s5, $0x0;
	s5 =	sld [smem:$0x3FB2]  }
0x2b: {  	s6 =	sld [smem:$0x3FB3]  }
0x2c: {  	s7 =	sld [smem:$0x3FB4]  }
0x2d: {  	s3 =	simm.s32 $0x108;
	s8 =	sld [smem:$0x3FB5]  }
0x2e: {  	s3 =	simm.s32 @!p0 $0x1082;
	s9 =	sld [smem:$0x3FB6]  }
0x2f: {  	lr =	sadd.s32 s0, s3;
	s0 =	sld [smem:$0x3FAD]  }
0x30: {  	s3 =	sld [smem:$0x3FB0]  }
0x31: {  	[smem:$0x3FB9] =	sst s10  }
0x32: {  	s10 =	sld [smem:$0x3FB7];
	_ =	sdelay $0x3  }
0x33: {  	p0 =	seq.s32 s10, $0x1;
	s10 =	sld [smem:$0x3FB9];
	_ =	sdelay $0x3  }
0x34: {  	[smem:$0x3FB9] =	sst s10  }
0x35: {  	s10 =	sld [smem:$0x3FB8];
	_ =	sdelay $0x3  }
0x36: {  	p1 =	seq.s32 s10, $0x1;
	s10 =	sld [smem:$0x3FB9];
	_ =	sdelay $0x3  }
0x37: {  	[smem:$0x3FB9] =	sst s10  }
0x38: {  	s10 =	sld [smem:$0x3FBA]  }
0x39: {  	_ = 	snop;
	(pc) =	sbr.ind lr, $3  }
0x3a: {  	_ = 	snop  }
0x3b: {  	_ = 	snop  }
0x3c: {  	p2 =	seq.s32 s10, $0x1;
	s10 =	sld [smem:$0x3FB9]  }
0x3d: {  	_ =	shalt  }
0x3e: {  	_ =	shalt  }
0x3f: {  	_ =	shalt  }
0x40: {  	_ =	shalt  }
0x41: {  	_ =	shalt  }
0x42: {  	_ =	shalt  }
0x43: {  	_ =	shalt  }
0x44: {  	_ =	shalt  }
0x45: {  	_ =	shalt  }
0x46: {  	_ =	shalt  }
0x47: {  	_ =	shalt  }
0x48: {  	_ =	shalt  }
0x49: {  	_ =	shalt  }
0x4a: {  	_ =	shalt  }
0x4b: {  	_ =	shalt  }
0x4c: {  	_ =	shalt  }
0x4d: {  	_ =	shalt  }
0x4e: {  	_ =	shalt  }
0x4f: {  	_ =	shalt  }
0x50: {  	_ =	shalt  }
0x51: {  	_ =	shalt  }
0x52: {  	_ =	shalt  }
0x53: {  	_ =	shalt  }
0x54: {  	_ =	shalt  }
0x55: {  	_ =	shalt  }
0x56: {  	_ =	shalt  }
0x57: {  	_ =	shalt  }
0x58: {  	_ =	shalt  }
0x59: {  	_ =	shalt  }
0x5a: {  	_ =	shalt  }
0x5b: {  	_ =	shalt  }
0x5c: {  	_ =	shalt  }
0x5d: {  	_ =	shalt  }
0x5e: {  	_ =	shalt  }
0x5f: {  	_ =	shalt  }
0x60: {  	_ =	shalt  }
0x61: {  	_ =	shalt  }
0x62: {  	_ =	shalt  }
0x63: {  	_ =	shalt  }
0x64: {  	_ =	shalt  }
0x65: {  	_ =	shalt  }
0x66: {  	_ =	shalt  }
0x67: {  	_ =	shalt  }
0x68: {  	_ =	shalt  }
0x69: {  	_ =	shalt  }
0x6a: {  	_ =	shalt  }
0x6b: {  	_ =	shalt  }
0x6c: {  	_ =	shalt  }
0x6d: {  	_ =	shalt  }
0x6e: {  	_ =	shalt  }
0x6f: {  	_ =	shalt  }
0x70: {  	_ =	shalt  }
0x71: {  	_ =	shalt  }
0x72: {  	_ =	shalt  }
0x73: {  	_ =	shalt  }
0x74: {  	_ =	shalt  }
0x75: {  	_ =	shalt  }
0x76: {  	_ =	shalt  }
0x77: {  	_ =	shalt  }
0x78: {  	_ =	shalt  }
0x79: {  	_ =	shalt  }
0x7a: {  	_ =	shalt  }
0x7b: {  	_ =	shalt  }
0x7c: {  	_ =	shalt  }
0x7d: {  	_ =	shalt  }
0x7e: {  	_ =	shalt  }
0x7f: {  	_ =	shalt  }
0x80: {  	_ =	shalt  }
0x81: {  	_ =	shalt  }
0x82: {  	_ =	shalt  }
0x83: {  	_ =	shalt  }
0x84: {  	_ =	shalt  }
0x85: {  	_ =	shalt  }
0x86: {  	_ =	shalt  }
0x87: {  	_ =	shalt  }
.Lfunc_end0:
.L_simem_size_0:
called_computation.1_lowered:
.L_overlay_start_0:
0x88: {  	s2 =	sld [smem:$0x3FD9]  }
0x89: {  	s3 =	sld [smem:$0x3FFE];
	_ =	sdelay $0x1  }
0x8a: {  	s1 =	srdreg.scid  }
0x8b: {  	s0 =	sand.u32 $0x1, s1  }
0x8c: {  	s17 =	sshll.u32 s0, $0xA;
	s2 =	sadd.s32 s3, s2  }
0x8d: {  	s2 =	sadd.s32 s2, s17  }
0x8e: {  	[smem:$0x3FC5] =	sst s2  }
0x8f: {  	_ = 	snop  }
0x90: {  	s2 =	sld [smem:$0x3FC7]  }
0x91: {  	s18 =	sld [smem:$0x3FD0];
	(tm) =	ssettm $0x1  }
0x92: {  	s4 =	sld [smem:$0x3FFB];
	_ =	sdelay $0x3  }
0x93: {  	_ =	strace s4  }
0x94: {  	s4 =	sld [smem:$0x3FFC];
	_ =	sdelay $0x3  }
0x95: {  	_ =	strace s4  }
0x96: {  	s4 =	sld [smem:$0x3FFD];
	_ =	sdelay $0x3  }
0x97: {  	_ =	strace s4  }
0x98: {  	_ =	strace $0x8FFFFFFF  }
0x99: {  	s19 =	sld [smem:$0x3FDB];
	_ =	sdelay $0x1  }
0x9a: {  	s5 =	simm.s32 $_scs_section_size  }
0x9b: {  	s6 =	simm.s32 $_size__tile_overlayer_lowered;
	s7 =	simm.s32 $_tile_overlayer_lowered  }
0x9c: {  	s22 =	simm.s32 $0x1BFF;
	s21 =	sshll.u32 s7, $0x1;
	s4 =	sadd.s32 s5, s19  }
0x9d: {  	s8 =	simm.s32 $0x0;
	s20 =	sshll.u32 s6, $0x1;
	s6 =	sadd.s32 s21, s4  }
0x9e: {  	[timem:s8], [sflag:s22] =	dma.local [hbm:s6], s20  }
0x9f: {  	_ =	swait.ge [sflag:s22], s20  }
0xa0: {  	s5 =	ssub.s32 $0x0, s20;
	[sflag:s22] =	ssyncset.done $0x0  }
0xa1: {  	[sflag:s22] =	ssyncadd.s32 s5;
	_ =	sdelay $0x1  }
0xa2: {  	s23 =	simm.s32 $0x1B8B  }
0xa3: {  	_ =	swait.ge [sflag:s23], $0x1  }
0xa4: {  	[sflag:s23] =	ssyncset.done $0x0  }
0xa5: {  	s25 =	simm.s32 $0x1B8E;
	s24 =	sld [smem:$0x3FFE];
	[sflag:s23] =	ssyncadd.s32 $0xFFFFFFFF  }
0xa6: {  	s26 =	simm.s32 $execute0_lowered;
	[smem:$0x3FD2] =	sst s25  }
0xa7: {  	s6 =	sshll.u32 s26, $0x1;
	_ =	strace $0x80000049;
	[dreg:$0x1] =	wrdreg $0xFFFFFFFF  }
0xa8: {  	s28 =	simm.s32 $_size_execute0_lowered;
	s4 =	sadd.s32 s4, s6;
	[dreg:$0x0] =	wrdreg $0x0  }
0xa9: {  	s6 =	sshll.u32 s28, $0x1;
	[dreg:$0x2] =	wrdreg s4  }
0xaa: {  	[dreg:$0x3] =	wrdreg s6  }
0xab: {  	[dreg:$0x4] =	wrdreg $0xC0  }
0xac: {  	_ =	task [dreg:s8], $0x5FFFF  }
0xad: {  	[dreg:$0x1] =	wrdreg $0xFFFFFFFF  }
0xae: {  	[dreg:$0x0] =	wrdreg $0x60  }
0xaf: {  	[dreg:$0x2] =	wrdreg s24  }
0xb0: {  	[dreg:$0x3] =	wrdreg s2  }
0xb1: {  	[dreg:$0x4] =	wrdreg s18  }
0xb2: {  	[dreg:$0x5] =	wrdreg $0x9  }
0xb3: {  	_ =	task.clear_ibuf [dreg:s8], $0x6FFFF;
	_ =	strace $0x90000049  }
0xb4: {  	s29 =	simm.s32 $0x9;
	_ =	strace $0x8000004B  }
0xb5: {  	_ =	swait.ge [sflag:s29], $0x1  }
0xb6: {  	[sflag:s29] =	ssyncadd.s32 $0xFFFFFFFF  }
0xb7: {  	_ =	strace $0x9000004B  }
0xb8: {  	_ =	sfence  }
0xb9: {  	s30 =	sld [smem:$0x0];
	_ =	sdelay $0x2  }
0xba: {  	s31 =	sshll.u32 s1, $0xD;
	s1 =	sshrl.u32 s1, $0x2  }
0xbb: {  	s3 =	sand.u32 $0x4000, s31;
	s1 =	sadd.s32 s1, s30  }
0xbc: {  	s0 =	sor.u32 s3, s0;
	s1 =	sshll.u32 s1, $0x11  }
0xbd: {  	s0 =	sor.u32 s1, s0  }
0xbe: {  	s0 =	sadd.s32 $0x8F2B, s0  }
0xbf: {  	[sflag:s0] =	ssyncadd.remote.s32 $0x1  }
0xc0: {  	_ =	sfence.sel $0xFFFF  }
0xc1: {  	[dreg:$0x0] =	wrdreg $0xFFFFFFFF;
	(pc) =	sbr.abs _section_cstart, $3  }
0xc2: {  	[dreg:$0x1] =	wrdreg $0xFFFFFFFF  }
0xc3: {  	_ =	task.clear_ibuf [dreg:s8], $0x2FFFF;
	_ =	strace $0x9FFFFFFF  }
0xc4: {  	(tm) =	ssettm $0x7FFFFFFF  }
0xc5: {  	_ =	shalt  }
tec
execute0_lowered:
.L_overlay_start_1:
0x0: {  	(tag) =	ssettag $0x1  }
0x1: {  	s0 =	rddreg [dreg:$0x0]  }
0x2: {  	s2 =	rddreg [dreg:$0x1]  }
0x3: {  	s1 =	rddreg [dreg:$0x2]  }
0x4: {  	s3 =	srdreg.scid;
	s4 =	stileid.u32  }
0x5: {  	s18 =	simm.s32 $0x0;
	s8 =	simm.s32 $0x4280;
	s20 =	simm.s32 $0x11  }
0x6: {  	s11 =	simm.s32 $0x400;
	s12 =	simm.s32 $0x7A1400;
	s7 =	simm.s32 $0x9  }
0x7: {  	s9 =	simm.s32 $0xB;
	s10 =	simm.s32 $0xC;
	s13 =	simm.s32 $0xD  }
0x8: {  	s14 =	simm.s32 $0xE;
	s15 =	simm.s32 $0xF;
	s16 =	simm.s32 $0x10  }
0x9: {  	s3 =	sand.u32 $0x1, s3;
	s4 =	sshll.u32 s4, $0x1;
	[smem:$0x7FF] =	sst s18  }
0xa: {  	s17 =	simm.s32 $0x280;
	s4 =	sor.u32 s3, s4;
	_ =	strace $0x8000004A  }
0xb: {  	s3 =	ssub.s32 $0x2, s3;
	s5 =	sshll.u32 s4, $0xB;
	s4 =	sshll.u32 s4, $0x6  }
0xc: {  	s6 =	sshrl.u32 s3, $0x1;
	s5 =	sadd.s32 s5, s0;
	s0 =	sadd.s32 s4, s0  }
0xd: {  	s3 =	ssub.s32 s3, s6;
	s30 =	sadd.s32 s1, s4;
	s1 =	simm.s32 $0x5  }
0xe: {  	v2 =	vlaneseq.u32;
	s4 =	simm.s32 $0x6;
	s5 =	sadd.s32 $0x1200, s5;
	[dreg:$0x6] =	wrdreg s30  }
0xf: {  	v0 =	vmul.u32 $0x80, v2;
	s6 =	simm.s32 $0x8;
	s0 =	sadd.s32 $0xA00, s0;
	[dreg:$0x4] =	wrdreg s5  }
0x10: {  	v2 =	vmul.u32 $0x20, v2;
	s31 =	smax.u32 s3, $0x1;
	s3 =	simm.s32 $0xA;
	[dreg:$0x5] =	wrdreg s0  }
0x11: {  	v1 =	vor.u32 $0x800, v0;
	[dreg:$0x7] =	wrdreg s31;
	s5 =	simm.s32 $0x7;
	s0 =	simm.s32 $0x0  }
.LBB2_1:
0x12: {  	[dreg:$0x8] =	wrdreg s0  }
0x13: {  	s19 =	rddreg [dreg:$0x4]  }
0x14: {  	[tilespmem:s8], [sflag:$0x11] =	stream.linear.gather [hbm4b:s19+s18], $0x4000, $0x38;
	[tilespmem:$0x18480] =	vst v63  }
0x15: {  	_ =	swait.ge [sflag:s20], $0x4000  }
0x16: {  	[sflag:s20] =	ssyncset.done $0x0  }
0x17: {  	s31 =	rddreg [dreg:$0x5];
	[sflag:s20] =	ssyncadd.s32 $0xFFFFC000  }
0x18: {  	[tilespmem:s18], [sflag:$0x11] =	stream.linear.gather [hbm4b:s31+s18], $0x200, $0x38;
	[tilespmem:$0x18480] =	vst v63  }
0x19: {  	_ =	swait.ge [sflag:s20], $0x200  }
0x1a: {  	s0 =	simm.s32 $0x2;
	s19 =	simm.s32 $0x380;
	[sflag:s20] =	ssyncset.done $0x0  }
0x1b: {  	s18 =	simm.s32 $0x1C0;
	[sflag:s20] =	ssyncadd.s32 $0xFFFFFE00;
	s20 =	simm.s32 $0x8  }
.LBB2_2:
0x1c: {  	v3 =	vld [tilespmem:s20+$0xFFFFFFF8];
	_ =	sdelay $0x4  }
0x1d: {  	(v2sf) =	vpush v3, $0x0;
	_ =	sdelay $0xe  }
0x1e: {  	s21 =	spop (v2sf)  }
0x1f: {  	s22 =	sand.u32 $0x7F, s21  }
0x20: {  	p1 =	slt.s32 s21, $0x1;
	p0 =	sne.s32 s22, $0x0;
	s22 =	sshra.s32 s21, $0x1F  }
0x21: {  	s22 =	sshrl.u32 s22, $0x19;
	p0 =	por !p1, !p0  }
0x22: {  	s21 =	sadd.s32 s22, s21;
	p0 =	por !p0, !p0;
	s22 =	simm.s32 $0x1  }
0x23: {  	s21 =	sshrl.u32 s21, $0x7;
	s22 =	simm.s32 @!p0 $0x0  }
0x24: {  	s21 =	ssub.s32 s21, s22  }
0x25: {  	s21 =	sshll.u32 s21, $0x7  }
0x26: {  	s21 =	sand.u32 $0x1FFFFF80, s21  }
0x27: {  	s23 =	simm.s32 $0x8480;
	s21 =	sadd.s32 s2, s21  }
0x28: {  	[tilespmem:s23], [sflag:$0x1] =	stream.strided.gather [hbm4b:s21+s11], $0x1000, s12, s11, $0x38;
	[tilespmem:$0x18480] =	vst v63  }
0x29: {  	v3 =	vld [tilespmem:s20+$0xFFFFFFF9];
	_ =	sdelay $0x4  }
0x2a: {  	(v2sf) =	vpush v3, $0x0;
	_ =	sdelay $0xe  }
0x2b: {  	s21 =	spop (v2sf)  }
0x2c: {  	s22 =	sand.u32 $0x7F, s21  }
0x2d: {  	p2 =	slt.s32 s21, $0x1;
	p1 =	sne.s32 s22, $0x0;
	s22 =	sshra.s32 s21, $0x1F  }
0x2e: {  	s22 =	sshrl.u32 s22, $0x19;
	p0 =	por !p2, !p1  }
0x2f: {  	s21 =	sadd.s32 s22, s21;
	p0 =	por !p0, !p0;
	s22 =	simm.s32 $0x1  }
0x30: {  	s21 =	sshrl.u32 s21, $0x7;
	s22 =	simm.s32 @!p0 $0x0  }
0x31: {  	s21 =	ssub.s32 s21, s22  }
0x32: {  	s21 =	sshll.u32 s21, $0x7  }
0x33: {  	s21 =	sand.u32 $0x1FFFFF80, s21  }
0x34: {  	s23 =	simm.s32 $0x9480;
	s21 =	sadd.s32 s2, s21  }
0x35: {  	[tilespmem:s23], [sflag:$0x2] =	stream.strided.gather [hbm4b:s21+s11], $0x1000, s12, s11, $0x38;
	[tilespmem:$0x18480] =	vst v63  }
0x36: {  	v3 =	vld [tilespmem:s20+$0xFFFFFFFA];
	_ =	sdelay $0x4  }
0x37: {  	(v2sf) =	vpush v3, $0x0;
	_ =	sdelay $0xe  }
0x38: {  	s21 =	spop (v2sf)  }
0x39: {  	s22 =	sand.u32 $0x7F, s21  }
0x3a: {  	p4 =	slt.s32 s21, $0x1;
	p3 =	sne.s32 s22, $0x0;
	s22 =	sshra.s32 s21, $0x1F  }
0x3b: {  	s22 =	sshrl.u32 s22, $0x19;
	p0 =	por !p4, !p3  }
0x3c: {  	s21 =	sadd.s32 s22, s21;
	p0 =	por !p0, !p0;
	s22 =	simm.s32 $0x1  }
0x3d: {  	s21 =	sshrl.u32 s21, $0x7;
	s22 =	simm.s32 @!p0 $0x0  }
0x3e: {  	s21 =	ssub.s32 s21, s22  }
0x3f: {  	s21 =	sshll.u32 s21, $0x7  }
0x40: {  	s21 =	sand.u32 $0x1FFFFF80, s21  }
0x41: {  	s24 =	simm.s32 $0xA480;
	s21 =	sadd.s32 s2, s21  }
0x42: {  	[tilespmem:s24], [sflag:$0x3] =	stream.strided.gather [hbm4b:s21+s11], $0x1000, s12, s11, $0x38;
	[tilespmem:$0x18480] =	vst v63  }
0x43: {  	v3 =	vld [tilespmem:s20+$0xFFFFFFFB];
	_ =	sdelay $0x4  }
0x44: {  	(v2sf) =	vpush v3, $0x0;
	_ =	sdelay $0xe  }
0x45: {  	s21 =	spop (v2sf)  }
0x46: {  	s22 =	sand.u32 $0x7F, s21  }
0x47: {  	p6 =	slt.s32 s21, $0x1;
	p5 =	sne.s32 s22, $0x0;
	s22 =	sshra.s32 s21, $0x1F  }
0x48: {  	s22 =	sshrl.u32 s22, $0x19;
	p0 =	por !p6, !p5  }
0x49: {  	s21 =	sadd.s32 s22, s21;
	p0 =	por !p0, !p0;
	s22 =	simm.s32 $0x1  }
0x4a: {  	s21 =	sshrl.u32 s21, $0x7;
	s22 =	simm.s32 @!p0 $0x0  }
0x4b: {  	s21 =	ssub.s32 s21, s22  }
0x4c: {  	s21 =	sshll.u32 s21, $0x7  }
0x4d: {  	s21 =	sand.u32 $0x1FFFFF80, s21  }
0x4e: {  	s24 =	simm.s32 $0xB480;
	s21 =	sadd.s32 s2, s21  }
0x4f: {  	[tilespmem:s24], [sflag:$0x4] =	stream.strided.gather [hbm4b:s21+s11], $0x1000, s12, s11, $0x38;
	[tilespmem:$0x18480] =	vst v63  }
0x50: {  	v3 =	vld [tilespmem:s20+$0xFFFFFFFC];
	_ =	sdelay $0x4  }
0x51: {  	(v2sf) =	vpush v3, $0x0;
	_ =	sdelay $0xe  }
0x52: {  	s21 =	spop (v2sf)  }
0x53: {  	s22 =	sand.u32 $0x7F, s21  }
0x54: {  	p2 =	slt.s32 s21, $0x1;
	p1 =	sne.s32 s22, $0x0;
	s22 =	sshra.s32 s21, $0x1F  }
0x55: {  	s22 =	sshrl.u32 s22, $0x19;
	p0 =	por !p2, !p1  }
0x56: {  	s21 =	sadd.s32 s22, s21;
	p0 =	por !p0, !p0;
	s22 =	simm.s32 $0x1  }
0x57: {  	s21 =	sshrl.u32 s21, $0x7;
	s22 =	simm.s32 @!p0 $0x0  }
0x58: {  	s21 =	ssub.s32 s21, s22  }
0x59: {  	s21 =	sshll.u32 s21, $0x7  }
0x5a: {  	s21 =	sand.u32 $0x1FFFFF80, s21  }
0x5b: {  	s25 =	simm.s32 $0xC480;
	s21 =	sadd.s32 s2, s21  }
0x5c: {  	[tilespmem:s25], [sflag:$0x5] =	stream.strided.gather [hbm4b:s21+s11], $0x1000, s12, s11, $0x38;
	[tilespmem:$0x18480] =	vst v63  }
0x5d: {  	v3 =	vld [tilespmem:s20+$0xFFFFFFFD];
	_ =	sdelay $0x4  }
0x5e: {  	(v2sf) =	vpush v3, $0x0;
	_ =	sdelay $0xe  }
0x5f: {  	s21 =	spop (v2sf)  }
0x60: {  	s22 =	sand.u32 $0x7F, s21  }
0x61: {  	p4 =	slt.s32 s21, $0x1;
	p3 =	sne.s32 s22, $0x0;
	s22 =	sshra.s32 s21, $0x1F  }
0x62: {  	s22 =	sshrl.u32 s22, $0x19;
	p0 =	por !p4, !p3  }
0x63: {  	s21 =	sadd.s32 s22, s21;
	p0 =	por !p0, !p0;
	s22 =	simm.s32 $0x1  }
0x64: {  	s21 =	sshrl.u32 s21, $0x7;
	s22 =	simm.s32 @!p0 $0x0  }
0x65: {  	s21 =	ssub.s32 s21, s22  }
0x66: {  	s21 =	sshll.u32 s21, $0x7  }
0x67: {  	s21 =	sand.u32 $0x1FFFFF80, s21  }
0x68: {  	s25 =	simm.s32 $0xD480;
	s21 =	sadd.s32 s2, s21  }
0x69: {  	[tilespmem:s25], [sflag:$0x6] =	stream.strided.gather [hbm4b:s21+s11], $0x1000, s12, s11, $0x38;
	[tilespmem:$0x18480] =	vst v63  }
0x6a: {  	v3 =	vld [tilespmem:s20+$0xFFFFFFFE];
	_ =	sdelay $0x4  }
0x6b: {  	(v2sf) =	vpush v3, $0x0;
	_ =	sdelay $0xe  }
0x6c: {  	s21 =	spop (v2sf)  }
0x6d: {  	s22 =	sand.u32 $0x7F, s21  }
0x6e: {  	p6 =	slt.s32 s21, $0x1;
	p5 =	sne.s32 s22, $0x0;
	s22 =	sshra.s32 s21, $0x1F  }
0x6f: {  	s22 =	sshrl.u32 s22, $0x19;
	p0 =	por !p6, !p5  }
0x70: {  	s21 =	sadd.s32 s22, s21;
	p0 =	por !p0, !p0;
	s22 =	simm.s32 $0x1  }
0x71: {  	s21 =	sshrl.u32 s21, $0x7;
	s22 =	simm.s32 @!p0 $0x0  }
0x72: {  	s21 =	ssub.s32 s21, s22  }
0x73: {  	s21 =	sshll.u32 s21, $0x7  }
0x74: {  	s21 =	sand.u32 $0x1FFFFF80, s21  }
0x75: {  	s26 =	simm.s32 $0xE480;
	s21 =	sadd.s32 s2, s21  }
0x76: {  	[tilespmem:s26], [sflag:$0x7] =	stream.strided.gather [hbm4b:s21+s11], $0x1000, s12, s11, $0x38;
	[tilespmem:$0x18480] =	vst v63  }
0x77: {  	v3 =	vld [tilespmem:s20+$0xFFFFFFFF];
	_ =	sdelay $0x4  }
0x78: {  	(v2sf) =	vpush v3, $0x0;
	_ =	sdelay $0xe  }
0x79: {  	s21 =	spop (v2sf)  }
0x7a: {  	s22 =	sand.u32 $0x7F, s21  }
0x7b: {  	p2 =	slt.s32 s21, $0x1;
	p1 =	sne.s32 s22, $0x0;
	s22 =	sshra.s32 s21, $0x1F  }
0x7c: {  	s22 =	sshrl.u32 s22, $0x19;
	p0 =	por !p2, !p1  }
0x7d: {  	s21 =	sadd.s32 s22, s21;
	p0 =	por !p0, !p0;
	s22 =	simm.s32 $0x1  }
0x7e: {  	s21 =	sshrl.u32 s21, $0x7;
	s22 =	simm.s32 @!p0 $0x0  }
0x7f: {  	s21 =	ssub.s32 s21, s22  }
0x80: {  	s21 =	sshll.u32 s21, $0x7  }
0x81: {  	s21 =	sand.u32 $0x1FFFFF80, s21  }
0x82: {  	s26 =	simm.s32 $0xF480;
	s21 =	sadd.s32 s2, s21  }
0x83: {  	[tilespmem:s26], [sflag:$0x8] =	stream.strided.gather [hbm4b:s21+s11], $0x1000, s12, s11, $0x38;
	[tilespmem:$0x18480] =	vst v63  }
0x84: {  	v3 =	vld [tilespmem:s20+$0x0];
	_ =	sdelay $0x4  }
0x85: {  	(v2sf) =	vpush v3, $0x0;
	_ =	sdelay $0xe  }
0x86: {  	s21 =	spop (v2sf)  }
0x87: {  	s22 =	sand.u32 $0x7F, s21  }
0x88: {  	p4 =	slt.s32 s21, $0x1;
	p3 =	sne.s32 s22, $0x0;
	s22 =	sshra.s32 s21, $0x1F  }
0x89: {  	s22 =	sshrl.u32 s22, $0x19;
	p0 =	por !p4, !p3  }
0x8a: {  	s21 =	sadd.s32 s22, s21;
	p0 =	por !p0, !p0;
	s22 =	simm.s32 $0x1  }
0x8b: {  	s21 =	sshrl.u32 s21, $0x7;
	s22 =	simm.s32 @!p0 $0x0  }
0x8c: {  	s21 =	ssub.s32 s21, s22  }
0x8d: {  	s21 =	sshll.u32 s21, $0x7  }
0x8e: {  	s21 =	sand.u32 $0x1FFFFF80, s21  }
0x8f: {  	s28 =	simm.s32 $0x10480;
	s21 =	sadd.s32 s2, s21  }
0x90: {  	[tilespmem:s28], [sflag:$0x9] =	stream.strided.gather [hbm4b:s21+s11], $0x1000, s12, s11, $0x38;
	[tilespmem:$0x18480] =	vst v63  }
0x91: {  	v3 =	vld [tilespmem:s20+$0x1];
	_ =	sdelay $0x4  }
0x92: {  	(v2sf) =	vpush v3, $0x0;
	_ =	sdelay $0xe  }
0x93: {  	s21 =	spop (v2sf)  }
0x94: {  	s22 =	sand.u32 $0x7F, s21  }
0x95: {  	p6 =	slt.s32 s21, $0x1;
	p5 =	sne.s32 s22, $0x0;
	s22 =	sshra.s32 s21, $0x1F  }
0x96: {  	s22 =	sshrl.u32 s22, $0x19;
	p0 =	por !p6, !p5  }
0x97: {  	s21 =	sadd.s32 s22, s21;
	p0 =	por !p0, !p0;
	s22 =	simm.s32 $0x1  }
0x98: {  	s21 =	sshrl.u32 s21, $0x7;
	s22 =	simm.s32 @!p0 $0x0  }
0x99: {  	s21 =	ssub.s32 s21, s22  }
0x9a: {  	s21 =	sshll.u32 s21, $0x7  }
0x9b: {  	s21 =	sand.u32 $0x1FFFFF80, s21  }
0x9c: {  	s28 =	simm.s32 $0x11480;
	s21 =	sadd.s32 s2, s21  }
0x9d: {  	[tilespmem:s28], [sflag:$0xA] =	stream.strided.gather [hbm4b:s21+s11], $0x1000, s12, s11, $0x38;
	[tilespmem:$0x18480] =	vst v63  }
0x9e: {  	v3 =	vld [tilespmem:s20+$0x2];
	_ =	sdelay $0x4  }
0x9f: {  	(v2sf) =	vpush v3, $0x0;
	_ =	sdelay $0xe  }
0xa0: {  	s21 =	spop (v2sf)  }
0xa1: {  	s22 =	sand.u32 $0x7F, s21  }
0xa2: {  	p2 =	slt.s32 s21, $0x1;
	p1 =	sne.s32 s22, $0x0;
	s22 =	sshra.s32 s21, $0x1F  }
0xa3: {  	s22 =	sshrl.u32 s22, $0x19;
	p0 =	por !p2, !p1  }
0xa4: {  	s21 =	sadd.s32 s22, s21;
	p0 =	por !p0, !p0;
	s22 =	simm.s32 $0x1  }
0xa5: {  	s21 =	sshrl.u32 s21, $0x7;
	s22 =	simm.s32 @!p0 $0x0  }
0xa6: {  	s21 =	ssub.s32 s21, s22  }
0xa7: {  	s21 =	sshll.u32 s21, $0x7  }
0xa8: {  	s21 =	sand.u32 $0x1FFFFF80, s21  }
0xa9: {  	s29 =	simm.s32 $0x12480;
	s21 =	sadd.s32 s2, s21  }
0xaa: {  	[tilespmem:s29], [sflag:$0xB] =	stream.strided.gather [hbm4b:s21+s11], $0x1000, s12, s11, $0x38;
	[tilespmem:$0x18480] =	vst v63  }
0xab: {  	v3 =	vld [tilespmem:s20+$0x3];
	_ =	sdelay $0x4  }
0xac: {  	(v2sf) =	vpush v3, $0x0;
	_ =	sdelay $0xe  }
0xad: {  	s21 =	spop (v2sf)  }
0xae: {  	s22 =	sand.u32 $0x7F, s21  }
0xaf: {  	p4 =	slt.s32 s21, $0x1;
	p3 =	sne.s32 s22, $0x0;
	s22 =	sshra.s32 s21, $0x1F  }
0xb0: {  	s22 =	sshrl.u32 s22, $0x19;
	p0 =	por !p4, !p3  }
0xb1: {  	s21 =	sadd.s32 s22, s21;
	p0 =	por !p0, !p0;
	s22 =	simm.s32 $0x1  }
0xb2: {  	s21 =	sshrl.u32 s21, $0x7;
	s22 =	simm.s32 @!p0 $0x0  }
0xb3: {  	s21 =	ssub.s32 s21, s22  }
0xb4: {  	s21 =	sshll.u32 s21, $0x7  }
0xb5: {  	s21 =	sand.u32 $0x1FFFFF80, s21  }
0xb6: {  	s29 =	simm.s32 $0x13480;
	s21 =	sadd.s32 s2, s21  }
0xb7: {  	[tilespmem:s29], [sflag:$0xC] =	stream.strided.gather [hbm4b:s21+s11], $0x1000, s12, s11, $0x38;
	[tilespmem:$0x18480] =	vst v63  }
0xb8: {  	v3 =	vld [tilespmem:s20+$0x4];
	_ =	sdelay $0x4  }
0xb9: {  	(v2sf) =	vpush v3, $0x0;
	_ =	sdelay $0xe  }
0xba: {  	s21 =	spop (v2sf)  }
0xbb: {  	s22 =	sand.u32 $0x7F, s21  }
0xbc: {  	p6 =	slt.s32 s21, $0x1;
	p5 =	sne.s32 s22, $0x0;
	s22 =	sshra.s32 s21, $0x1F  }
0xbd: {  	s22 =	sshrl.u32 s22, $0x19;
	p0 =	por !p6, !p5  }
0xbe: {  	s21 =	sadd.s32 s22, s21;
	p0 =	por !p0, !p0;
	s22 =	simm.s32 $0x1  }
0xbf: {  	s21 =	sshrl.u32 s21, $0x7;
	s22 =	simm.s32 @!p0 $0x0  }
0xc0: {  	s21 =	ssub.s32 s21, s22  }
0xc1: {  	s21 =	sshll.u32 s21, $0x7  }
0xc2: {  	s21 =	sand.u32 $0x1FFFFF80, s21  }
0xc3: {  	s30 =	simm.s32 $0x14480;
	s21 =	sadd.s32 s2, s21  }
0xc4: {  	[tilespmem:s30], [sflag:$0xD] =	stream.strided.gather [hbm4b:s21+s11], $0x1000, s12, s11, $0x38;
	[tilespmem:$0x18480] =	vst v63  }
0xc5: {  	v3 =	vld [tilespmem:s20+$0x5];
	_ =	sdelay $0x4  }
0xc6: {  	(v2sf) =	vpush v3, $0x0;
	_ =	sdelay $0xe  }
0xc7: {  	s21 =	spop (v2sf)  }
0xc8: {  	s22 =	sand.u32 $0x7F, s21  }
0xc9: {  	p2 =	slt.s32 s21, $0x1;
	p1 =	sne.s32 s22, $0x0;
	s22 =	sshra.s32 s21, $0x1F  }
0xca: {  	s22 =	sshrl.u32 s22, $0x19;
	p0 =	por !p2, !p1  }
0xcb: {  	s21 =	sadd.s32 s22, s21;
	p0 =	por !p0, !p0;
	s22 =	simm.s32 $0x1  }
0xcc: {  	s21 =	sshrl.u32 s21, $0x7;
	s22 =	simm.s32 @!p0 $0x0  }
0xcd: {  	s21 =	ssub.s32 s21, s22  }
0xce: {  	s21 =	sshll.u32 s21, $0x7  }
0xcf: {  	s21 =	sand.u32 $0x1FFFFF80, s21  }
0xd0: {  	s30 =	simm.s32 $0x15480;
	s21 =	sadd.s32 s2, s21  }
0xd1: {  	[tilespmem:s30], [sflag:$0xE] =	stream.strided.gather [hbm4b:s21+s11], $0x1000, s12, s11, $0x38;
	[tilespmem:$0x18480] =	vst v63  }
0xd2: {  	v3 =	vld [tilespmem:s20+$0x6];
	_ =	sdelay $0x4  }
0xd3: {  	(v2sf) =	vpush v3, $0x0;
	_ =	sdelay $0xe  }
0xd4: {  	s21 =	spop (v2sf)  }
0xd5: {  	s22 =	sand.u32 $0x7F, s21  }
0xd6: {  	p4 =	slt.s32 s21, $0x1;
	p3 =	sne.s32 s22, $0x0;
	s22 =	sshra.s32 s21, $0x1F  }
0xd7: {  	s22 =	sshrl.u32 s22, $0x19;
	p0 =	por !p4, !p3  }
0xd8: {  	s21 =	sadd.s32 s22, s21;
	p0 =	por !p0, !p0;
	s22 =	simm.s32 $0x1  }
0xd9: {  	s21 =	sshrl.u32 s21, $0x7;
	s22 =	simm.s32 @!p0 $0x0  }
0xda: {  	s21 =	ssub.s32 s21, s22  }
0xdb: {  	s21 =	sshll.u32 s21, $0x7  }
0xdc: {  	s21 =	sand.u32 $0x1FFFFF80, s21  }
0xdd: {  	s31 =	simm.s32 $0x16480;
	s21 =	sadd.s32 s2, s21  }
0xde: {  	[tilespmem:s31], [sflag:$0xF] =	stream.strided.gather [hbm4b:s21+s11], $0x1000, s12, s11, $0x38;
	[tilespmem:$0x18480] =	vst v63  }
0xdf: {  	v3 =	vld [tilespmem:s20+$0x7];
	_ =	sdelay $0x4  }
0xe0: {  	(v2sf) =	vpush v3, $0x0;
	_ =	sdelay $0xe  }
0xe1: {  	s21 =	spop (v2sf)  }
0xe2: {  	s22 =	sand.u32 $0x7F, s21  }
0xe3: {  	p6 =	slt.s32 s21, $0x1;
	p5 =	sne.s32 s22, $0x0;
	s22 =	sshra.s32 s21, $0x1F  }
0xe4: {  	s22 =	sshrl.u32 s22, $0x19;
	p0 =	por !p6, !p5  }
0xe5: {  	s21 =	sadd.s32 s22, s21;
	p0 =	por !p0, !p0;
	s22 =	simm.s32 $0x1  }
0xe6: {  	s21 =	sshrl.u32 s21, $0x7;
	s22 =	simm.s32 @!p0 $0x0  }
0xe7: {  	s21 =	ssub.s32 s21, s22  }
0xe8: {  	s21 =	sshll.u32 s21, $0x7  }
0xe9: {  	s21 =	sand.u32 $0x1FFFFF80, s21  }
0xea: {  	s31 =	simm.s32 $0x17480;
	s22 =	simm.s32 $0x1;
	s21 =	sadd.s32 s2, s21  }
0xeb: {  	[tilespmem:s31], [sflag:$0x10] =	stream.strided.gather [hbm4b:s21+s11], $0x1000, s12, s11, $0x38;
	[tilespmem:$0x18480] =	vst v63  }
0xec: {  	_ =	swait.ge [sflag:s22], $0x1000  }
0xed: {  	[sflag:s22] =	ssyncset.done $0x0  }
0xee: {  	[sflag:s22] =	ssyncadd.s32 $0xFFFFF000  }
0xef: {  	v3 =	vld [tilespmem:s20+$0xFFFFFFF8];
	_ =	sdelay $0x4  }
0xf0: {  	(v2sf) =	vpush v3, $0x0;
	_ =	sdelay $0xe  }
0xf1: {  	s21 =	spop (v2sf)  }
0xf2: {  	s21 =	sand.u32 $0x7F, s21  }
0xf3: {  	v3 =	vor.u32 s21, v0;
	_ =	sdelay $0x3  }
0xf4: {  	s22 =	simm.s32 $0x8480  }
0xf5: {  	v3 =	vld.idx.msk [tilespmem:v3+s22+$0x0], $0xffff  }
0xf6: {  	v4 =	vor.u32 s21, v1;
	_ =	sdelay $0x3  }
0xf7: {  	[tilespmem:s19+$0xFFFFFF00] =	vst v3  }
0xf8: {  	v3 =	vld.idx.msk [tilespmem:v4+s22+$0x0], $0xffff;
	_ =	sdelay $0x4  }
0xf9: {  	[tilespmem:s19+$0xFFFFFF10] =	vst v3  }
0xfa: {  	_ =	swait.ge [sflag:s0], $0x1000  }
0xfb: {  	[sflag:s0] =	ssyncset.done $0x0  }
0xfc: {  	[sflag:s0] =	ssyncadd.s32 $0xFFFFF000  }
0xfd: {  	v3 =	vld [tilespmem:s20+$0xFFFFFFF9];
	_ =	sdelay $0x4  }
0xfe: {  	(v2sf) =	vpush v3, $0x0;
	_ =	sdelay $0xe  }
0xff: {  	s21 =	spop (v2sf)  }
0x100: {  	s21 =	sand.u32 $0x7F, s21  }
0x101: {  	v3 =	vor.u32 s21, v0;
	_ =	sdelay $0x4  }
0x102: {  	v3 =	vld.idx.msk [tilespmem:v3+s23+$0x0], $0xffff  }
0x103: {  	v49 =	vor.u32 s21, v1;
	_ =	sdelay $0x3  }
0x104: {  	[tilespmem:s19+$0xFFFFFF20] =	vst v3  }
0x105: {  	v3 =	vld.idx.msk [tilespmem:v49+s23+$0x0], $0xffff;
	_ =	sdelay $0x2  }
0x106: {  	s21 =	sadd.s32 $0xFFFFFE60, s18  }
0x107: {  	s21 =	sor.u32 $0x30, s21  }
0x108: {  	s23 =	simm.s32 $0x3;
	[tilespmem:s21+$0x280] =	vst v3  }
0x109: {  	_ =	swait.ge [sflag:s23], $0x1000  }
0x10a: {  	[sflag:s23] =	ssyncset.done $0x0  }
0x10b: {  	[sflag:s23] =	ssyncadd.s32 $0xFFFFF000  }
0x10c: {  	v3 =	vld [tilespmem:s20+$0xFFFFFFFA];
	_ =	sdelay $0x4  }
0x10d: {  	(v2sf) =	vpush v3, $0x0;
	_ =	sdelay $0xe  }
0x10e: {  	s21 =	spop (v2sf)  }
0x10f: {  	s21 =	sand.u32 $0x7F, s21  }
0x110: {  	v3 =	vor.u32 s21, v0;
	_ =	sdelay $0x3  }
0x111: {  	s22 =	simm.s32 $0xA480  }
0x112: {  	v3 =	vld.idx.msk [tilespmem:v3+s22+$0x0], $0xffff  }
0x113: {  	v50 =	vor.u32 s21, v1;
	_ =	sdelay $0x3  }
0x114: {  	[tilespmem:s19+$0xFFFFFF40] =	vst v3  }
0x115: {  	v3 =	vld.idx.msk [tilespmem:v50+s22+$0x0], $0xffff;
	_ =	sdelay $0x2  }
0x116: {  	s21 =	sadd.s32 $0xFFFFFE80, s18  }
0x117: {  	s21 =	sor.u32 $0x50, s21  }
0x118: {  	s23 =	simm.s32 $0x4;
	[tilespmem:s21+$0x280] =	vst v3  }
0x119: {  	_ =	swait.ge [sflag:s23], $0x1000  }
0x11a: {  	[sflag:s23] =	ssyncset.done $0x0  }
0x11b: {  	[sflag:s23] =	ssyncadd.s32 $0xFFFFF000  }
0x11c: {  	v3 =	vld [tilespmem:s20+$0xFFFFFFFB];
	_ =	sdelay $0x4  }
0x11d: {  	(v2sf) =	vpush v3, $0x0;
	_ =	sdelay $0xe  }
0x11e: {  	s23 =	spop (v2sf)  }
0x11f: {  	s21 =	sand.u32 $0x7F, s23  }
0x120: {  	v3 =	vor.u32 s21, v0;
	_ =	sdelay $0x4  }
0x121: {  	v3 =	vld.idx.msk [tilespmem:v3+s24+$0x0], $0xffff  }
0x122: {  	v51 =	vor.u32 s21, v1;
	_ =	sdelay $0x3  }
0x123: {  	[tilespmem:s19+$0xFFFFFF60] =	vst v3  }
0x124: {  	v3 =	vld.idx.msk [tilespmem:v51+s24+$0x0], $0xffff;
	_ =	sdelay $0x2  }
0x125: {  	s24 =	sadd.s32 $0xFFFFFEA0, s18  }
0x126: {  	s21 =	sor.u32 $0x70, s24  }
0x127: {  	[tilespmem:s21+$0x280] =	vst v3  }
0x128: {  	_ =	swait.ge [sflag:s1], $0x1000  }
0x129: {  	[sflag:s1] =	ssyncset.done $0x0  }
0x12a: {  	[sflag:s1] =	ssyncadd.s32 $0xFFFFF000  }
0x12b: {  	v3 =	vld [tilespmem:s20+$0xFFFFFFFC];
	_ =	sdelay $0x4  }
0x12c: {  	(v2sf) =	vpush v3, $0x0;
	_ =	sdelay $0xe  }
0x12d: {  	s23 =	spop (v2sf)  }
0x12e: {  	s21 =	sand.u32 $0x7F, s23  }
0x12f: {  	v3 =	vor.u32 s21, v0;
	_ =	sdelay $0x3  }
0x130: {  	s22 =	simm.s32 $0xC480  }
0x131: {  	v3 =	vld.idx.msk [tilespmem:v3+s22+$0x0], $0xffff  }
0x132: {  	v52 =	vor.u32 s21, v1;
	_ =	sdelay $0x3  }
0x133: {  	[tilespmem:s19+$0xFFFFFF80] =	vst v3  }
0x134: {  	v3 =	vld.idx.msk [tilespmem:v52+s22+$0x0], $0xffff;
	_ =	sdelay $0x4  }
0x135: {  	[tilespmem:s19+$0xFFFFFF90] =	vst v3  }
0x136: {  	_ =	swait.ge [sflag:s4], $0x1000  }
0x137: {  	[sflag:s4] =	ssyncset.done $0x0  }
0x138: {  	[sflag:s4] =	ssyncadd.s32 $0xFFFFF000  }
0x139: {  	v3 =	vld [tilespmem:s20+$0xFFFFFFFD];
	_ =	sdelay $0x4  }
0x13a: {  	(v2sf) =	vpush v3, $0x0;
	_ =	sdelay $0xe  }
0x13b: {  	s24 =	spop (v2sf)  }
0x13c: {  	s21 =	sand.u32 $0x7F, s24  }
0x13d: {  	v3 =	vor.u32 s21, v0;
	_ =	sdelay $0x4  }
0x13e: {  	v3 =	vld.idx.msk [tilespmem:v3+s25+$0x0], $0xffff  }
0x13f: {  	v53 =	vor.u32 s21, v1;
	_ =	sdelay $0x3  }
0x140: {  	[tilespmem:s19+$0xFFFFFFA0] =	vst v3  }
0x141: {  	v3 =	vld.idx.msk [tilespmem:v53+s25+$0x0], $0xffff;
	_ =	sdelay $0x2  }
0x142: {  	s25 =	sadd.s32 $0xFFFFFEE0, s18  }
0x143: {  	s21 =	sor.u32 $0x30, s25  }
0x144: {  	[tilespmem:s21+$0x280] =	vst v3  }
0x145: {  	_ =	swait.ge [sflag:s5], $0x1000  }
0x146: {  	[sflag:s5] =	ssyncset.done $0x0  }
0x147: {  	[sflag:s5] =	ssyncadd.s32 $0xFFFFF000  }
0x148: {  	v3 =	vld [tilespmem:s20+$0xFFFFFFFE];
	_ =	sdelay $0x4  }
0x149: {  	(v2sf) =	vpush v3, $0x0;
	_ =	sdelay $0xe  }
0x14a: {  	s23 =	spop (v2sf)  }
0x14b: {  	s21 =	sand.u32 $0x7F, s23  }
0x14c: {  	v3 =	vor.u32 s21, v0;
	_ =	sdelay $0x3  }
0x14d: {  	s22 =	simm.s32 $0xE480  }
0x14e: {  	v3 =	vld.idx.msk [tilespmem:v3+s22+$0x0], $0xffff  }
0x14f: {  	v54 =	vor.u32 s21, v1;
	_ =	sdelay $0x3  }
0x150: {  	[tilespmem:s19+$0xFFFFFFC0] =	vst v3  }
0x151: {  	v3 =	vld.idx.msk [tilespmem:v54+s22+$0x0], $0xffff;
	_ =	sdelay $0x2  }
0x152: {  	s24 =	sadd.s32 $0xFFFFFF00, s18  }
0x153: {  	s21 =	sor.u32 $0x50, s24  }
0x154: {  	[tilespmem:s21+$0x280] =	vst v3  }
0x155: {  	_ =	swait.ge [sflag:s6], $0x1000  }
0x156: {  	[sflag:s6] =	ssyncset.done $0x0  }
0x157: {  	[sflag:s6] =	ssyncadd.s32 $0xFFFFF000  }
0x158: {  	v3 =	vld [tilespmem:s20+$0xFFFFFFFF];
	_ =	sdelay $0x4  }
0x159: {  	(v2sf) =	vpush v3, $0x0;
	_ =	sdelay $0xe  }
0x15a: {  	s25 =	spop (v2sf)  }
0x15b: {  	s21 =	sand.u32 $0x7F, s25  }
0x15c: {  	v3 =	vor.u32 s21, v0;
	_ =	sdelay $0x4  }
0x15d: {  	v3 =	vld.idx.msk [tilespmem:v3+s26+$0x0], $0xffff  }
0x15e: {  	v55 =	vor.u32 s21, v1;
	_ =	sdelay $0x3  }
0x15f: {  	[tilespmem:s19+$0xFFFFFFE0] =	vst v3  }
0x160: {  	v3 =	vld.idx.msk [tilespmem:v55+s26+$0x0], $0xffff;
	_ =	sdelay $0x2  }
0x161: {  	s23 =	sadd.s32 $0xFFFFFF20, s18  }
0x162: {  	s21 =	sor.u32 $0x70, s23  }
0x163: {  	[tilespmem:s21+$0x280] =	vst v3  }
0x164: {  	_ =	swait.ge [sflag:s7], $0x1000  }
0x165: {  	[sflag:s7] =	ssyncset.done $0x0  }
0x166: {  	[sflag:s7] =	ssyncadd.s32 $0xFFFFF000  }
0x167: {  	v3 =	vld [tilespmem:s20+$0x0];
	_ =	sdelay $0x4  }
0x168: {  	(v2sf) =	vpush v3, $0x0;
	_ =	sdelay $0xe  }
0x169: {  	s24 =	spop (v2sf)  }
0x16a: {  	s21 =	sand.u32 $0x7F, s24  }
0x16b: {  	v3 =	vor.u32 s21, v0;
	_ =	sdelay $0x3  }
0x16c: {  	s22 =	simm.s32 $0x10480  }
0x16d: {  	v3 =	vld.idx.msk [tilespmem:v3+s22+$0x0], $0xffff  }
0x16e: {  	v56 =	vor.u32 s21, v1;
	_ =	sdelay $0x3  }
0x16f: {  	[tilespmem:s19+$0x0] =	vst v3  }
0x170: {  	v3 =	vld.idx.msk [tilespmem:v56+s22+$0x0], $0xffff;
	_ =	sdelay $0x4  }
0x171: {  	[tilespmem:s19+$0x10] =	vst v3  }
0x172: {  	_ =	swait.ge [sflag:s3], $0x1000  }
0x173: {  	[sflag:s3] =	ssyncset.done $0x0  }
0x174: {  	[sflag:s3] =	ssyncadd.s32 $0xFFFFF000  }
0x175: {  	v3 =	vld [tilespmem:s20+$0x1];
	_ =	sdelay $0x4  }
0x176: {  	(v2sf) =	vpush v3, $0x0;
	_ =	sdelay $0xe  }
0x177: {  	s26 =	spop (v2sf)  }
0x178: {  	s21 =	sand.u32 $0x7F, s26  }
0x179: {  	v3 =	vor.u32 s21, v0;
	_ =	sdelay $0x4  }
0x17a: {  	v3 =	vld.idx.msk [tilespmem:v3+s28+$0x0], $0xffff  }
0x17b: {  	v57 =	vor.u32 s21, v1;
	_ =	sdelay $0x3  }
0x17c: {  	[tilespmem:s19+$0x20] =	vst v3  }
0x17d: {  	v3 =	vld.idx.msk [tilespmem:v57+s28+$0x0], $0xffff;
	_ =	sdelay $0x2  }
0x17e: {  	s23 =	sadd.s32 $0xFFFFFF60, s18  }
0x17f: {  	s21 =	sor.u32 $0x30, s23  }
0x180: {  	[tilespmem:s21+$0x280] =	vst v3  }
0x181: {  	_ =	swait.ge [sflag:s9], $0x1000  }
0x182: {  	[sflag:s9] =	ssyncset.done $0x0  }
0x183: {  	[sflag:s9] =	ssyncadd.s32 $0xFFFFF000  }
0x184: {  	v3 =	vld [tilespmem:s20+$0x2];
	_ =	sdelay $0x4  }
0x185: {  	(v2sf) =	vpush v3, $0x0;
	_ =	sdelay $0xe  }
0x186: {  	s24 =	spop (v2sf)  }
0x187: {  	s21 =	sand.u32 $0x7F, s24  }
0x188: {  	v3 =	vor.u32 s21, v0;
	_ =	sdelay $0x3  }
0x189: {  	s25 =	simm.s32 $0x12480  }
0x18a: {  	v3 =	vld.idx.msk [tilespmem:v3+s25+$0x0], $0xffff  }
0x18b: {  	v58 =	vor.u32 s21, v1;
	_ =	sdelay $0x3  }
0x18c: {  	[tilespmem:s19+$0x40] =	vst v3  }
0x18d: {  	v3 =	vld.idx.msk [tilespmem:v58+s25+$0x0], $0xffff;
	_ =	sdelay $0x2  }
0x18e: {  	s26 =	sadd.s32 $0xFFFFFF80, s18  }
0x18f: {  	s21 =	sor.u32 $0x50, s26  }
0x190: {  	[tilespmem:s21+$0x280] =	vst v3  }
0x191: {  	_ =	swait.ge [sflag:s10], $0x1000  }
0x192: {  	[sflag:s10] =	ssyncset.done $0x0  }
0x193: {  	[sflag:s10] =	ssyncadd.s32 $0xFFFFF000  }
0x194: {  	v3 =	vld [tilespmem:s20+$0x3];
	_ =	sdelay $0x4  }
0x195: {  	(v2sf) =	vpush v3, $0x0;
	_ =	sdelay $0xe  }
0x196: {  	s28 =	spop (v2sf)  }
0x197: {  	s21 =	sand.u32 $0x7F, s28  }
0x198: {  	v3 =	vor.u32 s21, v0;
	_ =	sdelay $0x4  }
0x199: {  	v3 =	vld.idx.msk [tilespmem:v3+s29+$0x0], $0xffff  }
0x19a: {  	v59 =	vor.u32 s21, v1;
	_ =	sdelay $0x3  }
0x19b: {  	[tilespmem:s19+$0x60] =	vst v3  }
0x19c: {  	v3 =	vld.idx.msk [tilespmem:v59+s29+$0x0], $0xffff;
	_ =	sdelay $0x2  }
0x19d: {  	s29 =	sadd.s32 $0xFFFFFFA0, s18  }
0x19e: {  	s21 =	sor.u32 $0x70, s29  }
0x19f: {  	[tilespmem:s21+$0x280] =	vst v3  }
0x1a0: {  	_ =	swait.ge [sflag:s13], $0x1000  }
0x1a1: {  	[sflag:s13] =	ssyncset.done $0x0  }
0x1a2: {  	[sflag:s13] =	ssyncadd.s32 $0xFFFFF000  }
0x1a3: {  	v3 =	vld [tilespmem:s20+$0x4];
	_ =	sdelay $0x4  }
0x1a4: {  	(v2sf) =	vpush v3, $0x0;
	_ =	sdelay $0xe  }
0x1a5: {  	s23 =	spop (v2sf)  }
0x1a6: {  	s21 =	sand.u32 $0x7F, s23  }
0x1a7: {  	v3 =	vor.u32 s21, v0;
	_ =	sdelay $0x3  }
0x1a8: {  	s25 =	simm.s32 $0x14480  }
0x1a9: {  	v3 =	vld.idx.msk [tilespmem:v3+s25+$0x0], $0xffff  }
0x1aa: {  	v60 =	vor.u32 s21, v1;
	_ =	sdelay $0x3  }
0x1ab: {  	[tilespmem:s19+$0x80] =	vst v3  }
0x1ac: {  	v3 =	vld.idx.msk [tilespmem:v60+s25+$0x0], $0xffff;
	_ =	sdelay $0x4  }
0x1ad: {  	[tilespmem:s19+$0x90] =	vst v3  }
0x1ae: {  	_ =	swait.ge [sflag:s14], $0x1000  }
0x1af: {  	[sflag:s14] =	ssyncset.done $0x0  }
0x1b0: {  	[sflag:s14] =	ssyncadd.s32 $0xFFFFF000  }
0x1b1: {  	v3 =	vld [tilespmem:s20+$0x5];
	_ =	sdelay $0x4  }
0x1b2: {  	(v2sf) =	vpush v3, $0x0;
	_ =	sdelay $0xe  }
0x1b3: {  	s25 =	spop (v2sf)  }
0x1b4: {  	s21 =	sand.u32 $0x7F, s25  }
0x1b5: {  	v3 =	vor.u32 s21, v0;
	_ =	sdelay $0x4  }
0x1b6: {  	v3 =	vld.idx.msk [tilespmem:v3+s30+$0x0], $0xffff  }
0x1b7: {  	v61 =	vor.u32 s21, v1;
	_ =	sdelay $0x3  }
0x1b8: {  	[tilespmem:s19+$0xA0] =	vst v3  }
0x1b9: {  	v3 =	vld.idx.msk [tilespmem:v61+s30+$0x0], $0xffff;
	_ =	sdelay $0x2  }
0x1ba: {  	s26 =	sadd.s32 $0xFFFFFFE0, s18  }
0x1bb: {  	s21 =	sor.u32 $0x30, s26  }
0x1bc: {  	[tilespmem:s21+$0x280] =	vst v3  }
0x1bd: {  	_ =	swait.ge [sflag:s15], $0x1000  }
0x1be: {  	[sflag:s15] =	ssyncset.done $0x0  }
0x1bf: {  	[sflag:s15] =	ssyncadd.s32 $0xFFFFF000  }
0x1c0: {  	v3 =	vld [tilespmem:s20+$0x6];
	_ =	sdelay $0x4  }
0x1c1: {  	(v2sf) =	vpush v3, $0x0;
	_ =	sdelay $0xe  }
0x1c2: {  	s28 =	spop (v2sf)  }
0x1c3: {  	s21 =	sand.u32 $0x7F, s28  }
0x1c4: {  	v3 =	vor.u32 s21, v0;
	_ =	sdelay $0x3  }
0x1c5: {  	s24 =	simm.s32 $0x16480  }
0x1c6: {  	v3 =	vld.idx.msk [tilespmem:v3+s24+$0x0], $0xffff  }
0x1c7: {  	v62 =	vor.u32 s21, v1;
	_ =	sdelay $0x3  }
0x1c8: {  	[tilespmem:s19+$0xC0] =	vst v3  }
0x1c9: {  	v3 =	vld.idx.msk [tilespmem:v62+s24+$0x0], $0xffff;
	_ =	sdelay $0x3  }
0x1ca: {  	s29 =	sor.u32 $0x50, s18  }
0x1cb: {  	[tilespmem:s29+$0x280] =	vst v3  }
0x1cc: {  	_ =	swait.ge [sflag:s16], $0x1000  }
0x1cd: {  	[sflag:s16] =	ssyncset.done $0x0  }
0x1ce: {  	[sflag:s16] =	ssyncadd.s32 $0xFFFFF000  }
0x1cf: {  	v3 =	vld [tilespmem:s20+$0x7];
	_ =	sdelay $0x4  }
0x1d0: {  	(v2sf) =	vpush v3, $0x0;
	_ =	sdelay $0xe  }
0x1d1: {  	s30 =	spop (v2sf)  }
0x1d2: {  	s21 =	sand.u32 $0x7F, s30  }
0x1d3: {  	v3 =	vor.u32 s21, v0;
	_ =	sdelay $0x4  }
0x1d4: {  	v3 =	vld.idx.msk [tilespmem:v3+s31+$0x0], $0xffff  }
0x1d5: {  	v63 =	vor.u32 s21, v1;
	_ =	sdelay $0x3  }
0x1d6: {  	[tilespmem:s19+$0xE0] =	vst v3  }
0x1d7: {  	p0 =	sne.s32 s18, $0x3FC0;
	v3 =	vld.idx.msk [tilespmem:v63+s31+$0x0], $0xffff  }
.Ltmp0:
0x1d8: {  	_ = 	snop;
	(pc) =	sbr.rel @p0 .LBB2_2-.Ltmp0, $2  }
0x1d9: {  	_ =	sdelay $0x2  }
0x1da: {  	s18 =	sadd.s32 $0x200, s18;
	s20 =	sadd.s32 $0x10, s20;
	[tilespmem:s19+$0xF0] =	vst v3;
	s19 =	sadd.s32 $0x200, s19  }
0x1db: {  	s18 =	simm.s32 $0x0  }
0x1dc: {  	v3 =	vmov s18  }
0x1dd: {  	v3 =	vshll.u32 v3, $0x5  }
0x1de: {  	v3 =	vor.u32 v2, v3;
	_ =	sdelay $0x1  }
0x1df: {  	v4 =	vor.u32 $0x1, v3;
	_ =	sdelay $0x1  }
0x1e0: {  	v5 =	vor.u32 $0x2, v3  }
0x1e1: {  	v6 =	vld.idx.msk [tilespmem:v3+s17+$0x0], $0xffff  }
0x1e2: {  	v8 =	vor.u32 $0x3, v3;
	v7 =	vld.idx.msk [tilespmem:v3+s8+$0x0], $0xffff  }
0x1e3: {  	v9 =	vld.idx.msk [tilespmem:v4+s8+$0x0], $0xffff  }
0x1e4: {  	v10 =	vor.u32 $0x4, v3;
	v4 =	vld.idx.msk [tilespmem:v4+s17+$0x0], $0xffff  }
0x1e5: {  	v11 =	vld.idx.msk [tilespmem:v5+s8+$0x0], $0xffff  }
0x1e6: {  	v12 =	vor.u32 $0x5, v3;
	v5 =	vld.idx.msk [tilespmem:v5+s17+$0x0], $0xffff  }
0x1e7: {  	v13 =	vld.idx.msk [tilespmem:v8+s8+$0x0], $0xffff;
	v6 =	vmul.f32 v6, v7  }
0x1e8: {  	v7 =	vld.idx.msk [tilespmem:v8+s17+$0x0], $0xffff;
	v8 =	vor.u32 $0x6, v3  }
0x1e9: {  	v14 =	vld.idx.msk [tilespmem:v10+s8+$0x0], $0xffff;
	v4 =	vmul.f32 v4, v9;
	v6 =	vadd.f32 $0.0e+00, v6  }
0x1ea: {  	v48 =	vor.u32 $0x7, v3;
	v47 =	vld.idx.msk [tilespmem:v10+s17+$0x0], $0xffff  }
0x1eb: {  	v15 =	vld.idx.msk [tilespmem:v12+s8+$0x0], $0xffff;
	v5 =	vmul.f32 v5, v11;
	v4 =	vadd.f32 v4, v6  }
0x1ec: {  	v49 =	vor.u32 $0x8, v3;
	v6 =	vld.idx.msk [tilespmem:v12+s17+$0x0], $0xffff  }
0x1ed: {  	v50 =	vld.idx.msk [tilespmem:v8+s8+$0x0], $0xffff;
	v4 =	vadd.f32 v5, v4;
	v5 =	vmul.f32 v7, v13  }
0x1ee: {  	v7 =	vld.idx.msk [tilespmem:v8+s17+$0x0], $0xffff;
	v8 =	vor.u32 $0x9, v3  }
0x1ef: {  	v51 =	vld.idx.msk [tilespmem:v48+s8+$0x0], $0xffff;
	v4 =	vadd.f32 v5, v4;
	v5 =	vmul.f32 v47, v14  }
0x1f0: {  	v53 =	vor.u32 $0xA, v3;
	v52 =	vld.idx.msk [tilespmem:v48+s17+$0x0], $0xffff  }
0x1f1: {  	v54 =	vld.idx.msk [tilespmem:v49+s8+$0x0], $0xffff;
	v4 =	vadd.f32 v5, v4;
	v5 =	vmul.f32 v6, v15  }
0x1f2: {  	v55 =	vor.u32 $0xB, v3;
	v6 =	vld.idx.msk [tilespmem:v49+s17+$0x0], $0xffff  }
0x1f3: {  	v56 =	vld.idx.msk [tilespmem:v8+s8+$0x0], $0xffff;
	v4 =	vadd.f32 v5, v4;
	v5 =	vmul.f32 v7, v50  }
0x1f4: {  	v7 =	vld.idx.msk [tilespmem:v8+s17+$0x0], $0xffff;
	v8 =	vor.u32 $0xC, v3  }
0x1f5: {  	v57 =	vld.idx.msk [tilespmem:v53+s8+$0x0], $0xffff;
	v4 =	vadd.f32 v5, v4;
	v5 =	vmul.f32 v52, v51  }
0x1f6: {  	v59 =	vor.u32 $0xD, v3;
	v58 =	vld.idx.msk [tilespmem:v53+s17+$0x0], $0xffff  }
0x1f7: {  	v60 =	vld.idx.msk [tilespmem:v55+s8+$0x0], $0xffff;
	v4 =	vadd.f32 v5, v4;
	v5 =	vmul.f32 v6, v54  }
0x1f8: {  	v61 =	vor.u32 $0xE, v3;
	v6 =	vld.idx.msk [tilespmem:v55+s17+$0x0], $0xffff  }
0x1f9: {  	v62 =	vld.idx.msk [tilespmem:v8+s8+$0x0], $0xffff;
	v4 =	vadd.f32 v5, v4;
	v5 =	vmul.f32 v7, v56  }
0x1fa: {  	v7 =	vld.idx.msk [tilespmem:v8+s17+$0x0], $0xffff;
	v8 =	vor.u32 $0xF, v3  }
0x1fb: {  	v63 =	vld.idx.msk [tilespmem:v59+s8+$0x0], $0xffff;
	v4 =	vadd.f32 v5, v4;
	v5 =	vmul.f32 v58, v57  }
0x1fc: {  	v19 =	vor.u32 $0x10, v3;
	v18 =	vld.idx.msk [tilespmem:v59+s17+$0x0], $0xffff  }
0x1fd: {  	v20 =	vld.idx.msk [tilespmem:v61+s8+$0x0], $0xffff;
	v4 =	vadd.f32 v5, v4;
	v5 =	vmul.f32 v6, v60  }
0x1fe: {  	v21 =	vor.u32 $0x11, v3;
	v6 =	vld.idx.msk [tilespmem:v61+s17+$0x0], $0xffff  }
0x1ff: {  	v22 =	vld.idx.msk [tilespmem:v8+s8+$0x0], $0xffff;
	v4 =	vadd.f32 v5, v4;
	v5 =	vmul.f32 v7, v62  }
0x200: {  	v7 =	vld.idx.msk [tilespmem:v8+s17+$0x0], $0xffff;
	v8 =	vor.u32 $0x12, v3  }
0x201: {  	v23 =	vld.idx.msk [tilespmem:v19+s8+$0x0], $0xffff;
	v4 =	vadd.f32 v5, v4;
	v5 =	vmul.f32 v18, v63  }
0x202: {  	v25 =	vor.u32 $0x13, v3;
	v24 =	vld.idx.msk [tilespmem:v19+s17+$0x0], $0xffff  }
0x203: {  	v26 =	vld.idx.msk [tilespmem:v21+s8+$0x0], $0xffff;
	v4 =	vadd.f32 v5, v4;
	v5 =	vmul.f32 v6, v20  }
0x204: {  	v27 =	vor.u32 $0x14, v3;
	v6 =	vld.idx.msk [tilespmem:v21+s17+$0x0], $0xffff  }
0x205: {  	v28 =	vld.idx.msk [tilespmem:v8+s8+$0x0], $0xffff;
	v4 =	vadd.f32 v5, v4;
	v5 =	vmul.f32 v7, v22  }
0x206: {  	v7 =	vld.idx.msk [tilespmem:v8+s17+$0x0], $0xffff;
	v8 =	vor.u32 $0x15, v3  }
0x207: {  	v29 =	vld.idx.msk [tilespmem:v25+s8+$0x0], $0xffff;
	v4 =	vadd.f32 v5, v4;
	v5 =	vmul.f32 v24, v23  }
0x208: {  	v31 =	vor.u32 $0x16, v3;
	v30 =	vld.idx.msk [tilespmem:v25+s17+$0x0], $0xffff  }
0x209: {  	v32 =	vld.idx.msk [tilespmem:v27+s8+$0x0], $0xffff;
	v4 =	vadd.f32 v5, v4;
	v5 =	vmul.f32 v6, v26  }
0x20a: {  	v33 =	vor.u32 $0x17, v3;
	v6 =	vld.idx.msk [tilespmem:v27+s17+$0x0], $0xffff  }
0x20b: {  	v34 =	vld.idx.msk [tilespmem:v8+s8+$0x0], $0xffff;
	v4 =	vadd.f32 v5, v4;
	v5 =	vmul.f32 v7, v28  }
0x20c: {  	v7 =	vld.idx.msk [tilespmem:v8+s17+$0x0], $0xffff;
	v8 =	vor.u32 $0x18, v3  }
0x20d: {  	v35 =	vld.idx.msk [tilespmem:v31+s8+$0x0], $0xffff;
	v4 =	vadd.f32 v5, v4;
	v5 =	vmul.f32 v30, v29  }
0x20e: {  	v37 =	vor.u32 $0x19, v3;
	v36 =	vld.idx.msk [tilespmem:v31+s17+$0x0], $0xffff  }
0x20f: {  	v38 =	vld.idx.msk [tilespmem:v33+s8+$0x0], $0xffff;
	v4 =	vadd.f32 v5, v4;
	v5 =	vmul.f32 v6, v32  }
0x210: {  	v39 =	vor.u32 $0x1A, v3;
	v6 =	vld.idx.msk [tilespmem:v33+s17+$0x0], $0xffff  }
0x211: {  	v40 =	vld.idx.msk [tilespmem:v8+s8+$0x0], $0xffff;
	v4 =	vadd.f32 v5, v4;
	v5 =	vmul.f32 v7, v34  }
0x212: {  	v7 =	vld.idx.msk [tilespmem:v8+s17+$0x0], $0xffff;
	v8 =	vor.u32 $0x1B, v3  }
0x213: {  	v41 =	vld.idx.msk [tilespmem:v37+s8+$0x0], $0xffff;
	v4 =	vadd.f32 v5, v4;
	v5 =	vmul.f32 v36, v35  }
0x214: {  	v43 =	vor.u32 $0x1C, v3;
	v42 =	vld.idx.msk [tilespmem:v37+s17+$0x0], $0xffff  }
0x215: {  	v44 =	vld.idx.msk [tilespmem:v39+s8+$0x0], $0xffff;
	v4 =	vadd.f32 v5, v4;
	v5 =	vmul.f32 v6, v38  }
0x216: {  	v45 =	vor.u32 $0x1D, v3;
	v6 =	vld.idx.msk [tilespmem:v39+s17+$0x0], $0xffff  }
0x217: {  	v46 =	vld.idx.msk [tilespmem:v8+s8+$0x0], $0xffff;
	v4 =	vadd.f32 v5, v4;
	v5 =	vmul.f32 v7, v40  }
0x218: {  	v7 =	vld.idx.msk [tilespmem:v8+s17+$0x0], $0xffff;
	v8 =	vor.u32 $0x1E, v3  }
0x219: {  	v48 =	vld.idx.msk [tilespmem:v43+s17+$0x0], $0xffff;
	v4 =	vadd.f32 v5, v4;
	v5 =	vmul.f32 v42, v41  }
0x21a: {  	v47 =	vld.idx.msk [tilespmem:v43+s8+$0x0], $0xffff;
	v3 =	vor.u32 $0x1F, v3  }
0x21b: {  	v49 =	vld.idx.msk [tilespmem:v45+s8+$0x0], $0xffff;
	v4 =	vadd.f32 v5, v4;
	v5 =	vmul.f32 v6, v44  }
0x21c: {  	v6 =	vld.idx.msk [tilespmem:v45+s17+$0x0], $0xffff  }
0x21d: {  	v50 =	vld.idx.msk [tilespmem:v8+s8+$0x0], $0xffff;
	v4 =	vadd.f32 v5, v4;
	v5 =	vmul.f32 v7, v46  }
0x21e: {  	v7 =	vld.idx.msk [tilespmem:v8+s17+$0x0], $0xffff  }
0x21f: {  	v51 =	vld.idx.msk [tilespmem:v3+s17+$0x0], $0xffff;
	v4 =	vadd.f32 v5, v4;
	v5 =	vmul.f32 v48, v47  }
0x220: {  	v8 =	vld.idx.msk [tilespmem:v3+s8+$0x0], $0xffff  }
0x221: {  	v3 =	vadd.f32 v5, v4;
	v4 =	vmul.f32 v6, v49  }
0x222: {  	s31 =	simm.s32 $0x10  }
0x223: {  	v5 =	vmov s31;
	v6 =	vmul.f32 v7, v50;
	v4 =	vadd.f32 v4, v3  }
0x224: {  	v3 =	vshll.u32 v5, $0x5  }
0x225: {  	v5 =	vmul.f32 v51, v8;
	v3 =	vor.u32 v2, v3;
	v4 =	vadd.f32 v6, v4;
	_ =	sdelay $0x1  }
0x226: {  	v6 =	vor.u32 $0x1, v3;
	v4 =	vadd.f32 v5, v4  }
0x227: {  	s18 =	simm.s32 $0x8280  }
0x228: {  	v5 =	vor.u32 $0x2, v3;
	[tilespmem:s18+$0x0] =	vst v4  }
0x229: {  	v4 =	vld.idx.msk [tilespmem:v3+s17+$0x0], $0xffff  }
0x22a: {  	v8 =	vor.u32 $0x3, v3;
	v7 =	vld.idx.msk [tilespmem:v3+s8+$0x0], $0xffff  }
0x22b: {  	v52 =	vld.idx.msk [tilespmem:v6+s8+$0x0], $0xffff  }
0x22c: {  	v53 =	vor.u32 $0x4, v3;
	v6 =	vld.idx.msk [tilespmem:v6+s17+$0x0], $0xffff  }
0x22d: {  	v54 =	vld.idx.msk [tilespmem:v5+s8+$0x0], $0xffff  }
0x22e: {  	v55 =	vor.u32 $0x5, v3;
	v5 =	vld.idx.msk [tilespmem:v5+s17+$0x0], $0xffff  }
0x22f: {  	v56 =	vld.idx.msk [tilespmem:v8+s8+$0x0], $0xffff;
	v4 =	vmul.f32 v4, v7  }
0x230: {  	v7 =	vld.idx.msk [tilespmem:v8+s17+$0x0], $0xffff;
	v8 =	vor.u32 $0x6, v3  }
0x231: {  	v57 =	vld.idx.msk [tilespmem:v53+s8+$0x0], $0xffff;
	v6 =	vmul.f32 v6, v52;
	v4 =	vadd.f32 $0.0e+00, v4  }
0x232: {  	v59 =	vor.u32 $0x7, v3;
	v58 =	vld.idx.msk [tilespmem:v53+s17+$0x0], $0xffff  }
0x233: {  	v60 =	vld.idx.msk [tilespmem:v55+s8+$0x0], $0xffff;
	v5 =	vmul.f32 v5, v54;
	v4 =	vadd.f32 v6, v4  }
0x234: {  	v61 =	vor.u32 $0x8, v3;
	v6 =	vld.idx.msk [tilespmem:v55+s17+$0x0], $0xffff  }
0x235: {  	v62 =	vld.idx.msk [tilespmem:v8+s8+$0x0], $0xffff;
	v4 =	vadd.f32 v5, v4;
	v5 =	vmul.f32 v7, v56  }
0x236: {  	v7 =	vld.idx.msk [tilespmem:v8+s17+$0x0], $0xffff;
	v8 =	vor.u32 $0x9, v3  }
0x237: {  	v63 =	vld.idx.msk [tilespmem:v59+s8+$0x0], $0xffff;
	v4 =	vadd.f32 v5, v4;
	v5 =	vmul.f32 v58, v57  }
0x238: {  	v19 =	vor.u32 $0xA, v3;
	v18 =	vld.idx.msk [tilespmem:v59+s17+$0x0], $0xffff  }
0x239: {  	v20 =	vld.idx.msk [tilespmem:v61+s8+$0x0], $0xffff;
	v4 =	vadd.f32 v5, v4;
	v5 =	vmul.f32 v6, v60  }
0x23a: {  	v21 =	vor.u32 $0xB, v3;
	v6 =	vld.idx.msk [tilespmem:v61+s17+$0x0], $0xffff  }
0x23b: {  	v22 =	vld.idx.msk [tilespmem:v8+s8+$0x0], $0xffff;
	v4 =	vadd.f32 v5, v4;
	v5 =	vmul.f32 v7, v62  }
0x23c: {  	v7 =	vld.idx.msk [tilespmem:v8+s17+$0x0], $0xffff;
	v8 =	vor.u32 $0xC, v3  }
0x23d: {  	v23 =	vld.idx.msk [tilespmem:v19+s8+$0x0], $0xffff;
	v4 =	vadd.f32 v5, v4;
	v5 =	vmul.f32 v18, v63  }
0x23e: {  	v25 =	vor.u32 $0xD, v3;
	v24 =	vld.idx.msk [tilespmem:v19+s17+$0x0], $0xffff  }
0x23f: {  	v26 =	vld.idx.msk [tilespmem:v21+s8+$0x0], $0xffff;
	v4 =	vadd.f32 v5, v4;
	v5 =	vmul.f32 v6, v20  }
0x240: {  	v27 =	vor.u32 $0xE, v3;
	v6 =	vld.idx.msk [tilespmem:v21+s17+$0x0], $0xffff  }
0x241: {  	v28 =	vld.idx.msk [tilespmem:v8+s8+$0x0], $0xffff;
	v4 =	vadd.f32 v5, v4;
	v5 =	vmul.f32 v7, v22  }
0x242: {  	v7 =	vld.idx.msk [tilespmem:v8+s17+$0x0], $0xffff;
	v8 =	vor.u32 $0xF, v3  }
0x243: {  	v29 =	vld.idx.msk [tilespmem:v25+s8+$0x0], $0xffff;
	v4 =	vadd.f32 v5, v4;
	v5 =	vmul.f32 v24, v23  }
0x244: {  	v31 =	vor.u32 $0x10, v3;
	v30 =	vld.idx.msk [tilespmem:v25+s17+$0x0], $0xffff  }
0x245: {  	v32 =	vld.idx.msk [tilespmem:v27+s8+$0x0], $0xffff;
	v4 =	vadd.f32 v5, v4;
	v5 =	vmul.f32 v6, v26  }
0x246: {  	v33 =	vor.u32 $0x11, v3;
	v6 =	vld.idx.msk [tilespmem:v27+s17+$0x0], $0xffff  }
0x247: {  	v34 =	vld.idx.msk [tilespmem:v8+s8+$0x0], $0xffff;
	v4 =	vadd.f32 v5, v4;
	v5 =	vmul.f32 v7, v28  }
0x248: {  	v7 =	vld.idx.msk [tilespmem:v8+s17+$0x0], $0xffff;
	v8 =	vor.u32 $0x12, v3  }
0x249: {  	v35 =	vld.idx.msk [tilespmem:v31+s8+$0x0], $0xffff;
	v4 =	vadd.f32 v5, v4;
	v5 =	vmul.f32 v30, v29  }
0x24a: {  	v37 =	vor.u32 $0x13, v3;
	v36 =	vld.idx.msk [tilespmem:v31+s17+$0x0], $0xffff  }
0x24b: {  	v38 =	vld.idx.msk [tilespmem:v33+s8+$0x0], $0xffff;
	v4 =	vadd.f32 v5, v4;
	v5 =	vmul.f32 v6, v32  }
0x24c: {  	v39 =	vor.u32 $0x14, v3;
	v6 =	vld.idx.msk [tilespmem:v33+s17+$0x0], $0xffff  }
0x24d: {  	v40 =	vld.idx.msk [tilespmem:v8+s8+$0x0], $0xffff;
	v4 =	vadd.f32 v5, v4;
	v5 =	vmul.f32 v7, v34  }
0x24e: {  	v7 =	vld.idx.msk [tilespmem:v8+s17+$0x0], $0xffff;
	v8 =	vor.u32 $0x15, v3  }
0x24f: {  	v41 =	vld.idx.msk [tilespmem:v37+s8+$0x0], $0xffff;
	v4 =	vadd.f32 v5, v4;
	v5 =	vmul.f32 v36, v35  }
0x250: {  	v43 =	vor.u32 $0x16, v3;
	v42 =	vld.idx.msk [tilespmem:v37+s17+$0x0], $0xffff  }
0x251: {  	v44 =	vld.idx.msk [tilespmem:v39+s8+$0x0], $0xffff;
	v4 =	vadd.f32 v5, v4;
	v5 =	vmul.f32 v6, v38  }
0x252: {  	v45 =	vor.u32 $0x17, v3;
	v6 =	vld.idx.msk [tilespmem:v39+s17+$0x0], $0xffff  }
0x253: {  	v46 =	vld.idx.msk [tilespmem:v8+s8+$0x0], $0xffff;
	v4 =	vadd.f32 v5, v4;
	v5 =	vmul.f32 v7, v40  }
0x254: {  	v7 =	vld.idx.msk [tilespmem:v8+s17+$0x0], $0xffff;
	v8 =	vor.u32 $0x18, v3  }
0x255: {  	v47 =	vld.idx.msk [tilespmem:v43+s8+$0x0], $0xffff;
	v4 =	vadd.f32 v5, v4;
	v5 =	vmul.f32 v42, v41  }
0x256: {  	v49 =	vor.u32 $0x19, v3;
	v48 =	vld.idx.msk [tilespmem:v43+s17+$0x0], $0xffff  }
0x257: {  	v50 =	vld.idx.msk [tilespmem:v45+s8+$0x0], $0xffff;
	v4 =	vadd.f32 v5, v4;
	v5 =	vmul.f32 v6, v44  }
0x258: {  	v51 =	vor.u32 $0x1A, v3;
	v6 =	vld.idx.msk [tilespmem:v45+s17+$0x0], $0xffff  }
0x259: {  	v52 =	vld.idx.msk [tilespmem:v8+s8+$0x0], $0xffff;
	v4 =	vadd.f32 v5, v4;
	v5 =	vmul.f32 v7, v46  }
0x25a: {  	v7 =	vld.idx.msk [tilespmem:v8+s17+$0x0], $0xffff;
	v8 =	vor.u32 $0x1B, v3  }
0x25b: {  	v53 =	vld.idx.msk [tilespmem:v49+s8+$0x0], $0xffff;
	v4 =	vadd.f32 v5, v4;
	v5 =	vmul.f32 v48, v47  }
0x25c: {  	v54 =	vld.idx.msk [tilespmem:v49+s17+$0x0], $0xffff;
	v55 =	vor.u32 $0x1C, v3  }
0x25d: {  	v56 =	vld.idx.msk [tilespmem:v51+s8+$0x0], $0xffff;
	v4 =	vadd.f32 v5, v4;
	v5 =	vmul.f32 v6, v50  }
0x25e: {  	v6 =	vld.idx.msk [tilespmem:v51+s17+$0x0], $0xffff  }
0x25f: {  	v58 =	vld.idx.msk [tilespmem:v8+s8+$0x0], $0xffff;
	v4 =	vadd.f32 v5, v4;
	v5 =	vmul.f32 v7, v52  }
0x260: {  	v57 =	vor.u32 $0x1D, v3;
	v7 =	vld.idx.msk [tilespmem:v8+s17+$0x0], $0xffff  }
0x261: {  	v59 =	vld.idx.msk [tilespmem:v55+s8+$0x0], $0xffff;
	v4 =	vadd.f32 v5, v4;
	v5 =	vmul.f32 v54, v53  }
0x262: {  	v60 =	vld.idx.msk [tilespmem:v55+s17+$0x0], $0xffff;
	v8 =	vor.u32 $0x1E, v3  }
0x263: {  	v4 =	vadd.f32 v5, v4;
	v5 =	vmul.f32 v6, v56  }
0x264: {  	v3 =	vor.u32 $0x1F, v3  }
0x265: {  	v61 =	vld.idx.msk [tilespmem:v57+s8+$0x0], $0xffff;
	v4 =	vadd.f32 v5, v4;
	v5 =	vmul.f32 v7, v58  }
0x266: {  	v6 =	vld.idx.msk [tilespmem:v57+s17+$0x0], $0xffff  }
0x267: {  	v62 =	vld.idx.msk [tilespmem:v8+s8+$0x0], $0xffff;
	v4 =	vadd.f32 v5, v4;
	v5 =	vmul.f32 v60, v59  }
0x268: {  	v7 =	vld.idx.msk [tilespmem:v8+s17+$0x0], $0xffff  }
0x269: {  	v8 =	vadd.f32 v5, v4;
	v4 =	vld.idx.msk [tilespmem:v3+s8+$0x0], $0xffff  }
0x26a: {  	v5 =	vld.idx.msk [tilespmem:v3+s17+$0x0], $0xffff  }
0x26b: {  	v6 =	vmul.f32 v6, v61  }
0x26c: {  	s19 =	simm.s32 $0x20  }
0x26d: {  	v63 =	vmov s19;
	v7 =	vmul.f32 v7, v62;
	v6 =	vadd.f32 v6, v8  }
0x26e: {  	s19 =	simm.s32 $0x30;
	v3 =	vshll.u32 v63, $0x5  }
.LBB2_4:
0x26f: {  	p0 =	sne.s32 s19, $0x1F0;
	v3 =	vor.u32 v2, v3;
	v6 =	vadd.f32 v7, v6;
	v4 =	vmul.f32 v5, v4;
	_ =	sdelay $0x1  }
0x270: {  	v5 =	vor.u32 $0x1, v3;
	v4 =	vadd.f32 v4, v6  }
0x271: {  	s18 =	sadd.s32 $0x10, s18  }
0x272: {  	v6 =	vor.u32 $0x2, v3;
	[tilespmem:s18+$0x0] =	vst v4  }
0x273: {  	v4 =	vld.idx.msk [tilespmem:v3+s17+$0x0], $0xffff  }
0x274: {  	v8 =	vor.u32 $0x3, v3;
	v7 =	vld.idx.msk [tilespmem:v3+s8+$0x0], $0xffff  }
0x275: {  	v9 =	vld.idx.msk [tilespmem:v5+s8+$0x0], $0xffff  }
0x276: {  	v10 =	vor.u32 $0x4, v3;
	v5 =	vld.idx.msk [tilespmem:v5+s17+$0x0], $0xffff  }
0x277: {  	v11 =	vld.idx.msk [tilespmem:v6+s8+$0x0], $0xffff  }
0x278: {  	v12 =	vor.u32 $0x5, v3;
	v6 =	vld.idx.msk [tilespmem:v6+s17+$0x0], $0xffff  }
0x279: {  	v13 =	vld.idx.msk [tilespmem:v8+s8+$0x0], $0xffff  }
0x27a: {  	v4 =	vmul.f32 v4, v7;
	v7 =	vld.idx.msk [tilespmem:v8+s17+$0x0], $0xffff;
	v8 =	vor.u32 $0x6, v3  }
0x27b: {  	v14 =	vld.idx.msk [tilespmem:v10+s8+$0x0], $0xffff  }
0x27c: {  	v4 =	vadd.f32 $0.0e+00, v4;
	v5 =	vmul.f32 v5, v9;
	v9 =	vld.idx.msk [tilespmem:v10+s17+$0x0], $0xffff;
	v10 =	vor.u32 $0x7, v3  }
0x27d: {  	v15 =	vld.idx.msk [tilespmem:v12+s8+$0x0], $0xffff  }
0x27e: {  	v4 =	vadd.f32 v5, v4;
	v5 =	vmul.f32 v6, v11;
	v11 =	vor.u32 $0x8, v3;
	v6 =	vld.idx.msk [tilespmem:v12+s17+$0x0], $0xffff  }
0x27f: {  	v12 =	vld.idx.msk [tilespmem:v8+s8+$0x0], $0xffff  }
0x280: {  	v4 =	vadd.f32 v5, v4;
	v5 =	vmul.f32 v7, v13;
	v7 =	vld.idx.msk [tilespmem:v8+s17+$0x0], $0xffff;
	v8 =	vor.u32 $0x9, v3  }
0x281: {  	v13 =	vld.idx.msk [tilespmem:v10+s8+$0x0], $0xffff  }
0x282: {  	v4 =	vadd.f32 v5, v4;
	v5 =	vmul.f32 v9, v14;
	v9 =	vld.idx.msk [tilespmem:v10+s17+$0x0], $0xffff;
	v10 =	vor.u32 $0xA, v3  }
0x283: {  	v14 =	vld.idx.msk [tilespmem:v11+s8+$0x0], $0xffff  }
0x284: {  	v4 =	vadd.f32 v5, v4;
	v5 =	vmul.f32 v6, v15;
	v6 =	vld.idx.msk [tilespmem:v11+s17+$0x0], $0xffff;
	v11 =	vor.u32 $0xB, v3  }
0x285: {  	v15 =	vld.idx.msk [tilespmem:v8+s8+$0x0], $0xffff  }
0x286: {  	v4 =	vadd.f32 v5, v4;
	v5 =	vmul.f32 v7, v12;
	v7 =	vld.idx.msk [tilespmem:v8+s17+$0x0], $0xffff;
	v8 =	vor.u32 $0xC, v3  }
0x287: {  	v12 =	vld.idx.msk [tilespmem:v10+s8+$0x0], $0xffff  }
0x288: {  	v4 =	vadd.f32 v5, v4;
	v5 =	vmul.f32 v9, v13;
	v9 =	vld.idx.msk [tilespmem:v10+s17+$0x0], $0xffff;
	v10 =	vor.u32 $0xD, v3  }
0x289: {  	v13 =	vld.idx.msk [tilespmem:v11+s8+$0x0], $0xffff  }
0x28a: {  	v4 =	vadd.f32 v5, v4;
	v5 =	vmul.f32 v6, v14;
	v6 =	vld.idx.msk [tilespmem:v11+s17+$0x0], $0xffff;
	v11 =	vor.u32 $0xE, v3  }
0x28b: {  	v14 =	vld.idx.msk [tilespmem:v8+s8+$0x0], $0xffff  }
0x28c: {  	v4 =	vadd.f32 v5, v4;
	v5 =	vmul.f32 v7, v15;
	v7 =	vld.idx.msk [tilespmem:v8+s17+$0x0], $0xffff;
	v8 =	vor.u32 $0xF, v3  }
0x28d: {  	v15 =	vld.idx.msk [tilespmem:v10+s8+$0x0], $0xffff  }
0x28e: {  	v4 =	vadd.f32 v5, v4;
	v5 =	vmul.f32 v9, v12;
	v9 =	vld.idx.msk [tilespmem:v10+s17+$0x0], $0xffff;
	v10 =	vor.u32 $0x10, v3  }
0x28f: {  	v12 =	vld.idx.msk [tilespmem:v11+s8+$0x0], $0xffff  }
0x290: {  	v4 =	vadd.f32 v5, v4;
	v5 =	vmul.f32 v6, v13;
	v6 =	vld.idx.msk [tilespmem:v11+s17+$0x0], $0xffff;
	v11 =	vor.u32 $0x11, v3  }
0x291: {  	v13 =	vld.idx.msk [tilespmem:v8+s8+$0x0], $0xffff  }
0x292: {  	v4 =	vadd.f32 v5, v4;
	v5 =	vmul.f32 v7, v14;
	v7 =	vld.idx.msk [tilespmem:v8+s17+$0x0], $0xffff;
	v8 =	vor.u32 $0x12, v3  }
0x293: {  	v14 =	vld.idx.msk [tilespmem:v10+s8+$0x0], $0xffff  }
0x294: {  	v4 =	vadd.f32 v5, v4;
	v5 =	vmul.f32 v9, v15;
	v9 =	vld.idx.msk [tilespmem:v10+s17+$0x0], $0xffff;
	v10 =	vor.u32 $0x13, v3  }
0x295: {  	v15 =	vld.idx.msk [tilespmem:v11+s8+$0x0], $0xffff  }
0x296: {  	v4 =	vadd.f32 v5, v4;
	v5 =	vmul.f32 v6, v12;
	v6 =	vld.idx.msk [tilespmem:v11+s17+$0x0], $0xffff;
	v11 =	vor.u32 $0x14, v3  }
0x297: {  	v12 =	vld.idx.msk [tilespmem:v8+s8+$0x0], $0xffff  }
0x298: {  	v4 =	vadd.f32 v5, v4;
	v5 =	vmul.f32 v7, v13;
	v7 =	vld.idx.msk [tilespmem:v8+s17+$0x0], $0xffff;
	v8 =	vor.u32 $0x15, v3  }
0x299: {  	v13 =	vld.idx.msk [tilespmem:v10+s8+$0x0], $0xffff  }
0x29a: {  	v4 =	vadd.f32 v5, v4;
	v5 =	vmul.f32 v9, v14;
	v9 =	vld.idx.msk [tilespmem:v10+s17+$0x0], $0xffff;
	v10 =	vor.u32 $0x16, v3  }
0x29b: {  	v14 =	vld.idx.msk [tilespmem:v11+s8+$0x0], $0xffff  }
0x29c: {  	v4 =	vadd.f32 v5, v4;
	v5 =	vmul.f32 v6, v15;
	v6 =	vld.idx.msk [tilespmem:v11+s17+$0x0], $0xffff;
	v11 =	vor.u32 $0x17, v3  }
0x29d: {  	v15 =	vld.idx.msk [tilespmem:v8+s8+$0x0], $0xffff  }
0x29e: {  	v4 =	vadd.f32 v5, v4;
	v5 =	vmul.f32 v7, v12;
	v7 =	vld.idx.msk [tilespmem:v8+s17+$0x0], $0xffff;
	v8 =	vor.u32 $0x18, v3  }
0x29f: {  	v12 =	vld.idx.msk [tilespmem:v10+s8+$0x0], $0xffff  }
0x2a0: {  	v4 =	vadd.f32 v5, v4;
	v5 =	vmul.f32 v9, v13;
	v9 =	vld.idx.msk [tilespmem:v10+s17+$0x0], $0xffff;
	v10 =	vor.u32 $0x19, v3  }
0x2a1: {  	v13 =	vld.idx.msk [tilespmem:v11+s8+$0x0], $0xffff  }
0x2a2: {  	v4 =	vadd.f32 v5, v4;
	v5 =	vmul.f32 v6, v14;
	v6 =	vld.idx.msk [tilespmem:v11+s17+$0x0], $0xffff;
	v11 =	vor.u32 $0x1A, v3  }
0x2a3: {  	v14 =	vld.idx.msk [tilespmem:v8+s8+$0x0], $0xffff  }
0x2a4: {  	v4 =	vadd.f32 v5, v4;
	v5 =	vmul.f32 v7, v15;
	v7 =	vld.idx.msk [tilespmem:v8+s17+$0x0], $0xffff;
	v8 =	vor.u32 $0x1B, v3  }
0x2a5: {  	v15 =	vld.idx.msk [tilespmem:v10+s8+$0x0], $0xffff  }
0x2a6: {  	v4 =	vadd.f32 v5, v4;
	v5 =	vmul.f32 v9, v12;
	v9 =	vld.idx.msk [tilespmem:v10+s17+$0x0], $0xffff;
	v10 =	vor.u32 $0x1C, v3  }
0x2a7: {  	v12 =	vld.idx.msk [tilespmem:v11+s8+$0x0], $0xffff  }
0x2a8: {  	v4 =	vadd.f32 v5, v4;
	v5 =	vmul.f32 v6, v13;
	v6 =	vld.idx.msk [tilespmem:v11+s17+$0x0], $0xffff;
	v11 =	vor.u32 $0x1D, v3  }
0x2a9: {  	v13 =	vld.idx.msk [tilespmem:v8+s8+$0x0], $0xffff  }
0x2aa: {  	v4 =	vadd.f32 v5, v4;
	v5 =	vmul.f32 v7, v14;
	v7 =	vld.idx.msk [tilespmem:v8+s17+$0x0], $0xffff;
	v8 =	vor.u32 $0x1E, v3  }
0x2ab: {  	v14 =	vld.idx.msk [tilespmem:v10+s8+$0x0], $0xffff  }
0x2ac: {  	v3 =	vor.u32 $0x1F, v3;
	v4 =	vadd.f32 v5, v4;
	v5 =	vmul.f32 v9, v15;
	v9 =	vld.idx.msk [tilespmem:v10+s17+$0x0], $0xffff  }
0x2ad: {  	v10 =	vld.idx.msk [tilespmem:v11+s8+$0x0], $0xffff  }
0x2ae: {  	v4 =	vadd.f32 v5, v4;
	v5 =	vmul.f32 v6, v12;
	v6 =	vld.idx.msk [tilespmem:v11+s17+$0x0], $0xffff  }
0x2af: {  	v11 =	vld.idx.msk [tilespmem:v8+s8+$0x0], $0xffff  }
0x2b0: {  	v5 =	vadd.f32 v5, v4;
	v7 =	vmul.f32 v7, v13;
	v8 =	vld.idx.msk [tilespmem:v8+s17+$0x0], $0xffff  }
0x2b1: {  	v4 =	vld.idx.msk [tilespmem:v3+s8+$0x0], $0xffff  }
0x2b2: {  	v7 =	vadd.f32 v7, v5;
	v9 =	vmul.f32 v9, v14;
	v5 =	vld.idx.msk [tilespmem:v3+s17+$0x0], $0xffff  }
.Ltmp1:
0x2b3: {  	(pc) =	sbr.rel @p0 .LBB2_4-.Ltmp1, $3  }
0x2b4: {  	v3 =	vadd.f32 v9, v7;
	v6 =	vmul.f32 v6, v10;
	_ =	sdelay $0x1  }
0x2b5: {  	v9 =	vmov s19;
	v6 =	vadd.f32 v6, v3;
	v7 =	vmul.f32 v8, v11  }
0x2b6: {  	s19 =	sadd.s32 $0x10, s19;
	v3 =	vshll.u32 v9, $0x5  }
0x2b7: {  	v3 =	vor.u32 v2, v3;
	v6 =	vadd.f32 v7, v6;
	v4 =	vmul.f32 v5, v4;
	_ =	sdelay $0x1  }
0x2b8: {  	v45 =	vor.u32 $0x1, v3;
	v4 =	vadd.f32 v4, v6  }
0x2b9: {  	s18 =	sadd.s32 $0x10, s18  }
0x2ba: {  	v46 =	vor.u32 $0x2, v3;
	[tilespmem:s18+$0x0] =	vst v4  }
0x2bb: {  	v4 =	vld.idx.msk [tilespmem:v3+s17+$0x0], $0xffff  }
0x2bc: {  	v8 =	vor.u32 $0x3, v3;
	v47 =	vld.idx.msk [tilespmem:v3+s8+$0x0], $0xffff  }
0x2bd: {  	v9 =	vld.idx.msk [tilespmem:v45+s8+$0x0], $0xffff  }
0x2be: {  	v10 =	vor.u32 $0x4, v3;
	v5 =	vld.idx.msk [tilespmem:v45+s17+$0x0], $0xffff  }
0x2bf: {  	v11 =	vld.idx.msk [tilespmem:v46+s8+$0x0], $0xffff  }
0x2c0: {  	v12 =	vor.u32 $0x5, v3;
	v6 =	vld.idx.msk [tilespmem:v46+s17+$0x0], $0xffff  }
0x2c1: {  	v13 =	vld.idx.msk [tilespmem:v8+s8+$0x0], $0xffff;
	v4 =	vmul.f32 v4, v47  }
0x2c2: {  	v49 =	vor.u32 $0x6, v3;
	v48 =	vld.idx.msk [tilespmem:v8+s17+$0x0], $0xffff  }
0x2c3: {  	v14 =	vld.idx.msk [tilespmem:v10+s8+$0x0], $0xffff;
	v5 =	vmul.f32 v5, v9;
	v4 =	vadd.f32 $0.0e+00, v4  }
0x2c4: {  	v51 =	vor.u32 $0x7, v3;
	v50 =	vld.idx.msk [tilespmem:v10+s17+$0x0], $0xffff  }
0x2c5: {  	v15 =	vld.idx.msk [tilespmem:v12+s8+$0x0], $0xffff;
	v52 =	vmul.f32 v6, v11;
	v4 =	vadd.f32 v5, v4  }
0x2c6: {  	v54 =	vor.u32 $0x8, v3;
	v53 =	vld.idx.msk [tilespmem:v12+s17+$0x0], $0xffff  }
0x2c7: {  	v55 =	vld.idx.msk [tilespmem:v49+s8+$0x0], $0xffff;
	v56 =	vmul.f32 v48, v13;
	v4 =	vadd.f32 v52, v4  }
0x2c8: {  	v58 =	vor.u32 $0x9, v3;
	v57 =	vld.idx.msk [tilespmem:v49+s17+$0x0], $0xffff  }
0x2c9: {  	v59 =	vld.idx.msk [tilespmem:v51+s8+$0x0], $0xffff;
	v60 =	vmul.f32 v50, v14;
	v4 =	vadd.f32 v56, v4  }
0x2ca: {  	v62 =	vor.u32 $0xA, v3;
	v61 =	vld.idx.msk [tilespmem:v51+s17+$0x0], $0xffff  }
0x2cb: {  	v63 =	vld.idx.msk [tilespmem:v54+s8+$0x0], $0xffff;
	v18 =	vmul.f32 v53, v15;
	v4 =	vadd.f32 v60, v4  }
0x2cc: {  	v20 =	vor.u32 $0xB, v3;
	v19 =	vld.idx.msk [tilespmem:v54+s17+$0x0], $0xffff  }
0x2cd: {  	v21 =	vld.idx.msk [tilespmem:v58+s8+$0x0], $0xffff;
	v22 =	vmul.f32 v57, v55;
	v4 =	vadd.f32 v18, v4  }
0x2ce: {  	v24 =	vor.u32 $0xC, v3;
	v23 =	vld.idx.msk [tilespmem:v58+s17+$0x0], $0xffff  }
0x2cf: {  	v25 =	vld.idx.msk [tilespmem:v62+s8+$0x0], $0xffff;
	v26 =	vmul.f32 v61, v59;
	v4 =	vadd.f32 v22, v4  }
0x2d0: {  	v28 =	vor.u32 $0xD, v3;
	v27 =	vld.idx.msk [tilespmem:v62+s17+$0x0], $0xffff  }
0x2d1: {  	v29 =	vld.idx.msk [tilespmem:v20+s8+$0x0], $0xffff;
	v30 =	vmul.f32 v19, v63;
	v4 =	vadd.f32 v26, v4  }
0x2d2: {  	v32 =	vor.u32 $0xE, v3;
	v31 =	vld.idx.msk [tilespmem:v20+s17+$0x0], $0xffff  }
0x2d3: {  	v33 =	vld.idx.msk [tilespmem:v24+s8+$0x0], $0xffff;
	v34 =	vmul.f32 v23, v21;
	v4 =	vadd.f32 v30, v4  }
0x2d4: {  	v36 =	vor.u32 $0xF, v3;
	v35 =	vld.idx.msk [tilespmem:v24+s17+$0x0], $0xffff  }
0x2d5: {  	v37 =	vld.idx.msk [tilespmem:v28+s8+$0x0], $0xffff;
	v38 =	vmul.f32 v27, v25;
	v4 =	vadd.f32 v34, v4  }
0x2d6: {  	v40 =	vor.u32 $0x10, v3;
	v39 =	vld.idx.msk [tilespmem:v28+s17+$0x0], $0xffff  }
0x2d7: {  	v41 =	vld.idx.msk [tilespmem:v32+s8+$0x0], $0xffff;
	v42 =	vmul.f32 v31, v29;
	v4 =	vadd.f32 v38, v4  }
0x2d8: {  	v44 =	vor.u32 $0x11, v3;
	v43 =	vld.idx.msk [tilespmem:v32+s17+$0x0], $0xffff  }
0x2d9: {  	v45 =	vld.idx.msk [tilespmem:v36+s8+$0x0], $0xffff;
	v46 =	vmul.f32 v35, v33;
	v4 =	vadd.f32 v42, v4  }
0x2da: {  	v47 =	vld.idx.msk [tilespmem:v36+s17+$0x0], $0xffff;
	v48 =	vor.u32 $0x12, v3  }
0x2db: {  	v49 =	vld.idx.msk [tilespmem:v40+s8+$0x0], $0xffff;
	v50 =	vmul.f32 v39, v37;
	v4 =	vadd.f32 v46, v4  }
0x2dc: {  	v51 =	vld.idx.msk [tilespmem:v40+s17+$0x0], $0xffff;
	v52 =	vor.u32 $0x13, v3  }
0x2dd: {  	v53 =	vld.idx.msk [tilespmem:v44+s8+$0x0], $0xffff;
	v54 =	vmul.f32 v43, v41;
	v4 =	vadd.f32 v50, v4  }
0x2de: {  	v55 =	vld.idx.msk [tilespmem:v44+s17+$0x0], $0xffff;
	v56 =	vor.u32 $0x14, v3  }
0x2df: {  	v58 =	vmul.f32 v47, v45;
	v57 =	vld.idx.msk [tilespmem:v48+s8+$0x0], $0xffff;
	v4 =	vadd.f32 v54, v4  }
0x2e0: {  	v59 =	vld.idx.msk [tilespmem:v48+s17+$0x0], $0xffff;
	v60 =	vor.u32 $0x15, v3  }
0x2e1: {  	v62 =	vmul.f32 v51, v49;
	v61 =	vld.idx.msk [tilespmem:v52+s8+$0x0], $0xffff;
	v4 =	vadd.f32 v58, v4  }
0x2e2: {  	v63 =	vld.idx.msk [tilespmem:v52+s17+$0x0], $0xffff;
	v18 =	vor.u32 $0x16, v3  }
0x2e3: {  	v20 =	vmul.f32 v55, v53;
	v19 =	vld.idx.msk [tilespmem:v56+s8+$0x0], $0xffff;
	v4 =	vadd.f32 v62, v4  }
0x2e4: {  	v21 =	vld.idx.msk [tilespmem:v56+s17+$0x0], $0xffff;
	v22 =	vor.u32 $0x17, v3  }
0x2e5: {  	v24 =	vmul.f32 v59, v57;
	v23 =	vld.idx.msk [tilespmem:v60+s8+$0x0], $0xffff;
	v4 =	vadd.f32 v20, v4  }
0x2e6: {  	v25 =	vld.idx.msk [tilespmem:v60+s17+$0x0], $0xffff;
	v26 =	vor.u32 $0x18, v3  }
0x2e7: {  	v28 =	vmul.f32 v63, v61;
	v27 =	vld.idx.msk [tilespmem:v18+s8+$0x0], $0xffff;
	v4 =	vadd.f32 v24, v4  }
0x2e8: {  	v29 =	vld.idx.msk [tilespmem:v18+s17+$0x0], $0xffff;
	v30 =	vor.u32 $0x19, v3  }
0x2e9: {  	v32 =	vmul.f32 v21, v19;
	v31 =	vld.idx.msk [tilespmem:v22+s8+$0x0], $0xffff;
	v4 =	vadd.f32 v28, v4  }
0x2ea: {  	v33 =	vld.idx.msk [tilespmem:v22+s17+$0x0], $0xffff;
	v34 =	vor.u32 $0x1A, v3  }
0x2eb: {  	v36 =	vmul.f32 v25, v23;
	v35 =	vld.idx.msk [tilespmem:v26+s8+$0x0], $0xffff;
	v4 =	vadd.f32 v32, v4  }
0x2ec: {  	v37 =	vld.idx.msk [tilespmem:v26+s17+$0x0], $0xffff;
	v38 =	vor.u32 $0x1B, v3  }
0x2ed: {  	v40 =	vmul.f32 v29, v27;
	v39 =	vld.idx.msk [tilespmem:v30+s8+$0x0], $0xffff;
	v4 =	vadd.f32 v36, v4  }
0x2ee: {  	v41 =	vld.idx.msk [tilespmem:v30+s17+$0x0], $0xffff;
	v42 =	vor.u32 $0x1C, v3  }
0x2ef: {  	v44 =	vmul.f32 v33, v31;
	v43 =	vld.idx.msk [tilespmem:v34+s8+$0x0], $0xffff;
	v4 =	vadd.f32 v40, v4  }
0x2f0: {  	v45 =	vld.idx.msk [tilespmem:v34+s17+$0x0], $0xffff;
	v46 =	vor.u32 $0x1D, v3  }
0x2f1: {  	v48 =	vmul.f32 v37, v35;
	v47 =	vld.idx.msk [tilespmem:v38+s8+$0x0], $0xffff;
	v4 =	vadd.f32 v44, v4  }
0x2f2: {  	v49 =	vld.idx.msk [tilespmem:v38+s17+$0x0], $0xffff;
	v50 =	vor.u32 $0x1E, v3  }
0x2f3: {  	v52 =	vmul.f32 v41, v39;
	v51 =	vld.idx.msk [tilespmem:v42+s8+$0x0], $0xffff;
	v4 =	vadd.f32 v48, v4  }
0x2f4: {  	v3 =	vor.u32 $0x1F, v3;
	v53 =	vld.idx.msk [tilespmem:v42+s17+$0x0], $0xffff  }
0x2f5: {  	v55 =	vmul.f32 v45, v43;
	v54 =	vld.idx.msk [tilespmem:v46+s8+$0x0], $0xffff;
	v4 =	vadd.f32 v52, v4  }
0x2f6: {  	v56 =	vld.idx.msk [tilespmem:v46+s17+$0x0], $0xffff  }
0x2f7: {  	v58 =	vmul.f32 v49, v47;
	v57 =	vld.idx.msk [tilespmem:v50+s8+$0x0], $0xffff;
	v4 =	vadd.f32 v55, v4  }
0x2f8: {  	v59 =	vld.idx.msk [tilespmem:v50+s17+$0x0], $0xffff  }
0x2f9: {  	v60 =	vld.idx.msk [tilespmem:v3+s8+$0x0], $0xffff;
	v61 =	vmul.f32 v53, v51;
	v4 =	vadd.f32 v58, v4  }
0x2fa: {  	v3 =	vld.idx.msk [tilespmem:v3+s17+$0x0], $0xffff  }
0x2fb: {  	v62 =	vmul.f32 v56, v54;
	v4 =	vadd.f32 v61, v4;
	_ =	sdelay $0x1  }
0x2fc: {  	v63 =	vmul.f32 v59, v57;
	v4 =	vadd.f32 v62, v4;
	_ =	sdelay $0x1  }
0x2fd: {  	v3 =	vmul.f32 v3, v60;
	v4 =	vadd.f32 v63, v4;
	_ =	sdelay $0x1  }
0x2fe: {  	v3 =	vadd.f32 v3, v4  }
0x2ff: {  	s19 =	rddreg [dreg:$0x6];
	s18 =	sadd.s32 $0x10, s18  }
0x300: {  	s0 =	simm.s32 $0x8280;
	s20 =	simm.s32 $0x11;
	[tilespmem:s18+$0x0] =	vst v3;
	s18 =	simm.s32 $0x0  }
0x301: {  	[hbm4b:s19+s18] =	stream.linear.scatter [tilespmem:s0], [sflag:$0x11], $0x200, $0x38;
	[tilespmem:$0x18480] =	vst v63  }
0x302: {  	_ =	swait.ge [sflag:s20], $0x200  }
0x303: {  	s30 =	rddreg [dreg:$0x8]  }
0x304: {  	s31 =	rddreg [dreg:$0x7];
	s0 =	sadd.s32 $0x1, s30  }
0x305: {  	p0 =	sne.s32 s0, s31  }
.Ltmp2:
0x306: {  	_ = 	snop;
	(pc) =	sbr.rel @p0 .LBB2_1-.Ltmp2, $3  }
0x307: {  	_ =	sdelay $0x1  }
0x308: {  	[sflag:s20] =	ssyncset.done $0x0  }
0x309: {  	[sflag:s20] =	ssyncadd.s32 $0xFFFFFE00  }
0x30a: {  	_ =	sfence.sel $0x180000  }
0x30b: {  	[bflag:$0x0] =	sbarrier.arrive $0xFFFF  }
0x30c: {  	_ =	strace $0x9000004A  }
0x30d: {  	s0 =	stileid.u32;
	[bflag:$0x2] =	sbarrier.arrive $0xFFFF  }
0x30e: {  	p0 =	sne.s32 s0, $0x0;
	s0 =	rddreg [dreg:$0x3]  }
0x30f: {  	s0 =	sadd.s32 @!p0 $0x100000, s0  }
0x310: {  	[sflag:s0] =	ssyncadd.tile.s32 @!p0 $0x1;
	_ =	shalt  }
.Lfunc_end2:
_tile_overlayer_lowered:
.L_overlay_start_2:
0x311: {  	(tag) =	ssettag $0x2  }
0x312: {  	s0 =	rddreg [dreg:$0x0];
	s2 =	stileid.u32  }
0x313: {  	s1 =	rddreg [dreg:$0x1];
	p0 =	sne.s32 s2, $0x0  }
0x314: {  	s3 =	rddreg [dreg:$0x2];
	[bflag:$0x3] =	sbarrier.arrive $0xFFFF;
	s2 =	simm.s32 @!p0 $0x1C11  }
0x315: {  	[timem:s3], [sflag:s2] =	dma.local @!p0 [hbm:s0], s1  }
0x316: {  	s0 =	simm.s32 @!p0 $0x11  }
0x317: {  	_ =	swait.ge @!p0 [sflag:s0], s1  }
0x318: {  	s1 =	ssub.s32 @!p0 $0x0, s1;
	[sflag:s0] =	ssyncset.done @!p0 $0x0  }
0x319: {  	[sflag:s0] =	ssyncadd.s32 @!p0 s1  }
0x31a: {  	[bflag:$0x3] =	sbarrier.arrive $0xFFFF  }
0x31b: {  	_ =	shalt  }

</sc_bundles>
